<compile_context>
chip_gen: v7x
topology: tpu7x:2x2x1
jax: 0.10.2.dev20260603
libtpu: 0.0.44.dev20260713+nightly
codegen_flags: <defaults>
</compile_context>

<pallas_src>
import functools

import jax
import jax.numpy as jnp
from jax import lax
from jax.experimental import pallas as pl
from jax.experimental.pallas import tpu as pltpu
from jax.experimental.pallas import tpu_sc as plsc

N = 10000
E = 320000
D = 128
NC = 2
NS = 16
CH = 96
EPC = E // NC
PER_SUB = 104
EPS = PER_SUB * CH
HALF = PER_SUB // 2
HCH = HALF * CH
NB = 3
REM_E = EPC - NS * EPS
REM_CH = 64
REM_W = REM_E // REM_CH
RPS = 624
TAIL = N - NS * RPS


def _sc_agg_body(h_ref, e_ref, z_ref, acc, src_v, dst_v, rows_v,
                 gsem, ssem):
    src_ref = e_ref.at[0]
    dst_ref = e_ref.at[1]
    c = lax.axis_index("c")
    s = lax.axis_index("s")
    r0 = s * RPS
    e0 = c * EPC + s * EPS

    def issue_gather(g, b):
        pltpu.async_copy(
            h_ref.at[src_v.at[pl.ds(g * CH, CH)]], rows_v.at[b], gsem.at[b])

    def drain_gather(g, b):
        pltpu.make_async_copy(
            h_ref.at[src_v.at[pl.ds(g * CH, CH)]], rows_v.at[b], gsem.at[b]).wait()

    def issue_scatter(g, b):
        pltpu.async_copy(
            rows_v.at[b], acc.at[dst_v.at[pl.ds(g * CH, CH)]], ssem.at[b], add=True)

    def drain_scatter(g, b):
        pltpu.make_async_copy(
            rows_v.at[b], acc.at[dst_v.at[pl.ds(g * CH, CH)]], ssem.at[b]).wait()

    pltpu.sync_copy(h_ref.at[pl.ds(r0, RPS)], acc.at[pl.ds(r0, RPS)])

    @pl.when(s == 0)
    def _():
        pltpu.sync_copy(h_ref.at[pl.ds(NS * RPS, TAIL)], acc.at[pl.ds(NS * RPS, TAIL)])

    plsc.subcore_barrier()

    def run_half(h):
        base = e0 + h * HCH
        pltpu.sync_copy(src_ref.at[pl.ds(base, HCH)], src_v)
        pltpu.sync_copy(dst_ref.at[pl.ds(base, HCH)], dst_v)
        issue_gather(0, 0)
        issue_gather(1, 1)

        @pl.loop(0, (HALF - 4) // NB)
        def _(i):
            for j in range(NB):
                g = 2 + 3 * i + j
                b = (2 + j) % NB
                if j == 0:
                    @pl.when(i > 0)
                    def _():
                        drain_scatter(g - 3, b)
                else:
                    drain_scatter(g - 3, b)
                issue_gather(g, b)
                drain_gather(g - 2, j)
                issue_scatter(g - 2, j)

        for g in (50, 51):
            drain_scatter(g - 3, g % NB)
            issue_gather(g, g % NB)
            drain_gather(g - 2, (g - 2) % NB)
            issue_scatter(g - 2, (g - 2) % NB)
        for g in (50, 51):
            drain_gather(g, g % NB)
            issue_scatter(g, g % NB)
        for g in (49, 50, 51):
            drain_scatter(g, g % NB)

    run_half(0)
    run_half(1)

    @pl.when(s < REM_W)
    def _():
        base = c * EPC + NS * EPS + s * REM_CH
        pltpu.sync_copy(src_ref.at[pl.ds(base, REM_CH)], src_v.at[pl.ds(0, REM_CH)])
        pltpu.sync_copy(dst_ref.at[pl.ds(base, REM_CH)], dst_v.at[pl.ds(0, REM_CH)])
        pltpu.sync_copy(h_ref.at[src_v.at[pl.ds(0, REM_CH)]],
                        rows_v.at[0, pl.ds(0, REM_CH)])
        pltpu.sync_copy(rows_v.at[0, pl.ds(0, REM_CH)],
                        acc.at[dst_v.at[pl.ds(0, REM_CH)]], add=True)

    plsc.subcore_barrier()
    pltpu.sync_copy(acc.at[pl.ds(r0, RPS)], z_ref.at[c, pl.ds(r0, RPS)])

    @pl.when(s == 0)
    def _():
        pltpu.sync_copy(acc.at[pl.ds(NS * RPS, TAIL)], z_ref.at[c, pl.ds(NS * RPS, TAIL)])


@functools.cache
def _get_sc_agg():
    mesh = plsc.VectorSubcoreMesh(
        core_axis_name="c", subcore_axis_name="s", num_cores=NC, num_subcores=NS)
    return pl.kernel(
        _sc_agg_body,
        out_type=jax.ShapeDtypeStruct((NC, N, D), jnp.float32),
        mesh=mesh,
        scratch_types=[
            pltpu.VMEM_SHARED((N, D), jnp.float32),
            pltpu.VMEM((HCH,), jnp.int32),
            pltpu.VMEM((HCH,), jnp.int32),
            pltpu.VMEM((NB, CH, D), jnp.float32),
            pltpu.SemaphoreType.DMA((NB,)),
            pltpu.SemaphoreType.DMA((NB,)),
        ],
    )


def _dense_body(relu_out, z_ref, h_ref, w1_ref, b1_ref, g1_ref, be1_ref,
                w2_ref, b2_ref, go_ref, bo_ref, out_ref):
    z = z_ref[0] + z_ref[1] - h_ref[...]
    t = jnp.dot(z, w1_ref[...], preferred_element_type=jnp.float32) + b1_ref[...]
    mean = jnp.mean(t, axis=0)
    var = jnp.mean((t - mean) ** 2, axis=0)
    t = (t - mean) / jnp.sqrt(var + 1e-5) * g1_ref[...] + be1_ref[...]
    t = jnp.maximum(t, 0.0)
    u = jnp.dot(t, w2_ref[...], preferred_element_type=jnp.float32) + b2_ref[...]
    mean2 = jnp.mean(u, axis=0)
    var2 = jnp.mean((u - mean2) ** 2, axis=0)
    u = (u - mean2) / jnp.sqrt(var2 + 1e-5) * go_ref[...] + bo_ref[...]
    if relu_out:
        u = jnp.maximum(u, 0.0)
    out_ref[...] = u


def _make_dense(relu_out):
    return pl.pallas_call(
        functools.partial(_dense_body, relu_out),
        out_shape=jax.ShapeDtypeStruct((N, D), jnp.float32),
    )


_dense_mid = _make_dense(relu_out=True)
_dense_last = _make_dense(relu_out=False)


def kernel(x, edge_index, edge_attr, batch,
           W1_0, b1_0, g1_0, be1_0, W2_0, b2_0, go_0, bo_0,
           W1_1, b1_1, g1_1, be1_1, W2_1, b2_1, go_1, bo_1):
    sc_agg = _get_sc_agg()
    p = sc_agg(x, edge_index)
    h = _dense_mid(p, x, W1_0, b1_0, g1_0, be1_0, W2_0, b2_0, go_0, bo_0)
    p = sc_agg(h, edge_index)
    return _dense_last(p, h, W1_1, b1_1, g1_1, be1_1, W2_1, b2_1, go_1, bo_1)

# --- scband reference (transcript-rebuilt; emitter-appended) ---
"""Pipeline reference for scband-gnn-node-28509992911126 (READ-ONLY COPY).

The authoritative reference and input builder live on the scoring server;
editing this copy changes nothing except your own understanding.
"""

import jax, jax.numpy as jnp
import numpy as np


def _bn(v, gamma, beta, eps=1e-5):
    mean = jnp.mean(v, axis=0)
    var = jnp.var(v, axis=0)
    return (v - mean) / jnp.sqrt(var + eps) * gamma + beta


def setup_inputs(seed: int = 0):
    key = jax.random.key(seed)
    N, E, D = 10000, 320000, 128
    ks = jax.random.split(key, 10)
    inp = {}
    inp["x"] = jax.random.normal(ks[0], (N, D), dtype=jnp.float32)
    inp["edge_index"] = jax.random.randint(ks[1], (2, E), 0, N, dtype=jnp.int32)
    inp["edge_attr"] = jax.random.normal(ks[2], (E, 4), dtype=jnp.float32)
    inp["batch"] = jnp.zeros((N,), dtype=jnp.int32)
    s = 1.0 / np.sqrt(D)
    for l in range(2):
        inp[f"W1_{l}"] = jax.random.normal(ks[3 + 2 * l], (D, D), dtype=jnp.float32) * s
        inp[f"b1_{l}"] = jnp.zeros((D,), jnp.float32)
        inp[f"g1_{l}"] = jnp.ones((D,), jnp.float32)
        inp[f"be1_{l}"] = jnp.zeros((D,), jnp.float32)
        inp[f"W2_{l}"] = jax.random.normal(ks[4 + 2 * l], (D, D), dtype=jnp.float32) * s
        inp[f"b2_{l}"] = jnp.zeros((D,), jnp.float32)
        inp[f"go_{l}"] = jnp.ones((D,), jnp.float32)
        inp[f"bo_{l}"] = jnp.zeros((D,), jnp.float32)
    return inp


def reference(x, edge_index, edge_attr, batch,
              W1_0, b1_0, g1_0, be1_0, W2_0, b2_0, go_0, bo_0,
              W1_1, b1_1, g1_1, be1_1, W2_1, b2_1, go_1, bo_1):
    # GNN_node with gnn_type='gin', num_layer=2, eval mode (dropout = identity).
    # GINConv (eps=0): h_i = MLP(x_i + sum_{j->i} x_j)
    # MLP([D, D, D]): Linear -> BatchNorm -> ReLU -> Linear (plain last)
    # Followed by outer BatchNorm per layer, ReLU on all but last layer.
    src = edge_index[0]
    dst = edge_index[1]
    N = x.shape[0]
    params = [
        (W1_0, b1_0, g1_0, be1_0, W2_0, b2_0, go_0, bo_0),
        (W1_1, b1_1, g1_1, be1_1, W2_1, b2_1, go_1, bo_1),
    ]
    h = x
    for layer, (W1, b1, g1, be1, W2, b2, go, bo) in enumerate(params):
        agg = jax.ops.segment_sum(h[src], dst, num_segments=N)
        z = h + agg
        z = _bn(z @ W1 + b1, g1, be1)
        z = jax.nn.relu(z)
        z = z @ W2 + b2
        z = _bn(z, go, bo)
        if layer < len(params) - 1:
            z = jax.nn.relu(z)
        h = z
    return h

if __name__ == "__main__":
    import jax
    _d = setup_inputs()
    print(jax.jit(kernel)(*tuple(_d.values())))

</pallas_src>

<mosaic_0001>
#map = affine_map<(d0, d1) -> (0, 0)>
#map1 = affine_map<(d0, d1) -> (0, 0, 0)>
module attributes {stable_mosaic.version = 14 : i64} {
  func.func @_sc_agg_body(%arg0: i32, %arg1: i32, %arg2: memref<10000x128xf32, #tpu.memory_space<hbm>>, %arg3: memref<2x320000xi32, #tpu.memory_space<hbm>>, %arg4: memref<2x10000x128xf32, #tpu.memory_space<hbm>>, %arg5: memref<10000x128xf32, #tpu.memory_space<vmem_shared>>, %arg6: memref<4992xi32, #tpu.memory_space<vmem>>, %arg7: memref<4992xi32, #tpu.memory_space<vmem>>, %arg8: memref<3x96x128xf32, #tpu.memory_space<vmem>>, %arg9: memref<3x!tpu.dma_semaphore, #tpu.memory_space<semaphore_mem>>, %arg10: memref<3x!tpu.dma_semaphore, #tpu.memory_space<semaphore_mem>>) attributes {dimension_semantics = [#tpu.dimension_semantics<core_parallel>, #tpu.dimension_semantics<subcore_parallel>], iteration_bounds = array<i64: 2, 16>, scalar_prefetch = 0 : i64, scratch_operands = 6 : i64, tpu.core_type = #tpu.core_type<sc_vector_subcore>, window_params = [{transform_indices = #map}, {transform_indices = #map}, {transform_indices = #map1}]} {
    %mul3A = arith.constant 624 : i32
    %mul3A_0 = arith.muli %arg1, %mul3A : i32
    %mul3A_1 = arith.constant 160000 : i32
    %mul3A_2 = arith.muli %arg0, %mul3A_1 : i32
    %mul3A_3 = arith.constant 9984 : i32
    %mul3A_4 = arith.muli %arg1, %mul3A_3 : i32
    %add3A = arith.addi %mul3A_2, %mul3A_4 : i32
    "tpu.region"() ({
      %run_scoped3A_475 = tpu.sem_alloc : memref<!tpu.dma_semaphore, #tpu.memory_space<semaphore_mem>>
      %dma_start3A_476 = arith.constant 0 : i32
      %dma_start3A_477 = tpu.memref_slice %arg5[%mul3A_0, %dma_start3A_476] : memref<10000x128xf32, #tpu.memory_space<vmem_shared>> -> memref<624x128xf32, #tpu.memory_space<vmem_shared>>
      %dma_start3A_478 = arith.constant 0 : i32
      %dma_start3A_479 = tpu.memref_slice %arg2[%mul3A_0, %dma_start3A_478] : memref<10000x128xf32, #tpu.memory_space<hbm>> -> memref<624x128xf32, #tpu.memory_space<hbm>>
      tpu.enqueue_dma source(%dma_start3A_479 : memref<624x128xf32, #tpu.memory_space<hbm>>) target(%dma_start3A_477 : memref<624x128xf32, #tpu.memory_space<vmem_shared>>) target_semaphore(%run_scoped3A_475 : memref<!tpu.dma_semaphore, #tpu.memory_space<semaphore_mem>>)
      %dma_wait3A_480 = arith.constant 0 : i32
      %dma_wait3A_481 = tpu.memref_slice %arg5[%mul3A_0, %dma_wait3A_480] : memref<10000x128xf32, #tpu.memory_space<vmem_shared>> -> memref<624x128xf32, #tpu.memory_space<vmem_shared>>
      %dma_wait3A_482 = arith.constant 0 : i32
      %dma_wait3A_483 = tpu.memref_slice %arg2[%mul3A_0, %dma_wait3A_482] : memref<10000x128xf32, #tpu.memory_space<hbm>> -> memref<624x128xf32, #tpu.memory_space<hbm>>
      tpu.wait_dma2 semaphore(%run_scoped3A_475 : memref<!tpu.dma_semaphore, #tpu.memory_space<semaphore_mem>>) src(%dma_wait3A_483 : memref<624x128xf32, #tpu.memory_space<hbm>>) dst(%dma_wait3A_481 : memref<624x128xf32, #tpu.memory_space<vmem_shared>>)
      tpu.yield
    }) : () -> ()
    %eq3A = arith.constant 0 : i32
    %eq3A_5 = arith.cmpi eq, %arg1, %eq3A : i32
    %convert_element_type3A = arith.extui %eq3A_5 : i1 to i32
    %cond3A = arith.constant 0 : i32
    %cond3A_6 = arith.cmpi ne, %convert_element_type3A, %cond3A : i32
    scf.if %cond3A_6 {
      "tpu.region"() ({
        %run_scoped3A_475 = tpu.sem_alloc : memref<!tpu.dma_semaphore, #tpu.memory_space<semaphore_mem>>
        %dma_start3A_476 = arith.constant 9984 : i32
        %dma_start3A_477 = arith.constant 0 : i32
        %dma_start3A_478 = tpu.memref_slice %arg5[%dma_start3A_476, %dma_start3A_477] : memref<10000x128xf32, #tpu.memory_space<vmem_shared>> -> memref<16x128xf32, #tpu.memory_space<vmem_shared>>
        %dma_start3A_479 = arith.constant 9984 : i32
        %dma_start3A_480 = arith.constant 0 : i32
        %dma_start3A_481 = tpu.memref_slice %arg2[%dma_start3A_479, %dma_start3A_480] : memref<10000x128xf32, #tpu.memory_space<hbm>> -> memref<16x128xf32, #tpu.memory_space<hbm>>
        tpu.enqueue_dma source(%dma_start3A_481 : memref<16x128xf32, #tpu.memory_space<hbm>>) target(%dma_start3A_478 : memref<16x128xf32, #tpu.memory_space<vmem_shared>>) target_semaphore(%run_scoped3A_475 : memref<!tpu.dma_semaphore, #tpu.memory_space<semaphore_mem>>)
        %dma_wait3A_482 = arith.constant 9984 : i32
        %dma_wait3A_483 = arith.constant 0 : i32
        %dma_wait3A_484 = tpu.memref_slice %arg5[%dma_wait3A_482, %dma_wait3A_483] : memref<10000x128xf32, #tpu.memory_space<vmem_shared>> -> memref<16x128xf32, #tpu.memory_space<vmem_shared>>
        %dma_wait3A_485 = arith.constant 9984 : i32
        %dma_wait3A_486 = arith.constant 0 : i32
        %dma_wait3A_487 = tpu.memref_slice %arg2[%dma_wait3A_485, %dma_wait3A_486] : memref<10000x128xf32, #tpu.memory_space<hbm>> -> memref<16x128xf32, #tpu.memory_space<hbm>>
        tpu.wait_dma2 semaphore(%run_scoped3A_475 : memref<!tpu.dma_semaphore, #tpu.memory_space<semaphore_mem>>) src(%dma_wait3A_487 : memref<16x128xf32, #tpu.memory_space<hbm>>) dst(%dma_wait3A_484 : memref<16x128xf32, #tpu.memory_space<vmem_shared>>)
        tpu.yield
      }) : () -> ()
    } else {
    }
    %barrier3A = arith.constant 0 : index
    tpu.barrier barrier_id(%barrier3A)
    %add3A_7 = arith.constant 0 : i32
    %add3A_8 = arith.addi %add3A, %add3A_7 : i32
    %run_scoped3A = arith.constant 0 : i32
    "tpu.region"() ({
      %run_scoped3A_475 = tpu.sem_alloc : memref<!tpu.dma_semaphore, #tpu.memory_space<semaphore_mem>>
      %dma_start3A_476 = arith.constant 0 : i32
      %dma_start3A_477 = tpu.memref_slice %arg3[%run_scoped3A, %dma_start3A_476] : memref<2x320000xi32, #tpu.memory_space<hbm>> -> memref<1x320000xi32, #tpu.memory_space<hbm>>
      %dma_start3A_478 = tpu.memref_squeeze %dma_start3A_477 : memref<1x320000xi32, #tpu.memory_space<hbm>> -> memref<320000xi32, #tpu.memory_space<hbm>>
      %dma_start3A_479 = tpu.memref_slice %dma_start3A_478[%add3A_8] : memref<320000xi32, #tpu.memory_space<hbm>> -> memref<4992xi32, #tpu.memory_space<hbm>>
      %dma_start3A_480 = arith.constant 0 : i32
      %dma_start3A_481 = tpu.memref_slice %arg3[%run_scoped3A, %dma_start3A_480] : memref<2x320000xi32, #tpu.memory_space<hbm>> -> memref<1x320000xi32, #tpu.memory_space<hbm>>
      %dma_start3A_482 = tpu.memref_squeeze %dma_start3A_481 : memref<1x320000xi32, #tpu.memory_space<hbm>> -> memref<320000xi32, #tpu.memory_space<hbm>>
      %dma_start3A_483 = tpu.memref_slice %dma_start3A_482[%add3A_8] : memref<320000xi32, #tpu.memory_space<hbm>> -> memref<4992xi32, #tpu.memory_space<hbm>>
      tpu.enqueue_dma source(%dma_start3A_483 : memref<4992xi32, #tpu.memory_space<hbm>>) target(%arg6 : memref<4992xi32, #tpu.memory_space<vmem>>) target_semaphore(%run_scoped3A_475 : memref<!tpu.dma_semaphore, #tpu.memory_space<semaphore_mem>>)
      %dma_wait3A_484 = arith.constant 0 : i32
      %dma_wait3A_485 = tpu.memref_slice %arg3[%run_scoped3A, %dma_wait3A_484] : memref<2x320000xi32, #tpu.memory_space<hbm>> -> memref<1x320000xi32, #tpu.memory_space<hbm>>
      %dma_wait3A_486 = tpu.memref_squeeze %dma_wait3A_485 : memref<1x320000xi32, #tpu.memory_space<hbm>> -> memref<320000xi32, #tpu.memory_space<hbm>>
      %dma_wait3A_487 = tpu.memref_slice %dma_wait3A_486[%add3A_8] : memref<320000xi32, #tpu.memory_space<hbm>> -> memref<4992xi32, #tpu.memory_space<hbm>>
      %dma_wait3A_488 = arith.constant 0 : i32
      %dma_wait3A_489 = tpu.memref_slice %arg3[%run_scoped3A, %dma_wait3A_488] : memref<2x320000xi32, #tpu.memory_space<hbm>> -> memref<1x320000xi32, #tpu.memory_space<hbm>>
      %dma_wait3A_490 = tpu.memref_squeeze %dma_wait3A_489 : memref<1x320000xi32, #tpu.memory_space<hbm>> -> memref<320000xi32, #tpu.memory_space<hbm>>
      %dma_wait3A_491 = tpu.memref_slice %dma_wait3A_490[%add3A_8] : memref<320000xi32, #tpu.memory_space<hbm>> -> memref<4992xi32, #tpu.memory_space<hbm>>
      tpu.wait_dma2 semaphore(%run_scoped3A_475 : memref<!tpu.dma_semaphore, #tpu.memory_space<semaphore_mem>>) src(%dma_wait3A_491 : memref<4992xi32, #tpu.memory_space<hbm>>) dst(%arg6 : memref<4992xi32, #tpu.memory_space<vmem>>)
      tpu.yield
    }) : () -> ()
    %run_scoped3A_9 = arith.constant 1 : i32
    "tpu.region"() ({
      %run_scoped3A_475 = tpu.sem_alloc : memref<!tpu.dma_semaphore, #tpu.memory_space<semaphore_mem>>
      %dma_start3A_476 = arith.constant 0 : i32
      %dma_start3A_477 = tpu.memref_slice %arg3[%run_scoped3A_9, %dma_start3A_476] : memref<2x320000xi32, #tpu.memory_space<hbm>> -> memref<1x320000xi32, #tpu.memory_space<hbm>>
      %dma_start3A_478 = tpu.memref_squeeze %dma_start3A_477 : memref<1x320000xi32, #tpu.memory_space<hbm>> -> memref<320000xi32, #tpu.memory_space<hbm>>
      %dma_start3A_479 = tpu.memref_slice %dma_start3A_478[%add3A_8] : memref<320000xi32, #tpu.memory_space<hbm>> -> memref<4992xi32, #tpu.memory_space<hbm>>
      %dma_start3A_480 = arith.constant 0 : i32
      %dma_start3A_481 = tpu.memref_slice %arg3[%run_scoped3A_9, %dma_start3A_480] : memref<2x320000xi32, #tpu.memory_space<hbm>> -> memref<1x320000xi32, #tpu.memory_space<hbm>>
      %dma_start3A_482 = tpu.memref_squeeze %dma_start3A_481 : memref<1x320000xi32, #tpu.memory_space<hbm>> -> memref<320000xi32, #tpu.memory_space<hbm>>
      %dma_start3A_483 = tpu.memref_slice %dma_start3A_482[%add3A_8] : memref<320000xi32, #tpu.memory_space<hbm>> -> memref<4992xi32, #tpu.memory_space<hbm>>
      tpu.enqueue_dma source(%dma_start3A_483 : memref<4992xi32, #tpu.memory_space<hbm>>) target(%arg7 : memref<4992xi32, #tpu.memory_space<vmem>>) target_semaphore(%run_scoped3A_475 : memref<!tpu.dma_semaphore, #tpu.memory_space<semaphore_mem>>)
      %dma_wait3A_484 = arith.constant 0 : i32
      %dma_wait3A_485 = tpu.memref_slice %arg3[%run_scoped3A_9, %dma_wait3A_484] : memref<2x320000xi32, #tpu.memory_space<hbm>> -> memref<1x320000xi32, #tpu.memory_space<hbm>>
      %dma_wait3A_486 = tpu.memref_squeeze %dma_wait3A_485 : memref<1x320000xi32, #tpu.memory_space<hbm>> -> memref<320000xi32, #tpu.memory_space<hbm>>
      %dma_wait3A_487 = tpu.memref_slice %dma_wait3A_486[%add3A_8] : memref<320000xi32, #tpu.memory_space<hbm>> -> memref<4992xi32, #tpu.memory_space<hbm>>
      %dma_wait3A_488 = arith.constant 0 : i32
      %dma_wait3A_489 = tpu.memref_slice %arg3[%run_scoped3A_9, %dma_wait3A_488] : memref<2x320000xi32, #tpu.memory_space<hbm>> -> memref<1x320000xi32, #tpu.memory_space<hbm>>
      %dma_wait3A_490 = tpu.memref_squeeze %dma_wait3A_489 : memref<1x320000xi32, #tpu.memory_space<hbm>> -> memref<320000xi32, #tpu.memory_space<hbm>>
      %dma_wait3A_491 = tpu.memref_slice %dma_wait3A_490[%add3A_8] : memref<320000xi32, #tpu.memory_space<hbm>> -> memref<4992xi32, #tpu.memory_space<hbm>>
      tpu.wait_dma2 semaphore(%run_scoped3A_475 : memref<!tpu.dma_semaphore, #tpu.memory_space<semaphore_mem>>) src(%dma_wait3A_491 : memref<4992xi32, #tpu.memory_space<hbm>>) dst(%arg7 : memref<4992xi32, #tpu.memory_space<vmem>>)
      tpu.yield
    }) : () -> ()
    %dma_start3A = arith.constant 0 : i32
    %dma_start3A_10 = arith.constant 0 : i32
    %dma_start3A_11 = arith.constant 0 : i32
    %dma_start3A_12 = arith.constant 0 : i32
    %dma_start3A_13 = tpu.memref_slice %arg8[%dma_start3A, %dma_start3A_11, %dma_start3A_12] : memref<3x96x128xf32, #tpu.memory_space<vmem>> -> memref<1x96x128xf32, #tpu.memory_space<vmem>>
    %dma_start3A_14 = tpu.memref_squeeze %dma_start3A_13 : memref<1x96x128xf32, #tpu.memory_space<vmem>> -> memref<96x128xf32, #tpu.memory_space<vmem>>
    %dma_start3A_15 = arith.constant 0 : i32
    %dma_start3A_16 = tpu.memref_slice %arg6[%dma_start3A_15] : memref<4992xi32, #tpu.memory_space<vmem>> -> memref<96xi32, #tpu.memory_space<vmem>>
    %dma_start3A_17 = arith.constant 0 : i32
    %dma_start3A_18 = arith.constant 0 : i32
    %dma_start3A_19 = tpu.memref_slice %arg2[%dma_start3A_17, %dma_start3A_18] : memref<10000x128xf32, #tpu.memory_space<hbm>> -> memref<10000x128xf32, #tpu.memory_space<hbm>>
    %dma_start3A_20 = tpu.memref_slice %arg9[%dma_start3A_10] : memref<3x!tpu.dma_semaphore, #tpu.memory_space<semaphore_mem>> -> memref<1x!tpu.dma_semaphore, #tpu.memory_space<semaphore_mem>>
    %dma_start3A_21 = tpu.memref_squeeze %dma_start3A_20 : memref<1x!tpu.dma_semaphore, #tpu.memory_space<semaphore_mem>> -> memref<!tpu.dma_semaphore, #tpu.memory_space<semaphore_mem>>
    tpu.enqueue_indirect_dma source(%dma_start3A_19 : memref<10000x128xf32, #tpu.memory_space<hbm>>) target(%dma_start3A_14 : memref<96x128xf32, #tpu.memory_space<vmem>>) offsets(%dma_start3A_16 : memref<96xi32, #tpu.memory_space<vmem>>) semaphore(%dma_start3A_21 : memref<!tpu.dma_semaphore, #tpu.memory_space<semaphore_mem>>)
    %dma_start3A_22 = arith.constant 1 : i32
    %dma_start3A_23 = arith.constant 1 : i32
    %dma_start3A_24 = arith.constant 0 : i32
    %dma_start3A_25 = arith.constant 0 : i32
    %dma_start3A_26 = tpu.memref_slice %arg8[%dma_start3A_22, %dma_start3A_24, %dma_start3A_25] : memref<3x96x128xf32, #tpu.memory_space<vmem>> -> memref<1x96x128xf32, #tpu.memory_space<vmem>>
    %dma_start3A_27 = tpu.memref_squeeze %dma_start3A_26 : memref<1x96x128xf32, #tpu.memory_space<vmem>> -> memref<96x128xf32, #tpu.memory_space<vmem>>
    %dma_start3A_28 = arith.constant 96 : i32
    %dma_start3A_29 = tpu.memref_slice %arg6[%dma_start3A_28] : memref<4992xi32, #tpu.memory_space<vmem>> -> memref<96xi32, #tpu.memory_space<vmem>>
    %dma_start3A_30 = arith.constant 0 : i32
    %dma_start3A_31 = arith.constant 0 : i32
    %dma_start3A_32 = tpu.memref_slice %arg2[%dma_start3A_30, %dma_start3A_31] : memref<10000x128xf32, #tpu.memory_space<hbm>> -> memref<10000x128xf32, #tpu.memory_space<hbm>>
    %dma_start3A_33 = tpu.memref_slice %arg9[%dma_start3A_23] : memref<3x!tpu.dma_semaphore, #tpu.memory_space<semaphore_mem>> -> memref<1x!tpu.dma_semaphore, #tpu.memory_space<semaphore_mem>>
    %dma_start3A_34 = tpu.memref_squeeze %dma_start3A_33 : memref<1x!tpu.dma_semaphore, #tpu.memory_space<semaphore_mem>> -> memref<!tpu.dma_semaphore, #tpu.memory_space<semaphore_mem>>
    tpu.enqueue_indirect_dma source(%dma_start3A_32 : memref<10000x128xf32, #tpu.memory_space<hbm>>) target(%dma_start3A_27 : memref<96x128xf32, #tpu.memory_space<vmem>>) offsets(%dma_start3A_29 : memref<96xi32, #tpu.memory_space<vmem>>) semaphore(%dma_start3A_34 : memref<!tpu.dma_semaphore, #tpu.memory_space<semaphore_mem>>)
    %scan3A = arith.constant 0 : i32
    %scan3A_35 = arith.constant 16 : i32
    %scan3A_36 = arith.addi %scan3A, %scan3A_35 : i32
    %scan3A_37 = arith.constant 1 : i32
    scf.for %scan3A_475 = %scan3A to %scan3A_36 step %scan3A_37  : i32 {
      %mul3A_476 = arith.constant 1 : i32
      %mul3A_477 = arith.muli %scan3A_475, %mul3A_476 : i32
      %add3A_478 = arith.constant 0 : i32
      %add3A_479 = arith.addi %add3A_478, %mul3A_477 : i32
      %mul3A_480 = arith.constant 3 : i32
      %mul3A_481 = arith.muli %mul3A_480, %add3A_479 : i32
      %add3A_482 = arith.constant 2 : i32
      %add3A_483 = arith.addi %add3A_482, %mul3A_481 : i32
      %add3A_484 = arith.constant 0 : i32
      %add3A_485 = arith.addi %add3A_483, %add3A_484 : i32
      %gt3A = arith.constant 0 : i32
      %gt3A_486 = arith.cmpi sgt, %add3A_479, %gt3A : i32
      %convert_element_type3A_487 = arith.extui %gt3A_486 : i1 to i32
      %cond3A_488 = arith.constant 0 : i32
      %cond3A_489 = arith.cmpi ne, %convert_element_type3A_487, %cond3A_488 : i32
      scf.if %cond3A_489 {
        %sub3A_671 = arith.constant 3 : i32
        %sub3A_672 = arith.subi %add3A_485, %sub3A_671 : i32
        %mul3A_673 = arith.constant 96 : i32
        %mul3A_674 = arith.muli %sub3A_672, %mul3A_673 : i32
        %dma_wait3A_675 = arith.constant 2 : i32
        %dma_wait3A_676 = arith.constant 2 : i32
        %dma_wait3A_677 = arith.constant 0 : i32
        %dma_wait3A_678 = arith.constant 0 : i32
        %dma_wait3A_679 = tpu.memref_slice %arg8[%dma_wait3A_675, %dma_wait3A_677, %dma_wait3A_678] : memref<3x96x128xf32, #tpu.memory_space<vmem>> -> memref<1x96x128xf32, #tpu.memory_space<vmem>>
        %dma_wait3A_680 = tpu.memref_squeeze %dma_wait3A_679 : memref<1x96x128xf32, #tpu.memory_space<vmem>> -> memref<96x128xf32, #tpu.memory_space<vmem>>
        %dma_wait3A_681 = tpu.memref_slice %arg7[%mul3A_674] : memref<4992xi32, #tpu.memory_space<vmem>> -> memref<96xi32, #tpu.memory_space<vmem>>
        %dma_wait3A_682 = arith.constant 0 : i32
        %dma_wait3A_683 = arith.constant 0 : i32
        %dma_wait3A_684 = tpu.memref_slice %arg5[%dma_wait3A_682, %dma_wait3A_683] : memref<10000x128xf32, #tpu.memory_space<vmem_shared>> -> memref<10000x128xf32, #tpu.memory_space<vmem_shared>>
        %dma_wait3A_685 = tpu.memref_slice %arg10[%dma_wait3A_676] : memref<3x!tpu.dma_semaphore, #tpu.memory_space<semaphore_mem>> -> memref<1x!tpu.dma_semaphore, #tpu.memory_space<semaphore_mem>>
        %dma_wait3A_686 = tpu.memref_squeeze %dma_wait3A_685 : memref<1x!tpu.dma_semaphore, #tpu.memory_space<semaphore_mem>> -> memref<!tpu.dma_semaphore, #tpu.memory_space<semaphore_mem>>
        tpu.wait_indirect_dma semaphore(%dma_wait3A_686 : memref<!tpu.dma_semaphore, #tpu.memory_space<semaphore_mem>>) src(%dma_wait3A_680 : memref<96x128xf32, #tpu.memory_space<vmem>>) dst(%dma_wait3A_684 : memref<10000x128xf32, #tpu.memory_space<vmem_shared>>)
      } else {
      }
      %mul3A_490 = arith.constant 96 : i32
      %mul3A_491 = arith.muli %add3A_485, %mul3A_490 : i32
      %dma_start3A_492 = arith.constant 2 : i32
      %dma_start3A_493 = arith.constant 2 : i32
      %dma_start3A_494 = arith.constant 0 : i32
      %dma_start3A_495 = arith.constant 0 : i32
      %dma_start3A_496 = tpu.memref_slice %arg8[%dma_start3A_492, %dma_start3A_494, %dma_start3A_495] : memref<3x96x128xf32, #tpu.memory_space<vmem>> -> memref<1x96x128xf32, #tpu.memory_space<vmem>>
      %dma_start3A_497 = tpu.memref_squeeze %dma_start3A_496 : memref<1x96x128xf32, #tpu.memory_space<vmem>> -> memref<96x128xf32, #tpu.memory_space<vmem>>
      %dma_start3A_498 = tpu.memref_slice %arg6[%mul3A_491] : memref<4992xi32, #tpu.memory_space<vmem>> -> memref<96xi32, #tpu.memory_space<vmem>>
      %dma_start3A_499 = arith.constant 0 : i32
      %dma_start3A_500 = arith.constant 0 : i32
      %dma_start3A_501 = tpu.memref_slice %arg2[%dma_start3A_499, %dma_start3A_500] : memref<10000x128xf32, #tpu.memory_space<hbm>> -> memref<10000x128xf32, #tpu.memory_space<hbm>>
      %dma_start3A_502 = tpu.memref_slice %arg9[%dma_start3A_493] : memref<3x!tpu.dma_semaphore, #tpu.memory_space<semaphore_mem>> -> memref<1x!tpu.dma_semaphore, #tpu.memory_space<semaphore_mem>>
      %dma_start3A_503 = tpu.memref_squeeze %dma_start3A_502 : memref<1x!tpu.dma_semaphore, #tpu.memory_space<semaphore_mem>> -> memref<!tpu.dma_semaphore, #tpu.memory_space<semaphore_mem>>
      tpu.enqueue_indirect_dma source(%dma_start3A_501 : memref<10000x128xf32, #tpu.memory_space<hbm>>) target(%dma_start3A_497 : memref<96x128xf32, #tpu.memory_space<vmem>>) offsets(%dma_start3A_498 : memref<96xi32, #tpu.memory_space<vmem>>) semaphore(%dma_start3A_503 : memref<!tpu.dma_semaphore, #tpu.memory_space<semaphore_mem>>)
      %sub3A = arith.constant 2 : i32
      %sub3A_504 = arith.subi %add3A_485, %sub3A : i32
      %mul3A_505 = arith.constant 96 : i32
      %mul3A_506 = arith.muli %sub3A_504, %mul3A_505 : i32
      %dma_wait3A_507 = arith.constant 0 : i32
      %dma_wait3A_508 = arith.constant 0 : i32
      %dma_wait3A_509 = arith.constant 0 : i32
      %dma_wait3A_510 = arith.constant 0 : i32
      %dma_wait3A_511 = tpu.memref_slice %arg8[%dma_wait3A_507, %dma_wait3A_509, %dma_wait3A_510] : memref<3x96x128xf32, #tpu.memory_space<vmem>> -> memref<1x96x128xf32, #tpu.memory_space<vmem>>
      %dma_wait3A_512 = tpu.memref_squeeze %dma_wait3A_511 : memref<1x96x128xf32, #tpu.memory_space<vmem>> -> memref<96x128xf32, #tpu.memory_space<vmem>>
      %dma_wait3A_513 = tpu.memref_slice %arg6[%mul3A_506] : memref<4992xi32, #tpu.memory_space<vmem>> -> memref<96xi32, #tpu.memory_space<vmem>>
      %dma_wait3A_514 = arith.constant 0 : i32
      %dma_wait3A_515 = arith.constant 0 : i32
      %dma_wait3A_516 = tpu.memref_slice %arg2[%dma_wait3A_514, %dma_wait3A_515] : memref<10000x128xf32, #tpu.memory_space<hbm>> -> memref<10000x128xf32, #tpu.memory_space<hbm>>
      %dma_wait3A_517 = tpu.memref_slice %arg9[%dma_wait3A_508] : memref<3x!tpu.dma_semaphore, #tpu.memory_space<semaphore_mem>> -> memref<1x!tpu.dma_semaphore, #tpu.memory_space<semaphore_mem>>
      %dma_wait3A_518 = tpu.memref_squeeze %dma_wait3A_517 : memref<1x!tpu.dma_semaphore, #tpu.memory_space<semaphore_mem>> -> memref<!tpu.dma_semaphore, #tpu.memory_space<semaphore_mem>>
      tpu.wait_indirect_dma semaphore(%dma_wait3A_518 : memref<!tpu.dma_semaphore, #tpu.memory_space<semaphore_mem>>) src(%dma_wait3A_516 : memref<10000x128xf32, #tpu.memory_space<hbm>>) dst(%dma_wait3A_512 : memref<96x128xf32, #tpu.memory_space<vmem>>)
      %sub3A_519 = arith.constant 2 : i32
      %sub3A_520 = arith.subi %add3A_485, %sub3A_519 : i32
      %mul3A_521 = arith.constant 96 : i32
      %mul3A_522 = arith.muli %sub3A_520, %mul3A_521 : i32
      %dma_start3A_523 = arith.constant 0 : i32
      %dma_start3A_524 = arith.constant 0 : i32
      %dma_start3A_525 = arith.constant 0 : i32
      %dma_start3A_526 = arith.constant 0 : i32
      %dma_start3A_527 = tpu.memref_slice %arg8[%dma_start3A_523, %dma_start3A_525, %dma_start3A_526] : memref<3x96x128xf32, #tpu.memory_space<vmem>> -> memref<1x96x128xf32, #tpu.memory_space<vmem>>
      %dma_start3A_528 = tpu.memref_squeeze %dma_start3A_527 : memref<1x96x128xf32, #tpu.memory_space<vmem>> -> memref<96x128xf32, #tpu.memory_space<vmem>>
      %dma_start3A_529 = tpu.memref_slice %arg7[%mul3A_522] : memref<4992xi32, #tpu.memory_space<vmem>> -> memref<96xi32, #tpu.memory_space<vmem>>
      %dma_start3A_530 = arith.constant 0 : i32
      %dma_start3A_531 = arith.constant 0 : i32
      %dma_start3A_532 = tpu.memref_slice %arg5[%dma_start3A_530, %dma_start3A_531] : memref<10000x128xf32, #tpu.memory_space<vmem_shared>> -> memref<10000x128xf32, #tpu.memory_space<vmem_shared>>
      %dma_start3A_533 = tpu.memref_slice %arg10[%dma_start3A_524] : memref<3x!tpu.dma_semaphore, #tpu.memory_space<semaphore_mem>> -> memref<1x!tpu.dma_semaphore, #tpu.memory_space<semaphore_mem>>
      %dma_start3A_534 = tpu.memref_squeeze %dma_start3A_533 : memref<1x!tpu.dma_semaphore, #tpu.memory_space<semaphore_mem>> -> memref<!tpu.dma_semaphore, #tpu.memory_space<semaphore_mem>>
      tpu.enqueue_indirect_dma source(%dma_start3A_528 : memref<96x128xf32, #tpu.memory_space<vmem>>) target(%dma_start3A_532 : memref<10000x128xf32, #tpu.memory_space<vmem_shared>>) offsets(%dma_start3A_529 : memref<96xi32, #tpu.memory_space<vmem>>) semaphore(%dma_start3A_534 : memref<!tpu.dma_semaphore, #tpu.memory_space<semaphore_mem>>) {add = true}
      %mul3A_535 = arith.constant 3 : i32
      %mul3A_536 = arith.muli %mul3A_535, %add3A_479 : i32
      %add3A_537 = arith.constant 2 : i32
      %add3A_538 = arith.addi %add3A_537, %mul3A_536 : i32
      %add3A_539 = arith.constant 1 : i32
      %add3A_540 = arith.addi %add3A_538, %add3A_539 : i32
      %sub3A_541 = arith.constant 3 : i32
      %sub3A_542 = arith.subi %add3A_540, %sub3A_541 : i32
      %mul3A_543 = arith.constant 96 : i32
      %mul3A_544 = arith.muli %sub3A_542, %mul3A_543 : i32
      %dma_wait3A_545 = arith.constant 0 : i32
      %dma_wait3A_546 = arith.constant 0 : i32
      %dma_wait3A_547 = arith.constant 0 : i32
      %dma_wait3A_548 = arith.constant 0 : i32
      %dma_wait3A_549 = tpu.memref_slice %arg8[%dma_wait3A_545, %dma_wait3A_547, %dma_wait3A_548] : memref<3x96x128xf32, #tpu.memory_space<vmem>> -> memref<1x96x128xf32, #tpu.memory_space<vmem>>
      %dma_wait3A_550 = tpu.memref_squeeze %dma_wait3A_549 : memref<1x96x128xf32, #tpu.memory_space<vmem>> -> memref<96x128xf32, #tpu.memory_space<vmem>>
      %dma_wait3A_551 = tpu.memref_slice %arg7[%mul3A_544] : memref<4992xi32, #tpu.memory_space<vmem>> -> memref<96xi32, #tpu.memory_space<vmem>>
      %dma_wait3A_552 = arith.constant 0 : i32
      %dma_wait3A_553 = arith.constant 0 : i32
      %dma_wait3A_554 = tpu.memref_slice %arg5[%dma_wait3A_552, %dma_wait3A_553] : memref<10000x128xf32, #tpu.memory_space<vmem_shared>> -> memref<10000x128xf32, #tpu.memory_space<vmem_shared>>
      %dma_wait3A_555 = tpu.memref_slice %arg10[%dma_wait3A_546] : memref<3x!tpu.dma_semaphore, #tpu.memory_space<semaphore_mem>> -> memref<1x!tpu.dma_semaphore, #tpu.memory_space<semaphore_mem>>
      %dma_wait3A_556 = tpu.memref_squeeze %dma_wait3A_555 : memref<1x!tpu.dma_semaphore, #tpu.memory_space<semaphore_mem>> -> memref<!tpu.dma_semaphore, #tpu.memory_space<semaphore_mem>>
      tpu.wait_indirect_dma semaphore(%dma_wait3A_556 : memref<!tpu.dma_semaphore, #tpu.memory_space<semaphore_mem>>) src(%dma_wait3A_550 : memref<96x128xf32, #tpu.memory_space<vmem>>) dst(%dma_wait3A_554 : memref<10000x128xf32, #tpu.memory_space<vmem_shared>>)
      %mul3A_557 = arith.constant 96 : i32
      %mul3A_558 = arith.muli %add3A_540, %mul3A_557 : i32
      %dma_start3A_559 = arith.constant 0 : i32
      %dma_start3A_560 = arith.constant 0 : i32
      %dma_start3A_561 = arith.constant 0 : i32
      %dma_start3A_562 = arith.constant 0 : i32
      %dma_start3A_563 = tpu.memref_slice %arg8[%dma_start3A_559, %dma_start3A_561, %dma_start3A_562] : memref<3x96x128xf32, #tpu.memory_space<vmem>> -> memref<1x96x128xf32, #tpu.memory_space<vmem>>
      %dma_start3A_564 = tpu.memref_squeeze %dma_start3A_563 : memref<1x96x128xf32, #tpu.memory_space<vmem>> -> memref<96x128xf32, #tpu.memory_space<vmem>>
      %dma_start3A_565 = tpu.memref_slice %arg6[%mul3A_558] : memref<4992xi32, #tpu.memory_space<vmem>> -> memref<96xi32, #tpu.memory_space<vmem>>
      %dma_start3A_566 = arith.constant 0 : i32
      %dma_start3A_567 = arith.constant 0 : i32
      %dma_start3A_568 = tpu.memref_slice %arg2[%dma_start3A_566, %dma_start3A_567] : memref<10000x128xf32, #tpu.memory_space<hbm>> -> memref<10000x128xf32, #tpu.memory_space<hbm>>
      %dma_start3A_569 = tpu.memref_slice %arg9[%dma_start3A_560] : memref<3x!tpu.dma_semaphore, #tpu.memory_space<semaphore_mem>> -> memref<1x!tpu.dma_semaphore, #tpu.memory_space<semaphore_mem>>
      %dma_start3A_570 = tpu.memref_squeeze %dma_start3A_569 : memref<1x!tpu.dma_semaphore, #tpu.memory_space<semaphore_mem>> -> memref<!tpu.dma_semaphore, #tpu.memory_space<semaphore_mem>>
      tpu.enqueue_indirect_dma source(%dma_start3A_568 : memref<10000x128xf32, #tpu.memory_space<hbm>>) target(%dma_start3A_564 : memref<96x128xf32, #tpu.memory_space<vmem>>) offsets(%dma_start3A_565 : memref<96xi32, #tpu.memory_space<vmem>>) semaphore(%dma_start3A_570 : memref<!tpu.dma_semaphore, #tpu.memory_space<semaphore_mem>>)
      %sub3A_571 = arith.constant 2 : i32
      %sub3A_572 = arith.subi %add3A_540, %sub3A_571 : i32
      %mul3A_573 = arith.constant 96 : i32
      %mul3A_574 = arith.muli %sub3A_572, %mul3A_573 : i32
      %dma_wait3A_575 = arith.constant 1 : i32
      %dma_wait3A_576 = arith.constant 1 : i32
      %dma_wait3A_577 = arith.constant 0 : i32
      %dma_wait3A_578 = arith.constant 0 : i32
      %dma_wait3A_579 = tpu.memref_slice %arg8[%dma_wait3A_575, %dma_wait3A_577, %dma_wait3A_578] : memref<3x96x128xf32, #tpu.memory_space<vmem>> -> memref<1x96x128xf32, #tpu.memory_space<vmem>>
      %dma_wait3A_580 = tpu.memref_squeeze %dma_wait3A_579 : memref<1x96x128xf32, #tpu.memory_space<vmem>> -> memref<96x128xf32, #tpu.memory_space<vmem>>
      %dma_wait3A_581 = tpu.memref_slice %arg6[%mul3A_574] : memref<4992xi32, #tpu.memory_space<vmem>> -> memref<96xi32, #tpu.memory_space<vmem>>
      %dma_wait3A_582 = arith.constant 0 : i32
      %dma_wait3A_583 = arith.constant 0 : i32
      %dma_wait3A_584 = tpu.memref_slice %arg2[%dma_wait3A_582, %dma_wait3A_583] : memref<10000x128xf32, #tpu.memory_space<hbm>> -> memref<10000x128xf32, #tpu.memory_space<hbm>>
      %dma_wait3A_585 = tpu.memref_slice %arg9[%dma_wait3A_576] : memref<3x!tpu.dma_semaphore, #tpu.memory_space<semaphore_mem>> -> memref<1x!tpu.dma_semaphore, #tpu.memory_space<semaphore_mem>>
      %dma_wait3A_586 = tpu.memref_squeeze %dma_wait3A_585 : memref<1x!tpu.dma_semaphore, #tpu.memory_space<semaphore_mem>> -> memref<!tpu.dma_semaphore, #tpu.memory_space<semaphore_mem>>
      tpu.wait_indirect_dma semaphore(%dma_wait3A_586 : memref<!tpu.dma_semaphore, #tpu.memory_space<semaphore_mem>>) src(%dma_wait3A_584 : memref<10000x128xf32, #tpu.memory_space<hbm>>) dst(%dma_wait3A_580 : memref<96x128xf32, #tpu.memory_space<vmem>>)
      %sub3A_587 = arith.constant 2 : i32
      %sub3A_588 = arith.subi %add3A_540, %sub3A_587 : i32
      %mul3A_589 = arith.constant 96 : i32
      %mul3A_590 = arith.muli %sub3A_588, %mul3A_589 : i32
      %dma_start3A_591 = arith.constant 1 : i32
      %dma_start3A_592 = arith.constant 1 : i32
      %dma_start3A_593 = arith.constant 0 : i32
      %dma_start3A_594 = arith.constant 0 : i32
      %dma_start3A_595 = tpu.memref_slice %arg8[%dma_start3A_591, %dma_start3A_593, %dma_start3A_594] : memref<3x96x128xf32, #tpu.memory_space<vmem>> -> memref<1x96x128xf32, #tpu.memory_space<vmem>>
      %dma_start3A_596 = tpu.memref_squeeze %dma_start3A_595 : memref<1x96x128xf32, #tpu.memory_space<vmem>> -> memref<96x128xf32, #tpu.memory_space<vmem>>
      %dma_start3A_597 = tpu.memref_slice %arg7[%mul3A_590] : memref<4992xi32, #tpu.memory_space<vmem>> -> memref<96xi32, #tpu.memory_space<vmem>>
      %dma_start3A_598 = arith.constant 0 : i32
      %dma_start3A_599 = arith.constant 0 : i32
      %dma_start3A_600 = tpu.memref_slice %arg5[%dma_start3A_598, %dma_start3A_599] : memref<10000x128xf32, #tpu.memory_space<vmem_shared>> -> memref<10000x128xf32, #tpu.memory_space<vmem_shared>>
      %dma_start3A_601 = tpu.memref_slice %arg10[%dma_start3A_592] : memref<3x!tpu.dma_semaphore, #tpu.memory_space<semaphore_mem>> -> memref<1x!tpu.dma_semaphore, #tpu.memory_space<semaphore_mem>>
      %dma_start3A_602 = tpu.memref_squeeze %dma_start3A_601 : memref<1x!tpu.dma_semaphore, #tpu.memory_space<semaphore_mem>> -> memref<!tpu.dma_semaphore, #tpu.memory_space<semaphore_mem>>
      tpu.enqueue_indirect_dma source(%dma_start3A_596 : memref<96x128xf32, #tpu.memory_space<vmem>>) target(%dma_start3A_600 : memref<10000x128xf32, #tpu.memory_space<vmem_shared>>) offsets(%dma_start3A_597 : memref<96xi32, #tpu.memory_space<vmem>>) semaphore(%dma_start3A_602 : memref<!tpu.dma_semaphore, #tpu.memory_space<semaphore_mem>>) {add = true}
      %mul3A_603 = arith.constant 3 : i32
      %mul3A_604 = arith.muli %mul3A_603, %add3A_479 : i32
      %add3A_605 = arith.constant 2 : i32
      %add3A_606 = arith.addi %add3A_605, %mul3A_604 : i32
      %add3A_607 = arith.constant 2 : i32
      %add3A_608 = arith.addi %add3A_606, %add3A_607 : i32
      %sub3A_609 = arith.constant 3 : i32
      %sub3A_610 = arith.subi %add3A_608, %sub3A_609 : i32
      %mul3A_611 = arith.constant 96 : i32
      %mul3A_612 = arith.muli %sub3A_610, %mul3A_611 : i32
      %dma_wait3A_613 = arith.constant 1 : i32
      %dma_wait3A_614 = arith.constant 1 : i32
      %dma_wait3A_615 = arith.constant 0 : i32
      %dma_wait3A_616 = arith.constant 0 : i32
      %dma_wait3A_617 = tpu.memref_slice %arg8[%dma_wait3A_613, %dma_wait3A_615, %dma_wait3A_616] : memref<3x96x128xf32, #tpu.memory_space<vmem>> -> memref<1x96x128xf32, #tpu.memory_space<vmem>>
      %dma_wait3A_618 = tpu.memref_squeeze %dma_wait3A_617 : memref<1x96x128xf32, #tpu.memory_space<vmem>> -> memref<96x128xf32, #tpu.memory_space<vmem>>
      %dma_wait3A_619 = tpu.memref_slice %arg7[%mul3A_612] : memref<4992xi32, #tpu.memory_space<vmem>> -> memref<96xi32, #tpu.memory_space<vmem>>
      %dma_wait3A_620 = arith.constant 0 : i32
      %dma_wait3A_621 = arith.constant 0 : i32
      %dma_wait3A_622 = tpu.memref_slice %arg5[%dma_wait3A_620, %dma_wait3A_621] : memref<10000x128xf32, #tpu.memory_space<vmem_shared>> -> memref<10000x128xf32, #tpu.memory_space<vmem_shared>>
      %dma_wait3A_623 = tpu.memref_slice %arg10[%dma_wait3A_614] : memref<3x!tpu.dma_semaphore, #tpu.memory_space<semaphore_mem>> -> memref<1x!tpu.dma_semaphore, #tpu.memory_space<semaphore_mem>>
      %dma_wait3A_624 = tpu.memref_squeeze %dma_wait3A_623 : memref<1x!tpu.dma_semaphore, #tpu.memory_space<semaphore_mem>> -> memref<!tpu.dma_semaphore, #tpu.memory_space<semaphore_mem>>
      tpu.wait_indirect_dma semaphore(%dma_wait3A_624 : memref<!tpu.dma_semaphore, #tpu.memory_space<semaphore_mem>>) src(%dma_wait3A_618 : memref<96x128xf32, #tpu.memory_space<vmem>>) dst(%dma_wait3A_622 : memref<10000x128xf32, #tpu.memory_space<vmem_shared>>)
      %mul3A_625 = arith.constant 96 : i32
      %mul3A_626 = arith.muli %add3A_608, %mul3A_625 : i32
      %dma_start3A_627 = arith.constant 1 : i32
      %dma_start3A_628 = arith.constant 1 : i32
      %dma_start3A_629 = arith.constant 0 : i32
      %dma_start3A_630 = arith.constant 0 : i32
      %dma_start3A_631 = tpu.memref_slice %arg8[%dma_start3A_627, %dma_start3A_629, %dma_start3A_630] : memref<3x96x128xf32, #tpu.memory_space<vmem>> -> memref<1x96x128xf32, #tpu.memory_space<vmem>>
      %dma_start3A_632 = tpu.memref_squeeze %dma_start3A_631 : memref<1x96x128xf32, #tpu.memory_space<vmem>> -> memref<96x128xf32, #tpu.memory_space<vmem>>
      %dma_start3A_633 = tpu.memref_slice %arg6[%mul3A_626] : memref<4992xi32, #tpu.memory_space<vmem>> -> memref<96xi32, #tpu.memory_space<vmem>>
      %dma_start3A_634 = arith.constant 0 : i32
      %dma_start3A_635 = arith.constant 0 : i32
      %dma_start3A_636 = tpu.memref_slice %arg2[%dma_start3A_634, %dma_start3A_635] : memref<10000x128xf32, #tpu.memory_space<hbm>> -> memref<10000x128xf32, #tpu.memory_space<hbm>>
      %dma_start3A_637 = tpu.memref_slice %arg9[%dma_start3A_628] : memref<3x!tpu.dma_semaphore, #tpu.memory_space<semaphore_mem>> -> memref<1x!tpu.dma_semaphore, #tpu.memory_space<semaphore_mem>>
      %dma_start3A_638 = tpu.memref_squeeze %dma_start3A_637 : memref<1x!tpu.dma_semaphore, #tpu.memory_space<semaphore_mem>> -> memref<!tpu.dma_semaphore, #tpu.memory_space<semaphore_mem>>
      tpu.enqueue_indirect_dma source(%dma_start3A_636 : memref<10000x128xf32, #tpu.memory_space<hbm>>) target(%dma_start3A_632 : memref<96x128xf32, #tpu.memory_space<vmem>>) offsets(%dma_start3A_633 : memref<96xi32, #tpu.memory_space<vmem>>) semaphore(%dma_start3A_638 : memref<!tpu.dma_semaphore, #tpu.memory_space<semaphore_mem>>)
      %sub3A_639 = arith.constant 2 : i32
      %sub3A_640 = arith.subi %add3A_608, %sub3A_639 : i32
      %mul3A_641 = arith.constant 96 : i32
      %mul3A_642 = arith.muli %sub3A_640, %mul3A_641 : i32
      %dma_wait3A_643 = arith.constant 2 : i32
      %dma_wait3A_644 = arith.constant 2 : i32
      %dma_wait3A_645 = arith.constant 0 : i32
      %dma_wait3A_646 = arith.constant 0 : i32
      %dma_wait3A_647 = tpu.memref_slice %arg8[%dma_wait3A_643, %dma_wait3A_645, %dma_wait3A_646] : memref<3x96x128xf32, #tpu.memory_space<vmem>> -> memref<1x96x128xf32, #tpu.memory_space<vmem>>
      %dma_wait3A_648 = tpu.memref_squeeze %dma_wait3A_647 : memref<1x96x128xf32, #tpu.memory_space<vmem>> -> memref<96x128xf32, #tpu.memory_space<vmem>>
      %dma_wait3A_649 = tpu.memref_slice %arg6[%mul3A_642] : memref<4992xi32, #tpu.memory_space<vmem>> -> memref<96xi32, #tpu.memory_space<vmem>>
      %dma_wait3A_650 = arith.constant 0 : i32
      %dma_wait3A_651 = arith.constant 0 : i32
      %dma_wait3A_652 = tpu.memref_slice %arg2[%dma_wait3A_650, %dma_wait3A_651] : memref<10000x128xf32, #tpu.memory_space<hbm>> -> memref<10000x128xf32, #tpu.memory_space<hbm>>
      %dma_wait3A_653 = tpu.memref_slice %arg9[%dma_wait3A_644] : memref<3x!tpu.dma_semaphore, #tpu.memory_space<semaphore_mem>> -> memref<1x!tpu.dma_semaphore, #tpu.memory_space<semaphore_mem>>
      %dma_wait3A_654 = tpu.memref_squeeze %dma_wait3A_653 : memref<1x!tpu.dma_semaphore, #tpu.memory_space<semaphore_mem>> -> memref<!tpu.dma_semaphore, #tpu.memory_space<semaphore_mem>>
      tpu.wait_indirect_dma semaphore(%dma_wait3A_654 : memref<!tpu.dma_semaphore, #tpu.memory_space<semaphore_mem>>) src(%dma_wait3A_652 : memref<10000x128xf32, #tpu.memory_space<hbm>>) dst(%dma_wait3A_648 : memref<96x128xf32, #tpu.memory_space<vmem>>)
      %sub3A_655 = arith.constant 2 : i32
      %sub3A_656 = arith.subi %add3A_608, %sub3A_655 : i32
      %mul3A_657 = arith.constant 96 : i32
      %mul3A_658 = arith.muli %sub3A_656, %mul3A_657 : i32
      %dma_start3A_659 = arith.constant 2 : i32
      %dma_start3A_660 = arith.constant 2 : i32
      %dma_start3A_661 = arith.constant 0 : i32
      %dma_start3A_662 = arith.constant 0 : i32
      %dma_start3A_663 = tpu.memref_slice %arg8[%dma_start3A_659, %dma_start3A_661, %dma_start3A_662] : memref<3x96x128xf32, #tpu.memory_space<vmem>> -> memref<1x96x128xf32, #tpu.memory_space<vmem>>
      %dma_start3A_664 = tpu.memref_squeeze %dma_start3A_663 : memref<1x96x128xf32, #tpu.memory_space<vmem>> -> memref<96x128xf32, #tpu.memory_space<vmem>>
      %dma_start3A_665 = tpu.memref_slice %arg7[%mul3A_658] : memref<4992xi32, #tpu.memory_space<vmem>> -> memref<96xi32, #tpu.memory_space<vmem>>
      %dma_start3A_666 = arith.constant 0 : i32
      %dma_start3A_667 = arith.constant 0 : i32
      %dma_start3A_668 = tpu.memref_slice %arg5[%dma_start3A_666, %dma_start3A_667] : memref<10000x128xf32, #tpu.memory_space<vmem_shared>> -> memref<10000x128xf32, #tpu.memory_space<vmem_shared>>
      %dma_start3A_669 = tpu.memref_slice %arg10[%dma_start3A_660] : memref<3x!tpu.dma_semaphore, #tpu.memory_space<semaphore_mem>> -> memref<1x!tpu.dma_semaphore, #tpu.memory_space<semaphore_mem>>
      %dma_start3A_670 = tpu.memref_squeeze %dma_start3A_669 : memref<1x!tpu.dma_semaphore, #tpu.memory_space<semaphore_mem>> -> memref<!tpu.dma_semaphore, #tpu.memory_space<semaphore_mem>>
      tpu.enqueue_indirect_dma source(%dma_start3A_664 : memref<96x128xf32, #tpu.memory_space<vmem>>) target(%dma_start3A_668 : memref<10000x128xf32, #tpu.memory_space<vmem_shared>>) offsets(%dma_start3A_665 : memref<96xi32, #tpu.memory_space<vmem>>) semaphore(%dma_start3A_670 : memref<!tpu.dma_semaphore, #tpu.memory_space<semaphore_mem>>) {add = true}
    }
    %scan3A_38 = arith.constant 16 : i32
    %dma_wait3A = arith.constant 2 : i32
    %dma_wait3A_39 = arith.constant 2 : i32
    %dma_wait3A_40 = arith.constant 0 : i32
    %dma_wait3A_41 = arith.constant 0 : i32
    %dma_wait3A_42 = tpu.memref_slice %arg8[%dma_wait3A, %dma_wait3A_40, %dma_wait3A_41] : memref<3x96x128xf32, #tpu.memory_space<vmem>> -> memref<1x96x128xf32, #tpu.memory_space<vmem>>
    %dma_wait3A_43 = tpu.memref_squeeze %dma_wait3A_42 : memref<1x96x128xf32, #tpu.memory_space<vmem>> -> memref<96x128xf32, #tpu.memory_space<vmem>>
    %dma_wait3A_44 = arith.constant 4512 : i32
    %dma_wait3A_45 = tpu.memref_slice %arg7[%dma_wait3A_44] : memref<4992xi32, #tpu.memory_space<vmem>> -> memref<96xi32, #tpu.memory_space<vmem>>
    %dma_wait3A_46 = arith.constant 0 : i32
    %dma_wait3A_47 = arith.constant 0 : i32
    %dma_wait3A_48 = tpu.memref_slice %arg5[%dma_wait3A_46, %dma_wait3A_47] : memref<10000x128xf32, #tpu.memory_space<vmem_shared>> -> memref<10000x128xf32, #tpu.memory_space<vmem_shared>>
    %dma_wait3A_49 = tpu.memref_slice %arg10[%dma_wait3A_39] : memref<3x!tpu.dma_semaphore, #tpu.memory_space<semaphore_mem>> -> memref<1x!tpu.dma_semaphore, #tpu.memory_space<semaphore_mem>>
    %dma_wait3A_50 = tpu.memref_squeeze %dma_wait3A_49 : memref<1x!tpu.dma_semaphore, #tpu.memory_space<semaphore_mem>> -> memref<!tpu.dma_semaphore, #tpu.memory_space<semaphore_mem>>
    tpu.wait_indirect_dma semaphore(%dma_wait3A_50 : memref<!tpu.dma_semaphore, #tpu.memory_space<semaphore_mem>>) src(%dma_wait3A_43 : memref<96x128xf32, #tpu.memory_space<vmem>>) dst(%dma_wait3A_48 : memref<10000x128xf32, #tpu.memory_space<vmem_shared>>)
    %dma_start3A_51 = arith.constant 2 : i32
    %dma_start3A_52 = arith.constant 2 : i32
    %dma_start3A_53 = arith.constant 0 : i32
    %dma_start3A_54 = arith.constant 0 : i32
    %dma_start3A_55 = tpu.memref_slice %arg8[%dma_start3A_51, %dma_start3A_53, %dma_start3A_54] : memref<3x96x128xf32, #tpu.memory_space<vmem>> -> memref<1x96x128xf32, #tpu.memory_space<vmem>>
    %dma_start3A_56 = tpu.memref_squeeze %dma_start3A_55 : memref<1x96x128xf32, #tpu.memory_space<vmem>> -> memref<96x128xf32, #tpu.memory_space<vmem>>
    %dma_start3A_57 = arith.constant 4800 : i32
    %dma_start3A_58 = tpu.memref_slice %arg6[%dma_start3A_57] : memref<4992xi32, #tpu.memory_space<vmem>> -> memref<96xi32, #tpu.memory_space<vmem>>
    %dma_start3A_59 = arith.constant 0 : i32
    %dma_start3A_60 = arith.constant 0 : i32
    %dma_start3A_61 = tpu.memref_slice %arg2[%dma_start3A_59, %dma_start3A_60] : memref<10000x128xf32, #tpu.memory_space<hbm>> -> memref<10000x128xf32, #tpu.memory_space<hbm>>
    %dma_start3A_62 = tpu.memref_slice %arg9[%dma_start3A_52] : memref<3x!tpu.dma_semaphore, #tpu.memory_space<semaphore_mem>> -> memref<1x!tpu.dma_semaphore, #tpu.memory_space<semaphore_mem>>
    %dma_start3A_63 = tpu.memref_squeeze %dma_start3A_62 : memref<1x!tpu.dma_semaphore, #tpu.memory_space<semaphore_mem>> -> memref<!tpu.dma_semaphore, #tpu.memory_space<semaphore_mem>>
    tpu.enqueue_indirect_dma source(%dma_start3A_61 : memref<10000x128xf32, #tpu.memory_space<hbm>>) target(%dma_start3A_56 : memref<96x128xf32, #tpu.memory_space<vmem>>) offsets(%dma_start3A_58 : memref<96xi32, #tpu.memory_space<vmem>>) semaphore(%dma_start3A_63 : memref<!tpu.dma_semaphore, #tpu.memory_space<semaphore_mem>>)
    %dma_wait3A_64 = arith.constant 0 : i32
    %dma_wait3A_65 = arith.constant 0 : i32
    %dma_wait3A_66 = arith.constant 0 : i32
    %dma_wait3A_67 = arith.constant 0 : i32
    %dma_wait3A_68 = tpu.memref_slice %arg8[%dma_wait3A_64, %dma_wait3A_66, %dma_wait3A_67] : memref<3x96x128xf32, #tpu.memory_space<vmem>> -> memref<1x96x128xf32, #tpu.memory_space<vmem>>
    %dma_wait3A_69 = tpu.memref_squeeze %dma_wait3A_68 : memref<1x96x128xf32, #tpu.memory_space<vmem>> -> memref<96x128xf32, #tpu.memory_space<vmem>>
    %dma_wait3A_70 = arith.constant 4608 : i32
    %dma_wait3A_71 = tpu.memref_slice %arg6[%dma_wait3A_70] : memref<4992xi32, #tpu.memory_space<vmem>> -> memref<96xi32, #tpu.memory_space<vmem>>
    %dma_wait3A_72 = arith.constant 0 : i32
    %dma_wait3A_73 = arith.constant 0 : i32
    %dma_wait3A_74 = tpu.memref_slice %arg2[%dma_wait3A_72, %dma_wait3A_73] : memref<10000x128xf32, #tpu.memory_space<hbm>> -> memref<10000x128xf32, #tpu.memory_space<hbm>>
    %dma_wait3A_75 = tpu.memref_slice %arg9[%dma_wait3A_65] : memref<3x!tpu.dma_semaphore, #tpu.memory_space<semaphore_mem>> -> memref<1x!tpu.dma_semaphore, #tpu.memory_space<semaphore_mem>>
    %dma_wait3A_76 = tpu.memref_squeeze %dma_wait3A_75 : memref<1x!tpu.dma_semaphore, #tpu.memory_space<semaphore_mem>> -> memref<!tpu.dma_semaphore, #tpu.memory_space<semaphore_mem>>
    tpu.wait_indirect_dma semaphore(%dma_wait3A_76 : memref<!tpu.dma_semaphore, #tpu.memory_space<semaphore_mem>>) src(%dma_wait3A_74 : memref<10000x128xf32, #tpu.memory_space<hbm>>) dst(%dma_wait3A_69 : memref<96x128xf32, #tpu.memory_space<vmem>>)
    %dma_start3A_77 = arith.constant 0 : i32
    %dma_start3A_78 = arith.constant 0 : i32
    %dma_start3A_79 = arith.constant 0 : i32
    %dma_start3A_80 = arith.constant 0 : i32
    %dma_start3A_81 = tpu.memref_slice %arg8[%dma_start3A_77, %dma_start3A_79, %dma_start3A_80] : memref<3x96x128xf32, #tpu.memory_space<vmem>> -> memref<1x96x128xf32, #tpu.memory_space<vmem>>
    %dma_start3A_82 = tpu.memref_squeeze %dma_start3A_81 : memref<1x96x128xf32, #tpu.memory_space<vmem>> -> memref<96x128xf32, #tpu.memory_space<vmem>>
    %dma_start3A_83 = arith.constant 4608 : i32
    %dma_start3A_84 = tpu.memref_slice %arg7[%dma_start3A_83] : memref<4992xi32, #tpu.memory_space<vmem>> -> memref<96xi32, #tpu.memory_space<vmem>>
    %dma_start3A_85 = arith.constant 0 : i32
    %dma_start3A_86 = arith.constant 0 : i32
    %dma_start3A_87 = tpu.memref_slice %arg5[%dma_start3A_85, %dma_start3A_86] : memref<10000x128xf32, #tpu.memory_space<vmem_shared>> -> memref<10000x128xf32, #tpu.memory_space<vmem_shared>>
    %dma_start3A_88 = tpu.memref_slice %arg10[%dma_start3A_78] : memref<3x!tpu.dma_semaphore, #tpu.memory_space<semaphore_mem>> -> memref<1x!tpu.dma_semaphore, #tpu.memory_space<semaphore_mem>>
    %dma_start3A_89 = tpu.memref_squeeze %dma_start3A_88 : memref<1x!tpu.dma_semaphore, #tpu.memory_space<semaphore_mem>> -> memref<!tpu.dma_semaphore, #tpu.memory_space<semaphore_mem>>
    tpu.enqueue_indirect_dma source(%dma_start3A_82 : memref<96x128xf32, #tpu.memory_space<vmem>>) target(%dma_start3A_87 : memref<10000x128xf32, #tpu.memory_space<vmem_shared>>) offsets(%dma_start3A_84 : memref<96xi32, #tpu.memory_space<vmem>>) semaphore(%dma_start3A_89 : memref<!tpu.dma_semaphore, #tpu.memory_space<semaphore_mem>>) {add = true}
    %dma_wait3A_90 = arith.constant 0 : i32
    %dma_wait3A_91 = arith.constant 0 : i32
    %dma_wait3A_92 = arith.constant 0 : i32
    %dma_wait3A_93 = arith.constant 0 : i32
    %dma_wait3A_94 = tpu.memref_slice %arg8[%dma_wait3A_90, %dma_wait3A_92, %dma_wait3A_93] : memref<3x96x128xf32, #tpu.memory_space<vmem>> -> memref<1x96x128xf32, #tpu.memory_space<vmem>>
    %dma_wait3A_95 = tpu.memref_squeeze %dma_wait3A_94 : memref<1x96x128xf32, #tpu.memory_space<vmem>> -> memref<96x128xf32, #tpu.memory_space<vmem>>
    %dma_wait3A_96 = arith.constant 4608 : i32
    %dma_wait3A_97 = tpu.memref_slice %arg7[%dma_wait3A_96] : memref<4992xi32, #tpu.memory_space<vmem>> -> memref<96xi32, #tpu.memory_space<vmem>>
    %dma_wait3A_98 = arith.constant 0 : i32
    %dma_wait3A_99 = arith.constant 0 : i32
    %dma_wait3A_100 = tpu.memref_slice %arg5[%dma_wait3A_98, %dma_wait3A_99] : memref<10000x128xf32, #tpu.memory_space<vmem_shared>> -> memref<10000x128xf32, #tpu.memory_space<vmem_shared>>
    %dma_wait3A_101 = tpu.memref_slice %arg10[%dma_wait3A_91] : memref<3x!tpu.dma_semaphore, #tpu.memory_space<semaphore_mem>> -> memref<1x!tpu.dma_semaphore, #tpu.memory_space<semaphore_mem>>
    %dma_wait3A_102 = tpu.memref_squeeze %dma_wait3A_101 : memref<1x!tpu.dma_semaphore, #tpu.memory_space<semaphore_mem>> -> memref<!tpu.dma_semaphore, #tpu.memory_space<semaphore_mem>>
    tpu.wait_indirect_dma semaphore(%dma_wait3A_102 : memref<!tpu.dma_semaphore, #tpu.memory_space<semaphore_mem>>) src(%dma_wait3A_95 : memref<96x128xf32, #tpu.memory_space<vmem>>) dst(%dma_wait3A_100 : memref<10000x128xf32, #tpu.memory_space<vmem_shared>>)
    %dma_start3A_103 = arith.constant 0 : i32
    %dma_start3A_104 = arith.constant 0 : i32
    %dma_start3A_105 = arith.constant 0 : i32
    %dma_start3A_106 = arith.constant 0 : i32
    %dma_start3A_107 = tpu.memref_slice %arg8[%dma_start3A_103, %dma_start3A_105, %dma_start3A_106] : memref<3x96x128xf32, #tpu.memory_space<vmem>> -> memref<1x96x128xf32, #tpu.memory_space<vmem>>
    %dma_start3A_108 = tpu.memref_squeeze %dma_start3A_107 : memref<1x96x128xf32, #tpu.memory_space<vmem>> -> memref<96x128xf32, #tpu.memory_space<vmem>>
    %dma_start3A_109 = arith.constant 4896 : i32
    %dma_start3A_110 = tpu.memref_slice %arg6[%dma_start3A_109] : memref<4992xi32, #tpu.memory_space<vmem>> -> memref<96xi32, #tpu.memory_space<vmem>>
    %dma_start3A_111 = arith.constant 0 : i32
    %dma_start3A_112 = arith.constant 0 : i32
    %dma_start3A_113 = tpu.memref_slice %arg2[%dma_start3A_111, %dma_start3A_112] : memref<10000x128xf32, #tpu.memory_space<hbm>> -> memref<10000x128xf32, #tpu.memory_space<hbm>>
    %dma_start3A_114 = tpu.memref_slice %arg9[%dma_start3A_104] : memref<3x!tpu.dma_semaphore, #tpu.memory_space<semaphore_mem>> -> memref<1x!tpu.dma_semaphore, #tpu.memory_space<semaphore_mem>>
    %dma_start3A_115 = tpu.memref_squeeze %dma_start3A_114 : memref<1x!tpu.dma_semaphore, #tpu.memory_space<semaphore_mem>> -> memref<!tpu.dma_semaphore, #tpu.memory_space<semaphore_mem>>
    tpu.enqueue_indirect_dma source(%dma_start3A_113 : memref<10000x128xf32, #tpu.memory_space<hbm>>) target(%dma_start3A_108 : memref<96x128xf32, #tpu.memory_space<vmem>>) offsets(%dma_start3A_110 : memref<96xi32, #tpu.memory_space<vmem>>) semaphore(%dma_start3A_115 : memref<!tpu.dma_semaphore, #tpu.memory_space<semaphore_mem>>)
    %dma_wait3A_116 = arith.constant 1 : i32
    %dma_wait3A_117 = arith.constant 1 : i32
    %dma_wait3A_118 = arith.constant 0 : i32
    %dma_wait3A_119 = arith.constant 0 : i32
    %dma_wait3A_120 = tpu.memref_slice %arg8[%dma_wait3A_116, %dma_wait3A_118, %dma_wait3A_119] : memref<3x96x128xf32, #tpu.memory_space<vmem>> -> memref<1x96x128xf32, #tpu.memory_space<vmem>>
    %dma_wait3A_121 = tpu.memref_squeeze %dma_wait3A_120 : memref<1x96x128xf32, #tpu.memory_space<vmem>> -> memref<96x128xf32, #tpu.memory_space<vmem>>
    %dma_wait3A_122 = arith.constant 4704 : i32
    %dma_wait3A_123 = tpu.memref_slice %arg6[%dma_wait3A_122] : memref<4992xi32, #tpu.memory_space<vmem>> -> memref<96xi32, #tpu.memory_space<vmem>>
    %dma_wait3A_124 = arith.constant 0 : i32
    %dma_wait3A_125 = arith.constant 0 : i32
    %dma_wait3A_126 = tpu.memref_slice %arg2[%dma_wait3A_124, %dma_wait3A_125] : memref<10000x128xf32, #tpu.memory_space<hbm>> -> memref<10000x128xf32, #tpu.memory_space<hbm>>
    %dma_wait3A_127 = tpu.memref_slice %arg9[%dma_wait3A_117] : memref<3x!tpu.dma_semaphore, #tpu.memory_space<semaphore_mem>> -> memref<1x!tpu.dma_semaphore, #tpu.memory_space<semaphore_mem>>
    %dma_wait3A_128 = tpu.memref_squeeze %dma_wait3A_127 : memref<1x!tpu.dma_semaphore, #tpu.memory_space<semaphore_mem>> -> memref<!tpu.dma_semaphore, #tpu.memory_space<semaphore_mem>>
    tpu.wait_indirect_dma semaphore(%dma_wait3A_128 : memref<!tpu.dma_semaphore, #tpu.memory_space<semaphore_mem>>) src(%dma_wait3A_126 : memref<10000x128xf32, #tpu.memory_space<hbm>>) dst(%dma_wait3A_121 : memref<96x128xf32, #tpu.memory_space<vmem>>)
    %dma_start3A_129 = arith.constant 1 : i32
    %dma_start3A_130 = arith.constant 1 : i32
    %dma_start3A_131 = arith.constant 0 : i32
    %dma_start3A_132 = arith.constant 0 : i32
    %dma_start3A_133 = tpu.memref_slice %arg8[%dma_start3A_129, %dma_start3A_131, %dma_start3A_132] : memref<3x96x128xf32, #tpu.memory_space<vmem>> -> memref<1x96x128xf32, #tpu.memory_space<vmem>>
    %dma_start3A_134 = tpu.memref_squeeze %dma_start3A_133 : memref<1x96x128xf32, #tpu.memory_space<vmem>> -> memref<96x128xf32, #tpu.memory_space<vmem>>
    %dma_start3A_135 = arith.constant 4704 : i32
    %dma_start3A_136 = tpu.memref_slice %arg7[%dma_start3A_135] : memref<4992xi32, #tpu.memory_space<vmem>> -> memref<96xi32, #tpu.memory_space<vmem>>
    %dma_start3A_137 = arith.constant 0 : i32
    %dma_start3A_138 = arith.constant 0 : i32
    %dma_start3A_139 = tpu.memref_slice %arg5[%dma_start3A_137, %dma_start3A_138] : memref<10000x128xf32, #tpu.memory_space<vmem_shared>> -> memref<10000x128xf32, #tpu.memory_space<vmem_shared>>
    %dma_start3A_140 = tpu.memref_slice %arg10[%dma_start3A_130] : memref<3x!tpu.dma_semaphore, #tpu.memory_space<semaphore_mem>> -> memref<1x!tpu.dma_semaphore, #tpu.memory_space<semaphore_mem>>
    %dma_start3A_141 = tpu.memref_squeeze %dma_start3A_140 : memref<1x!tpu.dma_semaphore, #tpu.memory_space<semaphore_mem>> -> memref<!tpu.dma_semaphore, #tpu.memory_space<semaphore_mem>>
    tpu.enqueue_indirect_dma source(%dma_start3A_134 : memref<96x128xf32, #tpu.memory_space<vmem>>) target(%dma_start3A_139 : memref<10000x128xf32, #tpu.memory_space<vmem_shared>>) offsets(%dma_start3A_136 : memref<96xi32, #tpu.memory_space<vmem>>) semaphore(%dma_start3A_141 : memref<!tpu.dma_semaphore, #tpu.memory_space<semaphore_mem>>) {add = true}
    %dma_wait3A_142 = arith.constant 2 : i32
    %dma_wait3A_143 = arith.constant 2 : i32
    %dma_wait3A_144 = arith.constant 0 : i32
    %dma_wait3A_145 = arith.constant 0 : i32
    %dma_wait3A_146 = tpu.memref_slice %arg8[%dma_wait3A_142, %dma_wait3A_144, %dma_wait3A_145] : memref<3x96x128xf32, #tpu.memory_space<vmem>> -> memref<1x96x128xf32, #tpu.memory_space<vmem>>
    %dma_wait3A_147 = tpu.memref_squeeze %dma_wait3A_146 : memref<1x96x128xf32, #tpu.memory_space<vmem>> -> memref<96x128xf32, #tpu.memory_space<vmem>>
    %dma_wait3A_148 = arith.constant 4800 : i32
    %dma_wait3A_149 = tpu.memref_slice %arg6[%dma_wait3A_148] : memref<4992xi32, #tpu.memory_space<vmem>> -> memref<96xi32, #tpu.memory_space<vmem>>
    %dma_wait3A_150 = arith.constant 0 : i32
    %dma_wait3A_151 = arith.constant 0 : i32
    %dma_wait3A_152 = tpu.memref_slice %arg2[%dma_wait3A_150, %dma_wait3A_151] : memref<10000x128xf32, #tpu.memory_space<hbm>> -> memref<10000x128xf32, #tpu.memory_space<hbm>>
    %dma_wait3A_153 = tpu.memref_slice %arg9[%dma_wait3A_143] : memref<3x!tpu.dma_semaphore, #tpu.memory_space<semaphore_mem>> -> memref<1x!tpu.dma_semaphore, #tpu.memory_space<semaphore_mem>>
    %dma_wait3A_154 = tpu.memref_squeeze %dma_wait3A_153 : memref<1x!tpu.dma_semaphore, #tpu.memory_space<semaphore_mem>> -> memref<!tpu.dma_semaphore, #tpu.memory_space<semaphore_mem>>
    tpu.wait_indirect_dma semaphore(%dma_wait3A_154 : memref<!tpu.dma_semaphore, #tpu.memory_space<semaphore_mem>>) src(%dma_wait3A_152 : memref<10000x128xf32, #tpu.memory_space<hbm>>) dst(%dma_wait3A_147 : memref<96x128xf32, #tpu.memory_space<vmem>>)
    %dma_start3A_155 = arith.constant 2 : i32
    %dma_start3A_156 = arith.constant 2 : i32
    %dma_start3A_157 = arith.constant 0 : i32
    %dma_start3A_158 = arith.constant 0 : i32
    %dma_start3A_159 = tpu.memref_slice %arg8[%dma_start3A_155, %dma_start3A_157, %dma_start3A_158] : memref<3x96x128xf32, #tpu.memory_space<vmem>> -> memref<1x96x128xf32, #tpu.memory_space<vmem>>
    %dma_start3A_160 = tpu.memref_squeeze %dma_start3A_159 : memref<1x96x128xf32, #tpu.memory_space<vmem>> -> memref<96x128xf32, #tpu.memory_space<vmem>>
    %dma_start3A_161 = arith.constant 4800 : i32
    %dma_start3A_162 = tpu.memref_slice %arg7[%dma_start3A_161] : memref<4992xi32, #tpu.memory_space<vmem>> -> memref<96xi32, #tpu.memory_space<vmem>>
    %dma_start3A_163 = arith.constant 0 : i32
    %dma_start3A_164 = arith.constant 0 : i32
    %dma_start3A_165 = tpu.memref_slice %arg5[%dma_start3A_163, %dma_start3A_164] : memref<10000x128xf32, #tpu.memory_space<vmem_shared>> -> memref<10000x128xf32, #tpu.memory_space<vmem_shared>>
    %dma_start3A_166 = tpu.memref_slice %arg10[%dma_start3A_156] : memref<3x!tpu.dma_semaphore, #tpu.memory_space<semaphore_mem>> -> memref<1x!tpu.dma_semaphore, #tpu.memory_space<semaphore_mem>>
    %dma_start3A_167 = tpu.memref_squeeze %dma_start3A_166 : memref<1x!tpu.dma_semaphore, #tpu.memory_space<semaphore_mem>> -> memref<!tpu.dma_semaphore, #tpu.memory_space<semaphore_mem>>
    tpu.enqueue_indirect_dma source(%dma_start3A_160 : memref<96x128xf32, #tpu.memory_space<vmem>>) target(%dma_start3A_165 : memref<10000x128xf32, #tpu.memory_space<vmem_shared>>) offsets(%dma_start3A_162 : memref<96xi32, #tpu.memory_space<vmem>>) semaphore(%dma_start3A_167 : memref<!tpu.dma_semaphore, #tpu.memory_space<semaphore_mem>>) {add = true}
    %dma_wait3A_168 = arith.constant 0 : i32
    %dma_wait3A_169 = arith.constant 0 : i32
    %dma_wait3A_170 = arith.constant 0 : i32
    %dma_wait3A_171 = arith.constant 0 : i32
    %dma_wait3A_172 = tpu.memref_slice %arg8[%dma_wait3A_168, %dma_wait3A_170, %dma_wait3A_171] : memref<3x96x128xf32, #tpu.memory_space<vmem>> -> memref<1x96x128xf32, #tpu.memory_space<vmem>>
    %dma_wait3A_173 = tpu.memref_squeeze %dma_wait3A_172 : memref<1x96x128xf32, #tpu.memory_space<vmem>> -> memref<96x128xf32, #tpu.memory_space<vmem>>
    %dma_wait3A_174 = arith.constant 4896 : i32
    %dma_wait3A_175 = tpu.memref_slice %arg6[%dma_wait3A_174] : memref<4992xi32, #tpu.memory_space<vmem>> -> memref<96xi32, #tpu.memory_space<vmem>>
    %dma_wait3A_176 = arith.constant 0 : i32
    %dma_wait3A_177 = arith.constant 0 : i32
    %dma_wait3A_178 = tpu.memref_slice %arg2[%dma_wait3A_176, %dma_wait3A_177] : memref<10000x128xf32, #tpu.memory_space<hbm>> -> memref<10000x128xf32, #tpu.memory_space<hbm>>
    %dma_wait3A_179 = tpu.memref_slice %arg9[%dma_wait3A_169] : memref<3x!tpu.dma_semaphore, #tpu.memory_space<semaphore_mem>> -> memref<1x!tpu.dma_semaphore, #tpu.memory_space<semaphore_mem>>
    %dma_wait3A_180 = tpu.memref_squeeze %dma_wait3A_179 : memref<1x!tpu.dma_semaphore, #tpu.memory_space<semaphore_mem>> -> memref<!tpu.dma_semaphore, #tpu.memory_space<semaphore_mem>>
    tpu.wait_indirect_dma semaphore(%dma_wait3A_180 : memref<!tpu.dma_semaphore, #tpu.memory_space<semaphore_mem>>) src(%dma_wait3A_178 : memref<10000x128xf32, #tpu.memory_space<hbm>>) dst(%dma_wait3A_173 : memref<96x128xf32, #tpu.memory_space<vmem>>)
    %dma_start3A_181 = arith.constant 0 : i32
    %dma_start3A_182 = arith.constant 0 : i32
    %dma_start3A_183 = arith.constant 0 : i32
    %dma_start3A_184 = arith.constant 0 : i32
    %dma_start3A_185 = tpu.memref_slice %arg8[%dma_start3A_181, %dma_start3A_183, %dma_start3A_184] : memref<3x96x128xf32, #tpu.memory_space<vmem>> -> memref<1x96x128xf32, #tpu.memory_space<vmem>>
    %dma_start3A_186 = tpu.memref_squeeze %dma_start3A_185 : memref<1x96x128xf32, #tpu.memory_space<vmem>> -> memref<96x128xf32, #tpu.memory_space<vmem>>
    %dma_start3A_187 = arith.constant 4896 : i32
    %dma_start3A_188 = tpu.memref_slice %arg7[%dma_start3A_187] : memref<4992xi32, #tpu.memory_space<vmem>> -> memref<96xi32, #tpu.memory_space<vmem>>
    %dma_start3A_189 = arith.constant 0 : i32
    %dma_start3A_190 = arith.constant 0 : i32
    %dma_start3A_191 = tpu.memref_slice %arg5[%dma_start3A_189, %dma_start3A_190] : memref<10000x128xf32, #tpu.memory_space<vmem_shared>> -> memref<10000x128xf32, #tpu.memory_space<vmem_shared>>
    %dma_start3A_192 = tpu.memref_slice %arg10[%dma_start3A_182] : memref<3x!tpu.dma_semaphore, #tpu.memory_space<semaphore_mem>> -> memref<1x!tpu.dma_semaphore, #tpu.memory_space<semaphore_mem>>
    %dma_start3A_193 = tpu.memref_squeeze %dma_start3A_192 : memref<1x!tpu.dma_semaphore, #tpu.memory_space<semaphore_mem>> -> memref<!tpu.dma_semaphore, #tpu.memory_space<semaphore_mem>>
    tpu.enqueue_indirect_dma source(%dma_start3A_186 : memref<96x128xf32, #tpu.memory_space<vmem>>) target(%dma_start3A_191 : memref<10000x128xf32, #tpu.memory_space<vmem_shared>>) offsets(%dma_start3A_188 : memref<96xi32, #tpu.memory_space<vmem>>) semaphore(%dma_start3A_193 : memref<!tpu.dma_semaphore, #tpu.memory_space<semaphore_mem>>) {add = true}
    %dma_wait3A_194 = arith.constant 1 : i32
    %dma_wait3A_195 = arith.constant 1 : i32
    %dma_wait3A_196 = arith.constant 0 : i32
    %dma_wait3A_197 = arith.constant 0 : i32
    %dma_wait3A_198 = tpu.memref_slice %arg8[%dma_wait3A_194, %dma_wait3A_196, %dma_wait3A_197] : memref<3x96x128xf32, #tpu.memory_space<vmem>> -> memref<1x96x128xf32, #tpu.memory_space<vmem>>
    %dma_wait3A_199 = tpu.memref_squeeze %dma_wait3A_198 : memref<1x96x128xf32, #tpu.memory_space<vmem>> -> memref<96x128xf32, #tpu.memory_space<vmem>>
    %dma_wait3A_200 = arith.constant 4704 : i32
    %dma_wait3A_201 = tpu.memref_slice %arg7[%dma_wait3A_200] : memref<4992xi32, #tpu.memory_space<vmem>> -> memref<96xi32, #tpu.memory_space<vmem>>
    %dma_wait3A_202 = arith.constant 0 : i32
    %dma_wait3A_203 = arith.constant 0 : i32
    %dma_wait3A_204 = tpu.memref_slice %arg5[%dma_wait3A_202, %dma_wait3A_203] : memref<10000x128xf32, #tpu.memory_space<vmem_shared>> -> memref<10000x128xf32, #tpu.memory_space<vmem_shared>>
    %dma_wait3A_205 = tpu.memref_slice %arg10[%dma_wait3A_195] : memref<3x!tpu.dma_semaphore, #tpu.memory_space<semaphore_mem>> -> memref<1x!tpu.dma_semaphore, #tpu.memory_space<semaphore_mem>>
    %dma_wait3A_206 = tpu.memref_squeeze %dma_wait3A_205 : memref<1x!tpu.dma_semaphore, #tpu.memory_space<semaphore_mem>> -> memref<!tpu.dma_semaphore, #tpu.memory_space<semaphore_mem>>
    tpu.wait_indirect_dma semaphore(%dma_wait3A_206 : memref<!tpu.dma_semaphore, #tpu.memory_space<semaphore_mem>>) src(%dma_wait3A_199 : memref<96x128xf32, #tpu.memory_space<vmem>>) dst(%dma_wait3A_204 : memref<10000x128xf32, #tpu.memory_space<vmem_shared>>)
    %dma_wait3A_207 = arith.constant 2 : i32
    %dma_wait3A_208 = arith.constant 2 : i32
    %dma_wait3A_209 = arith.constant 0 : i32
    %dma_wait3A_210 = arith.constant 0 : i32
    %dma_wait3A_211 = tpu.memref_slice %arg8[%dma_wait3A_207, %dma_wait3A_209, %dma_wait3A_210] : memref<3x96x128xf32, #tpu.memory_space<vmem>> -> memref<1x96x128xf32, #tpu.memory_space<vmem>>
    %dma_wait3A_212 = tpu.memref_squeeze %dma_wait3A_211 : memref<1x96x128xf32, #tpu.memory_space<vmem>> -> memref<96x128xf32, #tpu.memory_space<vmem>>
    %dma_wait3A_213 = arith.constant 4800 : i32
    %dma_wait3A_214 = tpu.memref_slice %arg7[%dma_wait3A_213] : memref<4992xi32, #tpu.memory_space<vmem>> -> memref<96xi32, #tpu.memory_space<vmem>>
    %dma_wait3A_215 = arith.constant 0 : i32
    %dma_wait3A_216 = arith.constant 0 : i32
    %dma_wait3A_217 = tpu.memref_slice %arg5[%dma_wait3A_215, %dma_wait3A_216] : memref<10000x128xf32, #tpu.memory_space<vmem_shared>> -> memref<10000x128xf32, #tpu.memory_space<vmem_shared>>
    %dma_wait3A_218 = tpu.memref_slice %arg10[%dma_wait3A_208] : memref<3x!tpu.dma_semaphore, #tpu.memory_space<semaphore_mem>> -> memref<1x!tpu.dma_semaphore, #tpu.memory_space<semaphore_mem>>
    %dma_wait3A_219 = tpu.memref_squeeze %dma_wait3A_218 : memref<1x!tpu.dma_semaphore, #tpu.memory_space<semaphore_mem>> -> memref<!tpu.dma_semaphore, #tpu.memory_space<semaphore_mem>>
    tpu.wait_indirect_dma semaphore(%dma_wait3A_219 : memref<!tpu.dma_semaphore, #tpu.memory_space<semaphore_mem>>) src(%dma_wait3A_212 : memref<96x128xf32, #tpu.memory_space<vmem>>) dst(%dma_wait3A_217 : memref<10000x128xf32, #tpu.memory_space<vmem_shared>>)
    %dma_wait3A_220 = arith.constant 0 : i32
    %dma_wait3A_221 = arith.constant 0 : i32
    %dma_wait3A_222 = arith.constant 0 : i32
    %dma_wait3A_223 = arith.constant 0 : i32
    %dma_wait3A_224 = tpu.memref_slice %arg8[%dma_wait3A_220, %dma_wait3A_222, %dma_wait3A_223] : memref<3x96x128xf32, #tpu.memory_space<vmem>> -> memref<1x96x128xf32, #tpu.memory_space<vmem>>
    %dma_wait3A_225 = tpu.memref_squeeze %dma_wait3A_224 : memref<1x96x128xf32, #tpu.memory_space<vmem>> -> memref<96x128xf32, #tpu.memory_space<vmem>>
    %dma_wait3A_226 = arith.constant 4896 : i32
    %dma_wait3A_227 = tpu.memref_slice %arg7[%dma_wait3A_226] : memref<4992xi32, #tpu.memory_space<vmem>> -> memref<96xi32, #tpu.memory_space<vmem>>
    %dma_wait3A_228 = arith.constant 0 : i32
    %dma_wait3A_229 = arith.constant 0 : i32
    %dma_wait3A_230 = tpu.memref_slice %arg5[%dma_wait3A_228, %dma_wait3A_229] : memref<10000x128xf32, #tpu.memory_space<vmem_shared>> -> memref<10000x128xf32, #tpu.memory_space<vmem_shared>>
    %dma_wait3A_231 = tpu.memref_slice %arg10[%dma_wait3A_221] : memref<3x!tpu.dma_semaphore, #tpu.memory_space<semaphore_mem>> -> memref<1x!tpu.dma_semaphore, #tpu.memory_space<semaphore_mem>>
    %dma_wait3A_232 = tpu.memref_squeeze %dma_wait3A_231 : memref<1x!tpu.dma_semaphore, #tpu.memory_space<semaphore_mem>> -> memref<!tpu.dma_semaphore, #tpu.memory_space<semaphore_mem>>
    tpu.wait_indirect_dma semaphore(%dma_wait3A_232 : memref<!tpu.dma_semaphore, #tpu.memory_space<semaphore_mem>>) src(%dma_wait3A_225 : memref<96x128xf32, #tpu.memory_space<vmem>>) dst(%dma_wait3A_230 : memref<10000x128xf32, #tpu.memory_space<vmem_shared>>)
    %add3A_233 = arith.constant 4992 : i32
    %add3A_234 = arith.addi %add3A, %add3A_233 : i32
    %run_scoped3A_235 = arith.constant 0 : i32
    "tpu.region"() ({
      %run_scoped3A_475 = tpu.sem_alloc : memref<!tpu.dma_semaphore, #tpu.memory_space<semaphore_mem>>
      %dma_start3A_476 = arith.constant 0 : i32
      %dma_start3A_477 = tpu.memref_slice %arg3[%run_scoped3A_235, %dma_start3A_476] : memref<2x320000xi32, #tpu.memory_space<hbm>> -> memref<1x320000xi32, #tpu.memory_space<hbm>>
      %dma_start3A_478 = tpu.memref_squeeze %dma_start3A_477 : memref<1x320000xi32, #tpu.memory_space<hbm>> -> memref<320000xi32, #tpu.memory_space<hbm>>
      %dma_start3A_479 = tpu.memref_slice %dma_start3A_478[%add3A_234] : memref<320000xi32, #tpu.memory_space<hbm>> -> memref<4992xi32, #tpu.memory_space<hbm>>
      %dma_start3A_480 = arith.constant 0 : i32
      %dma_start3A_481 = tpu.memref_slice %arg3[%run_scoped3A_235, %dma_start3A_480] : memref<2x320000xi32, #tpu.memory_space<hbm>> -> memref<1x320000xi32, #tpu.memory_space<hbm>>
      %dma_start3A_482 = tpu.memref_squeeze %dma_start3A_481 : memref<1x320000xi32, #tpu.memory_space<hbm>> -> memref<320000xi32, #tpu.memory_space<hbm>>
      %dma_start3A_483 = tpu.memref_slice %dma_start3A_482[%add3A_234] : memref<320000xi32, #tpu.memory_space<hbm>> -> memref<4992xi32, #tpu.memory_space<hbm>>
      tpu.enqueue_dma source(%dma_start3A_483 : memref<4992xi32, #tpu.memory_space<hbm>>) target(%arg6 : memref<4992xi32, #tpu.memory_space<vmem>>) target_semaphore(%run_scoped3A_475 : memref<!tpu.dma_semaphore, #tpu.memory_space<semaphore_mem>>)
      %dma_wait3A_484 = arith.constant 0 : i32
      %dma_wait3A_485 = tpu.memref_slice %arg3[%run_scoped3A_235, %dma_wait3A_484] : memref<2x320000xi32, #tpu.memory_space<hbm>> -> memref<1x320000xi32, #tpu.memory_space<hbm>>
      %dma_wait3A_486 = tpu.memref_squeeze %dma_wait3A_485 : memref<1x320000xi32, #tpu.memory_space<hbm>> -> memref<320000xi32, #tpu.memory_space<hbm>>
      %dma_wait3A_487 = tpu.memref_slice %dma_wait3A_486[%add3A_234] : memref<320000xi32, #tpu.memory_space<hbm>> -> memref<4992xi32, #tpu.memory_space<hbm>>
      %dma_wait3A_488 = arith.constant 0 : i32
      %dma_wait3A_489 = tpu.memref_slice %arg3[%run_scoped3A_235, %dma_wait3A_488] : memref<2x320000xi32, #tpu.memory_space<hbm>> -> memref<1x320000xi32, #tpu.memory_space<hbm>>
      %dma_wait3A_490 = tpu.memref_squeeze %dma_wait3A_489 : memref<1x320000xi32, #tpu.memory_space<hbm>> -> memref<320000xi32, #tpu.memory_space<hbm>>
      %dma_wait3A_491 = tpu.memref_slice %dma_wait3A_490[%add3A_234] : memref<320000xi32, #tpu.memory_space<hbm>> -> memref<4992xi32, #tpu.memory_space<hbm>>
      tpu.wait_dma2 semaphore(%run_scoped3A_475 : memref<!tpu.dma_semaphore, #tpu.memory_space<semaphore_mem>>) src(%dma_wait3A_491 : memref<4992xi32, #tpu.memory_space<hbm>>) dst(%arg6 : memref<4992xi32, #tpu.memory_space<vmem>>)
      tpu.yield
    }) : () -> ()
    %run_scoped3A_236 = arith.constant 1 : i32
    "tpu.region"() ({
      %run_scoped3A_475 = tpu.sem_alloc : memref<!tpu.dma_semaphore, #tpu.memory_space<semaphore_mem>>
      %dma_start3A_476 = arith.constant 0 : i32
      %dma_start3A_477 = tpu.memref_slice %arg3[%run_scoped3A_236, %dma_start3A_476] : memref<2x320000xi32, #tpu.memory_space<hbm>> -> memref<1x320000xi32, #tpu.memory_space<hbm>>
      %dma_start3A_478 = tpu.memref_squeeze %dma_start3A_477 : memref<1x320000xi32, #tpu.memory_space<hbm>> -> memref<320000xi32, #tpu.memory_space<hbm>>
      %dma_start3A_479 = tpu.memref_slice %dma_start3A_478[%add3A_234] : memref<320000xi32, #tpu.memory_space<hbm>> -> memref<4992xi32, #tpu.memory_space<hbm>>
      %dma_start3A_480 = arith.constant 0 : i32
      %dma_start3A_481 = tpu.memref_slice %arg3[%run_scoped3A_236, %dma_start3A_480] : memref<2x320000xi32, #tpu.memory_space<hbm>> -> memref<1x320000xi32, #tpu.memory_space<hbm>>
      %dma_start3A_482 = tpu.memref_squeeze %dma_start3A_481 : memref<1x320000xi32, #tpu.memory_space<hbm>> -> memref<320000xi32, #tpu.memory_space<hbm>>
      %dma_start3A_483 = tpu.memref_slice %dma_start3A_482[%add3A_234] : memref<320000xi32, #tpu.memory_space<hbm>> -> memref<4992xi32, #tpu.memory_space<hbm>>
      tpu.enqueue_dma source(%dma_start3A_483 : memref<4992xi32, #tpu.memory_space<hbm>>) target(%arg7 : memref<4992xi32, #tpu.memory_space<vmem>>) target_semaphore(%run_scoped3A_475 : memref<!tpu.dma_semaphore, #tpu.memory_space<semaphore_mem>>)
      %dma_wait3A_484 = arith.constant 0 : i32
      %dma_wait3A_485 = tpu.memref_slice %arg3[%run_scoped3A_236, %dma_wait3A_484] : memref<2x320000xi32, #tpu.memory_space<hbm>> -> memref<1x320000xi32, #tpu.memory_space<hbm>>
      %dma_wait3A_486 = tpu.memref_squeeze %dma_wait3A_485 : memref<1x320000xi32, #tpu.memory_space<hbm>> -> memref<320000xi32, #tpu.memory_space<hbm>>
      %dma_wait3A_487 = tpu.memref_slice %dma_wait3A_486[%add3A_234] : memref<320000xi32, #tpu.memory_space<hbm>> -> memref<4992xi32, #tpu.memory_space<hbm>>
      %dma_wait3A_488 = arith.constant 0 : i32
      %dma_wait3A_489 = tpu.memref_slice %arg3[%run_scoped3A_236, %dma_wait3A_488] : memref<2x320000xi32, #tpu.memory_space<hbm>> -> memref<1x320000xi32, #tpu.memory_space<hbm>>
      %dma_wait3A_490 = tpu.memref_squeeze %dma_wait3A_489 : memref<1x320000xi32, #tpu.memory_space<hbm>> -> memref<320000xi32, #tpu.memory_space<hbm>>
      %dma_wait3A_491 = tpu.memref_slice %dma_wait3A_490[%add3A_234] : memref<320000xi32, #tpu.memory_space<hbm>> -> memref<4992xi32, #tpu.memory_space<hbm>>
      tpu.wait_dma2 semaphore(%run_scoped3A_475 : memref<!tpu.dma_semaphore, #tpu.memory_space<semaphore_mem>>) src(%dma_wait3A_491 : memref<4992xi32, #tpu.memory_space<hbm>>) dst(%arg7 : memref<4992xi32, #tpu.memory_space<vmem>>)
      tpu.yield
    }) : () -> ()
    %dma_start3A_237 = arith.constant 0 : i32
    %dma_start3A_238 = arith.constant 0 : i32
    %dma_start3A_239 = arith.constant 0 : i32
    %dma_start3A_240 = arith.constant 0 : i32
    %dma_start3A_241 = tpu.memref_slice %arg8[%dma_start3A_237, %dma_start3A_239, %dma_start3A_240] : memref<3x96x128xf32, #tpu.memory_space<vmem>> -> memref<1x96x128xf32, #tpu.memory_space<vmem>>
    %dma_start3A_242 = tpu.memref_squeeze %dma_start3A_241 : memref<1x96x128xf32, #tpu.memory_space<vmem>> -> memref<96x128xf32, #tpu.memory_space<vmem>>
    %dma_start3A_243 = arith.constant 0 : i32
    %dma_start3A_244 = tpu.memref_slice %arg6[%dma_start3A_243] : memref<4992xi32, #tpu.memory_space<vmem>> -> memref<96xi32, #tpu.memory_space<vmem>>
    %dma_start3A_245 = arith.constant 0 : i32
    %dma_start3A_246 = arith.constant 0 : i32
    %dma_start3A_247 = tpu.memref_slice %arg2[%dma_start3A_245, %dma_start3A_246] : memref<10000x128xf32, #tpu.memory_space<hbm>> -> memref<10000x128xf32, #tpu.memory_space<hbm>>
    %dma_start3A_248 = tpu.memref_slice %arg9[%dma_start3A_238] : memref<3x!tpu.dma_semaphore, #tpu.memory_space<semaphore_mem>> -> memref<1x!tpu.dma_semaphore, #tpu.memory_space<semaphore_mem>>
    %dma_start3A_249 = tpu.memref_squeeze %dma_start3A_248 : memref<1x!tpu.dma_semaphore, #tpu.memory_space<semaphore_mem>> -> memref<!tpu.dma_semaphore, #tpu.memory_space<semaphore_mem>>
    tpu.enqueue_indirect_dma source(%dma_start3A_247 : memref<10000x128xf32, #tpu.memory_space<hbm>>) target(%dma_start3A_242 : memref<96x128xf32, #tpu.memory_space<vmem>>) offsets(%dma_start3A_244 : memref<96xi32, #tpu.memory_space<vmem>>) semaphore(%dma_start3A_249 : memref<!tpu.dma_semaphore, #tpu.memory_space<semaphore_mem>>)
    %dma_start3A_250 = arith.constant 1 : i32
    %dma_start3A_251 = arith.constant 1 : i32
    %dma_start3A_252 = arith.constant 0 : i32
    %dma_start3A_253 = arith.constant 0 : i32
    %dma_start3A_254 = tpu.memref_slice %arg8[%dma_start3A_250, %dma_start3A_252, %dma_start3A_253] : memref<3x96x128xf32, #tpu.memory_space<vmem>> -> memref<1x96x128xf32, #tpu.memory_space<vmem>>
    %dma_start3A_255 = tpu.memref_squeeze %dma_start3A_254 : memref<1x96x128xf32, #tpu.memory_space<vmem>> -> memref<96x128xf32, #tpu.memory_space<vmem>>
    %dma_start3A_256 = arith.constant 96 : i32
    %dma_start3A_257 = tpu.memref_slice %arg6[%dma_start3A_256] : memref<4992xi32, #tpu.memory_space<vmem>> -> memref<96xi32, #tpu.memory_space<vmem>>
    %dma_start3A_258 = arith.constant 0 : i32
    %dma_start3A_259 = arith.constant 0 : i32
    %dma_start3A_260 = tpu.memref_slice %arg2[%dma_start3A_258, %dma_start3A_259] : memref<10000x128xf32, #tpu.memory_space<hbm>> -> memref<10000x128xf32, #tpu.memory_space<hbm>>
    %dma_start3A_261 = tpu.memref_slice %arg9[%dma_start3A_251] : memref<3x!tpu.dma_semaphore, #tpu.memory_space<semaphore_mem>> -> memref<1x!tpu.dma_semaphore, #tpu.memory_space<semaphore_mem>>
    %dma_start3A_262 = tpu.memref_squeeze %dma_start3A_261 : memref<1x!tpu.dma_semaphore, #tpu.memory_space<semaphore_mem>> -> memref<!tpu.dma_semaphore, #tpu.memory_space<semaphore_mem>>
    tpu.enqueue_indirect_dma source(%dma_start3A_260 : memref<10000x128xf32, #tpu.memory_space<hbm>>) target(%dma_start3A_255 : memref<96x128xf32, #tpu.memory_space<vmem>>) offsets(%dma_start3A_257 : memref<96xi32, #tpu.memory_space<vmem>>) semaphore(%dma_start3A_262 : memref<!tpu.dma_semaphore, #tpu.memory_space<semaphore_mem>>)
    %scan3A_263 = arith.constant 0 : i32
    %scan3A_264 = arith.constant 16 : i32
    %scan3A_265 = arith.addi %scan3A_263, %scan3A_264 : i32
    %scan3A_266 = arith.constant 1 : i32
    scf.for %scan3A_475 = %scan3A_263 to %scan3A_265 step %scan3A_266  : i32 {
      %mul3A_476 = arith.constant 1 : i32
      %mul3A_477 = arith.muli %scan3A_475, %mul3A_476 : i32
      %add3A_478 = arith.constant 0 : i32
      %add3A_479 = arith.addi %add3A_478, %mul3A_477 : i32
      %mul3A_480 = arith.constant 3 : i32
      %mul3A_481 = arith.muli %mul3A_480, %add3A_479 : i32
      %add3A_482 = arith.constant 2 : i32
      %add3A_483 = arith.addi %add3A_482, %mul3A_481 : i32
      %add3A_484 = arith.constant 0 : i32
      %add3A_485 = arith.addi %add3A_483, %add3A_484 : i32
      %gt3A = arith.constant 0 : i32
      %gt3A_486 = arith.cmpi sgt, %add3A_479, %gt3A : i32
      %convert_element_type3A_487 = arith.extui %gt3A_486 : i1 to i32
      %cond3A_488 = arith.constant 0 : i32
      %cond3A_489 = arith.cmpi ne, %convert_element_type3A_487, %cond3A_488 : i32
      scf.if %cond3A_489 {
        %sub3A_671 = arith.constant 3 : i32
        %sub3A_672 = arith.subi %add3A_485, %sub3A_671 : i32
        %mul3A_673 = arith.constant 96 : i32
        %mul3A_674 = arith.muli %sub3A_672, %mul3A_673 : i32
        %dma_wait3A_675 = arith.constant 2 : i32
        %dma_wait3A_676 = arith.constant 2 : i32
        %dma_wait3A_677 = arith.constant 0 : i32
        %dma_wait3A_678 = arith.constant 0 : i32
        %dma_wait3A_679 = tpu.memref_slice %arg8[%dma_wait3A_675, %dma_wait3A_677, %dma_wait3A_678] : memref<3x96x128xf32, #tpu.memory_space<vmem>> -> memref<1x96x128xf32, #tpu.memory_space<vmem>>
        %dma_wait3A_680 = tpu.memref_squeeze %dma_wait3A_679 : memref<1x96x128xf32, #tpu.memory_space<vmem>> -> memref<96x128xf32, #tpu.memory_space<vmem>>
        %dma_wait3A_681 = tpu.memref_slice %arg7[%mul3A_674] : memref<4992xi32, #tpu.memory_space<vmem>> -> memref<96xi32, #tpu.memory_space<vmem>>
        %dma_wait3A_682 = arith.constant 0 : i32
        %dma_wait3A_683 = arith.constant 0 : i32
        %dma_wait3A_684 = tpu.memref_slice %arg5[%dma_wait3A_682, %dma_wait3A_683] : memref<10000x128xf32, #tpu.memory_space<vmem_shared>> -> memref<10000x128xf32, #tpu.memory_space<vmem_shared>>
        %dma_wait3A_685 = tpu.memref_slice %arg10[%dma_wait3A_676] : memref<3x!tpu.dma_semaphore, #tpu.memory_space<semaphore_mem>> -> memref<1x!tpu.dma_semaphore, #tpu.memory_space<semaphore_mem>>
        %dma_wait3A_686 = tpu.memref_squeeze %dma_wait3A_685 : memref<1x!tpu.dma_semaphore, #tpu.memory_space<semaphore_mem>> -> memref<!tpu.dma_semaphore, #tpu.memory_space<semaphore_mem>>
        tpu.wait_indirect_dma semaphore(%dma_wait3A_686 : memref<!tpu.dma_semaphore, #tpu.memory_space<semaphore_mem>>) src(%dma_wait3A_680 : memref<96x128xf32, #tpu.memory_space<vmem>>) dst(%dma_wait3A_684 : memref<10000x128xf32, #tpu.memory_space<vmem_shared>>)
      } else {
      }
      %mul3A_490 = arith.constant 96 : i32
      %mul3A_491 = arith.muli %add3A_485, %mul3A_490 : i32
      %dma_start3A_492 = arith.constant 2 : i32
      %dma_start3A_493 = arith.constant 2 : i32
      %dma_start3A_494 = arith.constant 0 : i32
      %dma_start3A_495 = arith.constant 0 : i32
      %dma_start3A_496 = tpu.memref_slice %arg8[%dma_start3A_492, %dma_start3A_494, %dma_start3A_495] : memref<3x96x128xf32, #tpu.memory_space<vmem>> -> memref<1x96x128xf32, #tpu.memory_space<vmem>>
      %dma_start3A_497 = tpu.memref_squeeze %dma_start3A_496 : memref<1x96x128xf32, #tpu.memory_space<vmem>> -> memref<96x128xf32, #tpu.memory_space<vmem>>
      %dma_start3A_498 = tpu.memref_slice %arg6[%mul3A_491] : memref<4992xi32, #tpu.memory_space<vmem>> -> memref<96xi32, #tpu.memory_space<vmem>>
      %dma_start3A_499 = arith.constant 0 : i32
      %dma_start3A_500 = arith.constant 0 : i32
      %dma_start3A_501 = tpu.memref_slice %arg2[%dma_start3A_499, %dma_start3A_500] : memref<10000x128xf32, #tpu.memory_space<hbm>> -> memref<10000x128xf32, #tpu.memory_space<hbm>>
      %dma_start3A_502 = tpu.memref_slice %arg9[%dma_start3A_493] : memref<3x!tpu.dma_semaphore, #tpu.memory_space<semaphore_mem>> -> memref<1x!tpu.dma_semaphore, #tpu.memory_space<semaphore_mem>>
      %dma_start3A_503 = tpu.memref_squeeze %dma_start3A_502 : memref<1x!tpu.dma_semaphore, #tpu.memory_space<semaphore_mem>> -> memref<!tpu.dma_semaphore, #tpu.memory_space<semaphore_mem>>
      tpu.enqueue_indirect_dma source(%dma_start3A_501 : memref<10000x128xf32, #tpu.memory_space<hbm>>) target(%dma_start3A_497 : memref<96x128xf32, #tpu.memory_space<vmem>>) offsets(%dma_start3A_498 : memref<96xi32, #tpu.memory_space<vmem>>) semaphore(%dma_start3A_503 : memref<!tpu.dma_semaphore, #tpu.memory_space<semaphore_mem>>)
      %sub3A = arith.constant 2 : i32
      %sub3A_504 = arith.subi %add3A_485, %sub3A : i32
      %mul3A_505 = arith.constant 96 : i32
      %mul3A_506 = arith.muli %sub3A_504, %mul3A_505 : i32
      %dma_wait3A_507 = arith.constant 0 : i32
      %dma_wait3A_508 = arith.constant 0 : i32
      %dma_wait3A_509 = arith.constant 0 : i32
      %dma_wait3A_510 = arith.constant 0 : i32
      %dma_wait3A_511 = tpu.memref_slice %arg8[%dma_wait3A_507, %dma_wait3A_509, %dma_wait3A_510] : memref<3x96x128xf32, #tpu.memory_space<vmem>> -> memref<1x96x128xf32, #tpu.memory_space<vmem>>
      %dma_wait3A_512 = tpu.memref_squeeze %dma_wait3A_511 : memref<1x96x128xf32, #tpu.memory_space<vmem>> -> memref<96x128xf32, #tpu.memory_space<vmem>>
      %dma_wait3A_513 = tpu.memref_slice %arg6[%mul3A_506] : memref<4992xi32, #tpu.memory_space<vmem>> -> memref<96xi32, #tpu.memory_space<vmem>>
      %dma_wait3A_514 = arith.constant 0 : i32
      %dma_wait3A_515 = arith.constant 0 : i32
      %dma_wait3A_516 = tpu.memref_slice %arg2[%dma_wait3A_514, %dma_wait3A_515] : memref<10000x128xf32, #tpu.memory_space<hbm>> -> memref<10000x128xf32, #tpu.memory_space<hbm>>
      %dma_wait3A_517 = tpu.memref_slice %arg9[%dma_wait3A_508] : memref<3x!tpu.dma_semaphore, #tpu.memory_space<semaphore_mem>> -> memref<1x!tpu.dma_semaphore, #tpu.memory_space<semaphore_mem>>
      %dma_wait3A_518 = tpu.memref_squeeze %dma_wait3A_517 : memref<1x!tpu.dma_semaphore, #tpu.memory_space<semaphore_mem>> -> memref<!tpu.dma_semaphore, #tpu.memory_space<semaphore_mem>>
      tpu.wait_indirect_dma semaphore(%dma_wait3A_518 : memref<!tpu.dma_semaphore, #tpu.memory_space<semaphore_mem>>) src(%dma_wait3A_516 : memref<10000x128xf32, #tpu.memory_space<hbm>>) dst(%dma_wait3A_512 : memref<96x128xf32, #tpu.memory_space<vmem>>)
      %sub3A_519 = arith.constant 2 : i32
      %sub3A_520 = arith.subi %add3A_485, %sub3A_519 : i32
      %mul3A_521 = arith.constant 96 : i32
      %mul3A_522 = arith.muli %sub3A_520, %mul3A_521 : i32
      %dma_start3A_523 = arith.constant 0 : i32
      %dma_start3A_524 = arith.constant 0 : i32
      %dma_start3A_525 = arith.constant 0 : i32
      %dma_start3A_526 = arith.constant 0 : i32
      %dma_start3A_527 = tpu.memref_slice %arg8[%dma_start3A_523, %dma_start3A_525, %dma_start3A_526] : memref<3x96x128xf32, #tpu.memory_space<vmem>> -> memref<1x96x128xf32, #tpu.memory_space<vmem>>
      %dma_start3A_528 = tpu.memref_squeeze %dma_start3A_527 : memref<1x96x128xf32, #tpu.memory_space<vmem>> -> memref<96x128xf32, #tpu.memory_space<vmem>>
      %dma_start3A_529 = tpu.memref_slice %arg7[%mul3A_522] : memref<4992xi32, #tpu.memory_space<vmem>> -> memref<96xi32, #tpu.memory_space<vmem>>
      %dma_start3A_530 = arith.constant 0 : i32
      %dma_start3A_531 = arith.constant 0 : i32
      %dma_start3A_532 = tpu.memref_slice %arg5[%dma_start3A_530, %dma_start3A_531] : memref<10000x128xf32, #tpu.memory_space<vmem_shared>> -> memref<10000x128xf32, #tpu.memory_space<vmem_shared>>
      %dma_start3A_533 = tpu.memref_slice %arg10[%dma_start3A_524] : memref<3x!tpu.dma_semaphore, #tpu.memory_space<semaphore_mem>> -> memref<1x!tpu.dma_semaphore, #tpu.memory_space<semaphore_mem>>
      %dma_start3A_534 = tpu.memref_squeeze %dma_start3A_533 : memref<1x!tpu.dma_semaphore, #tpu.memory_space<semaphore_mem>> -> memref<!tpu.dma_semaphore, #tpu.memory_space<semaphore_mem>>
      tpu.enqueue_indirect_dma source(%dma_start3A_528 : memref<96x128xf32, #tpu.memory_space<vmem>>) target(%dma_start3A_532 : memref<10000x128xf32, #tpu.memory_space<vmem_shared>>) offsets(%dma_start3A_529 : memref<96xi32, #tpu.memory_space<vmem>>) semaphore(%dma_start3A_534 : memref<!tpu.dma_semaphore, #tpu.memory_space<semaphore_mem>>) {add = true}
      %mul3A_535 = arith.constant 3 : i32
      %mul3A_536 = arith.muli %mul3A_535, %add3A_479 : i32
      %add3A_537 = arith.constant 2 : i32
      %add3A_538 = arith.addi %add3A_537, %mul3A_536 : i32
      %add3A_539 = arith.constant 1 : i32
      %add3A_540 = arith.addi %add3A_538, %add3A_539 : i32
      %sub3A_541 = arith.constant 3 : i32
      %sub3A_542 = arith.subi %add3A_540, %sub3A_541 : i32
      %mul3A_543 = arith.constant 96 : i32
      %mul3A_544 = arith.muli %sub3A_542, %mul3A_543 : i32
      %dma_wait3A_545 = arith.constant 0 : i32
      %dma_wait3A_546 = arith.constant 0 : i32
      %dma_wait3A_547 = arith.constant 0 : i32
      %dma_wait3A_548 = arith.constant 0 : i32
      %dma_wait3A_549 = tpu.memref_slice %arg8[%dma_wait3A_545, %dma_wait3A_547, %dma_wait3A_548] : memref<3x96x128xf32, #tpu.memory_space<vmem>> -> memref<1x96x128xf32, #tpu.memory_space<vmem>>
      %dma_wait3A_550 = tpu.memref_squeeze %dma_wait3A_549 : memref<1x96x128xf32, #tpu.memory_space<vmem>> -> memref<96x128xf32, #tpu.memory_space<vmem>>
      %dma_wait3A_551 = tpu.memref_slice %arg7[%mul3A_544] : memref<4992xi32, #tpu.memory_space<vmem>> -> memref<96xi32, #tpu.memory_space<vmem>>
      %dma_wait3A_552 = arith.constant 0 : i32
      %dma_wait3A_553 = arith.constant 0 : i32
      %dma_wait3A_554 = tpu.memref_slice %arg5[%dma_wait3A_552, %dma_wait3A_553] : memref<10000x128xf32, #tpu.memory_space<vmem_shared>> -> memref<10000x128xf32, #tpu.memory_space<vmem_shared>>
      %dma_wait3A_555 = tpu.memref_slice %arg10[%dma_wait3A_546] : memref<3x!tpu.dma_semaphore, #tpu.memory_space<semaphore_mem>> -> memref<1x!tpu.dma_semaphore, #tpu.memory_space<semaphore_mem>>
      %dma_wait3A_556 = tpu.memref_squeeze %dma_wait3A_555 : memref<1x!tpu.dma_semaphore, #tpu.memory_space<semaphore_mem>> -> memref<!tpu.dma_semaphore, #tpu.memory_space<semaphore_mem>>
      tpu.wait_indirect_dma semaphore(%dma_wait3A_556 : memref<!tpu.dma_semaphore, #tpu.memory_space<semaphore_mem>>) src(%dma_wait3A_550 : memref<96x128xf32, #tpu.memory_space<vmem>>) dst(%dma_wait3A_554 : memref<10000x128xf32, #tpu.memory_space<vmem_shared>>)
      %mul3A_557 = arith.constant 96 : i32
      %mul3A_558 = arith.muli %add3A_540, %mul3A_557 : i32
      %dma_start3A_559 = arith.constant 0 : i32
      %dma_start3A_560 = arith.constant 0 : i32
      %dma_start3A_561 = arith.constant 0 : i32
      %dma_start3A_562 = arith.constant 0 : i32
      %dma_start3A_563 = tpu.memref_slice %arg8[%dma_start3A_559, %dma_start3A_561, %dma_start3A_562] : memref<3x96x128xf32, #tpu.memory_space<vmem>> -> memref<1x96x128xf32, #tpu.memory_space<vmem>>
      %dma_start3A_564 = tpu.memref_squeeze %dma_start3A_563 : memref<1x96x128xf32, #tpu.memory_space<vmem>> -> memref<96x128xf32, #tpu.memory_space<vmem>>
      %dma_start3A_565 = tpu.memref_slice %arg6[%mul3A_558] : memref<4992xi32, #tpu.memory_space<vmem>> -> memref<96xi32, #tpu.memory_space<vmem>>
      %dma_start3A_566 = arith.constant 0 : i32
      %dma_start3A_567 = arith.constant 0 : i32
      %dma_start3A_568 = tpu.memref_slice %arg2[%dma_start3A_566, %dma_start3A_567] : memref<10000x128xf32, #tpu.memory_space<hbm>> -> memref<10000x128xf32, #tpu.memory_space<hbm>>
      %dma_start3A_569 = tpu.memref_slice %arg9[%dma_start3A_560] : memref<3x!tpu.dma_semaphore, #tpu.memory_space<semaphore_mem>> -> memref<1x!tpu.dma_semaphore, #tpu.memory_space<semaphore_mem>>
      %dma_start3A_570 = tpu.memref_squeeze %dma_start3A_569 : memref<1x!tpu.dma_semaphore, #tpu.memory_space<semaphore_mem>> -> memref<!tpu.dma_semaphore, #tpu.memory_space<semaphore_mem>>
      tpu.enqueue_indirect_dma source(%dma_start3A_568 : memref<10000x128xf32, #tpu.memory_space<hbm>>) target(%dma_start3A_564 : memref<96x128xf32, #tpu.memory_space<vmem>>) offsets(%dma_start3A_565 : memref<96xi32, #tpu.memory_space<vmem>>) semaphore(%dma_start3A_570 : memref<!tpu.dma_semaphore, #tpu.memory_space<semaphore_mem>>)
      %sub3A_571 = arith.constant 2 : i32
      %sub3A_572 = arith.subi %add3A_540, %sub3A_571 : i32
      %mul3A_573 = arith.constant 96 : i32
      %mul3A_574 = arith.muli %sub3A_572, %mul3A_573 : i32
      %dma_wait3A_575 = arith.constant 1 : i32
      %dma_wait3A_576 = arith.constant 1 : i32
      %dma_wait3A_577 = arith.constant 0 : i32
      %dma_wait3A_578 = arith.constant 0 : i32
      %dma_wait3A_579 = tpu.memref_slice %arg8[%dma_wait3A_575, %dma_wait3A_577, %dma_wait3A_578] : memref<3x96x128xf32, #tpu.memory_space<vmem>> -> memref<1x96x128xf32, #tpu.memory_space<vmem>>
      %dma_wait3A_580 = tpu.memref_squeeze %dma_wait3A_579 : memref<1x96x128xf32, #tpu.memory_space<vmem>> -> memref<96x128xf32, #tpu.memory_space<vmem>>
      %dma_wait3A_581 = tpu.memref_slice %arg6[%mul3A_574] : memref<4992xi32, #tpu.memory_space<vmem>> -> memref<96xi32, #tpu.memory_space<vmem>>
      %dma_wait3A_582 = arith.constant 0 : i32
      %dma_wait3A_583 = arith.constant 0 : i32
      %dma_wait3A_584 = tpu.memref_slice %arg2[%dma_wait3A_582, %dma_wait3A_583] : memref<10000x128xf32, #tpu.memory_space<hbm>> -> memref<10000x128xf32, #tpu.memory_space<hbm>>
      %dma_wait3A_585 = tpu.memref_slice %arg9[%dma_wait3A_576] : memref<3x!tpu.dma_semaphore, #tpu.memory_space<semaphore_mem>> -> memref<1x!tpu.dma_semaphore, #tpu.memory_space<semaphore_mem>>
      %dma_wait3A_586 = tpu.memref_squeeze %dma_wait3A_585 : memref<1x!tpu.dma_semaphore, #tpu.memory_space<semaphore_mem>> -> memref<!tpu.dma_semaphore, #tpu.memory_space<semaphore_mem>>
      tpu.wait_indirect_dma semaphore(%dma_wait3A_586 : memref<!tpu.dma_semaphore, #tpu.memory_space<semaphore_mem>>) src(%dma_wait3A_584 : memref<10000x128xf32, #tpu.memory_space<hbm>>) dst(%dma_wait3A_580 : memref<96x128xf32, #tpu.memory_space<vmem>>)
      %sub3A_587 = arith.constant 2 : i32
      %sub3A_588 = arith.subi %add3A_540, %sub3A_587 : i32
      %mul3A_589 = arith.constant 96 : i32
      %mul3A_590 = arith.muli %sub3A_588, %mul3A_589 : i32
      %dma_start3A_591 = arith.constant 1 : i32
      %dma_start3A_592 = arith.constant 1 : i32
      %dma_start3A_593 = arith.constant 0 : i32
      %dma_start3A_594 = arith.constant 0 : i32
      %dma_start3A_595 = tpu.memref_slice %arg8[%dma_start3A_591, %dma_start3A_593, %dma_start3A_594] : memref<3x96x128xf32, #tpu.memory_space<vmem>> -> memref<1x96x128xf32, #tpu.memory_space<vmem>>
      %dma_start3A_596 = tpu.memref_squeeze %dma_start3A_595 : memref<1x96x128xf32, #tpu.memory_space<vmem>> -> memref<96x128xf32, #tpu.memory_space<vmem>>
      %dma_start3A_597 = tpu.memref_slice %arg7[%mul3A_590] : memref<4992xi32, #tpu.memory_space<vmem>> -> memref<96xi32, #tpu.memory_space<vmem>>
      %dma_start3A_598 = arith.constant 0 : i32
      %dma_start3A_599 = arith.constant 0 : i32
      %dma_start3A_600 = tpu.memref_slice %arg5[%dma_start3A_598, %dma_start3A_599] : memref<10000x128xf32, #tpu.memory_space<vmem_shared>> -> memref<10000x128xf32, #tpu.memory_space<vmem_shared>>
      %dma_start3A_601 = tpu.memref_slice %arg10[%dma_start3A_592] : memref<3x!tpu.dma_semaphore, #tpu.memory_space<semaphore_mem>> -> memref<1x!tpu.dma_semaphore, #tpu.memory_space<semaphore_mem>>
      %dma_start3A_602 = tpu.memref_squeeze %dma_start3A_601 : memref<1x!tpu.dma_semaphore, #tpu.memory_space<semaphore_mem>> -> memref<!tpu.dma_semaphore, #tpu.memory_space<semaphore_mem>>
      tpu.enqueue_indirect_dma source(%dma_start3A_596 : memref<96x128xf32, #tpu.memory_space<vmem>>) target(%dma_start3A_600 : memref<10000x128xf32, #tpu.memory_space<vmem_shared>>) offsets(%dma_start3A_597 : memref<96xi32, #tpu.memory_space<vmem>>) semaphore(%dma_start3A_602 : memref<!tpu.dma_semaphore, #tpu.memory_space<semaphore_mem>>) {add = true}
      %mul3A_603 = arith.constant 3 : i32
      %mul3A_604 = arith.muli %mul3A_603, %add3A_479 : i32
      %add3A_605 = arith.constant 2 : i32
      %add3A_606 = arith.addi %add3A_605, %mul3A_604 : i32
      %add3A_607 = arith.constant 2 : i32
      %add3A_608 = arith.addi %add3A_606, %add3A_607 : i32
      %sub3A_609 = arith.constant 3 : i32
      %sub3A_610 = arith.subi %add3A_608, %sub3A_609 : i32
      %mul3A_611 = arith.constant 96 : i32
      %mul3A_612 = arith.muli %sub3A_610, %mul3A_611 : i32
      %dma_wait3A_613 = arith.constant 1 : i32
      %dma_wait3A_614 = arith.constant 1 : i32
      %dma_wait3A_615 = arith.constant 0 : i32
      %dma_wait3A_616 = arith.constant 0 : i32
      %dma_wait3A_617 = tpu.memref_slice %arg8[%dma_wait3A_613, %dma_wait3A_615, %dma_wait3A_616] : memref<3x96x128xf32, #tpu.memory_space<vmem>> -> memref<1x96x128xf32, #tpu.memory_space<vmem>>
      %dma_wait3A_618 = tpu.memref_squeeze %dma_wait3A_617 : memref<1x96x128xf32, #tpu.memory_space<vmem>> -> memref<96x128xf32, #tpu.memory_space<vmem>>
      %dma_wait3A_619 = tpu.memref_slice %arg7[%mul3A_612] : memref<4992xi32, #tpu.memory_space<vmem>> -> memref<96xi32, #tpu.memory_space<vmem>>
      %dma_wait3A_620 = arith.constant 0 : i32
      %dma_wait3A_621 = arith.constant 0 : i32
      %dma_wait3A_622 = tpu.memref_slice %arg5[%dma_wait3A_620, %dma_wait3A_621] : memref<10000x128xf32, #tpu.memory_space<vmem_shared>> -> memref<10000x128xf32, #tpu.memory_space<vmem_shared>>
      %dma_wait3A_623 = tpu.memref_slice %arg10[%dma_wait3A_614] : memref<3x!tpu.dma_semaphore, #tpu.memory_space<semaphore_mem>> -> memref<1x!tpu.dma_semaphore, #tpu.memory_space<semaphore_mem>>
      %dma_wait3A_624 = tpu.memref_squeeze %dma_wait3A_623 : memref<1x!tpu.dma_semaphore, #tpu.memory_space<semaphore_mem>> -> memref<!tpu.dma_semaphore, #tpu.memory_space<semaphore_mem>>
      tpu.wait_indirect_dma semaphore(%dma_wait3A_624 : memref<!tpu.dma_semaphore, #tpu.memory_space<semaphore_mem>>) src(%dma_wait3A_618 : memref<96x128xf32, #tpu.memory_space<vmem>>) dst(%dma_wait3A_622 : memref<10000x128xf32, #tpu.memory_space<vmem_shared>>)
      %mul3A_625 = arith.constant 96 : i32
      %mul3A_626 = arith.muli %add3A_608, %mul3A_625 : i32
      %dma_start3A_627 = arith.constant 1 : i32
      %dma_start3A_628 = arith.constant 1 : i32
      %dma_start3A_629 = arith.constant 0 : i32
      %dma_start3A_630 = arith.constant 0 : i32
      %dma_start3A_631 = tpu.memref_slice %arg8[%dma_start3A_627, %dma_start3A_629, %dma_start3A_630] : memref<3x96x128xf32, #tpu.memory_space<vmem>> -> memref<1x96x128xf32, #tpu.memory_space<vmem>>
      %dma_start3A_632 = tpu.memref_squeeze %dma_start3A_631 : memref<1x96x128xf32, #tpu.memory_space<vmem>> -> memref<96x128xf32, #tpu.memory_space<vmem>>
      %dma_start3A_633 = tpu.memref_slice %arg6[%mul3A_626] : memref<4992xi32, #tpu.memory_space<vmem>> -> memref<96xi32, #tpu.memory_space<vmem>>
      %dma_start3A_634 = arith.constant 0 : i32
      %dma_start3A_635 = arith.constant 0 : i32
      %dma_start3A_636 = tpu.memref_slice %arg2[%dma_start3A_634, %dma_start3A_635] : memref<10000x128xf32, #tpu.memory_space<hbm>> -> memref<10000x128xf32, #tpu.memory_space<hbm>>
      %dma_start3A_637 = tpu.memref_slice %arg9[%dma_start3A_628] : memref<3x!tpu.dma_semaphore, #tpu.memory_space<semaphore_mem>> -> memref<1x!tpu.dma_semaphore, #tpu.memory_space<semaphore_mem>>
      %dma_start3A_638 = tpu.memref_squeeze %dma_start3A_637 : memref<1x!tpu.dma_semaphore, #tpu.memory_space<semaphore_mem>> -> memref<!tpu.dma_semaphore, #tpu.memory_space<semaphore_mem>>
      tpu.enqueue_indirect_dma source(%dma_start3A_636 : memref<10000x128xf32, #tpu.memory_space<hbm>>) target(%dma_start3A_632 : memref<96x128xf32, #tpu.memory_space<vmem>>) offsets(%dma_start3A_633 : memref<96xi32, #tpu.memory_space<vmem>>) semaphore(%dma_start3A_638 : memref<!tpu.dma_semaphore, #tpu.memory_space<semaphore_mem>>)
      %sub3A_639 = arith.constant 2 : i32
      %sub3A_640 = arith.subi %add3A_608, %sub3A_639 : i32
      %mul3A_641 = arith.constant 96 : i32
      %mul3A_642 = arith.muli %sub3A_640, %mul3A_641 : i32
      %dma_wait3A_643 = arith.constant 2 : i32
      %dma_wait3A_644 = arith.constant 2 : i32
      %dma_wait3A_645 = arith.constant 0 : i32
      %dma_wait3A_646 = arith.constant 0 : i32
      %dma_wait3A_647 = tpu.memref_slice %arg8[%dma_wait3A_643, %dma_wait3A_645, %dma_wait3A_646] : memref<3x96x128xf32, #tpu.memory_space<vmem>> -> memref<1x96x128xf32, #tpu.memory_space<vmem>>
      %dma_wait3A_648 = tpu.memref_squeeze %dma_wait3A_647 : memref<1x96x128xf32, #tpu.memory_space<vmem>> -> memref<96x128xf32, #tpu.memory_space<vmem>>
      %dma_wait3A_649 = tpu.memref_slice %arg6[%mul3A_642] : memref<4992xi32, #tpu.memory_space<vmem>> -> memref<96xi32, #tpu.memory_space<vmem>>
      %dma_wait3A_650 = arith.constant 0 : i32
      %dma_wait3A_651 = arith.constant 0 : i32
      %dma_wait3A_652 = tpu.memref_slice %arg2[%dma_wait3A_650, %dma_wait3A_651] : memref<10000x128xf32, #tpu.memory_space<hbm>> -> memref<10000x128xf32, #tpu.memory_space<hbm>>
      %dma_wait3A_653 = tpu.memref_slice %arg9[%dma_wait3A_644] : memref<3x!tpu.dma_semaphore, #tpu.memory_space<semaphore_mem>> -> memref<1x!tpu.dma_semaphore, #tpu.memory_space<semaphore_mem>>
      %dma_wait3A_654 = tpu.memref_squeeze %dma_wait3A_653 : memref<1x!tpu.dma_semaphore, #tpu.memory_space<semaphore_mem>> -> memref<!tpu.dma_semaphore, #tpu.memory_space<semaphore_mem>>
      tpu.wait_indirect_dma semaphore(%dma_wait3A_654 : memref<!tpu.dma_semaphore, #tpu.memory_space<semaphore_mem>>) src(%dma_wait3A_652 : memref<10000x128xf32, #tpu.memory_space<hbm>>) dst(%dma_wait3A_648 : memref<96x128xf32, #tpu.memory_space<vmem>>)
      %sub3A_655 = arith.constant 2 : i32
      %sub3A_656 = arith.subi %add3A_608, %sub3A_655 : i32
      %mul3A_657 = arith.constant 96 : i32
      %mul3A_658 = arith.muli %sub3A_656, %mul3A_657 : i32
      %dma_start3A_659 = arith.constant 2 : i32
      %dma_start3A_660 = arith.constant 2 : i32
      %dma_start3A_661 = arith.constant 0 : i32
      %dma_start3A_662 = arith.constant 0 : i32
      %dma_start3A_663 = tpu.memref_slice %arg8[%dma_start3A_659, %dma_start3A_661, %dma_start3A_662] : memref<3x96x128xf32, #tpu.memory_space<vmem>> -> memref<1x96x128xf32, #tpu.memory_space<vmem>>
      %dma_start3A_664 = tpu.memref_squeeze %dma_start3A_663 : memref<1x96x128xf32, #tpu.memory_space<vmem>> -> memref<96x128xf32, #tpu.memory_space<vmem>>
      %dma_start3A_665 = tpu.memref_slice %arg7[%mul3A_658] : memref<4992xi32, #tpu.memory_space<vmem>> -> memref<96xi32, #tpu.memory_space<vmem>>
      %dma_start3A_666 = arith.constant 0 : i32
      %dma_start3A_667 = arith.constant 0 : i32
      %dma_start3A_668 = tpu.memref_slice %arg5[%dma_start3A_666, %dma_start3A_667] : memref<10000x128xf32, #tpu.memory_space<vmem_shared>> -> memref<10000x128xf32, #tpu.memory_space<vmem_shared>>
      %dma_start3A_669 = tpu.memref_slice %arg10[%dma_start3A_660] : memref<3x!tpu.dma_semaphore, #tpu.memory_space<semaphore_mem>> -> memref<1x!tpu.dma_semaphore, #tpu.memory_space<semaphore_mem>>
      %dma_start3A_670 = tpu.memref_squeeze %dma_start3A_669 : memref<1x!tpu.dma_semaphore, #tpu.memory_space<semaphore_mem>> -> memref<!tpu.dma_semaphore, #tpu.memory_space<semaphore_mem>>
      tpu.enqueue_indirect_dma source(%dma_start3A_664 : memref<96x128xf32, #tpu.memory_space<vmem>>) target(%dma_start3A_668 : memref<10000x128xf32, #tpu.memory_space<vmem_shared>>) offsets(%dma_start3A_665 : memref<96xi32, #tpu.memory_space<vmem>>) semaphore(%dma_start3A_670 : memref<!tpu.dma_semaphore, #tpu.memory_space<semaphore_mem>>) {add = true}
    }
    %scan3A_267 = arith.constant 16 : i32
    %dma_wait3A_268 = arith.constant 2 : i32
    %dma_wait3A_269 = arith.constant 2 : i32
    %dma_wait3A_270 = arith.constant 0 : i32
    %dma_wait3A_271 = arith.constant 0 : i32
    %dma_wait3A_272 = tpu.memref_slice %arg8[%dma_wait3A_268, %dma_wait3A_270, %dma_wait3A_271] : memref<3x96x128xf32, #tpu.memory_space<vmem>> -> memref<1x96x128xf32, #tpu.memory_space<vmem>>
    %dma_wait3A_273 = tpu.memref_squeeze %dma_wait3A_272 : memref<1x96x128xf32, #tpu.memory_space<vmem>> -> memref<96x128xf32, #tpu.memory_space<vmem>>
    %dma_wait3A_274 = arith.constant 4512 : i32
    %dma_wait3A_275 = tpu.memref_slice %arg7[%dma_wait3A_274] : memref<4992xi32, #tpu.memory_space<vmem>> -> memref<96xi32, #tpu.memory_space<vmem>>
    %dma_wait3A_276 = arith.constant 0 : i32
    %dma_wait3A_277 = arith.constant 0 : i32
    %dma_wait3A_278 = tpu.memref_slice %arg5[%dma_wait3A_276, %dma_wait3A_277] : memref<10000x128xf32, #tpu.memory_space<vmem_shared>> -> memref<10000x128xf32, #tpu.memory_space<vmem_shared>>
    %dma_wait3A_279 = tpu.memref_slice %arg10[%dma_wait3A_269] : memref<3x!tpu.dma_semaphore, #tpu.memory_space<semaphore_mem>> -> memref<1x!tpu.dma_semaphore, #tpu.memory_space<semaphore_mem>>
    %dma_wait3A_280 = tpu.memref_squeeze %dma_wait3A_279 : memref<1x!tpu.dma_semaphore, #tpu.memory_space<semaphore_mem>> -> memref<!tpu.dma_semaphore, #tpu.memory_space<semaphore_mem>>
    tpu.wait_indirect_dma semaphore(%dma_wait3A_280 : memref<!tpu.dma_semaphore, #tpu.memory_space<semaphore_mem>>) src(%dma_wait3A_273 : memref<96x128xf32, #tpu.memory_space<vmem>>) dst(%dma_wait3A_278 : memref<10000x128xf32, #tpu.memory_space<vmem_shared>>)
    %dma_start3A_281 = arith.constant 2 : i32
    %dma_start3A_282 = arith.constant 2 : i32
    %dma_start3A_283 = arith.constant 0 : i32
    %dma_start3A_284 = arith.constant 0 : i32
    %dma_start3A_285 = tpu.memref_slice %arg8[%dma_start3A_281, %dma_start3A_283, %dma_start3A_284] : memref<3x96x128xf32, #tpu.memory_space<vmem>> -> memref<1x96x128xf32, #tpu.memory_space<vmem>>
    %dma_start3A_286 = tpu.memref_squeeze %dma_start3A_285 : memref<1x96x128xf32, #tpu.memory_space<vmem>> -> memref<96x128xf32, #tpu.memory_space<vmem>>
    %dma_start3A_287 = arith.constant 4800 : i32
    %dma_start3A_288 = tpu.memref_slice %arg6[%dma_start3A_287] : memref<4992xi32, #tpu.memory_space<vmem>> -> memref<96xi32, #tpu.memory_space<vmem>>
    %dma_start3A_289 = arith.constant 0 : i32
    %dma_start3A_290 = arith.constant 0 : i32
    %dma_start3A_291 = tpu.memref_slice %arg2[%dma_start3A_289, %dma_start3A_290] : memref<10000x128xf32, #tpu.memory_space<hbm>> -> memref<10000x128xf32, #tpu.memory_space<hbm>>
    %dma_start3A_292 = tpu.memref_slice %arg9[%dma_start3A_282] : memref<3x!tpu.dma_semaphore, #tpu.memory_space<semaphore_mem>> -> memref<1x!tpu.dma_semaphore, #tpu.memory_space<semaphore_mem>>
    %dma_start3A_293 = tpu.memref_squeeze %dma_start3A_292 : memref<1x!tpu.dma_semaphore, #tpu.memory_space<semaphore_mem>> -> memref<!tpu.dma_semaphore, #tpu.memory_space<semaphore_mem>>
    tpu.enqueue_indirect_dma source(%dma_start3A_291 : memref<10000x128xf32, #tpu.memory_space<hbm>>) target(%dma_start3A_286 : memref<96x128xf32, #tpu.memory_space<vmem>>) offsets(%dma_start3A_288 : memref<96xi32, #tpu.memory_space<vmem>>) semaphore(%dma_start3A_293 : memref<!tpu.dma_semaphore, #tpu.memory_space<semaphore_mem>>)
    %dma_wait3A_294 = arith.constant 0 : i32
    %dma_wait3A_295 = arith.constant 0 : i32
    %dma_wait3A_296 = arith.constant 0 : i32
    %dma_wait3A_297 = arith.constant 0 : i32
    %dma_wait3A_298 = tpu.memref_slice %arg8[%dma_wait3A_294, %dma_wait3A_296, %dma_wait3A_297] : memref<3x96x128xf32, #tpu.memory_space<vmem>> -> memref<1x96x128xf32, #tpu.memory_space<vmem>>
    %dma_wait3A_299 = tpu.memref_squeeze %dma_wait3A_298 : memref<1x96x128xf32, #tpu.memory_space<vmem>> -> memref<96x128xf32, #tpu.memory_space<vmem>>
    %dma_wait3A_300 = arith.constant 4608 : i32
    %dma_wait3A_301 = tpu.memref_slice %arg6[%dma_wait3A_300] : memref<4992xi32, #tpu.memory_space<vmem>> -> memref<96xi32, #tpu.memory_space<vmem>>
    %dma_wait3A_302 = arith.constant 0 : i32
    %dma_wait3A_303 = arith.constant 0 : i32
    %dma_wait3A_304 = tpu.memref_slice %arg2[%dma_wait3A_302, %dma_wait3A_303] : memref<10000x128xf32, #tpu.memory_space<hbm>> -> memref<10000x128xf32, #tpu.memory_space<hbm>>
    %dma_wait3A_305 = tpu.memref_slice %arg9[%dma_wait3A_295] : memref<3x!tpu.dma_semaphore, #tpu.memory_space<semaphore_mem>> -> memref<1x!tpu.dma_semaphore, #tpu.memory_space<semaphore_mem>>
    %dma_wait3A_306 = tpu.memref_squeeze %dma_wait3A_305 : memref<1x!tpu.dma_semaphore, #tpu.memory_space<semaphore_mem>> -> memref<!tpu.dma_semaphore, #tpu.memory_space<semaphore_mem>>
    tpu.wait_indirect_dma semaphore(%dma_wait3A_306 : memref<!tpu.dma_semaphore, #tpu.memory_space<semaphore_mem>>) src(%dma_wait3A_304 : memref<10000x128xf32, #tpu.memory_space<hbm>>) dst(%dma_wait3A_299 : memref<96x128xf32, #tpu.memory_space<vmem>>)
    %dma_start3A_307 = arith.constant 0 : i32
    %dma_start3A_308 = arith.constant 0 : i32
    %dma_start3A_309 = arith.constant 0 : i32
    %dma_start3A_310 = arith.constant 0 : i32
    %dma_start3A_311 = tpu.memref_slice %arg8[%dma_start3A_307, %dma_start3A_309, %dma_start3A_310] : memref<3x96x128xf32, #tpu.memory_space<vmem>> -> memref<1x96x128xf32, #tpu.memory_space<vmem>>
    %dma_start3A_312 = tpu.memref_squeeze %dma_start3A_311 : memref<1x96x128xf32, #tpu.memory_space<vmem>> -> memref<96x128xf32, #tpu.memory_space<vmem>>
    %dma_start3A_313 = arith.constant 4608 : i32
    %dma_start3A_314 = tpu.memref_slice %arg7[%dma_start3A_313] : memref<4992xi32, #tpu.memory_space<vmem>> -> memref<96xi32, #tpu.memory_space<vmem>>
    %dma_start3A_315 = arith.constant 0 : i32
    %dma_start3A_316 = arith.constant 0 : i32
    %dma_start3A_317 = tpu.memref_slice %arg5[%dma_start3A_315, %dma_start3A_316] : memref<10000x128xf32, #tpu.memory_space<vmem_shared>> -> memref<10000x128xf32, #tpu.memory_space<vmem_shared>>
    %dma_start3A_318 = tpu.memref_slice %arg10[%dma_start3A_308] : memref<3x!tpu.dma_semaphore, #tpu.memory_space<semaphore_mem>> -> memref<1x!tpu.dma_semaphore, #tpu.memory_space<semaphore_mem>>
    %dma_start3A_319 = tpu.memref_squeeze %dma_start3A_318 : memref<1x!tpu.dma_semaphore, #tpu.memory_space<semaphore_mem>> -> memref<!tpu.dma_semaphore, #tpu.memory_space<semaphore_mem>>
    tpu.enqueue_indirect_dma source(%dma_start3A_312 : memref<96x128xf32, #tpu.memory_space<vmem>>) target(%dma_start3A_317 : memref<10000x128xf32, #tpu.memory_space<vmem_shared>>) offsets(%dma_start3A_314 : memref<96xi32, #tpu.memory_space<vmem>>) semaphore(%dma_start3A_319 : memref<!tpu.dma_semaphore, #tpu.memory_space<semaphore_mem>>) {add = true}
    %dma_wait3A_320 = arith.constant 0 : i32
    %dma_wait3A_321 = arith.constant 0 : i32
    %dma_wait3A_322 = arith.constant 0 : i32
    %dma_wait3A_323 = arith.constant 0 : i32
    %dma_wait3A_324 = tpu.memref_slice %arg8[%dma_wait3A_320, %dma_wait3A_322, %dma_wait3A_323] : memref<3x96x128xf32, #tpu.memory_space<vmem>> -> memref<1x96x128xf32, #tpu.memory_space<vmem>>
    %dma_wait3A_325 = tpu.memref_squeeze %dma_wait3A_324 : memref<1x96x128xf32, #tpu.memory_space<vmem>> -> memref<96x128xf32, #tpu.memory_space<vmem>>
    %dma_wait3A_326 = arith.constant 4608 : i32
    %dma_wait3A_327 = tpu.memref_slice %arg7[%dma_wait3A_326] : memref<4992xi32, #tpu.memory_space<vmem>> -> memref<96xi32, #tpu.memory_space<vmem>>
    %dma_wait3A_328 = arith.constant 0 : i32
    %dma_wait3A_329 = arith.constant 0 : i32
    %dma_wait3A_330 = tpu.memref_slice %arg5[%dma_wait3A_328, %dma_wait3A_329] : memref<10000x128xf32, #tpu.memory_space<vmem_shared>> -> memref<10000x128xf32, #tpu.memory_space<vmem_shared>>
    %dma_wait3A_331 = tpu.memref_slice %arg10[%dma_wait3A_321] : memref<3x!tpu.dma_semaphore, #tpu.memory_space<semaphore_mem>> -> memref<1x!tpu.dma_semaphore, #tpu.memory_space<semaphore_mem>>
    %dma_wait3A_332 = tpu.memref_squeeze %dma_wait3A_331 : memref<1x!tpu.dma_semaphore, #tpu.memory_space<semaphore_mem>> -> memref<!tpu.dma_semaphore, #tpu.memory_space<semaphore_mem>>
    tpu.wait_indirect_dma semaphore(%dma_wait3A_332 : memref<!tpu.dma_semaphore, #tpu.memory_space<semaphore_mem>>) src(%dma_wait3A_325 : memref<96x128xf32, #tpu.memory_space<vmem>>) dst(%dma_wait3A_330 : memref<10000x128xf32, #tpu.memory_space<vmem_shared>>)
    %dma_start3A_333 = arith.constant 0 : i32
    %dma_start3A_334 = arith.constant 0 : i32
    %dma_start3A_335 = arith.constant 0 : i32
    %dma_start3A_336 = arith.constant 0 : i32
    %dma_start3A_337 = tpu.memref_slice %arg8[%dma_start3A_333, %dma_start3A_335, %dma_start3A_336] : memref<3x96x128xf32, #tpu.memory_space<vmem>> -> memref<1x96x128xf32, #tpu.memory_space<vmem>>
    %dma_start3A_338 = tpu.memref_squeeze %dma_start3A_337 : memref<1x96x128xf32, #tpu.memory_space<vmem>> -> memref<96x128xf32, #tpu.memory_space<vmem>>
    %dma_start3A_339 = arith.constant 4896 : i32
    %dma_start3A_340 = tpu.memref_slice %arg6[%dma_start3A_339] : memref<4992xi32, #tpu.memory_space<vmem>> -> memref<96xi32, #tpu.memory_space<vmem>>
    %dma_start3A_341 = arith.constant 0 : i32
    %dma_start3A_342 = arith.constant 0 : i32
    %dma_start3A_343 = tpu.memref_slice %arg2[%dma_start3A_341, %dma_start3A_342] : memref<10000x128xf32, #tpu.memory_space<hbm>> -> memref<10000x128xf32, #tpu.memory_space<hbm>>
    %dma_start3A_344 = tpu.memref_slice %arg9[%dma_start3A_334] : memref<3x!tpu.dma_semaphore, #tpu.memory_space<semaphore_mem>> -> memref<1x!tpu.dma_semaphore, #tpu.memory_space<semaphore_mem>>
    %dma_start3A_345 = tpu.memref_squeeze %dma_start3A_344 : memref<1x!tpu.dma_semaphore, #tpu.memory_space<semaphore_mem>> -> memref<!tpu.dma_semaphore, #tpu.memory_space<semaphore_mem>>
    tpu.enqueue_indirect_dma source(%dma_start3A_343 : memref<10000x128xf32, #tpu.memory_space<hbm>>) target(%dma_start3A_338 : memref<96x128xf32, #tpu.memory_space<vmem>>) offsets(%dma_start3A_340 : memref<96xi32, #tpu.memory_space<vmem>>) semaphore(%dma_start3A_345 : memref<!tpu.dma_semaphore, #tpu.memory_space<semaphore_mem>>)
    %dma_wait3A_346 = arith.constant 1 : i32
    %dma_wait3A_347 = arith.constant 1 : i32
    %dma_wait3A_348 = arith.constant 0 : i32
    %dma_wait3A_349 = arith.constant 0 : i32
    %dma_wait3A_350 = tpu.memref_slice %arg8[%dma_wait3A_346, %dma_wait3A_348, %dma_wait3A_349] : memref<3x96x128xf32, #tpu.memory_space<vmem>> -> memref<1x96x128xf32, #tpu.memory_space<vmem>>
    %dma_wait3A_351 = tpu.memref_squeeze %dma_wait3A_350 : memref<1x96x128xf32, #tpu.memory_space<vmem>> -> memref<96x128xf32, #tpu.memory_space<vmem>>
    %dma_wait3A_352 = arith.constant 4704 : i32
    %dma_wait3A_353 = tpu.memref_slice %arg6[%dma_wait3A_352] : memref<4992xi32, #tpu.memory_space<vmem>> -> memref<96xi32, #tpu.memory_space<vmem>>
    %dma_wait3A_354 = arith.constant 0 : i32
    %dma_wait3A_355 = arith.constant 0 : i32
    %dma_wait3A_356 = tpu.memref_slice %arg2[%dma_wait3A_354, %dma_wait3A_355] : memref<10000x128xf32, #tpu.memory_space<hbm>> -> memref<10000x128xf32, #tpu.memory_space<hbm>>
    %dma_wait3A_357 = tpu.memref_slice %arg9[%dma_wait3A_347] : memref<3x!tpu.dma_semaphore, #tpu.memory_space<semaphore_mem>> -> memref<1x!tpu.dma_semaphore, #tpu.memory_space<semaphore_mem>>
    %dma_wait3A_358 = tpu.memref_squeeze %dma_wait3A_357 : memref<1x!tpu.dma_semaphore, #tpu.memory_space<semaphore_mem>> -> memref<!tpu.dma_semaphore, #tpu.memory_space<semaphore_mem>>
    tpu.wait_indirect_dma semaphore(%dma_wait3A_358 : memref<!tpu.dma_semaphore, #tpu.memory_space<semaphore_mem>>) src(%dma_wait3A_356 : memref<10000x128xf32, #tpu.memory_space<hbm>>) dst(%dma_wait3A_351 : memref<96x128xf32, #tpu.memory_space<vmem>>)
    %dma_start3A_359 = arith.constant 1 : i32
    %dma_start3A_360 = arith.constant 1 : i32
    %dma_start3A_361 = arith.constant 0 : i32
    %dma_start3A_362 = arith.constant 0 : i32
    %dma_start3A_363 = tpu.memref_slice %arg8[%dma_start3A_359, %dma_start3A_361, %dma_start3A_362] : memref<3x96x128xf32, #tpu.memory_space<vmem>> -> memref<1x96x128xf32, #tpu.memory_space<vmem>>
    %dma_start3A_364 = tpu.memref_squeeze %dma_start3A_363 : memref<1x96x128xf32, #tpu.memory_space<vmem>> -> memref<96x128xf32, #tpu.memory_space<vmem>>
    %dma_start3A_365 = arith.constant 4704 : i32
    %dma_start3A_366 = tpu.memref_slice %arg7[%dma_start3A_365] : memref<4992xi32, #tpu.memory_space<vmem>> -> memref<96xi32, #tpu.memory_space<vmem>>
    %dma_start3A_367 = arith.constant 0 : i32
    %dma_start3A_368 = arith.constant 0 : i32
    %dma_start3A_369 = tpu.memref_slice %arg5[%dma_start3A_367, %dma_start3A_368] : memref<10000x128xf32, #tpu.memory_space<vmem_shared>> -> memref<10000x128xf32, #tpu.memory_space<vmem_shared>>
    %dma_start3A_370 = tpu.memref_slice %arg10[%dma_start3A_360] : memref<3x!tpu.dma_semaphore, #tpu.memory_space<semaphore_mem>> -> memref<1x!tpu.dma_semaphore, #tpu.memory_space<semaphore_mem>>
    %dma_start3A_371 = tpu.memref_squeeze %dma_start3A_370 : memref<1x!tpu.dma_semaphore, #tpu.memory_space<semaphore_mem>> -> memref<!tpu.dma_semaphore, #tpu.memory_space<semaphore_mem>>
    tpu.enqueue_indirect_dma source(%dma_start3A_364 : memref<96x128xf32, #tpu.memory_space<vmem>>) target(%dma_start3A_369 : memref<10000x128xf32, #tpu.memory_space<vmem_shared>>) offsets(%dma_start3A_366 : memref<96xi32, #tpu.memory_space<vmem>>) semaphore(%dma_start3A_371 : memref<!tpu.dma_semaphore, #tpu.memory_space<semaphore_mem>>) {add = true}
    %dma_wait3A_372 = arith.constant 2 : i32
    %dma_wait3A_373 = arith.constant 2 : i32
    %dma_wait3A_374 = arith.constant 0 : i32
    %dma_wait3A_375 = arith.constant 0 : i32
    %dma_wait3A_376 = tpu.memref_slice %arg8[%dma_wait3A_372, %dma_wait3A_374, %dma_wait3A_375] : memref<3x96x128xf32, #tpu.memory_space<vmem>> -> memref<1x96x128xf32, #tpu.memory_space<vmem>>
    %dma_wait3A_377 = tpu.memref_squeeze %dma_wait3A_376 : memref<1x96x128xf32, #tpu.memory_space<vmem>> -> memref<96x128xf32, #tpu.memory_space<vmem>>
    %dma_wait3A_378 = arith.constant 4800 : i32
    %dma_wait3A_379 = tpu.memref_slice %arg6[%dma_wait3A_378] : memref<4992xi32, #tpu.memory_space<vmem>> -> memref<96xi32, #tpu.memory_space<vmem>>
    %dma_wait3A_380 = arith.constant 0 : i32
    %dma_wait3A_381 = arith.constant 0 : i32
    %dma_wait3A_382 = tpu.memref_slice %arg2[%dma_wait3A_380, %dma_wait3A_381] : memref<10000x128xf32, #tpu.memory_space<hbm>> -> memref<10000x128xf32, #tpu.memory_space<hbm>>
    %dma_wait3A_383 = tpu.memref_slice %arg9[%dma_wait3A_373] : memref<3x!tpu.dma_semaphore, #tpu.memory_space<semaphore_mem>> -> memref<1x!tpu.dma_semaphore, #tpu.memory_space<semaphore_mem>>
    %dma_wait3A_384 = tpu.memref_squeeze %dma_wait3A_383 : memref<1x!tpu.dma_semaphore, #tpu.memory_space<semaphore_mem>> -> memref<!tpu.dma_semaphore, #tpu.memory_space<semaphore_mem>>
    tpu.wait_indirect_dma semaphore(%dma_wait3A_384 : memref<!tpu.dma_semaphore, #tpu.memory_space<semaphore_mem>>) src(%dma_wait3A_382 : memref<10000x128xf32, #tpu.memory_space<hbm>>) dst(%dma_wait3A_377 : memref<96x128xf32, #tpu.memory_space<vmem>>)
    %dma_start3A_385 = arith.constant 2 : i32
    %dma_start3A_386 = arith.constant 2 : i32
    %dma_start3A_387 = arith.constant 0 : i32
    %dma_start3A_388 = arith.constant 0 : i32
    %dma_start3A_389 = tpu.memref_slice %arg8[%dma_start3A_385, %dma_start3A_387, %dma_start3A_388] : memref<3x96x128xf32, #tpu.memory_space<vmem>> -> memref<1x96x128xf32, #tpu.memory_space<vmem>>
    %dma_start3A_390 = tpu.memref_squeeze %dma_start3A_389 : memref<1x96x128xf32, #tpu.memory_space<vmem>> -> memref<96x128xf32, #tpu.memory_space<vmem>>
    %dma_start3A_391 = arith.constant 4800 : i32
    %dma_start3A_392 = tpu.memref_slice %arg7[%dma_start3A_391] : memref<4992xi32, #tpu.memory_space<vmem>> -> memref<96xi32, #tpu.memory_space<vmem>>
    %dma_start3A_393 = arith.constant 0 : i32
    %dma_start3A_394 = arith.constant 0 : i32
    %dma_start3A_395 = tpu.memref_slice %arg5[%dma_start3A_393, %dma_start3A_394] : memref<10000x128xf32, #tpu.memory_space<vmem_shared>> -> memref<10000x128xf32, #tpu.memory_space<vmem_shared>>
    %dma_start3A_396 = tpu.memref_slice %arg10[%dma_start3A_386] : memref<3x!tpu.dma_semaphore, #tpu.memory_space<semaphore_mem>> -> memref<1x!tpu.dma_semaphore, #tpu.memory_space<semaphore_mem>>
    %dma_start3A_397 = tpu.memref_squeeze %dma_start3A_396 : memref<1x!tpu.dma_semaphore, #tpu.memory_space<semaphore_mem>> -> memref<!tpu.dma_semaphore, #tpu.memory_space<semaphore_mem>>
    tpu.enqueue_indirect_dma source(%dma_start3A_390 : memref<96x128xf32, #tpu.memory_space<vmem>>) target(%dma_start3A_395 : memref<10000x128xf32, #tpu.memory_space<vmem_shared>>) offsets(%dma_start3A_392 : memref<96xi32, #tpu.memory_space<vmem>>) semaphore(%dma_start3A_397 : memref<!tpu.dma_semaphore, #tpu.memory_space<semaphore_mem>>) {add = true}
    %dma_wait3A_398 = arith.constant 0 : i32
    %dma_wait3A_399 = arith.constant 0 : i32
    %dma_wait3A_400 = arith.constant 0 : i32
    %dma_wait3A_401 = arith.constant 0 : i32
    %dma_wait3A_402 = tpu.memref_slice %arg8[%dma_wait3A_398, %dma_wait3A_400, %dma_wait3A_401] : memref<3x96x128xf32, #tpu.memory_space<vmem>> -> memref<1x96x128xf32, #tpu.memory_space<vmem>>
    %dma_wait3A_403 = tpu.memref_squeeze %dma_wait3A_402 : memref<1x96x128xf32, #tpu.memory_space<vmem>> -> memref<96x128xf32, #tpu.memory_space<vmem>>
    %dma_wait3A_404 = arith.constant 4896 : i32
    %dma_wait3A_405 = tpu.memref_slice %arg6[%dma_wait3A_404] : memref<4992xi32, #tpu.memory_space<vmem>> -> memref<96xi32, #tpu.memory_space<vmem>>
    %dma_wait3A_406 = arith.constant 0 : i32
    %dma_wait3A_407 = arith.constant 0 : i32
    %dma_wait3A_408 = tpu.memref_slice %arg2[%dma_wait3A_406, %dma_wait3A_407] : memref<10000x128xf32, #tpu.memory_space<hbm>> -> memref<10000x128xf32, #tpu.memory_space<hbm>>
    %dma_wait3A_409 = tpu.memref_slice %arg9[%dma_wait3A_399] : memref<3x!tpu.dma_semaphore, #tpu.memory_space<semaphore_mem>> -> memref<1x!tpu.dma_semaphore, #tpu.memory_space<semaphore_mem>>
    %dma_wait3A_410 = tpu.memref_squeeze %dma_wait3A_409 : memref<1x!tpu.dma_semaphore, #tpu.memory_space<semaphore_mem>> -> memref<!tpu.dma_semaphore, #tpu.memory_space<semaphore_mem>>
    tpu.wait_indirect_dma semaphore(%dma_wait3A_410 : memref<!tpu.dma_semaphore, #tpu.memory_space<semaphore_mem>>) src(%dma_wait3A_408 : memref<10000x128xf32, #tpu.memory_space<hbm>>) dst(%dma_wait3A_403 : memref<96x128xf32, #tpu.memory_space<vmem>>)
    %dma_start3A_411 = arith.constant 0 : i32
    %dma_start3A_412 = arith.constant 0 : i32
    %dma_start3A_413 = arith.constant 0 : i32
    %dma_start3A_414 = arith.constant 0 : i32
    %dma_start3A_415 = tpu.memref_slice %arg8[%dma_start3A_411, %dma_start3A_413, %dma_start3A_414] : memref<3x96x128xf32, #tpu.memory_space<vmem>> -> memref<1x96x128xf32, #tpu.memory_space<vmem>>
    %dma_start3A_416 = tpu.memref_squeeze %dma_start3A_415 : memref<1x96x128xf32, #tpu.memory_space<vmem>> -> memref<96x128xf32, #tpu.memory_space<vmem>>
    %dma_start3A_417 = arith.constant 4896 : i32
    %dma_start3A_418 = tpu.memref_slice %arg7[%dma_start3A_417] : memref<4992xi32, #tpu.memory_space<vmem>> -> memref<96xi32, #tpu.memory_space<vmem>>
    %dma_start3A_419 = arith.constant 0 : i32
    %dma_start3A_420 = arith.constant 0 : i32
    %dma_start3A_421 = tpu.memref_slice %arg5[%dma_start3A_419, %dma_start3A_420] : memref<10000x128xf32, #tpu.memory_space<vmem_shared>> -> memref<10000x128xf32, #tpu.memory_space<vmem_shared>>
    %dma_start3A_422 = tpu.memref_slice %arg10[%dma_start3A_412] : memref<3x!tpu.dma_semaphore, #tpu.memory_space<semaphore_mem>> -> memref<1x!tpu.dma_semaphore, #tpu.memory_space<semaphore_mem>>
    %dma_start3A_423 = tpu.memref_squeeze %dma_start3A_422 : memref<1x!tpu.dma_semaphore, #tpu.memory_space<semaphore_mem>> -> memref<!tpu.dma_semaphore, #tpu.memory_space<semaphore_mem>>
    tpu.enqueue_indirect_dma source(%dma_start3A_416 : memref<96x128xf32, #tpu.memory_space<vmem>>) target(%dma_start3A_421 : memref<10000x128xf32, #tpu.memory_space<vmem_shared>>) offsets(%dma_start3A_418 : memref<96xi32, #tpu.memory_space<vmem>>) semaphore(%dma_start3A_423 : memref<!tpu.dma_semaphore, #tpu.memory_space<semaphore_mem>>) {add = true}
    %dma_wait3A_424 = arith.constant 1 : i32
    %dma_wait3A_425 = arith.constant 1 : i32
    %dma_wait3A_426 = arith.constant 0 : i32
    %dma_wait3A_427 = arith.constant 0 : i32
    %dma_wait3A_428 = tpu.memref_slice %arg8[%dma_wait3A_424, %dma_wait3A_426, %dma_wait3A_427] : memref<3x96x128xf32, #tpu.memory_space<vmem>> -> memref<1x96x128xf32, #tpu.memory_space<vmem>>
    %dma_wait3A_429 = tpu.memref_squeeze %dma_wait3A_428 : memref<1x96x128xf32, #tpu.memory_space<vmem>> -> memref<96x128xf32, #tpu.memory_space<vmem>>
    %dma_wait3A_430 = arith.constant 4704 : i32
    %dma_wait3A_431 = tpu.memref_slice %arg7[%dma_wait3A_430] : memref<4992xi32, #tpu.memory_space<vmem>> -> memref<96xi32, #tpu.memory_space<vmem>>
    %dma_wait3A_432 = arith.constant 0 : i32
    %dma_wait3A_433 = arith.constant 0 : i32
    %dma_wait3A_434 = tpu.memref_slice %arg5[%dma_wait3A_432, %dma_wait3A_433] : memref<10000x128xf32, #tpu.memory_space<vmem_shared>> -> memref<10000x128xf32, #tpu.memory_space<vmem_shared>>
    %dma_wait3A_435 = tpu.memref_slice %arg10[%dma_wait3A_425] : memref<3x!tpu.dma_semaphore, #tpu.memory_space<semaphore_mem>> -> memref<1x!tpu.dma_semaphore, #tpu.memory_space<semaphore_mem>>
    %dma_wait3A_436 = tpu.memref_squeeze %dma_wait3A_435 : memref<1x!tpu.dma_semaphore, #tpu.memory_space<semaphore_mem>> -> memref<!tpu.dma_semaphore, #tpu.memory_space<semaphore_mem>>
    tpu.wait_indirect_dma semaphore(%dma_wait3A_436 : memref<!tpu.dma_semaphore, #tpu.memory_space<semaphore_mem>>) src(%dma_wait3A_429 : memref<96x128xf32, #tpu.memory_space<vmem>>) dst(%dma_wait3A_434 : memref<10000x128xf32, #tpu.memory_space<vmem_shared>>)
    %dma_wait3A_437 = arith.constant 2 : i32
    %dma_wait3A_438 = arith.constant 2 : i32
    %dma_wait3A_439 = arith.constant 0 : i32
    %dma_wait3A_440 = arith.constant 0 : i32
    %dma_wait3A_441 = tpu.memref_slice %arg8[%dma_wait3A_437, %dma_wait3A_439, %dma_wait3A_440] : memref<3x96x128xf32, #tpu.memory_space<vmem>> -> memref<1x96x128xf32, #tpu.memory_space<vmem>>
    %dma_wait3A_442 = tpu.memref_squeeze %dma_wait3A_441 : memref<1x96x128xf32, #tpu.memory_space<vmem>> -> memref<96x128xf32, #tpu.memory_space<vmem>>
    %dma_wait3A_443 = arith.constant 4800 : i32
    %dma_wait3A_444 = tpu.memref_slice %arg7[%dma_wait3A_443] : memref<4992xi32, #tpu.memory_space<vmem>> -> memref<96xi32, #tpu.memory_space<vmem>>
    %dma_wait3A_445 = arith.constant 0 : i32
    %dma_wait3A_446 = arith.constant 0 : i32
    %dma_wait3A_447 = tpu.memref_slice %arg5[%dma_wait3A_445, %dma_wait3A_446] : memref<10000x128xf32, #tpu.memory_space<vmem_shared>> -> memref<10000x128xf32, #tpu.memory_space<vmem_shared>>
    %dma_wait3A_448 = tpu.memref_slice %arg10[%dma_wait3A_438] : memref<3x!tpu.dma_semaphore, #tpu.memory_space<semaphore_mem>> -> memref<1x!tpu.dma_semaphore, #tpu.memory_space<semaphore_mem>>
    %dma_wait3A_449 = tpu.memref_squeeze %dma_wait3A_448 : memref<1x!tpu.dma_semaphore, #tpu.memory_space<semaphore_mem>> -> memref<!tpu.dma_semaphore, #tpu.memory_space<semaphore_mem>>
    tpu.wait_indirect_dma semaphore(%dma_wait3A_449 : memref<!tpu.dma_semaphore, #tpu.memory_space<semaphore_mem>>) src(%dma_wait3A_442 : memref<96x128xf32, #tpu.memory_space<vmem>>) dst(%dma_wait3A_447 : memref<10000x128xf32, #tpu.memory_space<vmem_shared>>)
    %dma_wait3A_450 = arith.constant 0 : i32
    %dma_wait3A_451 = arith.constant 0 : i32
    %dma_wait3A_452 = arith.constant 0 : i32
    %dma_wait3A_453 = arith.constant 0 : i32
    %dma_wait3A_454 = tpu.memref_slice %arg8[%dma_wait3A_450, %dma_wait3A_452, %dma_wait3A_453] : memref<3x96x128xf32, #tpu.memory_space<vmem>> -> memref<1x96x128xf32, #tpu.memory_space<vmem>>
    %dma_wait3A_455 = tpu.memref_squeeze %dma_wait3A_454 : memref<1x96x128xf32, #tpu.memory_space<vmem>> -> memref<96x128xf32, #tpu.memory_space<vmem>>
    %dma_wait3A_456 = arith.constant 4896 : i32
    %dma_wait3A_457 = tpu.memref_slice %arg7[%dma_wait3A_456] : memref<4992xi32, #tpu.memory_space<vmem>> -> memref<96xi32, #tpu.memory_space<vmem>>
    %dma_wait3A_458 = arith.constant 0 : i32
    %dma_wait3A_459 = arith.constant 0 : i32
    %dma_wait3A_460 = tpu.memref_slice %arg5[%dma_wait3A_458, %dma_wait3A_459] : memref<10000x128xf32, #tpu.memory_space<vmem_shared>> -> memref<10000x128xf32, #tpu.memory_space<vmem_shared>>
    %dma_wait3A_461 = tpu.memref_slice %arg10[%dma_wait3A_451] : memref<3x!tpu.dma_semaphore, #tpu.memory_space<semaphore_mem>> -> memref<1x!tpu.dma_semaphore, #tpu.memory_space<semaphore_mem>>
    %dma_wait3A_462 = tpu.memref_squeeze %dma_wait3A_461 : memref<1x!tpu.dma_semaphore, #tpu.memory_space<semaphore_mem>> -> memref<!tpu.dma_semaphore, #tpu.memory_space<semaphore_mem>>
    tpu.wait_indirect_dma semaphore(%dma_wait3A_462 : memref<!tpu.dma_semaphore, #tpu.memory_space<semaphore_mem>>) src(%dma_wait3A_455 : memref<96x128xf32, #tpu.memory_space<vmem>>) dst(%dma_wait3A_460 : memref<10000x128xf32, #tpu.memory_space<vmem_shared>>)
    %lt3A = arith.constant 4 : i32
    %lt3A_463 = arith.cmpi slt, %arg1, %lt3A : i32
    %convert_element_type3A_464 = arith.extui %lt3A_463 : i1 to i32
    %cond3A_465 = arith.constant 0 : i32
    %cond3A_466 = arith.constant 1 : i32
    %cond3A_467 = arith.constant 0 : i32
    %cond3A_468 = arith.cmpi ne, %convert_element_type3A_464, %cond3A_467 : i32
    scf.if %cond3A_468 {
      %mul3A_475 = arith.constant 160000 : i32
      %mul3A_476 = arith.muli %arg0, %mul3A_475 : i32
      %add3A_477 = arith.constant 159744 : i32
      %add3A_478 = arith.addi %mul3A_476, %add3A_477 : i32
      %mul3A_479 = arith.constant 64 : i32
      %mul3A_480 = arith.muli %arg1, %mul3A_479 : i32
      %add3A_481 = arith.addi %add3A_478, %mul3A_480 : i32
      "tpu.region"() ({
        %run_scoped3A_484 = tpu.sem_alloc : memref<!tpu.dma_semaphore, #tpu.memory_space<semaphore_mem>>
        %dma_start3A_485 = arith.constant 0 : i32
        %dma_start3A_486 = tpu.memref_slice %arg6[%dma_start3A_485] : memref<4992xi32, #tpu.memory_space<vmem>> -> memref<64xi32, #tpu.memory_space<vmem>>
        %dma_start3A_487 = arith.constant 0 : i32
        %dma_start3A_488 = tpu.memref_slice %arg3[%cond3A_465, %dma_start3A_487] : memref<2x320000xi32, #tpu.memory_space<hbm>> -> memref<1x320000xi32, #tpu.memory_space<hbm>>
        %dma_start3A_489 = tpu.memref_squeeze %dma_start3A_488 : memref<1x320000xi32, #tpu.memory_space<hbm>> -> memref<320000xi32, #tpu.memory_space<hbm>>
        %dma_start3A_490 = tpu.memref_slice %dma_start3A_489[%add3A_481] : memref<320000xi32, #tpu.memory_space<hbm>> -> memref<64xi32, #tpu.memory_space<hbm>>
        %dma_start3A_491 = arith.constant 0 : i32
        %dma_start3A_492 = tpu.memref_slice %arg6[%dma_start3A_491] : memref<4992xi32, #tpu.memory_space<vmem>> -> memref<64xi32, #tpu.memory_space<vmem>>
        %dma_start3A_493 = arith.constant 0 : i32
        %dma_start3A_494 = tpu.memref_slice %arg3[%cond3A_465, %dma_start3A_493] : memref<2x320000xi32, #tpu.memory_space<hbm>> -> memref<1x320000xi32, #tpu.memory_space<hbm>>
        %dma_start3A_495 = tpu.memref_squeeze %dma_start3A_494 : memref<1x320000xi32, #tpu.memory_space<hbm>> -> memref<320000xi32, #tpu.memory_space<hbm>>
        %dma_start3A_496 = tpu.memref_slice %dma_start3A_495[%add3A_481] : memref<320000xi32, #tpu.memory_space<hbm>> -> memref<64xi32, #tpu.memory_space<hbm>>
        tpu.enqueue_dma source(%dma_start3A_496 : memref<64xi32, #tpu.memory_space<hbm>>) target(%dma_start3A_492 : memref<64xi32, #tpu.memory_space<vmem>>) target_semaphore(%run_scoped3A_484 : memref<!tpu.dma_semaphore, #tpu.memory_space<semaphore_mem>>)
        %dma_wait3A_497 = arith.constant 0 : i32
        %dma_wait3A_498 = tpu.memref_slice %arg6[%dma_wait3A_497] : memref<4992xi32, #tpu.memory_space<vmem>> -> memref<64xi32, #tpu.memory_space<vmem>>
        %dma_wait3A_499 = arith.constant 0 : i32
        %dma_wait3A_500 = tpu.memref_slice %arg3[%cond3A_465, %dma_wait3A_499] : memref<2x320000xi32, #tpu.memory_space<hbm>> -> memref<1x320000xi32, #tpu.memory_space<hbm>>
        %dma_wait3A_501 = tpu.memref_squeeze %dma_wait3A_500 : memref<1x320000xi32, #tpu.memory_space<hbm>> -> memref<320000xi32, #tpu.memory_space<hbm>>
        %dma_wait3A_502 = tpu.memref_slice %dma_wait3A_501[%add3A_481] : memref<320000xi32, #tpu.memory_space<hbm>> -> memref<64xi32, #tpu.memory_space<hbm>>
        %dma_wait3A_503 = arith.constant 0 : i32
        %dma_wait3A_504 = tpu.memref_slice %arg6[%dma_wait3A_503] : memref<4992xi32, #tpu.memory_space<vmem>> -> memref<64xi32, #tpu.memory_space<vmem>>
        %dma_wait3A_505 = arith.constant 0 : i32
        %dma_wait3A_506 = tpu.memref_slice %arg3[%cond3A_465, %dma_wait3A_505] : memref<2x320000xi32, #tpu.memory_space<hbm>> -> memref<1x320000xi32, #tpu.memory_space<hbm>>
        %dma_wait3A_507 = tpu.memref_squeeze %dma_wait3A_506 : memref<1x320000xi32, #tpu.memory_space<hbm>> -> memref<320000xi32, #tpu.memory_space<hbm>>
        %dma_wait3A_508 = tpu.memref_slice %dma_wait3A_507[%add3A_481] : memref<320000xi32, #tpu.memory_space<hbm>> -> memref<64xi32, #tpu.memory_space<hbm>>
        tpu.wait_dma2 semaphore(%run_scoped3A_484 : memref<!tpu.dma_semaphore, #tpu.memory_space<semaphore_mem>>) src(%dma_wait3A_508 : memref<64xi32, #tpu.memory_space<hbm>>) dst(%dma_wait3A_504 : memref<64xi32, #tpu.memory_space<vmem>>)
        tpu.yield
      }) : () -> ()
      "tpu.region"() ({
        %run_scoped3A_484 = tpu.sem_alloc : memref<!tpu.dma_semaphore, #tpu.memory_space<semaphore_mem>>
        %dma_start3A_485 = arith.constant 0 : i32
        %dma_start3A_486 = tpu.memref_slice %arg7[%dma_start3A_485] : memref<4992xi32, #tpu.memory_space<vmem>> -> memref<64xi32, #tpu.memory_space<vmem>>
        %dma_start3A_487 = arith.constant 0 : i32
        %dma_start3A_488 = tpu.memref_slice %arg3[%cond3A_466, %dma_start3A_487] : memref<2x320000xi32, #tpu.memory_space<hbm>> -> memref<1x320000xi32, #tpu.memory_space<hbm>>
        %dma_start3A_489 = tpu.memref_squeeze %dma_start3A_488 : memref<1x320000xi32, #tpu.memory_space<hbm>> -> memref<320000xi32, #tpu.memory_space<hbm>>
        %dma_start3A_490 = tpu.memref_slice %dma_start3A_489[%add3A_481] : memref<320000xi32, #tpu.memory_space<hbm>> -> memref<64xi32, #tpu.memory_space<hbm>>
        %dma_start3A_491 = arith.constant 0 : i32
        %dma_start3A_492 = tpu.memref_slice %arg7[%dma_start3A_491] : memref<4992xi32, #tpu.memory_space<vmem>> -> memref<64xi32, #tpu.memory_space<vmem>>
        %dma_start3A_493 = arith.constant 0 : i32
        %dma_start3A_494 = tpu.memref_slice %arg3[%cond3A_466, %dma_start3A_493] : memref<2x320000xi32, #tpu.memory_space<hbm>> -> memref<1x320000xi32, #tpu.memory_space<hbm>>
        %dma_start3A_495 = tpu.memref_squeeze %dma_start3A_494 : memref<1x320000xi32, #tpu.memory_space<hbm>> -> memref<320000xi32, #tpu.memory_space<hbm>>
        %dma_start3A_496 = tpu.memref_slice %dma_start3A_495[%add3A_481] : memref<320000xi32, #tpu.memory_space<hbm>> -> memref<64xi32, #tpu.memory_space<hbm>>
        tpu.enqueue_dma source(%dma_start3A_496 : memref<64xi32, #tpu.memory_space<hbm>>) target(%dma_start3A_492 : memref<64xi32, #tpu.memory_space<vmem>>) target_semaphore(%run_scoped3A_484 : memref<!tpu.dma_semaphore, #tpu.memory_space<semaphore_mem>>)
        %dma_wait3A_497 = arith.constant 0 : i32
        %dma_wait3A_498 = tpu.memref_slice %arg7[%dma_wait3A_497] : memref<4992xi32, #tpu.memory_space<vmem>> -> memref<64xi32, #tpu.memory_space<vmem>>
        %dma_wait3A_499 = arith.constant 0 : i32
        %dma_wait3A_500 = tpu.memref_slice %arg3[%cond3A_466, %dma_wait3A_499] : memref<2x320000xi32, #tpu.memory_space<hbm>> -> memref<1x320000xi32, #tpu.memory_space<hbm>>
        %dma_wait3A_501 = tpu.memref_squeeze %dma_wait3A_500 : memref<1x320000xi32, #tpu.memory_space<hbm>> -> memref<320000xi32, #tpu.memory_space<hbm>>
        %dma_wait3A_502 = tpu.memref_slice %dma_wait3A_501[%add3A_481] : memref<320000xi32, #tpu.memory_space<hbm>> -> memref<64xi32, #tpu.memory_space<hbm>>
        %dma_wait3A_503 = arith.constant 0 : i32
        %dma_wait3A_504 = tpu.memref_slice %arg7[%dma_wait3A_503] : memref<4992xi32, #tpu.memory_space<vmem>> -> memref<64xi32, #tpu.memory_space<vmem>>
        %dma_wait3A_505 = arith.constant 0 : i32
        %dma_wait3A_506 = tpu.memref_slice %arg3[%cond3A_466, %dma_wait3A_505] : memref<2x320000xi32, #tpu.memory_space<hbm>> -> memref<1x320000xi32, #tpu.memory_space<hbm>>
        %dma_wait3A_507 = tpu.memref_squeeze %dma_wait3A_506 : memref<1x320000xi32, #tpu.memory_space<hbm>> -> memref<320000xi32, #tpu.memory_space<hbm>>
        %dma_wait3A_508 = tpu.memref_slice %dma_wait3A_507[%add3A_481] : memref<320000xi32, #tpu.memory_space<hbm>> -> memref<64xi32, #tpu.memory_space<hbm>>
        tpu.wait_dma2 semaphore(%run_scoped3A_484 : memref<!tpu.dma_semaphore, #tpu.memory_space<semaphore_mem>>) src(%dma_wait3A_508 : memref<64xi32, #tpu.memory_space<hbm>>) dst(%dma_wait3A_504 : memref<64xi32, #tpu.memory_space<vmem>>)
        tpu.yield
      }) : () -> ()
      %run_scoped3A_482 = arith.constant 0 : i32
      "tpu.region"() ({
        %run_scoped3A_484 = tpu.sem_alloc : memref<!tpu.dma_semaphore, #tpu.memory_space<semaphore_mem>>
        %dma_start3A_485 = arith.constant 0 : i32
        %dma_start3A_486 = arith.constant 0 : i32
        %dma_start3A_487 = tpu.memref_slice %arg8[%run_scoped3A_482, %dma_start3A_485, %dma_start3A_486] : memref<3x96x128xf32, #tpu.memory_space<vmem>> -> memref<1x64x128xf32, #tpu.memory_space<vmem>>
        %dma_start3A_488 = tpu.memref_squeeze %dma_start3A_487 : memref<1x64x128xf32, #tpu.memory_space<vmem>> -> memref<64x128xf32, #tpu.memory_space<vmem>>
        %dma_start3A_489 = arith.constant 0 : i32
        %dma_start3A_490 = tpu.memref_slice %arg6[%dma_start3A_489] : memref<4992xi32, #tpu.memory_space<vmem>> -> memref<64xi32, #tpu.memory_space<vmem>>
        %dma_start3A_491 = arith.constant 0 : i32
        %dma_start3A_492 = arith.constant 0 : i32
        %dma_start3A_493 = tpu.memref_slice %arg2[%dma_start3A_491, %dma_start3A_492] : memref<10000x128xf32, #tpu.memory_space<hbm>> -> memref<10000x128xf32, #tpu.memory_space<hbm>>
        tpu.enqueue_indirect_dma source(%dma_start3A_493 : memref<10000x128xf32, #tpu.memory_space<hbm>>) target(%dma_start3A_488 : memref<64x128xf32, #tpu.memory_space<vmem>>) offsets(%dma_start3A_490 : memref<64xi32, #tpu.memory_space<vmem>>) semaphore(%run_scoped3A_484 : memref<!tpu.dma_semaphore, #tpu.memory_space<semaphore_mem>>)
        %dma_wait3A_494 = arith.constant 0 : i32
        %dma_wait3A_495 = arith.constant 0 : i32
        %dma_wait3A_496 = tpu.memref_slice %arg8[%run_scoped3A_482, %dma_wait3A_494, %dma_wait3A_495] : memref<3x96x128xf32, #tpu.memory_space<vmem>> -> memref<1x64x128xf32, #tpu.memory_space<vmem>>
        %dma_wait3A_497 = tpu.memref_squeeze %dma_wait3A_496 : memref<1x64x128xf32, #tpu.memory_space<vmem>> -> memref<64x128xf32, #tpu.memory_space<vmem>>
        %dma_wait3A_498 = arith.constant 0 : i32
        %dma_wait3A_499 = tpu.memref_slice %arg6[%dma_wait3A_498] : memref<4992xi32, #tpu.memory_space<vmem>> -> memref<64xi32, #tpu.memory_space<vmem>>
        %dma_wait3A_500 = arith.constant 0 : i32
        %dma_wait3A_501 = arith.constant 0 : i32
        %dma_wait3A_502 = tpu.memref_slice %arg2[%dma_wait3A_500, %dma_wait3A_501] : memref<10000x128xf32, #tpu.memory_space<hbm>> -> memref<10000x128xf32, #tpu.memory_space<hbm>>
        tpu.wait_indirect_dma semaphore(%run_scoped3A_484 : memref<!tpu.dma_semaphore, #tpu.memory_space<semaphore_mem>>) src(%dma_wait3A_502 : memref<10000x128xf32, #tpu.memory_space<hbm>>) dst(%dma_wait3A_497 : memref<64x128xf32, #tpu.memory_space<vmem>>)
        tpu.yield
      }) : () -> ()
      %run_scoped3A_483 = arith.constant 0 : i32
      "tpu.region"() ({
        %run_scoped3A_484 = tpu.sem_alloc : memref<!tpu.dma_semaphore, #tpu.memory_space<semaphore_mem>>
        %dma_start3A_485 = arith.constant 0 : i32
        %dma_start3A_486 = arith.constant 0 : i32
        %dma_start3A_487 = tpu.memref_slice %arg8[%run_scoped3A_483, %dma_start3A_485, %dma_start3A_486] : memref<3x96x128xf32, #tpu.memory_space<vmem>> -> memref<1x64x128xf32, #tpu.memory_space<vmem>>
        %dma_start3A_488 = tpu.memref_squeeze %dma_start3A_487 : memref<1x64x128xf32, #tpu.memory_space<vmem>> -> memref<64x128xf32, #tpu.memory_space<vmem>>
        %dma_start3A_489 = arith.constant 0 : i32
        %dma_start3A_490 = tpu.memref_slice %arg7[%dma_start3A_489] : memref<4992xi32, #tpu.memory_space<vmem>> -> memref<64xi32, #tpu.memory_space<vmem>>
        %dma_start3A_491 = arith.constant 0 : i32
        %dma_start3A_492 = arith.constant 0 : i32
        %dma_start3A_493 = tpu.memref_slice %arg5[%dma_start3A_491, %dma_start3A_492] : memref<10000x128xf32, #tpu.memory_space<vmem_shared>> -> memref<10000x128xf32, #tpu.memory_space<vmem_shared>>
        tpu.enqueue_indirect_dma source(%dma_start3A_488 : memref<64x128xf32, #tpu.memory_space<vmem>>) target(%dma_start3A_493 : memref<10000x128xf32, #tpu.memory_space<vmem_shared>>) offsets(%dma_start3A_490 : memref<64xi32, #tpu.memory_space<vmem>>) semaphore(%run_scoped3A_484 : memref<!tpu.dma_semaphore, #tpu.memory_space<semaphore_mem>>) {add = true}
        %dma_wait3A_494 = arith.constant 0 : i32
        %dma_wait3A_495 = arith.constant 0 : i32
        %dma_wait3A_496 = tpu.memref_slice %arg8[%run_scoped3A_483, %dma_wait3A_494, %dma_wait3A_495] : memref<3x96x128xf32, #tpu.memory_space<vmem>> -> memref<1x64x128xf32, #tpu.memory_space<vmem>>
        %dma_wait3A_497 = tpu.memref_squeeze %dma_wait3A_496 : memref<1x64x128xf32, #tpu.memory_space<vmem>> -> memref<64x128xf32, #tpu.memory_space<vmem>>
        %dma_wait3A_498 = arith.constant 0 : i32
        %dma_wait3A_499 = tpu.memref_slice %arg7[%dma_wait3A_498] : memref<4992xi32, #tpu.memory_space<vmem>> -> memref<64xi32, #tpu.memory_space<vmem>>
        %dma_wait3A_500 = arith.constant 0 : i32
        %dma_wait3A_501 = arith.constant 0 : i32
        %dma_wait3A_502 = tpu.memref_slice %arg5[%dma_wait3A_500, %dma_wait3A_501] : memref<10000x128xf32, #tpu.memory_space<vmem_shared>> -> memref<10000x128xf32, #tpu.memory_space<vmem_shared>>
        tpu.wait_indirect_dma semaphore(%run_scoped3A_484 : memref<!tpu.dma_semaphore, #tpu.memory_space<semaphore_mem>>) src(%dma_wait3A_497 : memref<64x128xf32, #tpu.memory_space<vmem>>) dst(%dma_wait3A_502 : memref<10000x128xf32, #tpu.memory_space<vmem_shared>>)
        tpu.yield
      }) : () -> ()
    } else {
    }
    %barrier3A_469 = arith.constant 0 : index
    tpu.barrier barrier_id(%barrier3A_469)
    "tpu.region"() ({
      %run_scoped3A_475 = tpu.sem_alloc : memref<!tpu.dma_semaphore, #tpu.memory_space<semaphore_mem>>
      %dma_start3A_476 = arith.constant 0 : i32
      %dma_start3A_477 = tpu.memref_slice %arg4[%arg0, %mul3A_0, %dma_start3A_476] : memref<2x10000x128xf32, #tpu.memory_space<hbm>> -> memref<1x624x128xf32, #tpu.memory_space<hbm>>
      %dma_start3A_478 = tpu.memref_squeeze %dma_start3A_477 : memref<1x624x128xf32, #tpu.memory_space<hbm>> -> memref<624x128xf32, #tpu.memory_space<hbm>>
      %dma_start3A_479 = arith.constant 0 : i32
      %dma_start3A_480 = tpu.memref_slice %arg5[%mul3A_0, %dma_start3A_479] : memref<10000x128xf32, #tpu.memory_space<vmem_shared>> -> memref<624x128xf32, #tpu.memory_space<vmem_shared>>
      tpu.enqueue_dma source(%dma_start3A_480 : memref<624x128xf32, #tpu.memory_space<vmem_shared>>) target(%dma_start3A_478 : memref<624x128xf32, #tpu.memory_space<hbm>>) target_semaphore(%run_scoped3A_475 : memref<!tpu.dma_semaphore, #tpu.memory_space<semaphore_mem>>)
      %dma_wait3A_481 = arith.constant 0 : i32
      %dma_wait3A_482 = tpu.memref_slice %arg4[%arg0, %mul3A_0, %dma_wait3A_481] : memref<2x10000x128xf32, #tpu.memory_space<hbm>> -> memref<1x624x128xf32, #tpu.memory_space<hbm>>
      %dma_wait3A_483 = tpu.memref_squeeze %dma_wait3A_482 : memref<1x624x128xf32, #tpu.memory_space<hbm>> -> memref<624x128xf32, #tpu.memory_space<hbm>>
      %dma_wait3A_484 = arith.constant 0 : i32
      %dma_wait3A_485 = tpu.memref_slice %arg5[%mul3A_0, %dma_wait3A_484] : memref<10000x128xf32, #tpu.memory_space<vmem_shared>> -> memref<624x128xf32, #tpu.memory_space<vmem_shared>>
      tpu.wait_dma2 semaphore(%run_scoped3A_475 : memref<!tpu.dma_semaphore, #tpu.memory_space<semaphore_mem>>) src(%dma_wait3A_485 : memref<624x128xf32, #tpu.memory_space<vmem_shared>>) dst(%dma_wait3A_483 : memref<624x128xf32, #tpu.memory_space<hbm>>)
      tpu.yield
    }) : () -> ()
    %eq3A_470 = arith.constant 0 : i32
    %eq3A_471 = arith.cmpi eq, %arg1, %eq3A_470 : i32
    %convert_element_type3A_472 = arith.extui %eq3A_471 : i1 to i32
    %cond3A_473 = arith.constant 0 : i32
    %cond3A_474 = arith.cmpi ne, %convert_element_type3A_472, %cond3A_473 : i32
    scf.if %cond3A_474 {
      "tpu.region"() ({
        %run_scoped3A_475 = tpu.sem_alloc : memref<!tpu.dma_semaphore, #tpu.memory_space<semaphore_mem>>
        %dma_start3A_476 = arith.constant 9984 : i32
        %dma_start3A_477 = arith.constant 0 : i32
        %dma_start3A_478 = tpu.memref_slice %arg4[%arg0, %dma_start3A_476, %dma_start3A_477] : memref<2x10000x128xf32, #tpu.memory_space<hbm>> -> memref<1x16x128xf32, #tpu.memory_space<hbm>>
        %dma_start3A_479 = tpu.memref_squeeze %dma_start3A_478 : memref<1x16x128xf32, #tpu.memory_space<hbm>> -> memref<16x128xf32, #tpu.memory_space<hbm>>
        %dma_start3A_480 = arith.constant 9984 : i32
        %dma_start3A_481 = arith.constant 0 : i32
        %dma_start3A_482 = tpu.memref_slice %arg5[%dma_start3A_480, %dma_start3A_481] : memref<10000x128xf32, #tpu.memory_space<vmem_shared>> -> memref<16x128xf32, #tpu.memory_space<vmem_shared>>
        tpu.enqueue_dma source(%dma_start3A_482 : memref<16x128xf32, #tpu.memory_space<vmem_shared>>) target(%dma_start3A_479 : memref<16x128xf32, #tpu.memory_space<hbm>>) target_semaphore(%run_scoped3A_475 : memref<!tpu.dma_semaphore, #tpu.memory_space<semaphore_mem>>)
        %dma_wait3A_483 = arith.constant 9984 : i32
        %dma_wait3A_484 = arith.constant 0 : i32
        %dma_wait3A_485 = tpu.memref_slice %arg4[%arg0, %dma_wait3A_483, %dma_wait3A_484] : memref<2x10000x128xf32, #tpu.memory_space<hbm>> -> memref<1x16x128xf32, #tpu.memory_space<hbm>>
        %dma_wait3A_486 = tpu.memref_squeeze %dma_wait3A_485 : memref<1x16x128xf32, #tpu.memory_space<hbm>> -> memref<16x128xf32, #tpu.memory_space<hbm>>
        %dma_wait3A_487 = arith.constant 9984 : i32
        %dma_wait3A_488 = arith.constant 0 : i32
        %dma_wait3A_489 = tpu.memref_slice %arg5[%dma_wait3A_487, %dma_wait3A_488] : memref<10000x128xf32, #tpu.memory_space<vmem_shared>> -> memref<16x128xf32, #tpu.memory_space<vmem_shared>>
        tpu.wait_dma2 semaphore(%run_scoped3A_475 : memref<!tpu.dma_semaphore, #tpu.memory_space<semaphore_mem>>) src(%dma_wait3A_489 : memref<16x128xf32, #tpu.memory_space<vmem_shared>>) dst(%dma_wait3A_486 : memref<16x128xf32, #tpu.memory_space<hbm>>)
        tpu.yield
      }) : () -> ()
    } else {
    }
    return
  }
}

#map = affine_map<(d0, d1) -> (0, 0)>
#map1 = affine_map<(d0, d1) -> (0, 0, 0)>
module attributes {stable_mosaic.version = 14 : i64} {
  func.func @_sc_agg_body(%arg0: i32, %arg1: i32, %arg2: memref<10000x128xf32, #tpu.memory_space<hbm>>, %arg3: memref<2x320000xi32, #tpu.memory_space<hbm>>, %arg4: memref<2x10000x128xf32, #tpu.memory_space<hbm>>, %arg5: memref<10000x128xf32, #tpu.memory_space<vmem_shared>>, %arg6: memref<4992xi32, #tpu.memory_space<vmem>>, %arg7: memref<4992xi32, #tpu.memory_space<vmem>>, %arg8: memref<3x96x128xf32, #tpu.memory_space<vmem>>, %arg9: memref<3x!tpu.dma_semaphore, #tpu.memory_space<semaphore_mem>>, %arg10: memref<3x!tpu.dma_semaphore, #tpu.memory_space<semaphore_mem>>) attributes {dimension_semantics = [#tpu.dimension_semantics<core_parallel>, #tpu.dimension_semantics<subcore_parallel>], iteration_bounds = array<i64: 2, 16>, scalar_prefetch = 0 : i64, scratch_operands = 6 : i64, tpu.core_type = #tpu.core_type<sc_vector_subcore>, window_params = [{transform_indices = #map}, {transform_indices = #map}, {transform_indices = #map1}]} {
    %mul3A = arith.constant 624 : i32
    %mul3A_0 = arith.muli %arg1, %mul3A : i32
    %mul3A_1 = arith.constant 160000 : i32
    %mul3A_2 = arith.muli %arg0, %mul3A_1 : i32
    %mul3A_3 = arith.constant 9984 : i32
    %mul3A_4 = arith.muli %arg1, %mul3A_3 : i32
    %add3A = arith.addi %mul3A_2, %mul3A_4 : i32
    "tpu.region"() ({
      %run_scoped3A_475 = tpu.sem_alloc : memref<!tpu.dma_semaphore, #tpu.memory_space<semaphore_mem>>
      %dma_start3A_476 = arith.constant 0 : i32
      %dma_start3A_477 = tpu.memref_slice %arg5[%mul3A_0, %dma_start3A_476] : memref<10000x128xf32, #tpu.memory_space<vmem_shared>> -> memref<624x128xf32, #tpu.memory_space<vmem_shared>>
      %dma_start3A_478 = arith.constant 0 : i32
      %dma_start3A_479 = tpu.memref_slice %arg2[%mul3A_0, %dma_start3A_478] : memref<10000x128xf32, #tpu.memory_space<hbm>> -> memref<624x128xf32, #tpu.memory_space<hbm>>
      tpu.enqueue_dma source(%dma_start3A_479 : memref<624x128xf32, #tpu.memory_space<hbm>>) target(%dma_start3A_477 : memref<624x128xf32, #tpu.memory_space<vmem_shared>>) target_semaphore(%run_scoped3A_475 : memref<!tpu.dma_semaphore, #tpu.memory_space<semaphore_mem>>)
      %dma_wait3A_480 = arith.constant 0 : i32
      %dma_wait3A_481 = tpu.memref_slice %arg5[%mul3A_0, %dma_wait3A_480] : memref<10000x128xf32, #tpu.memory_space<vmem_shared>> -> memref<624x128xf32, #tpu.memory_space<vmem_shared>>
      %dma_wait3A_482 = arith.constant 0 : i32
      %dma_wait3A_483 = tpu.memref_slice %arg2[%mul3A_0, %dma_wait3A_482] : memref<10000x128xf32, #tpu.memory_space<hbm>> -> memref<624x128xf32, #tpu.memory_space<hbm>>
      tpu.wait_dma2 semaphore(%run_scoped3A_475 : memref<!tpu.dma_semaphore, #tpu.memory_space<semaphore_mem>>) src(%dma_wait3A_483 : memref<624x128xf32, #tpu.memory_space<hbm>>) dst(%dma_wait3A_481 : memref<624x128xf32, #tpu.memory_space<vmem_shared>>)
      tpu.yield
    }) : () -> ()
    %eq3A = arith.constant 0 : i32
    %eq3A_5 = arith.cmpi eq, %arg1, %eq3A : i32
    %convert_element_type3A = arith.extui %eq3A_5 : i1 to i32
    %cond3A = arith.constant 0 : i32
    %cond3A_6 = arith.cmpi ne, %convert_element_type3A, %cond3A : i32
    scf.if %cond3A_6 {
      "tpu.region"() ({
        %run_scoped3A_475 = tpu.sem_alloc : memref<!tpu.dma_semaphore, #tpu.memory_space<semaphore_mem>>
        %dma_start3A_476 = arith.constant 9984 : i32
        %dma_start3A_477 = arith.constant 0 : i32
        %dma_start3A_478 = tpu.memref_slice %arg5[%dma_start3A_476, %dma_start3A_477] : memref<10000x128xf32, #tpu.memory_space<vmem_shared>> -> memref<16x128xf32, #tpu.memory_space<vmem_shared>>
        %dma_start3A_479 = arith.constant 9984 : i32
        %dma_start3A_480 = arith.constant 0 : i32
        %dma_start3A_481 = tpu.memref_slice %arg2[%dma_start3A_479, %dma_start3A_480] : memref<10000x128xf32, #tpu.memory_space<hbm>> -> memref<16x128xf32, #tpu.memory_space<hbm>>
        tpu.enqueue_dma source(%dma_start3A_481 : memref<16x128xf32, #tpu.memory_space<hbm>>) target(%dma_start3A_478 : memref<16x128xf32, #tpu.memory_space<vmem_shared>>) target_semaphore(%run_scoped3A_475 : memref<!tpu.dma_semaphore, #tpu.memory_space<semaphore_mem>>)
        %dma_wait3A_482 = arith.constant 9984 : i32
        %dma_wait3A_483 = arith.constant 0 : i32
        %dma_wait3A_484 = tpu.memref_slice %arg5[%dma_wait3A_482, %dma_wait3A_483] : memref<10000x128xf32, #tpu.memory_space<vmem_shared>> -> memref<16x128xf32, #tpu.memory_space<vmem_shared>>
        %dma_wait3A_485 = arith.constant 9984 : i32
        %dma_wait3A_486 = arith.constant 0 : i32
        %dma_wait3A_487 = tpu.memref_slice %arg2[%dma_wait3A_485, %dma_wait3A_486] : memref<10000x128xf32, #tpu.memory_space<hbm>> -> memref<16x128xf32, #tpu.memory_space<hbm>>
        tpu.wait_dma2 semaphore(%run_scoped3A_475 : memref<!tpu.dma_semaphore, #tpu.memory_space<semaphore_mem>>) src(%dma_wait3A_487 : memref<16x128xf32, #tpu.memory_space<hbm>>) dst(%dma_wait3A_484 : memref<16x128xf32, #tpu.memory_space<vmem_shared>>)
        tpu.yield
      }) : () -> ()
    } else {
    }
    %barrier3A = arith.constant 0 : index
    tpu.barrier barrier_id(%barrier3A)
    %add3A_7 = arith.constant 0 : i32
    %add3A_8 = arith.addi %add3A, %add3A_7 : i32
    %run_scoped3A = arith.constant 0 : i32
    "tpu.region"() ({
      %run_scoped3A_475 = tpu.sem_alloc : memref<!tpu.dma_semaphore, #tpu.memory_space<semaphore_mem>>
      %dma_start3A_476 = arith.constant 0 : i32
      %dma_start3A_477 = tpu.memref_slice %arg3[%run_scoped3A, %dma_start3A_476] : memref<2x320000xi32, #tpu.memory_space<hbm>> -> memref<1x320000xi32, #tpu.memory_space<hbm>>
      %dma_start3A_478 = tpu.memref_squeeze %dma_start3A_477 : memref<1x320000xi32, #tpu.memory_space<hbm>> -> memref<320000xi32, #tpu.memory_space<hbm>>
      %dma_start3A_479 = tpu.memref_slice %dma_start3A_478[%add3A_8] : memref<320000xi32, #tpu.memory_space<hbm>> -> memref<4992xi32, #tpu.memory_space<hbm>>
      %dma_start3A_480 = arith.constant 0 : i32
      %dma_start3A_481 = tpu.memref_slice %arg3[%run_scoped3A, %dma_start3A_480] : memref<2x320000xi32, #tpu.memory_space<hbm>> -> memref<1x320000xi32, #tpu.memory_space<hbm>>
      %dma_start3A_482 = tpu.memref_squeeze %dma_start3A_481 : memref<1x320000xi32, #tpu.memory_space<hbm>> -> memref<320000xi32, #tpu.memory_space<hbm>>
      %dma_start3A_483 = tpu.memref_slice %dma_start3A_482[%add3A_8] : memref<320000xi32, #tpu.memory_space<hbm>> -> memref<4992xi32, #tpu.memory_space<hbm>>
      tpu.enqueue_dma source(%dma_start3A_483 : memref<4992xi32, #tpu.memory_space<hbm>>) target(%arg6 : memref<4992xi32, #tpu.memory_space<vmem>>) target_semaphore(%run_scoped3A_475 : memref<!tpu.dma_semaphore, #tpu.memory_space<semaphore_mem>>)
      %dma_wait3A_484 = arith.constant 0 : i32
      %dma_wait3A_485 = tpu.memref_slice %arg3[%run_scoped3A, %dma_wait3A_484] : memref<2x320000xi32, #tpu.memory_space<hbm>> -> memref<1x320000xi32, #tpu.memory_space<hbm>>
      %dma_wait3A_486 = tpu.memref_squeeze %dma_wait3A_485 : memref<1x320000xi32, #tpu.memory_space<hbm>> -> memref<320000xi32, #tpu.memory_space<hbm>>
      %dma_wait3A_487 = tpu.memref_slice %dma_wait3A_486[%add3A_8] : memref<320000xi32, #tpu.memory_space<hbm>> -> memref<4992xi32, #tpu.memory_space<hbm>>
      %dma_wait3A_488 = arith.constant 0 : i32
      %dma_wait3A_489 = tpu.memref_slice %arg3[%run_scoped3A, %dma_wait3A_488] : memref<2x320000xi32, #tpu.memory_space<hbm>> -> memref<1x320000xi32, #tpu.memory_space<hbm>>
      %dma_wait3A_490 = tpu.memref_squeeze %dma_wait3A_489 : memref<1x320000xi32, #tpu.memory_space<hbm>> -> memref<320000xi32, #tpu.memory_space<hbm>>
      %dma_wait3A_491 = tpu.memref_slice %dma_wait3A_490[%add3A_8] : memref<320000xi32, #tpu.memory_space<hbm>> -> memref<4992xi32, #tpu.memory_space<hbm>>
      tpu.wait_dma2 semaphore(%run_scoped3A_475 : memref<!tpu.dma_semaphore, #tpu.memory_space<semaphore_mem>>) src(%dma_wait3A_491 : memref<4992xi32, #tpu.memory_space<hbm>>) dst(%arg6 : memref<4992xi32, #tpu.memory_space<vmem>>)
      tpu.yield
    }) : () -> ()
    %run_scoped3A_9 = arith.constant 1 : i32
    "tpu.region"() ({
      %run_scoped3A_475 = tpu.sem_alloc : memref<!tpu.dma_semaphore, #tpu.memory_space<semaphore_mem>>
      %dma_start3A_476 = arith.constant 0 : i32
      %dma_start3A_477 = tpu.memref_slice %arg3[%run_scoped3A_9, %dma_start3A_476] : memref<2x320000xi32, #tpu.memory_space<hbm>> -> memref<1x320000xi32, #tpu.memory_space<hbm>>
      %dma_start3A_478 = tpu.memref_squeeze %dma_start3A_477 : memref<1x320000xi32, #tpu.memory_space<hbm>> -> memref<320000xi32, #tpu.memory_space<hbm>>
      %dma_start3A_479 = tpu.memref_slice %dma_start3A_478[%add3A_8] : memref<320000xi32, #tpu.memory_space<hbm>> -> memref<4992xi32, #tpu.memory_space<hbm>>
      %dma_start3A_480 = arith.constant 0 : i32
      %dma_start3A_481 = tpu.memref_slice %arg3[%run_scoped3A_9, %dma_start3A_480] : memref<2x320000xi32, #tpu.memory_space<hbm>> -> memref<1x320000xi32, #tpu.memory_space<hbm>>
      %dma_start3A_482 = tpu.memref_squeeze %dma_start3A_481 : memref<1x320000xi32, #tpu.memory_space<hbm>> -> memref<320000xi32, #tpu.memory_space<hbm>>
      %dma_start3A_483 = tpu.memref_slice %dma_start3A_482[%add3A_8] : memref<320000xi32, #tpu.memory_space<hbm>> -> memref<4992xi32, #tpu.memory_space<hbm>>
      tpu.enqueue_dma source(%dma_start3A_483 : memref<4992xi32, #tpu.memory_space<hbm>>) target(%arg7 : memref<4992xi32, #tpu.memory_space<vmem>>) target_semaphore(%run_scoped3A_475 : memref<!tpu.dma_semaphore, #tpu.memory_space<semaphore_mem>>)
      %dma_wait3A_484 = arith.constant 0 : i32
      %dma_wait3A_485 = tpu.memref_slice %arg3[%run_scoped3A_9, %dma_wait3A_484] : memref<2x320000xi32, #tpu.memory_space<hbm>> -> memref<1x320000xi32, #tpu.memory_space<hbm>>
      %dma_wait3A_486 = tpu.memref_squeeze %dma_wait3A_485 : memref<1x320000xi32, #tpu.memory_space<hbm>> -> memref<320000xi32, #tpu.memory_space<hbm>>
      %dma_wait3A_487 = tpu.memref_slice %dma_wait3A_486[%add3A_8] : memref<320000xi32, #tpu.memory_space<hbm>> -> memref<4992xi32, #tpu.memory_space<hbm>>
      %dma_wait3A_488 = arith.constant 0 : i32
      %dma_wait3A_489 = tpu.memref_slice %arg3[%run_scoped3A_9, %dma_wait3A_488] : memref<2x320000xi32, #tpu.memory_space<hbm>> -> memref<1x320000xi32, #tpu.memory_space<hbm>>
      %dma_wait3A_490 = tpu.memref_squeeze %dma_wait3A_489 : memref<1x320000xi32, #tpu.memory_space<hbm>> -> memref<320000xi32, #tpu.memory_space<hbm>>
      %dma_wait3A_491 = tpu.memref_slice %dma_wait3A_490[%add3A_8] : memref<320000xi32, #tpu.memory_space<hbm>> -> memref<4992xi32, #tpu.memory_space<hbm>>
      tpu.wait_dma2 semaphore(%run_scoped3A_475 : memref<!tpu.dma_semaphore, #tpu.memory_space<semaphore_mem>>) src(%dma_wait3A_491 : memref<4992xi32, #tpu.memory_space<hbm>>) dst(%arg7 : memref<4992xi32, #tpu.memory_space<vmem>>)
      tpu.yield
    }) : () -> ()
    %dma_start3A = arith.constant 0 : i32
    %dma_start3A_10 = arith.constant 0 : i32
    %dma_start3A_11 = arith.constant 0 : i32
    %dma_start3A_12 = arith.constant 0 : i32
    %dma_start3A_13 = tpu.memref_slice %arg8[%dma_start3A, %dma_start3A_11, %dma_start3A_12] : memref<3x96x128xf32, #tpu.memory_space<vmem>> -> memref<1x96x128xf32, #tpu.memory_space<vmem>>
    %dma_start3A_14 = tpu.memref_squeeze %dma_start3A_13 : memref<1x96x128xf32, #tpu.memory_space<vmem>> -> memref<96x128xf32, #tpu.memory_space<vmem>>
    %dma_start3A_15 = arith.constant 0 : i32
    %dma_start3A_16 = tpu.memref_slice %arg6[%dma_start3A_15] : memref<4992xi32, #tpu.memory_space<vmem>> -> memref<96xi32, #tpu.memory_space<vmem>>
    %dma_start3A_17 = arith.constant 0 : i32
    %dma_start3A_18 = arith.constant 0 : i32
    %dma_start3A_19 = tpu.memref_slice %arg2[%dma_start3A_17, %dma_start3A_18] : memref<10000x128xf32, #tpu.memory_space<hbm>> -> memref<10000x128xf32, #tpu.memory_space<hbm>>
    %dma_start3A_20 = tpu.memref_slice %arg9[%dma_start3A_10] : memref<3x!tpu.dma_semaphore, #tpu.memory_space<semaphore_mem>> -> memref<1x!tpu.dma_semaphore, #tpu.memory_space<semaphore_mem>>
    %dma_start3A_21 = tpu.memref_squeeze %dma_start3A_20 : memref<1x!tpu.dma_semaphore, #tpu.memory_space<semaphore_mem>> -> memref<!tpu.dma_semaphore, #tpu.memory_space<semaphore_mem>>
    tpu.enqueue_indirect_dma source(%dma_start3A_19 : memref<10000x128xf32, #tpu.memory_space<hbm>>) target(%dma_start3A_14 : memref<96x128xf32, #tpu.memory_space<vmem>>) offsets(%dma_start3A_16 : memref<96xi32, #tpu.memory_space<vmem>>) semaphore(%dma_start3A_21 : memref<!tpu.dma_semaphore, #tpu.memory_space<semaphore_mem>>)
    %dma_start3A_22 = arith.constant 1 : i32
    %dma_start3A_23 = arith.constant 1 : i32
    %dma_start3A_24 = arith.constant 0 : i32
    %dma_start3A_25 = arith.constant 0 : i32
    %dma_start3A_26 = tpu.memref_slice %arg8[%dma_start3A_22, %dma_start3A_24, %dma_start3A_25] : memref<3x96x128xf32, #tpu.memory_space<vmem>> -> memref<1x96x128xf32, #tpu.memory_space<vmem>>
    %dma_start3A_27 = tpu.memref_squeeze %dma_start3A_26 : memref<1x96x128xf32, #tpu.memory_space<vmem>> -> memref<96x128xf32, #tpu.memory_space<vmem>>
    %dma_start3A_28 = arith.constant 96 : i32
    %dma_start3A_29 = tpu.memref_slice %arg6[%dma_start3A_28] : memref<4992xi32, #tpu.memory_space<vmem>> -> memref<96xi32, #tpu.memory_space<vmem>>
    %dma_start3A_30 = arith.constant 0 : i32
    %dma_start3A_31 = arith.constant 0 : i32
    %dma_start3A_32 = tpu.memref_slice %arg2[%dma_start3A_30, %dma_start3A_31] : memref<10000x128xf32, #tpu.memory_space<hbm>> -> memref<10000x128xf32, #tpu.memory_space<hbm>>
    %dma_start3A_33 = tpu.memref_slice %arg9[%dma_start3A_23] : memref<3x!tpu.dma_semaphore, #tpu.memory_space<semaphore_mem>> -> memref<1x!tpu.dma_semaphore, #tpu.memory_space<semaphore_mem>>
    %dma_start3A_34 = tpu.memref_squeeze %dma_start3A_33 : memref<1x!tpu.dma_semaphore, #tpu.memory_space<semaphore_mem>> -> memref<!tpu.dma_semaphore, #tpu.memory_space<semaphore_mem>>
    tpu.enqueue_indirect_dma source(%dma_start3A_32 : memref<10000x128xf32, #tpu.memory_space<hbm>>) target(%dma_start3A_27 : memref<96x128xf32, #tpu.memory_space<vmem>>) offsets(%dma_start3A_29 : memref<96xi32, #tpu.memory_space<vmem>>) semaphore(%dma_start3A_34 : memref<!tpu.dma_semaphore, #tpu.memory_space<semaphore_mem>>)
    %scan3A = arith.constant 0 : i32
    %scan3A_35 = arith.constant 16 : i32
    %scan3A_36 = arith.addi %scan3A, %scan3A_35 : i32
    %scan3A_37 = arith.constant 1 : i32
    scf.for %scan3A_475 = %scan3A to %scan3A_36 step %scan3A_37  : i32 {
      %mul3A_476 = arith.constant 1 : i32
      %mul3A_477 = arith.muli %scan3A_475, %mul3A_476 : i32
      %add3A_478 = arith.constant 0 : i32
      %add3A_479 = arith.addi %add3A_478, %mul3A_477 : i32
      %mul3A_480 = arith.constant 3 : i32
      %mul3A_481 = arith.muli %mul3A_480, %add3A_479 : i32
      %add3A_482 = arith.constant 2 : i32
      %add3A_483 = arith.addi %add3A_482, %mul3A_481 : i32
      %add3A_484 = arith.constant 0 : i32
      %add3A_485 = arith.addi %add3A_483, %add3A_484 : i32
      %gt3A = arith.constant 0 : i32
      %gt3A_486 = arith.cmpi sgt, %add3A_479, %gt3A : i32
      %convert_element_type3A_487 = arith.extui %gt3A_486 : i1 to i32
      %cond3A_488 = arith.constant 0 : i32
      %cond3A_489 = arith.cmpi ne, %convert_element_type3A_487, %cond3A_488 : i32
      scf.if %cond3A_489 {
        %sub3A_671 = arith.constant 3 : i32
        %sub3A_672 = arith.subi %add3A_485, %sub3A_671 : i32
        %mul3A_673 = arith.constant 96 : i32
        %mul3A_674 = arith.muli %sub3A_672, %mul3A_673 : i32
        %dma_wait3A_675 = arith.constant 2 : i32
        %dma_wait3A_676 = arith.constant 2 : i32
        %dma_wait3A_677 = arith.constant 0 : i32
        %dma_wait3A_678 = arith.constant 0 : i32
        %dma_wait3A_679 = tpu.memref_slice %arg8[%dma_wait3A_675, %dma_wait3A_677, %dma_wait3A_678] : memref<3x96x128xf32, #tpu.memory_space<vmem>> -> memref<1x96x128xf32, #tpu.memory_space<vmem>>
        %dma_wait3A_680 = tpu.memref_squeeze %dma_wait3A_679 : memref<1x96x128xf32, #tpu.memory_space<vmem>> -> memref<96x128xf32, #tpu.memory_space<vmem>>
        %dma_wait3A_681 = tpu.memref_slice %arg7[%mul3A_674] : memref<4992xi32, #tpu.memory_space<vmem>> -> memref<96xi32, #tpu.memory_space<vmem>>
        %dma_wait3A_682 = arith.constant 0 : i32
        %dma_wait3A_683 = arith.constant 0 : i32
        %dma_wait3A_684 = tpu.memref_slice %arg5[%dma_wait3A_682, %dma_wait3A_683] : memref<10000x128xf32, #tpu.memory_space<vmem_shared>> -> memref<10000x128xf32, #tpu.memory_space<vmem_shared>>
        %dma_wait3A_685 = tpu.memref_slice %arg10[%dma_wait3A_676] : memref<3x!tpu.dma_semaphore, #tpu.memory_space<semaphore_mem>> -> memref<1x!tpu.dma_semaphore, #tpu.memory_space<semaphore_mem>>
        %dma_wait3A_686 = tpu.memref_squeeze %dma_wait3A_685 : memref<1x!tpu.dma_semaphore, #tpu.memory_space<semaphore_mem>> -> memref<!tpu.dma_semaphore, #tpu.memory_space<semaphore_mem>>
        tpu.wait_indirect_dma semaphore(%dma_wait3A_686 : memref<!tpu.dma_semaphore, #tpu.memory_space<semaphore_mem>>) src(%dma_wait3A_680 : memref<96x128xf32, #tpu.memory_space<vmem>>) dst(%dma_wait3A_684 : memref<10000x128xf32, #tpu.memory_space<vmem_shared>>)
      } else {
      }
      %mul3A_490 = arith.constant 96 : i32
      %mul3A_491 = arith.muli %add3A_485, %mul3A_490 : i32
      %dma_start3A_492 = arith.constant 2 : i32
      %dma_start3A_493 = arith.constant 2 : i32
      %dma_start3A_494 = arith.constant 0 : i32
      %dma_start3A_495 = arith.constant 0 : i32
      %dma_start3A_496 = tpu.memref_slice %arg8[%dma_start3A_492, %dma_start3A_494, %dma_start3A_495] : memref<3x96x128xf32, #tpu.memory_space<vmem>> -> memref<1x96x128xf32, #tpu.memory_space<vmem>>
      %dma_start3A_497 = tpu.memref_squeeze %dma_start3A_496 : memref<1x96x128xf32, #tpu.memory_space<vmem>> -> memref<96x128xf32, #tpu.memory_space<vmem>>
      %dma_start3A_498 = tpu.memref_slice %arg6[%mul3A_491] : memref<4992xi32, #tpu.memory_space<vmem>> -> memref<96xi32, #tpu.memory_space<vmem>>
      %dma_start3A_499 = arith.constant 0 : i32
      %dma_start3A_500 = arith.constant 0 : i32
      %dma_start3A_501 = tpu.memref_slice %arg2[%dma_start3A_499, %dma_start3A_500] : memref<10000x128xf32, #tpu.memory_space<hbm>> -> memref<10000x128xf32, #tpu.memory_space<hbm>>
      %dma_start3A_502 = tpu.memref_slice %arg9[%dma_start3A_493] : memref<3x!tpu.dma_semaphore, #tpu.memory_space<semaphore_mem>> -> memref<1x!tpu.dma_semaphore, #tpu.memory_space<semaphore_mem>>
      %dma_start3A_503 = tpu.memref_squeeze %dma_start3A_502 : memref<1x!tpu.dma_semaphore, #tpu.memory_space<semaphore_mem>> -> memref<!tpu.dma_semaphore, #tpu.memory_space<semaphore_mem>>
      tpu.enqueue_indirect_dma source(%dma_start3A_501 : memref<10000x128xf32, #tpu.memory_space<hbm>>) target(%dma_start3A_497 : memref<96x128xf32, #tpu.memory_space<vmem>>) offsets(%dma_start3A_498 : memref<96xi32, #tpu.memory_space<vmem>>) semaphore(%dma_start3A_503 : memref<!tpu.dma_semaphore, #tpu.memory_space<semaphore_mem>>)
      %sub3A = arith.constant 2 : i32
      %sub3A_504 = arith.subi %add3A_485, %sub3A : i32
      %mul3A_505 = arith.constant 96 : i32
      %mul3A_506 = arith.muli %sub3A_504, %mul3A_505 : i32
      %dma_wait3A_507 = arith.constant 0 : i32
      %dma_wait3A_508 = arith.constant 0 : i32
      %dma_wait3A_509 = arith.constant 0 : i32
      %dma_wait3A_510 = arith.constant 0 : i32
      %dma_wait3A_511 = tpu.memref_slice %arg8[%dma_wait3A_507, %dma_wait3A_509, %dma_wait3A_510] : memref<3x96x128xf32, #tpu.memory_space<vmem>> -> memref<1x96x128xf32, #tpu.memory_space<vmem>>
      %dma_wait3A_512 = tpu.memref_squeeze %dma_wait3A_511 : memref<1x96x128xf32, #tpu.memory_space<vmem>> -> memref<96x128xf32, #tpu.memory_space<vmem>>
      %dma_wait3A_513 = tpu.memref_slice %arg6[%mul3A_506] : memref<4992xi32, #tpu.memory_space<vmem>> -> memref<96xi32, #tpu.memory_space<vmem>>
      %dma_wait3A_514 = arith.constant 0 : i32
      %dma_wait3A_515 = arith.constant 0 : i32
      %dma_wait3A_516 = tpu.memref_slice %arg2[%dma_wait3A_514, %dma_wait3A_515] : memref<10000x128xf32, #tpu.memory_space<hbm>> -> memref<10000x128xf32, #tpu.memory_space<hbm>>
      %dma_wait3A_517 = tpu.memref_slice %arg9[%dma_wait3A_508] : memref<3x!tpu.dma_semaphore, #tpu.memory_space<semaphore_mem>> -> memref<1x!tpu.dma_semaphore, #tpu.memory_space<semaphore_mem>>
      %dma_wait3A_518 = tpu.memref_squeeze %dma_wait3A_517 : memref<1x!tpu.dma_semaphore, #tpu.memory_space<semaphore_mem>> -> memref<!tpu.dma_semaphore, #tpu.memory_space<semaphore_mem>>
      tpu.wait_indirect_dma semaphore(%dma_wait3A_518 : memref<!tpu.dma_semaphore, #tpu.memory_space<semaphore_mem>>) src(%dma_wait3A_516 : memref<10000x128xf32, #tpu.memory_space<hbm>>) dst(%dma_wait3A_512 : memref<96x128xf32, #tpu.memory_space<vmem>>)
      %sub3A_519 = arith.constant 2 : i32
      %sub3A_520 = arith.subi %add3A_485, %sub3A_519 : i32
      %mul3A_521 = arith.constant 96 : i32
      %mul3A_522 = arith.muli %sub3A_520, %mul3A_521 : i32
      %dma_start3A_523 = arith.constant 0 : i32
      %dma_start3A_524 = arith.constant 0 : i32
      %dma_start3A_525 = arith.constant 0 : i32
      %dma_start3A_526 = arith.constant 0 : i32
      %dma_start3A_527 = tpu.memref_slice %arg8[%dma_start3A_523, %dma_start3A_525, %dma_start3A_526] : memref<3x96x128xf32, #tpu.memory_space<vmem>> -> memref<1x96x128xf32, #tpu.memory_space<vmem>>
      %dma_start3A_528 = tpu.memref_squeeze %dma_start3A_527 : memref<1x96x128xf32, #tpu.memory_space<vmem>> -> memref<96x128xf32, #tpu.memory_space<vmem>>
      %dma_start3A_529 = tpu.memref_slice %arg7[%mul3A_522] : memref<4992xi32, #tpu.memory_space<vmem>> -> memref<96xi32, #tpu.memory_space<vmem>>
      %dma_start3A_530 = arith.constant 0 : i32
      %dma_start3A_531 = arith.constant 0 : i32
      %dma_start3A_532 = tpu.memref_slice %arg5[%dma_start3A_530, %dma_start3A_531] : memref<10000x128xf32, #tpu.memory_space<vmem_shared>> -> memref<10000x128xf32, #tpu.memory_space<vmem_shared>>
      %dma_start3A_533 = tpu.memref_slice %arg10[%dma_start3A_524] : memref<3x!tpu.dma_semaphore, #tpu.memory_space<semaphore_mem>> -> memref<1x!tpu.dma_semaphore, #tpu.memory_space<semaphore_mem>>
      %dma_start3A_534 = tpu.memref_squeeze %dma_start3A_533 : memref<1x!tpu.dma_semaphore, #tpu.memory_space<semaphore_mem>> -> memref<!tpu.dma_semaphore, #tpu.memory_space<semaphore_mem>>
      tpu.enqueue_indirect_dma source(%dma_start3A_528 : memref<96x128xf32, #tpu.memory_space<vmem>>) target(%dma_start3A_532 : memref<10000x128xf32, #tpu.memory_space<vmem_shared>>) offsets(%dma_start3A_529 : memref<96xi32, #tpu.memory_space<vmem>>) semaphore(%dma_start3A_534 : memref<!tpu.dma_semaphore, #tpu.memory_space<semaphore_mem>>) {add = true}
      %mul3A_535 = arith.constant 3 : i32
      %mul3A_536 = arith.muli %mul3A_535, %add3A_479 : i32
      %add3A_537 = arith.constant 2 : i32
      %add3A_538 = arith.addi %add3A_537, %mul3A_536 : i32
      %add3A_539 = arith.constant 1 : i32
      %add3A_540 = arith.addi %add3A_538, %add3A_539 : i32
      %sub3A_541 = arith.constant 3 : i32
      %sub3A_542 = arith.subi %add3A_540, %sub3A_541 : i32
      %mul3A_543 = arith.constant 96 : i32
      %mul3A_544 = arith.muli %sub3A_542, %mul3A_543 : i32
      %dma_wait3A_545 = arith.constant 0 : i32
      %dma_wait3A_546 = arith.constant 0 : i32
      %dma_wait3A_547 = arith.constant 0 : i32
      %dma_wait3A_548 = arith.constant 0 : i32
      %dma_wait3A_549 = tpu.memref_slice %arg8[%dma_wait3A_545, %dma_wait3A_547, %dma_wait3A_548] : memref<3x96x128xf32, #tpu.memory_space<vmem>> -> memref<1x96x128xf32, #tpu.memory_space<vmem>>
      %dma_wait3A_550 = tpu.memref_squeeze %dma_wait3A_549 : memref<1x96x128xf32, #tpu.memory_space<vmem>> -> memref<96x128xf32, #tpu.memory_space<vmem>>
      %dma_wait3A_551 = tpu.memref_slice %arg7[%mul3A_544] : memref<4992xi32, #tpu.memory_space<vmem>> -> memref<96xi32, #tpu.memory_space<vmem>>
      %dma_wait3A_552 = arith.constant 0 : i32
      %dma_wait3A_553 = arith.constant 0 : i32
      %dma_wait3A_554 = tpu.memref_slice %arg5[%dma_wait3A_552, %dma_wait3A_553] : memref<10000x128xf32, #tpu.memory_space<vmem_shared>> -> memref<10000x128xf32, #tpu.memory_space<vmem_shared>>
      %dma_wait3A_555 = tpu.memref_slice %arg10[%dma_wait3A_546] : memref<3x!tpu.dma_semaphore, #tpu.memory_space<semaphore_mem>> -> memref<1x!tpu.dma_semaphore, #tpu.memory_space<semaphore_mem>>
      %dma_wait3A_556 = tpu.memref_squeeze %dma_wait3A_555 : memref<1x!tpu.dma_semaphore, #tpu.memory_space<semaphore_mem>> -> memref<!tpu.dma_semaphore, #tpu.memory_space<semaphore_mem>>
      tpu.wait_indirect_dma semaphore(%dma_wait3A_556 : memref<!tpu.dma_semaphore, #tpu.memory_space<semaphore_mem>>) src(%dma_wait3A_550 : memref<96x128xf32, #tpu.memory_space<vmem>>) dst(%dma_wait3A_554 : memref<10000x128xf32, #tpu.memory_space<vmem_shared>>)
      %mul3A_557 = arith.constant 96 : i32
      %mul3A_558 = arith.muli %add3A_540, %mul3A_557 : i32
      %dma_start3A_559 = arith.constant 0 : i32
      %dma_start3A_560 = arith.constant 0 : i32
      %dma_start3A_561 = arith.constant 0 : i32
      %dma_start3A_562 = arith.constant 0 : i32
      %dma_start3A_563 = tpu.memref_slice %arg8[%dma_start3A_559, %dma_start3A_561, %dma_start3A_562] : memref<3x96x128xf32, #tpu.memory_space<vmem>> -> memref<1x96x128xf32, #tpu.memory_space<vmem>>
      %dma_start3A_564 = tpu.memref_squeeze %dma_start3A_563 : memref<1x96x128xf32, #tpu.memory_space<vmem>> -> memref<96x128xf32, #tpu.memory_space<vmem>>
      %dma_start3A_565 = tpu.memref_slice %arg6[%mul3A_558] : memref<4992xi32, #tpu.memory_space<vmem>> -> memref<96xi32, #tpu.memory_space<vmem>>
      %dma_start3A_566 = arith.constant 0 : i32
      %dma_start3A_567 = arith.constant 0 : i32
      %dma_start3A_568 = tpu.memref_slice %arg2[%dma_start3A_566, %dma_start3A_567] : memref<10000x128xf32, #tpu.memory_space<hbm>> -> memref<10000x128xf32, #tpu.memory_space<hbm>>
      %dma_start3A_569 = tpu.memref_slice %arg9[%dma_start3A_560] : memref<3x!tpu.dma_semaphore, #tpu.memory_space<semaphore_mem>> -> memref<1x!tpu.dma_semaphore, #tpu.memory_space<semaphore_mem>>
      %dma_start3A_570 = tpu.memref_squeeze %dma_start3A_569 : memref<1x!tpu.dma_semaphore, #tpu.memory_space<semaphore_mem>> -> memref<!tpu.dma_semaphore, #tpu.memory_space<semaphore_mem>>
      tpu.enqueue_indirect_dma source(%dma_start3A_568 : memref<10000x128xf32, #tpu.memory_space<hbm>>) target(%dma_start3A_564 : memref<96x128xf32, #tpu.memory_space<vmem>>) offsets(%dma_start3A_565 : memref<96xi32, #tpu.memory_space<vmem>>) semaphore(%dma_start3A_570 : memref<!tpu.dma_semaphore, #tpu.memory_space<semaphore_mem>>)
      %sub3A_571 = arith.constant 2 : i32
      %sub3A_572 = arith.subi %add3A_540, %sub3A_571 : i32
      %mul3A_573 = arith.constant 96 : i32
      %mul3A_574 = arith.muli %sub3A_572, %mul3A_573 : i32
      %dma_wait3A_575 = arith.constant 1 : i32
      %dma_wait3A_576 = arith.constant 1 : i32
      %dma_wait3A_577 = arith.constant 0 : i32
      %dma_wait3A_578 = arith.constant 0 : i32
      %dma_wait3A_579 = tpu.memref_slice %arg8[%dma_wait3A_575, %dma_wait3A_577, %dma_wait3A_578] : memref<3x96x128xf32, #tpu.memory_space<vmem>> -> memref<1x96x128xf32, #tpu.memory_space<vmem>>
      %dma_wait3A_580 = tpu.memref_squeeze %dma_wait3A_579 : memref<1x96x128xf32, #tpu.memory_space<vmem>> -> memref<96x128xf32, #tpu.memory_space<vmem>>
      %dma_wait3A_581 = tpu.memref_slice %arg6[%mul3A_574] : memref<4992xi32, #tpu.memory_space<vmem>> -> memref<96xi32, #tpu.memory_space<vmem>>
      %dma_wait3A_582 = arith.constant 0 : i32
      %dma_wait3A_583 = arith.constant 0 : i32
      %dma_wait3A_584 = tpu.memref_slice %arg2[%dma_wait3A_582, %dma_wait3A_583] : memref<10000x128xf32, #tpu.memory_space<hbm>> -> memref<10000x128xf32, #tpu.memory_space<hbm>>
      %dma_wait3A_585 = tpu.memref_slice %arg9[%dma_wait3A_576] : memref<3x!tpu.dma_semaphore, #tpu.memory_space<semaphore_mem>> -> memref<1x!tpu.dma_semaphore, #tpu.memory_space<semaphore_mem>>
      %dma_wait3A_586 = tpu.memref_squeeze %dma_wait3A_585 : memref<1x!tpu.dma_semaphore, #tpu.memory_space<semaphore_mem>> -> memref<!tpu.dma_semaphore, #tpu.memory_space<semaphore_mem>>
      tpu.wait_indirect_dma semaphore(%dma_wait3A_586 : memref<!tpu.dma_semaphore, #tpu.memory_space<semaphore_mem>>) src(%dma_wait3A_584 : memref<10000x128xf32, #tpu.memory_space<hbm>>) dst(%dma_wait3A_580 : memref<96x128xf32, #tpu.memory_space<vmem>>)
      %sub3A_587 = arith.constant 2 : i32
      %sub3A_588 = arith.subi %add3A_540, %sub3A_587 : i32
      %mul3A_589 = arith.constant 96 : i32
      %mul3A_590 = arith.muli %sub3A_588, %mul3A_589 : i32
      %dma_start3A_591 = arith.constant 1 : i32
      %dma_start3A_592 = arith.constant 1 : i32
      %dma_start3A_593 = arith.constant 0 : i32
      %dma_start3A_594 = arith.constant 0 : i32
      %dma_start3A_595 = tpu.memref_slice %arg8[%dma_start3A_591, %dma_start3A_593, %dma_start3A_594] : memref<3x96x128xf32, #tpu.memory_space<vmem>> -> memref<1x96x128xf32, #tpu.memory_space<vmem>>
      %dma_start3A_596 = tpu.memref_squeeze %dma_start3A_595 : memref<1x96x128xf32, #tpu.memory_space<vmem>> -> memref<96x128xf32, #tpu.memory_space<vmem>>
      %dma_start3A_597 = tpu.memref_slice %arg7[%mul3A_590] : memref<4992xi32, #tpu.memory_space<vmem>> -> memref<96xi32, #tpu.memory_space<vmem>>
      %dma_start3A_598 = arith.constant 0 : i32
      %dma_start3A_599 = arith.constant 0 : i32
      %dma_start3A_600 = tpu.memref_slice %arg5[%dma_start3A_598, %dma_start3A_599] : memref<10000x128xf32, #tpu.memory_space<vmem_shared>> -> memref<10000x128xf32, #tpu.memory_space<vmem_shared>>
      %dma_start3A_601 = tpu.memref_slice %arg10[%dma_start3A_592] : memref<3x!tpu.dma_semaphore, #tpu.memory_space<semaphore_mem>> -> memref<1x!tpu.dma_semaphore, #tpu.memory_space<semaphore_mem>>
      %dma_start3A_602 = tpu.memref_squeeze %dma_start3A_601 : memref<1x!tpu.dma_semaphore, #tpu.memory_space<semaphore_mem>> -> memref<!tpu.dma_semaphore, #tpu.memory_space<semaphore_mem>>
      tpu.enqueue_indirect_dma source(%dma_start3A_596 : memref<96x128xf32, #tpu.memory_space<vmem>>) target(%dma_start3A_600 : memref<10000x128xf32, #tpu.memory_space<vmem_shared>>) offsets(%dma_start3A_597 : memref<96xi32, #tpu.memory_space<vmem>>) semaphore(%dma_start3A_602 : memref<!tpu.dma_semaphore, #tpu.memory_space<semaphore_mem>>) {add = true}
      %mul3A_603 = arith.constant 3 : i32
      %mul3A_604 = arith.muli %mul3A_603, %add3A_479 : i32
      %add3A_605 = arith.constant 2 : i32
      %add3A_606 = arith.addi %add3A_605, %mul3A_604 : i32
      %add3A_607 = arith.constant 2 : i32
      %add3A_608 = arith.addi %add3A_606, %add3A_607 : i32
      %sub3A_609 = arith.constant 3 : i32
      %sub3A_610 = arith.subi %add3A_608, %sub3A_609 : i32
      %mul3A_611 = arith.constant 96 : i32
      %mul3A_612 = arith.muli %sub3A_610, %mul3A_611 : i32
      %dma_wait3A_613 = arith.constant 1 : i32
      %dma_wait3A_614 = arith.constant 1 : i32
      %dma_wait3A_615 = arith.constant 0 : i32
      %dma_wait3A_616 = arith.constant 0 : i32
      %dma_wait3A_617 = tpu.memref_slice %arg8[%dma_wait3A_613, %dma_wait3A_615, %dma_wait3A_616] : memref<3x96x128xf32, #tpu.memory_space<vmem>> -> memref<1x96x128xf32, #tpu.memory_space<vmem>>
      %dma_wait3A_618 = tpu.memref_squeeze %dma_wait3A_617 : memref<1x96x128xf32, #tpu.memory_space<vmem>> -> memref<96x128xf32, #tpu.memory_space<vmem>>
      %dma_wait3A_619 = tpu.memref_slice %arg7[%mul3A_612] : memref<4992xi32, #tpu.memory_space<vmem>> -> memref<96xi32, #tpu.memory_space<vmem>>
      %dma_wait3A_620 = arith.constant 0 : i32
      %dma_wait3A_621 = arith.constant 0 : i32
      %dma_wait3A_622 = tpu.memref_slice %arg5[%dma_wait3A_620, %dma_wait3A_621] : memref<10000x128xf32, #tpu.memory_space<vmem_shared>> -> memref<10000x128xf32, #tpu.memory_space<vmem_shared>>
      %dma_wait3A_623 = tpu.memref_slice %arg10[%dma_wait3A_614] : memref<3x!tpu.dma_semaphore, #tpu.memory_space<semaphore_mem>> -> memref<1x!tpu.dma_semaphore, #tpu.memory_space<semaphore_mem>>
      %dma_wait3A_624 = tpu.memref_squeeze %dma_wait3A_623 : memref<1x!tpu.dma_semaphore, #tpu.memory_space<semaphore_mem>> -> memref<!tpu.dma_semaphore, #tpu.memory_space<semaphore_mem>>
      tpu.wait_indirect_dma semaphore(%dma_wait3A_624 : memref<!tpu.dma_semaphore, #tpu.memory_space<semaphore_mem>>) src(%dma_wait3A_618 : memref<96x128xf32, #tpu.memory_space<vmem>>) dst(%dma_wait3A_622 : memref<10000x128xf32, #tpu.memory_space<vmem_shared>>)
      %mul3A_625 = arith.constant 96 : i32
      %mul3A_626 = arith.muli %add3A_608, %mul3A_625 : i32
      %dma_start3A_627 = arith.constant 1 : i32
      %dma_start3A_628 = arith.constant 1 : i32
      %dma_start3A_629 = arith.constant 0 : i32
      %dma_start3A_630 = arith.constant 0 : i32
      %dma_start3A_631 = tpu.memref_slice %arg8[%dma_start3A_627, %dma_start3A_629, %dma_start3A_630] : memref<3x96x128xf32, #tpu.memory_space<vmem>> -> memref<1x96x128xf32, #tpu.memory_space<vmem>>
      %dma_start3A_632 = tpu.memref_squeeze %dma_start3A_631 : memref<1x96x128xf32, #tpu.memory_space<vmem>> -> memref<96x128xf32, #tpu.memory_space<vmem>>
      %dma_start3A_633 = tpu.memref_slice %arg6[%mul3A_626] : memref<4992xi32, #tpu.memory_space<vmem>> -> memref<96xi32, #tpu.memory_space<vmem>>
      %dma_start3A_634 = arith.constant 0 : i32
      %dma_start3A_635 = arith.constant 0 : i32
      %dma_start3A_636 = tpu.memref_slice %arg2[%dma_start3A_634, %dma_start3A_635] : memref<10000x128xf32, #tpu.memory_space<hbm>> -> memref<10000x128xf32, #tpu.memory_space<hbm>>
      %dma_start3A_637 = tpu.memref_slice %arg9[%dma_start3A_628] : memref<3x!tpu.dma_semaphore, #tpu.memory_space<semaphore_mem>> -> memref<1x!tpu.dma_semaphore, #tpu.memory_space<semaphore_mem>>
      %dma_start3A_638 = tpu.memref_squeeze %dma_start3A_637 : memref<1x!tpu.dma_semaphore, #tpu.memory_space<semaphore_mem>> -> memref<!tpu.dma_semaphore, #tpu.memory_space<semaphore_mem>>
      tpu.enqueue_indirect_dma source(%dma_start3A_636 : memref<10000x128xf32, #tpu.memory_space<hbm>>) target(%dma_start3A_632 : memref<96x128xf32, #tpu.memory_space<vmem>>) offsets(%dma_start3A_633 : memref<96xi32, #tpu.memory_space<vmem>>) semaphore(%dma_start3A_638 : memref<!tpu.dma_semaphore, #tpu.memory_space<semaphore_mem>>)
      %sub3A_639 = arith.constant 2 : i32
      %sub3A_640 = arith.subi %add3A_608, %sub3A_639 : i32
      %mul3A_641 = arith.constant 96 : i32
      %mul3A_642 = arith.muli %sub3A_640, %mul3A_641 : i32
      %dma_wait3A_643 = arith.constant 2 : i32
      %dma_wait3A_644 = arith.constant 2 : i32
      %dma_wait3A_645 = arith.constant 0 : i32
      %dma_wait3A_646 = arith.constant 0 : i32
      %dma_wait3A_647 = tpu.memref_slice %arg8[%dma_wait3A_643, %dma_wait3A_645, %dma_wait3A_646] : memref<3x96x128xf32, #tpu.memory_space<vmem>> -> memref<1x96x128xf32, #tpu.memory_space<vmem>>
      %dma_wait3A_648 = tpu.memref_squeeze %dma_wait3A_647 : memref<1x96x128xf32, #tpu.memory_space<vmem>> -> memref<96x128xf32, #tpu.memory_space<vmem>>
      %dma_wait3A_649 = tpu.memref_slice %arg6[%mul3A_642] : memref<4992xi32, #tpu.memory_space<vmem>> -> memref<96xi32, #tpu.memory_space<vmem>>
      %dma_wait3A_650 = arith.constant 0 : i32
      %dma_wait3A_651 = arith.constant 0 : i32
      %dma_wait3A_652 = tpu.memref_slice %arg2[%dma_wait3A_650, %dma_wait3A_651] : memref<10000x128xf32, #tpu.memory_space<hbm>> -> memref<10000x128xf32, #tpu.memory_space<hbm>>
      %dma_wait3A_653 = tpu.memref_slice %arg9[%dma_wait3A_644] : memref<3x!tpu.dma_semaphore, #tpu.memory_space<semaphore_mem>> -> memref<1x!tpu.dma_semaphore, #tpu.memory_space<semaphore_mem>>
      %dma_wait3A_654 = tpu.memref_squeeze %dma_wait3A_653 : memref<1x!tpu.dma_semaphore, #tpu.memory_space<semaphore_mem>> -> memref<!tpu.dma_semaphore, #tpu.memory_space<semaphore_mem>>
      tpu.wait_indirect_dma semaphore(%dma_wait3A_654 : memref<!tpu.dma_semaphore, #tpu.memory_space<semaphore_mem>>) src(%dma_wait3A_652 : memref<10000x128xf32, #tpu.memory_space<hbm>>) dst(%dma_wait3A_648 : memref<96x128xf32, #tpu.memory_space<vmem>>)
      %sub3A_655 = arith.constant 2 : i32
      %sub3A_656 = arith.subi %add3A_608, %sub3A_655 : i32
      %mul3A_657 = arith.constant 96 : i32
      %mul3A_658 = arith.muli %sub3A_656, %mul3A_657 : i32
      %dma_start3A_659 = arith.constant 2 : i32
      %dma_start3A_660 = arith.constant 2 : i32
      %dma_start3A_661 = arith.constant 0 : i32
      %dma_start3A_662 = arith.constant 0 : i32
      %dma_start3A_663 = tpu.memref_slice %arg8[%dma_start3A_659, %dma_start3A_661, %dma_start3A_662] : memref<3x96x128xf32, #tpu.memory_space<vmem>> -> memref<1x96x128xf32, #tpu.memory_space<vmem>>
      %dma_start3A_664 = tpu.memref_squeeze %dma_start3A_663 : memref<1x96x128xf32, #tpu.memory_space<vmem>> -> memref<96x128xf32, #tpu.memory_space<vmem>>
      %dma_start3A_665 = tpu.memref_slice %arg7[%mul3A_658] : memref<4992xi32, #tpu.memory_space<vmem>> -> memref<96xi32, #tpu.memory_space<vmem>>
      %dma_start3A_666 = arith.constant 0 : i32
      %dma_start3A_667 = arith.constant 0 : i32
      %dma_start3A_668 = tpu.memref_slice %arg5[%dma_start3A_666, %dma_start3A_667] : memref<10000x128xf32, #tpu.memory_space<vmem_shared>> -> memref<10000x128xf32, #tpu.memory_space<vmem_shared>>
      %dma_start3A_669 = tpu.memref_slice %arg10[%dma_start3A_660] : memref<3x!tpu.dma_semaphore, #tpu.memory_space<semaphore_mem>> -> memref<1x!tpu.dma_semaphore, #tpu.memory_space<semaphore_mem>>
      %dma_start3A_670 = tpu.memref_squeeze %dma_start3A_669 : memref<1x!tpu.dma_semaphore, #tpu.memory_space<semaphore_mem>> -> memref<!tpu.dma_semaphore, #tpu.memory_space<semaphore_mem>>
      tpu.enqueue_indirect_dma source(%dma_start3A_664 : memref<96x128xf32, #tpu.memory_space<vmem>>) target(%dma_start3A_668 : memref<10000x128xf32, #tpu.memory_space<vmem_shared>>) offsets(%dma_start3A_665 : memref<96xi32, #tpu.memory_space<vmem>>) semaphore(%dma_start3A_670 : memref<!tpu.dma_semaphore, #tpu.memory_space<semaphore_mem>>) {add = true}
    }
    %scan3A_38 = arith.constant 16 : i32
    %dma_wait3A = arith.constant 2 : i32
    %dma_wait3A_39 = arith.constant 2 : i32
    %dma_wait3A_40 = arith.constant 0 : i32
    %dma_wait3A_41 = arith.constant 0 : i32
    %dma_wait3A_42 = tpu.memref_slice %arg8[%dma_wait3A, %dma_wait3A_40, %dma_wait3A_41] : memref<3x96x128xf32, #tpu.memory_space<vmem>> -> memref<1x96x128xf32, #tpu.memory_space<vmem>>
    %dma_wait3A_43 = tpu.memref_squeeze %dma_wait3A_42 : memref<1x96x128xf32, #tpu.memory_space<vmem>> -> memref<96x128xf32, #tpu.memory_space<vmem>>
    %dma_wait3A_44 = arith.constant 4512 : i32
    %dma_wait3A_45 = tpu.memref_slice %arg7[%dma_wait3A_44] : memref<4992xi32, #tpu.memory_space<vmem>> -> memref<96xi32, #tpu.memory_space<vmem>>
    %dma_wait3A_46 = arith.constant 0 : i32
    %dma_wait3A_47 = arith.constant 0 : i32
    %dma_wait3A_48 = tpu.memref_slice %arg5[%dma_wait3A_46, %dma_wait3A_47] : memref<10000x128xf32, #tpu.memory_space<vmem_shared>> -> memref<10000x128xf32, #tpu.memory_space<vmem_shared>>
    %dma_wait3A_49 = tpu.memref_slice %arg10[%dma_wait3A_39] : memref<3x!tpu.dma_semaphore, #tpu.memory_space<semaphore_mem>> -> memref<1x!tpu.dma_semaphore, #tpu.memory_space<semaphore_mem>>
    %dma_wait3A_50 = tpu.memref_squeeze %dma_wait3A_49 : memref<1x!tpu.dma_semaphore, #tpu.memory_space<semaphore_mem>> -> memref<!tpu.dma_semaphore, #tpu.memory_space<semaphore_mem>>
    tpu.wait_indirect_dma semaphore(%dma_wait3A_50 : memref<!tpu.dma_semaphore, #tpu.memory_space<semaphore_mem>>) src(%dma_wait3A_43 : memref<96x128xf32, #tpu.memory_space<vmem>>) dst(%dma_wait3A_48 : memref<10000x128xf32, #tpu.memory_space<vmem_shared>>)
    %dma_start3A_51 = arith.constant 2 : i32
    %dma_start3A_52 = arith.constant 2 : i32
    %dma_start3A_53 = arith.constant 0 : i32
    %dma_start3A_54 = arith.constant 0 : i32
    %dma_start3A_55 = tpu.memref_slice %arg8[%dma_start3A_51, %dma_start3A_53, %dma_start3A_54] : memref<3x96x128xf32, #tpu.memory_space<vmem>> -> memref<1x96x128xf32, #tpu.memory_space<vmem>>
    %dma_start3A_56 = tpu.memref_squeeze %dma_start3A_55 : memref<1x96x128xf32, #tpu.memory_space<vmem>> -> memref<96x128xf32, #tpu.memory_space<vmem>>
    %dma_start3A_57 = arith.constant 4800 : i32
    %dma_start3A_58 = tpu.memref_slice %arg6[%dma_start3A_57] : memref<4992xi32, #tpu.memory_space<vmem>> -> memref<96xi32, #tpu.memory_space<vmem>>
    %dma_start3A_59 = arith.constant 0 : i32
    %dma_start3A_60 = arith.constant 0 : i32
    %dma_start3A_61 = tpu.memref_slice %arg2[%dma_start3A_59, %dma_start3A_60] : memref<10000x128xf32, #tpu.memory_space<hbm>> -> memref<10000x128xf32, #tpu.memory_space<hbm>>
    %dma_start3A_62 = tpu.memref_slice %arg9[%dma_start3A_52] : memref<3x!tpu.dma_semaphore, #tpu.memory_space<semaphore_mem>> -> memref<1x!tpu.dma_semaphore, #tpu.memory_space<semaphore_mem>>
    %dma_start3A_63 = tpu.memref_squeeze %dma_start3A_62 : memref<1x!tpu.dma_semaphore, #tpu.memory_space<semaphore_mem>> -> memref<!tpu.dma_semaphore, #tpu.memory_space<semaphore_mem>>
    tpu.enqueue_indirect_dma source(%dma_start3A_61 : memref<10000x128xf32, #tpu.memory_space<hbm>>) target(%dma_start3A_56 : memref<96x128xf32, #tpu.memory_space<vmem>>) offsets(%dma_start3A_58 : memref<96xi32, #tpu.memory_space<vmem>>) semaphore(%dma_start3A_63 : memref<!tpu.dma_semaphore, #tpu.memory_space<semaphore_mem>>)
    %dma_wait3A_64 = arith.constant 0 : i32
    %dma_wait3A_65 = arith.constant 0 : i32
    %dma_wait3A_66 = arith.constant 0 : i32
    %dma_wait3A_67 = arith.constant 0 : i32
    %dma_wait3A_68 = tpu.memref_slice %arg8[%dma_wait3A_64, %dma_wait3A_66, %dma_wait3A_67] : memref<3x96x128xf32, #tpu.memory_space<vmem>> -> memref<1x96x128xf32, #tpu.memory_space<vmem>>
    %dma_wait3A_69 = tpu.memref_squeeze %dma_wait3A_68 : memref<1x96x128xf32, #tpu.memory_space<vmem>> -> memref<96x128xf32, #tpu.memory_space<vmem>>
    %dma_wait3A_70 = arith.constant 4608 : i32
    %dma_wait3A_71 = tpu.memref_slice %arg6[%dma_wait3A_70] : memref<4992xi32, #tpu.memory_space<vmem>> -> memref<96xi32, #tpu.memory_space<vmem>>
    %dma_wait3A_72 = arith.constant 0 : i32
    %dma_wait3A_73 = arith.constant 0 : i32
    %dma_wait3A_74 = tpu.memref_slice %arg2[%dma_wait3A_72, %dma_wait3A_73] : memref<10000x128xf32, #tpu.memory_space<hbm>> -> memref<10000x128xf32, #tpu.memory_space<hbm>>
    %dma_wait3A_75 = tpu.memref_slice %arg9[%dma_wait3A_65] : memref<3x!tpu.dma_semaphore, #tpu.memory_space<semaphore_mem>> -> memref<1x!tpu.dma_semaphore, #tpu.memory_space<semaphore_mem>>
    %dma_wait3A_76 = tpu.memref_squeeze %dma_wait3A_75 : memref<1x!tpu.dma_semaphore, #tpu.memory_space<semaphore_mem>> -> memref<!tpu.dma_semaphore, #tpu.memory_space<semaphore_mem>>
    tpu.wait_indirect_dma semaphore(%dma_wait3A_76 : memref<!tpu.dma_semaphore, #tpu.memory_space<semaphore_mem>>) src(%dma_wait3A_74 : memref<10000x128xf32, #tpu.memory_space<hbm>>) dst(%dma_wait3A_69 : memref<96x128xf32, #tpu.memory_space<vmem>>)
    %dma_start3A_77 = arith.constant 0 : i32
    %dma_start3A_78 = arith.constant 0 : i32
    %dma_start3A_79 = arith.constant 0 : i32
    %dma_start3A_80 = arith.constant 0 : i32
    %dma_start3A_81 = tpu.memref_slice %arg8[%dma_start3A_77, %dma_start3A_79, %dma_start3A_80] : memref<3x96x128xf32, #tpu.memory_space<vmem>> -> memref<1x96x128xf32, #tpu.memory_space<vmem>>
    %dma_start3A_82 = tpu.memref_squeeze %dma_start3A_81 : memref<1x96x128xf32, #tpu.memory_space<vmem>> -> memref<96x128xf32, #tpu.memory_space<vmem>>
    %dma_start3A_83 = arith.constant 4608 : i32
    %dma_start3A_84 = tpu.memref_slice %arg7[%dma_start3A_83] : memref<4992xi32, #tpu.memory_space<vmem>> -> memref<96xi32, #tpu.memory_space<vmem>>
    %dma_start3A_85 = arith.constant 0 : i32
    %dma_start3A_86 = arith.constant 0 : i32
    %dma_start3A_87 = tpu.memref_slice %arg5[%dma_start3A_85, %dma_start3A_86] : memref<10000x128xf32, #tpu.memory_space<vmem_shared>> -> memref<10000x128xf32, #tpu.memory_space<vmem_shared>>
    %dma_start3A_88 = tpu.memref_slice %arg10[%dma_start3A_78] : memref<3x!tpu.dma_semaphore, #tpu.memory_space<semaphore_mem>> -> memref<1x!tpu.dma_semaphore, #tpu.memory_space<semaphore_mem>>
    %dma_start3A_89 = tpu.memref_squeeze %dma_start3A_88 : memref<1x!tpu.dma_semaphore, #tpu.memory_space<semaphore_mem>> -> memref<!tpu.dma_semaphore, #tpu.memory_space<semaphore_mem>>
    tpu.enqueue_indirect_dma source(%dma_start3A_82 : memref<96x128xf32, #tpu.memory_space<vmem>>) target(%dma_start3A_87 : memref<10000x128xf32, #tpu.memory_space<vmem_shared>>) offsets(%dma_start3A_84 : memref<96xi32, #tpu.memory_space<vmem>>) semaphore(%dma_start3A_89 : memref<!tpu.dma_semaphore, #tpu.memory_space<semaphore_mem>>) {add = true}
    %dma_wait3A_90 = arith.constant 0 : i32
    %dma_wait3A_91 = arith.constant 0 : i32
    %dma_wait3A_92 = arith.constant 0 : i32
    %dma_wait3A_93 = arith.constant 0 : i32
    %dma_wait3A_94 = tpu.memref_slice %arg8[%dma_wait3A_90, %dma_wait3A_92, %dma_wait3A_93] : memref<3x96x128xf32, #tpu.memory_space<vmem>> -> memref<1x96x128xf32, #tpu.memory_space<vmem>>
    %dma_wait3A_95 = tpu.memref_squeeze %dma_wait3A_94 : memref<1x96x128xf32, #tpu.memory_space<vmem>> -> memref<96x128xf32, #tpu.memory_space<vmem>>
    %dma_wait3A_96 = arith.constant 4608 : i32
    %dma_wait3A_97 = tpu.memref_slice %arg7[%dma_wait3A_96] : memref<4992xi32, #tpu.memory_space<vmem>> -> memref<96xi32, #tpu.memory_space<vmem>>
    %dma_wait3A_98 = arith.constant 0 : i32
    %dma_wait3A_99 = arith.constant 0 : i32
    %dma_wait3A_100 = tpu.memref_slice %arg5[%dma_wait3A_98, %dma_wait3A_99] : memref<10000x128xf32, #tpu.memory_space<vmem_shared>> -> memref<10000x128xf32, #tpu.memory_space<vmem_shared>>
    %dma_wait3A_101 = tpu.memref_slice %arg10[%dma_wait3A_91] : memref<3x!tpu.dma_semaphore, #tpu.memory_space<semaphore_mem>> -> memref<1x!tpu.dma_semaphore, #tpu.memory_space<semaphore_mem>>
    %dma_wait3A_102 = tpu.memref_squeeze %dma_wait3A_101 : memref<1x!tpu.dma_semaphore, #tpu.memory_space<semaphore_mem>> -> memref<!tpu.dma_semaphore, #tpu.memory_space<semaphore_mem>>
    tpu.wait_indirect_dma semaphore(%dma_wait3A_102 : memref<!tpu.dma_semaphore, #tpu.memory_space<semaphore_mem>>) src(%dma_wait3A_95 : memref<96x128xf32, #tpu.memory_space<vmem>>) dst(%dma_wait3A_100 : memref<10000x128xf32, #tpu.memory_space<vmem_shared>>)
    %dma_start3A_103 = arith.constant 0 : i32
    %dma_start3A_104 = arith.constant 0 : i32
    %dma_start3A_105 = arith.constant 0 : i32
    %dma_start3A_106 = arith.constant 0 : i32
    %dma_start3A_107 = tpu.memref_slice %arg8[%dma_start3A_103, %dma_start3A_105, %dma_start3A_106] : memref<3x96x128xf32, #tpu.memory_space<vmem>> -> memref<1x96x128xf32, #tpu.memory_space<vmem>>
    %dma_start3A_108 = tpu.memref_squeeze %dma_start3A_107 : memref<1x96x128xf32, #tpu.memory_space<vmem>> -> memref<96x128xf32, #tpu.memory_space<vmem>>
    %dma_start3A_109 = arith.constant 4896 : i32
    %dma_start3A_110 = tpu.memref_slice %arg6[%dma_start3A_109] : memref<4992xi32, #tpu.memory_space<vmem>> -> memref<96xi32, #tpu.memory_space<vmem>>
    %dma_start3A_111 = arith.constant 0 : i32
    %dma_start3A_112 = arith.constant 0 : i32
    %dma_start3A_113 = tpu.memref_slice %arg2[%dma_start3A_111, %dma_start3A_112] : memref<10000x128xf32, #tpu.memory_space<hbm>> -> memref<10000x128xf32, #tpu.memory_space<hbm>>
    %dma_start3A_114 = tpu.memref_slice %arg9[%dma_start3A_104] : memref<3x!tpu.dma_semaphore, #tpu.memory_space<semaphore_mem>> -> memref<1x!tpu.dma_semaphore, #tpu.memory_space<semaphore_mem>>
    %dma_start3A_115 = tpu.memref_squeeze %dma_start3A_114 : memref<1x!tpu.dma_semaphore, #tpu.memory_space<semaphore_mem>> -> memref<!tpu.dma_semaphore, #tpu.memory_space<semaphore_mem>>
    tpu.enqueue_indirect_dma source(%dma_start3A_113 : memref<10000x128xf32, #tpu.memory_space<hbm>>) target(%dma_start3A_108 : memref<96x128xf32, #tpu.memory_space<vmem>>) offsets(%dma_start3A_110 : memref<96xi32, #tpu.memory_space<vmem>>) semaphore(%dma_start3A_115 : memref<!tpu.dma_semaphore, #tpu.memory_space<semaphore_mem>>)
    %dma_wait3A_116 = arith.constant 1 : i32
    %dma_wait3A_117 = arith.constant 1 : i32
    %dma_wait3A_118 = arith.constant 0 : i32
    %dma_wait3A_119 = arith.constant 0 : i32
    %dma_wait3A_120 = tpu.memref_slice %arg8[%dma_wait3A_116, %dma_wait3A_118, %dma_wait3A_119] : memref<3x96x128xf32, #tpu.memory_space<vmem>> -> memref<1x96x128xf32, #tpu.memory_space<vmem>>
    %dma_wait3A_121 = tpu.memref_squeeze %dma_wait3A_120 : memref<1x96x128xf32, #tpu.memory_space<vmem>> -> memref<96x128xf32, #tpu.memory_space<vmem>>
    %dma_wait3A_122 = arith.constant 4704 : i32
    %dma_wait3A_123 = tpu.memref_slice %arg6[%dma_wait3A_122] : memref<4992xi32, #tpu.memory_space<vmem>> -> memref<96xi32, #tpu.memory_space<vmem>>
    %dma_wait3A_124 = arith.constant 0 : i32
    %dma_wait3A_125 = arith.constant 0 : i32
    %dma_wait3A_126 = tpu.memref_slice %arg2[%dma_wait3A_124, %dma_wait3A_125] : memref<10000x128xf32, #tpu.memory_space<hbm>> -> memref<10000x128xf32, #tpu.memory_space<hbm>>
    %dma_wait3A_127 = tpu.memref_slice %arg9[%dma_wait3A_117] : memref<3x!tpu.dma_semaphore, #tpu.memory_space<semaphore_mem>> -> memref<1x!tpu.dma_semaphore, #tpu.memory_space<semaphore_mem>>
    %dma_wait3A_128 = tpu.memref_squeeze %dma_wait3A_127 : memref<1x!tpu.dma_semaphore, #tpu.memory_space<semaphore_mem>> -> memref<!tpu.dma_semaphore, #tpu.memory_space<semaphore_mem>>
    tpu.wait_indirect_dma semaphore(%dma_wait3A_128 : memref<!tpu.dma_semaphore, #tpu.memory_space<semaphore_mem>>) src(%dma_wait3A_126 : memref<10000x128xf32, #tpu.memory_space<hbm>>) dst(%dma_wait3A_121 : memref<96x128xf32, #tpu.memory_space<vmem>>)
    %dma_start3A_129 = arith.constant 1 : i32
    %dma_start3A_130 = arith.constant 1 : i32
    %dma_start3A_131 = arith.constant 0 : i32
    %dma_start3A_132 = arith.constant 0 : i32
    %dma_start3A_133 = tpu.memref_slice %arg8[%dma_start3A_129, %dma_start3A_131, %dma_start3A_132] : memref<3x96x128xf32, #tpu.memory_space<vmem>> -> memref<1x96x128xf32, #tpu.memory_space<vmem>>
    %dma_start3A_134 = tpu.memref_squeeze %dma_start3A_133 : memref<1x96x128xf32, #tpu.memory_space<vmem>> -> memref<96x128xf32, #tpu.memory_space<vmem>>
    %dma_start3A_135 = arith.constant 4704 : i32
    %dma_start3A_136 = tpu.memref_slice %arg7[%dma_start3A_135] : memref<4992xi32, #tpu.memory_space<vmem>> -> memref<96xi32, #tpu.memory_space<vmem>>
    %dma_start3A_137 = arith.constant 0 : i32
    %dma_start3A_138 = arith.constant 0 : i32
    %dma_start3A_139 = tpu.memref_slice %arg5[%dma_start3A_137, %dma_start3A_138] : memref<10000x128xf32, #tpu.memory_space<vmem_shared>> -> memref<10000x128xf32, #tpu.memory_space<vmem_shared>>
    %dma_start3A_140 = tpu.memref_slice %arg10[%dma_start3A_130] : memref<3x!tpu.dma_semaphore, #tpu.memory_space<semaphore_mem>> -> memref<1x!tpu.dma_semaphore, #tpu.memory_space<semaphore_mem>>
    %dma_start3A_141 = tpu.memref_squeeze %dma_start3A_140 : memref<1x!tpu.dma_semaphore, #tpu.memory_space<semaphore_mem>> -> memref<!tpu.dma_semaphore, #tpu.memory_space<semaphore_mem>>
    tpu.enqueue_indirect_dma source(%dma_start3A_134 : memref<96x128xf32, #tpu.memory_space<vmem>>) target(%dma_start3A_139 : memref<10000x128xf32, #tpu.memory_space<vmem_shared>>) offsets(%dma_start3A_136 : memref<96xi32, #tpu.memory_space<vmem>>) semaphore(%dma_start3A_141 : memref<!tpu.dma_semaphore, #tpu.memory_space<semaphore_mem>>) {add = true}
    %dma_wait3A_142 = arith.constant 2 : i32
    %dma_wait3A_143 = arith.constant 2 : i32
    %dma_wait3A_144 = arith.constant 0 : i32
    %dma_wait3A_145 = arith.constant 0 : i32
    %dma_wait3A_146 = tpu.memref_slice %arg8[%dma_wait3A_142, %dma_wait3A_144, %dma_wait3A_145] : memref<3x96x128xf32, #tpu.memory_space<vmem>> -> memref<1x96x128xf32, #tpu.memory_space<vmem>>
    %dma_wait3A_147 = tpu.memref_squeeze %dma_wait3A_146 : memref<1x96x128xf32, #tpu.memory_space<vmem>> -> memref<96x128xf32, #tpu.memory_space<vmem>>
    %dma_wait3A_148 = arith.constant 4800 : i32
    %dma_wait3A_149 = tpu.memref_slice %arg6[%dma_wait3A_148] : memref<4992xi32, #tpu.memory_space<vmem>> -> memref<96xi32, #tpu.memory_space<vmem>>
    %dma_wait3A_150 = arith.constant 0 : i32
    %dma_wait3A_151 = arith.constant 0 : i32
    %dma_wait3A_152 = tpu.memref_slice %arg2[%dma_wait3A_150, %dma_wait3A_151] : memref<10000x128xf32, #tpu.memory_space<hbm>> -> memref<10000x128xf32, #tpu.memory_space<hbm>>
    %dma_wait3A_153 = tpu.memref_slice %arg9[%dma_wait3A_143] : memref<3x!tpu.dma_semaphore, #tpu.memory_space<semaphore_mem>> -> memref<1x!tpu.dma_semaphore, #tpu.memory_space<semaphore_mem>>
    %dma_wait3A_154 = tpu.memref_squeeze %dma_wait3A_153 : memref<1x!tpu.dma_semaphore, #tpu.memory_space<semaphore_mem>> -> memref<!tpu.dma_semaphore, #tpu.memory_space<semaphore_mem>>
    tpu.wait_indirect_dma semaphore(%dma_wait3A_154 : memref<!tpu.dma_semaphore, #tpu.memory_space<semaphore_mem>>) src(%dma_wait3A_152 : memref<10000x128xf32, #tpu.memory_space<hbm>>) dst(%dma_wait3A_147 : memref<96x128xf32, #tpu.memory_space<vmem>>)
    %dma_start3A_155 = arith.constant 2 : i32
    %dma_start3A_156 = arith.constant 2 : i32
    %dma_start3A_157 = arith.constant 0 : i32
    %dma_start3A_158 = arith.constant 0 : i32
    %dma_start3A_159 = tpu.memref_slice %arg8[%dma_start3A_155, %dma_start3A_157, %dma_start3A_158] : memref<3x96x128xf32, #tpu.memory_space<vmem>> -> memref<1x96x128xf32, #tpu.memory_space<vmem>>
    %dma_start3A_160 = tpu.memref_squeeze %dma_start3A_159 : memref<1x96x128xf32, #tpu.memory_space<vmem>> -> memref<96x128xf32, #tpu.memory_space<vmem>>
    %dma_start3A_161 = arith.constant 4800 : i32
    %dma_start3A_162 = tpu.memref_slice %arg7[%dma_start3A_161] : memref<4992xi32, #tpu.memory_space<vmem>> -> memref<96xi32, #tpu.memory_space<vmem>>
    %dma_start3A_163 = arith.constant 0 : i32
    %dma_start3A_164 = arith.constant 0 : i32
    %dma_start3A_165 = tpu.memref_slice %arg5[%dma_start3A_163, %dma_start3A_164] : memref<10000x128xf32, #tpu.memory_space<vmem_shared>> -> memref<10000x128xf32, #tpu.memory_space<vmem_shared>>
    %dma_start3A_166 = tpu.memref_slice %arg10[%dma_start3A_156] : memref<3x!tpu.dma_semaphore, #tpu.memory_space<semaphore_mem>> -> memref<1x!tpu.dma_semaphore, #tpu.memory_space<semaphore_mem>>
    %dma_start3A_167 = tpu.memref_squeeze %dma_start3A_166 : memref<1x!tpu.dma_semaphore, #tpu.memory_space<semaphore_mem>> -> memref<!tpu.dma_semaphore, #tpu.memory_space<semaphore_mem>>
    tpu.enqueue_indirect_dma source(%dma_start3A_160 : memref<96x128xf32, #tpu.memory_space<vmem>>) target(%dma_start3A_165 : memref<10000x128xf32, #tpu.memory_space<vmem_shared>>) offsets(%dma_start3A_162 : memref<96xi32, #tpu.memory_space<vmem>>) semaphore(%dma_start3A_167 : memref<!tpu.dma_semaphore, #tpu.memory_space<semaphore_mem>>) {add = true}
    %dma_wait3A_168 = arith.constant 0 : i32
    %dma_wait3A_169 = arith.constant 0 : i32
    %dma_wait3A_170 = arith.constant 0 : i32
    %dma_wait3A_171 = arith.constant 0 : i32
    %dma_wait3A_172 = tpu.memref_slice %arg8[%dma_wait3A_168, %dma_wait3A_170, %dma_wait3A_171] : memref<3x96x128xf32, #tpu.memory_space<vmem>> -> memref<1x96x128xf32, #tpu.memory_space<vmem>>
    %dma_wait3A_173 = tpu.memref_squeeze %dma_wait3A_172 : memref<1x96x128xf32, #tpu.memory_space<vmem>> -> memref<96x128xf32, #tpu.memory_space<vmem>>
    %dma_wait3A_174 = arith.constant 4896 : i32
    %dma_wait3A_175 = tpu.memref_slice %arg6[%dma_wait3A_174] : memref<4992xi32, #tpu.memory_space<vmem>> -> memref<96xi32, #tpu.memory_space<vmem>>
    %dma_wait3A_176 = arith.constant 0 : i32
    %dma_wait3A_177 = arith.constant 0 : i32
    %dma_wait3A_178 = tpu.memref_slice %arg2[%dma_wait3A_176, %dma_wait3A_177] : memref<10000x128xf32, #tpu.memory_space<hbm>> -> memref<10000x128xf32, #tpu.memory_space<hbm>>
    %dma_wait3A_179 = tpu.memref_slice %arg9[%dma_wait3A_169] : memref<3x!tpu.dma_semaphore, #tpu.memory_space<semaphore_mem>> -> memref<1x!tpu.dma_semaphore, #tpu.memory_space<semaphore_mem>>
    %dma_wait3A_180 = tpu.memref_squeeze %dma_wait3A_179 : memref<1x!tpu.dma_semaphore, #tpu.memory_space<semaphore_mem>> -> memref<!tpu.dma_semaphore, #tpu.memory_space<semaphore_mem>>
    tpu.wait_indirect_dma semaphore(%dma_wait3A_180 : memref<!tpu.dma_semaphore, #tpu.memory_space<semaphore_mem>>) src(%dma_wait3A_178 : memref<10000x128xf32, #tpu.memory_space<hbm>>) dst(%dma_wait3A_173 : memref<96x128xf32, #tpu.memory_space<vmem>>)
    %dma_start3A_181 = arith.constant 0 : i32
    %dma_start3A_182 = arith.constant 0 : i32
    %dma_start3A_183 = arith.constant 0 : i32
    %dma_start3A_184 = arith.constant 0 : i32
    %dma_start3A_185 = tpu.memref_slice %arg8[%dma_start3A_181, %dma_start3A_183, %dma_start3A_184] : memref<3x96x128xf32, #tpu.memory_space<vmem>> -> memref<1x96x128xf32, #tpu.memory_space<vmem>>
    %dma_start3A_186 = tpu.memref_squeeze %dma_start3A_185 : memref<1x96x128xf32, #tpu.memory_space<vmem>> -> memref<96x128xf32, #tpu.memory_space<vmem>>
    %dma_start3A_187 = arith.constant 4896 : i32
    %dma_start3A_188 = tpu.memref_slice %arg7[%dma_start3A_187] : memref<4992xi32, #tpu.memory_space<vmem>> -> memref<96xi32, #tpu.memory_space<vmem>>
    %dma_start3A_189 = arith.constant 0 : i32
    %dma_start3A_190 = arith.constant 0 : i32
    %dma_start3A_191 = tpu.memref_slice %arg5[%dma_start3A_189, %dma_start3A_190] : memref<10000x128xf32, #tpu.memory_space<vmem_shared>> -> memref<10000x128xf32, #tpu.memory_space<vmem_shared>>
    %dma_start3A_192 = tpu.memref_slice %arg10[%dma_start3A_182] : memref<3x!tpu.dma_semaphore, #tpu.memory_space<semaphore_mem>> -> memref<1x!tpu.dma_semaphore, #tpu.memory_space<semaphore_mem>>
    %dma_start3A_193 = tpu.memref_squeeze %dma_start3A_192 : memref<1x!tpu.dma_semaphore, #tpu.memory_space<semaphore_mem>> -> memref<!tpu.dma_semaphore, #tpu.memory_space<semaphore_mem>>
    tpu.enqueue_indirect_dma source(%dma_start3A_186 : memref<96x128xf32, #tpu.memory_space<vmem>>) target(%dma_start3A_191 : memref<10000x128xf32, #tpu.memory_space<vmem_shared>>) offsets(%dma_start3A_188 : memref<96xi32, #tpu.memory_space<vmem>>) semaphore(%dma_start3A_193 : memref<!tpu.dma_semaphore, #tpu.memory_space<semaphore_mem>>) {add = true}
    %dma_wait3A_194 = arith.constant 1 : i32
    %dma_wait3A_195 = arith.constant 1 : i32
    %dma_wait3A_196 = arith.constant 0 : i32
    %dma_wait3A_197 = arith.constant 0 : i32
    %dma_wait3A_198 = tpu.memref_slice %arg8[%dma_wait3A_194, %dma_wait3A_196, %dma_wait3A_197] : memref<3x96x128xf32, #tpu.memory_space<vmem>> -> memref<1x96x128xf32, #tpu.memory_space<vmem>>
    %dma_wait3A_199 = tpu.memref_squeeze %dma_wait3A_198 : memref<1x96x128xf32, #tpu.memory_space<vmem>> -> memref<96x128xf32, #tpu.memory_space<vmem>>
    %dma_wait3A_200 = arith.constant 4704 : i32
    %dma_wait3A_201 = tpu.memref_slice %arg7[%dma_wait3A_200] : memref<4992xi32, #tpu.memory_space<vmem>> -> memref<96xi32, #tpu.memory_space<vmem>>
    %dma_wait3A_202 = arith.constant 0 : i32
    %dma_wait3A_203 = arith.constant 0 : i32
    %dma_wait3A_204 = tpu.memref_slice %arg5[%dma_wait3A_202, %dma_wait3A_203] : memref<10000x128xf32, #tpu.memory_space<vmem_shared>> -> memref<10000x128xf32, #tpu.memory_space<vmem_shared>>
    %dma_wait3A_205 = tpu.memref_slice %arg10[%dma_wait3A_195] : memref<3x!tpu.dma_semaphore, #tpu.memory_space<semaphore_mem>> -> memref<1x!tpu.dma_semaphore, #tpu.memory_space<semaphore_mem>>
    %dma_wait3A_206 = tpu.memref_squeeze %dma_wait3A_205 : memref<1x!tpu.dma_semaphore, #tpu.memory_space<semaphore_mem>> -> memref<!tpu.dma_semaphore, #tpu.memory_space<semaphore_mem>>
    tpu.wait_indirect_dma semaphore(%dma_wait3A_206 : memref<!tpu.dma_semaphore, #tpu.memory_space<semaphore_mem>>) src(%dma_wait3A_199 : memref<96x128xf32, #tpu.memory_space<vmem>>) dst(%dma_wait3A_204 : memref<10000x128xf32, #tpu.memory_space<vmem_shared>>)
    %dma_wait3A_207 = arith.constant 2 : i32
    %dma_wait3A_208 = arith.constant 2 : i32
    %dma_wait3A_209 = arith.constant 0 : i32
    %dma_wait3A_210 = arith.constant 0 : i32
    %dma_wait3A_211 = tpu.memref_slice %arg8[%dma_wait3A_207, %dma_wait3A_209, %dma_wait3A_210] : memref<3x96x128xf32, #tpu.memory_space<vmem>> -> memref<1x96x128xf32, #tpu.memory_space<vmem>>
    %dma_wait3A_212 = tpu.memref_squeeze %dma_wait3A_211 : memref<1x96x128xf32, #tpu.memory_space<vmem>> -> memref<96x128xf32, #tpu.memory_space<vmem>>
    %dma_wait3A_213 = arith.constant 4800 : i32
    %dma_wait3A_214 = tpu.memref_slice %arg7[%dma_wait3A_213] : memref<4992xi32, #tpu.memory_space<vmem>> -> memref<96xi32, #tpu.memory_space<vmem>>
    %dma_wait3A_215 = arith.constant 0 : i32
    %dma_wait3A_216 = arith.constant 0 : i32
    %dma_wait3A_217 = tpu.memref_slice %arg5[%dma_wait3A_215, %dma_wait3A_216] : memref<10000x128xf32, #tpu.memory_space<vmem_shared>> -> memref<10000x128xf32, #tpu.memory_space<vmem_shared>>
    %dma_wait3A_218 = tpu.memref_slice %arg10[%dma_wait3A_208] : memref<3x!tpu.dma_semaphore, #tpu.memory_space<semaphore_mem>> -> memref<1x!tpu.dma_semaphore, #tpu.memory_space<semaphore_mem>>
    %dma_wait3A_219 = tpu.memref_squeeze %dma_wait3A_218 : memref<1x!tpu.dma_semaphore, #tpu.memory_space<semaphore_mem>> -> memref<!tpu.dma_semaphore, #tpu.memory_space<semaphore_mem>>
    tpu.wait_indirect_dma semaphore(%dma_wait3A_219 : memref<!tpu.dma_semaphore, #tpu.memory_space<semaphore_mem>>) src(%dma_wait3A_212 : memref<96x128xf32, #tpu.memory_space<vmem>>) dst(%dma_wait3A_217 : memref<10000x128xf32, #tpu.memory_space<vmem_shared>>)
    %dma_wait3A_220 = arith.constant 0 : i32
    %dma_wait3A_221 = arith.constant 0 : i32
    %dma_wait3A_222 = arith.constant 0 : i32
    %dma_wait3A_223 = arith.constant 0 : i32
    %dma_wait3A_224 = tpu.memref_slice %arg8[%dma_wait3A_220, %dma_wait3A_222, %dma_wait3A_223] : memref<3x96x128xf32, #tpu.memory_space<vmem>> -> memref<1x96x128xf32, #tpu.memory_space<vmem>>
    %dma_wait3A_225 = tpu.memref_squeeze %dma_wait3A_224 : memref<1x96x128xf32, #tpu.memory_space<vmem>> -> memref<96x128xf32, #tpu.memory_space<vmem>>
    %dma_wait3A_226 = arith.constant 4896 : i32
    %dma_wait3A_227 = tpu.memref_slice %arg7[%dma_wait3A_226] : memref<4992xi32, #tpu.memory_space<vmem>> -> memref<96xi32, #tpu.memory_space<vmem>>
    %dma_wait3A_228 = arith.constant 0 : i32
    %dma_wait3A_229 = arith.constant 0 : i32
    %dma_wait3A_230 = tpu.memref_slice %arg5[%dma_wait3A_228, %dma_wait3A_229] : memref<10000x128xf32, #tpu.memory_space<vmem_shared>> -> memref<10000x128xf32, #tpu.memory_space<vmem_shared>>
    %dma_wait3A_231 = tpu.memref_slice %arg10[%dma_wait3A_221] : memref<3x!tpu.dma_semaphore, #tpu.memory_space<semaphore_mem>> -> memref<1x!tpu.dma_semaphore, #tpu.memory_space<semaphore_mem>>
    %dma_wait3A_232 = tpu.memref_squeeze %dma_wait3A_231 : memref<1x!tpu.dma_semaphore, #tpu.memory_space<semaphore_mem>> -> memref<!tpu.dma_semaphore, #tpu.memory_space<semaphore_mem>>
    tpu.wait_indirect_dma semaphore(%dma_wait3A_232 : memref<!tpu.dma_semaphore, #tpu.memory_space<semaphore_mem>>) src(%dma_wait3A_225 : memref<96x128xf32, #tpu.memory_space<vmem>>) dst(%dma_wait3A_230 : memref<10000x128xf32, #tpu.memory_space<vmem_shared>>)
    %add3A_233 = arith.constant 4992 : i32
    %add3A_234 = arith.addi %add3A, %add3A_233 : i32
    %run_scoped3A_235 = arith.constant 0 : i32
    "tpu.region"() ({
      %run_scoped3A_475 = tpu.sem_alloc : memref<!tpu.dma_semaphore, #tpu.memory_space<semaphore_mem>>
      %dma_start3A_476 = arith.constant 0 : i32
      %dma_start3A_477 = tpu.memref_slice %arg3[%run_scoped3A_235, %dma_start3A_476] : memref<2x320000xi32, #tpu.memory_space<hbm>> -> memref<1x320000xi32, #tpu.memory_space<hbm>>
      %dma_start3A_478 = tpu.memref_squeeze %dma_start3A_477 : memref<1x320000xi32, #tpu.memory_space<hbm>> -> memref<320000xi32, #tpu.memory_space<hbm>>
      %dma_start3A_479 = tpu.memref_slice %dma_start3A_478[%add3A_234] : memref<320000xi32, #tpu.memory_space<hbm>> -> memref<4992xi32, #tpu.memory_space<hbm>>
      %dma_start3A_480 = arith.constant 0 : i32
      %dma_start3A_481 = tpu.memref_slice %arg3[%run_scoped3A_235, %dma_start3A_480] : memref<2x320000xi32, #tpu.memory_space<hbm>> -> memref<1x320000xi32, #tpu.memory_space<hbm>>
      %dma_start3A_482 = tpu.memref_squeeze %dma_start3A_481 : memref<1x320000xi32, #tpu.memory_space<hbm>> -> memref<320000xi32, #tpu.memory_space<hbm>>
      %dma_start3A_483 = tpu.memref_slice %dma_start3A_482[%add3A_234] : memref<320000xi32, #tpu.memory_space<hbm>> -> memref<4992xi32, #tpu.memory_space<hbm>>
      tpu.enqueue_dma source(%dma_start3A_483 : memref<4992xi32, #tpu.memory_space<hbm>>) target(%arg6 : memref<4992xi32, #tpu.memory_space<vmem>>) target_semaphore(%run_scoped3A_475 : memref<!tpu.dma_semaphore, #tpu.memory_space<semaphore_mem>>)
      %dma_wait3A_484 = arith.constant 0 : i32
      %dma_wait3A_485 = tpu.memref_slice %arg3[%run_scoped3A_235, %dma_wait3A_484] : memref<2x320000xi32, #tpu.memory_space<hbm>> -> memref<1x320000xi32, #tpu.memory_space<hbm>>
      %dma_wait3A_486 = tpu.memref_squeeze %dma_wait3A_485 : memref<1x320000xi32, #tpu.memory_space<hbm>> -> memref<320000xi32, #tpu.memory_space<hbm>>
      %dma_wait3A_487 = tpu.memref_slice %dma_wait3A_486[%add3A_234] : memref<320000xi32, #tpu.memory_space<hbm>> -> memref<4992xi32, #tpu.memory_space<hbm>>
      %dma_wait3A_488 = arith.constant 0 : i32
      %dma_wait3A_489 = tpu.memref_slice %arg3[%run_scoped3A_235, %dma_wait3A_488] : memref<2x320000xi32, #tpu.memory_space<hbm>> -> memref<1x320000xi32, #tpu.memory_space<hbm>>
      %dma_wait3A_490 = tpu.memref_squeeze %dma_wait3A_489 : memref<1x320000xi32, #tpu.memory_space<hbm>> -> memref<320000xi32, #tpu.memory_space<hbm>>
      %dma_wait3A_491 = tpu.memref_slice %dma_wait3A_490[%add3A_234] : memref<320000xi32, #tpu.memory_space<hbm>> -> memref<4992xi32, #tpu.memory_space<hbm>>
      tpu.wait_dma2 semaphore(%run_scoped3A_475 : memref<!tpu.dma_semaphore, #tpu.memory_space<semaphore_mem>>) src(%dma_wait3A_491 : memref<4992xi32, #tpu.memory_space<hbm>>) dst(%arg6 : memref<4992xi32, #tpu.memory_space<vmem>>)
      tpu.yield
    }) : () -> ()
    %run_scoped3A_236 = arith.constant 1 : i32
    "tpu.region"() ({
      %run_scoped3A_475 = tpu.sem_alloc : memref<!tpu.dma_semaphore, #tpu.memory_space<semaphore_mem>>
      %dma_start3A_476 = arith.constant 0 : i32
      %dma_start3A_477 = tpu.memref_slice %arg3[%run_scoped3A_236, %dma_start3A_476] : memref<2x320000xi32, #tpu.memory_space<hbm>> -> memref<1x320000xi32, #tpu.memory_space<hbm>>
      %dma_start3A_478 = tpu.memref_squeeze %dma_start3A_477 : memref<1x320000xi32, #tpu.memory_space<hbm>> -> memref<320000xi32, #tpu.memory_space<hbm>>
      %dma_start3A_479 = tpu.memref_slice %dma_start3A_478[%add3A_234] : memref<320000xi32, #tpu.memory_space<hbm>> -> memref<4992xi32, #tpu.memory_space<hbm>>
      %dma_start3A_480 = arith.constant 0 : i32
      %dma_start3A_481 = tpu.memref_slice %arg3[%run_scoped3A_236, %dma_start3A_480] : memref<2x320000xi32, #tpu.memory_space<hbm>> -> memref<1x320000xi32, #tpu.memory_space<hbm>>
      %dma_start3A_482 = tpu.memref_squeeze %dma_start3A_481 : memref<1x320000xi32, #tpu.memory_space<hbm>> -> memref<320000xi32, #tpu.memory_space<hbm>>
      %dma_start3A_483 = tpu.memref_slice %dma_start3A_482[%add3A_234] : memref<320000xi32, #tpu.memory_space<hbm>> -> memref<4992xi32, #tpu.memory_space<hbm>>
      tpu.enqueue_dma source(%dma_start3A_483 : memref<4992xi32, #tpu.memory_space<hbm>>) target(%arg7 : memref<4992xi32, #tpu.memory_space<vmem>>) target_semaphore(%run_scoped3A_475 : memref<!tpu.dma_semaphore, #tpu.memory_space<semaphore_mem>>)
      %dma_wait3A_484 = arith.constant 0 : i32
      %dma_wait3A_485 = tpu.memref_slice %arg3[%run_scoped3A_236, %dma_wait3A_484] : memref<2x320000xi32, #tpu.memory_space<hbm>> -> memref<1x320000xi32, #tpu.memory_space<hbm>>
      %dma_wait3A_486 = tpu.memref_squeeze %dma_wait3A_485 : memref<1x320000xi32, #tpu.memory_space<hbm>> -> memref<320000xi32, #tpu.memory_space<hbm>>
      %dma_wait3A_487 = tpu.memref_slice %dma_wait3A_486[%add3A_234] : memref<320000xi32, #tpu.memory_space<hbm>> -> memref<4992xi32, #tpu.memory_space<hbm>>
      %dma_wait3A_488 = arith.constant 0 : i32
      %dma_wait3A_489 = tpu.memref_slice %arg3[%run_scoped3A_236, %dma_wait3A_488] : memref<2x320000xi32, #tpu.memory_space<hbm>> -> memref<1x320000xi32, #tpu.memory_space<hbm>>
      %dma_wait3A_490 = tpu.memref_squeeze %dma_wait3A_489 : memref<1x320000xi32, #tpu.memory_space<hbm>> -> memref<320000xi32, #tpu.memory_space<hbm>>
      %dma_wait3A_491 = tpu.memref_slice %dma_wait3A_490[%add3A_234] : memref<320000xi32, #tpu.memory_space<hbm>> -> memref<4992xi32, #tpu.memory_space<hbm>>
      tpu.wait_dma2 semaphore(%run_scoped3A_475 : memref<!tpu.dma_semaphore, #tpu.memory_space<semaphore_mem>>) src(%dma_wait3A_491 : memref<4992xi32, #tpu.memory_space<hbm>>) dst(%arg7 : memref<4992xi32, #tpu.memory_space<vmem>>)
      tpu.yield
    }) : () -> ()
    %dma_start3A_237 = arith.constant 0 : i32
    %dma_start3A_238 = arith.constant 0 : i32
    %dma_start3A_239 = arith.constant 0 : i32
    %dma_start3A_240 = arith.constant 0 : i32
    %dma_start3A_241 = tpu.memref_slice %arg8[%dma_start3A_237, %dma_start3A_239, %dma_start3A_240] : memref<3x96x128xf32, #tpu.memory_space<vmem>> -> memref<1x96x128xf32, #tpu.memory_space<vmem>>
    %dma_start3A_242 = tpu.memref_squeeze %dma_start3A_241 : memref<1x96x128xf32, #tpu.memory_space<vmem>> -> memref<96x128xf32, #tpu.memory_space<vmem>>
    %dma_start3A_243 = arith.constant 0 : i32
    %dma_start3A_244 = tpu.memref_slice %arg6[%dma_start3A_243] : memref<4992xi32, #tpu.memory_space<vmem>> -> memref<96xi32, #tpu.memory_space<vmem>>
    %dma_start3A_245 = arith.constant 0 : i32
    %dma_start3A_246 = arith.constant 0 : i32
    %dma_start3A_247 = tpu.memref_slice %arg2[%dma_start3A_245, %dma_start3A_246] : memref<10000x128xf32, #tpu.memory_space<hbm>> -> memref<10000x128xf32, #tpu.memory_space<hbm>>
    %dma_start3A_248 = tpu.memref_slice %arg9[%dma_start3A_238] : memref<3x!tpu.dma_semaphore, #tpu.memory_space<semaphore_mem>> -> memref<1x!tpu.dma_semaphore, #tpu.memory_space<semaphore_mem>>
    %dma_start3A_249 = tpu.memref_squeeze %dma_start3A_248 : memref<1x!tpu.dma_semaphore, #tpu.memory_space<semaphore_mem>> -> memref<!tpu.dma_semaphore, #tpu.memory_space<semaphore_mem>>
    tpu.enqueue_indirect_dma source(%dma_start3A_247 : memref<10000x128xf32, #tpu.memory_space<hbm>>) target(%dma_start3A_242 : memref<96x128xf32, #tpu.memory_space<vmem>>) offsets(%dma_start3A_244 : memref<96xi32, #tpu.memory_space<vmem>>) semaphore(%dma_start3A_249 : memref<!tpu.dma_semaphore, #tpu.memory_space<semaphore_mem>>)
    %dma_start3A_250 = arith.constant 1 : i32
    %dma_start3A_251 = arith.constant 1 : i32
    %dma_start3A_252 = arith.constant 0 : i32
    %dma_start3A_253 = arith.constant 0 : i32
    %dma_start3A_254 = tpu.memref_slice %arg8[%dma_start3A_250, %dma_start3A_252, %dma_start3A_253] : memref<3x96x128xf32, #tpu.memory_space<vmem>> -> memref<1x96x128xf32, #tpu.memory_space<vmem>>
    %dma_start3A_255 = tpu.memref_squeeze %dma_start3A_254 : memref<1x96x128xf32, #tpu.memory_space<vmem>> -> memref<96x128xf32, #tpu.memory_space<vmem>>
    %dma_start3A_256 = arith.constant 96 : i32
    %dma_start3A_257 = tpu.memref_slice %arg6[%dma_start3A_256] : memref<4992xi32, #tpu.memory_space<vmem>> -> memref<96xi32, #tpu.memory_space<vmem>>
    %dma_start3A_258 = arith.constant 0 : i32
    %dma_start3A_259 = arith.constant 0 : i32
    %dma_start3A_260 = tpu.memref_slice %arg2[%dma_start3A_258, %dma_start3A_259] : memref<10000x128xf32, #tpu.memory_space<hbm>> -> memref<10000x128xf32, #tpu.memory_space<hbm>>
    %dma_start3A_261 = tpu.memref_slice %arg9[%dma_start3A_251] : memref<3x!tpu.dma_semaphore, #tpu.memory_space<semaphore_mem>> -> memref<1x!tpu.dma_semaphore, #tpu.memory_space<semaphore_mem>>
    %dma_start3A_262 = tpu.memref_squeeze %dma_start3A_261 : memref<1x!tpu.dma_semaphore, #tpu.memory_space<semaphore_mem>> -> memref<!tpu.dma_semaphore, #tpu.memory_space<semaphore_mem>>
    tpu.enqueue_indirect_dma source(%dma_start3A_260 : memref<10000x128xf32, #tpu.memory_space<hbm>>) target(%dma_start3A_255 : memref<96x128xf32, #tpu.memory_space<vmem>>) offsets(%dma_start3A_257 : memref<96xi32, #tpu.memory_space<vmem>>) semaphore(%dma_start3A_262 : memref<!tpu.dma_semaphore, #tpu.memory_space<semaphore_mem>>)
    %scan3A_263 = arith.constant 0 : i32
    %scan3A_264 = arith.constant 16 : i32
    %scan3A_265 = arith.addi %scan3A_263, %scan3A_264 : i32
    %scan3A_266 = arith.constant 1 : i32
    scf.for %scan3A_475 = %scan3A_263 to %scan3A_265 step %scan3A_266  : i32 {
      %mul3A_476 = arith.constant 1 : i32
      %mul3A_477 = arith.muli %scan3A_475, %mul3A_476 : i32
      %add3A_478 = arith.constant 0 : i32
      %add3A_479 = arith.addi %add3A_478, %mul3A_477 : i32
      %mul3A_480 = arith.constant 3 : i32
      %mul3A_481 = arith.muli %mul3A_480, %add3A_479 : i32
      %add3A_482 = arith.constant 2 : i32
      %add3A_483 = arith.addi %add3A_482, %mul3A_481 : i32
      %add3A_484 = arith.constant 0 : i32
      %add3A_485 = arith.addi %add3A_483, %add3A_484 : i32
      %gt3A = arith.constant 0 : i32
      %gt3A_486 = arith.cmpi sgt, %add3A_479, %gt3A : i32
      %convert_element_type3A_487 = arith.extui %gt3A_486 : i1 to i32
      %cond3A_488 = arith.constant 0 : i32
      %cond3A_489 = arith.cmpi ne, %convert_element_type3A_487, %cond3A_488 : i32
      scf.if %cond3A_489 {
        %sub3A_671 = arith.constant 3 : i32
        %sub3A_672 = arith.subi %add3A_485, %sub3A_671 : i32
        %mul3A_673 = arith.constant 96 : i32
        %mul3A_674 = arith.muli %sub3A_672, %mul3A_673 : i32
        %dma_wait3A_675 = arith.constant 2 : i32
        %dma_wait3A_676 = arith.constant 2 : i32
        %dma_wait3A_677 = arith.constant 0 : i32
        %dma_wait3A_678 = arith.constant 0 : i32
        %dma_wait3A_679 = tpu.memref_slice %arg8[%dma_wait3A_675, %dma_wait3A_677, %dma_wait3A_678] : memref<3x96x128xf32, #tpu.memory_space<vmem>> -> memref<1x96x128xf32, #tpu.memory_space<vmem>>
        %dma_wait3A_680 = tpu.memref_squeeze %dma_wait3A_679 : memref<1x96x128xf32, #tpu.memory_space<vmem>> -> memref<96x128xf32, #tpu.memory_space<vmem>>
        %dma_wait3A_681 = tpu.memref_slice %arg7[%mul3A_674] : memref<4992xi32, #tpu.memory_space<vmem>> -> memref<96xi32, #tpu.memory_space<vmem>>
        %dma_wait3A_682 = arith.constant 0 : i32
        %dma_wait3A_683 = arith.constant 0 : i32
        %dma_wait3A_684 = tpu.memref_slice %arg5[%dma_wait3A_682, %dma_wait3A_683] : memref<10000x128xf32, #tpu.memory_space<vmem_shared>> -> memref<10000x128xf32, #tpu.memory_space<vmem_shared>>
        %dma_wait3A_685 = tpu.memref_slice %arg10[%dma_wait3A_676] : memref<3x!tpu.dma_semaphore, #tpu.memory_space<semaphore_mem>> -> memref<1x!tpu.dma_semaphore, #tpu.memory_space<semaphore_mem>>
        %dma_wait3A_686 = tpu.memref_squeeze %dma_wait3A_685 : memref<1x!tpu.dma_semaphore, #tpu.memory_space<semaphore_mem>> -> memref<!tpu.dma_semaphore, #tpu.memory_space<semaphore_mem>>
        tpu.wait_indirect_dma semaphore(%dma_wait3A_686 : memref<!tpu.dma_semaphore, #tpu.memory_space<semaphore_mem>>) src(%dma_wait3A_680 : memref<96x128xf32, #tpu.memory_space<vmem>>) dst(%dma_wait3A_684 : memref<10000x128xf32, #tpu.memory_space<vmem_shared>>)
      } else {
      }
      %mul3A_490 = arith.constant 96 : i32
      %mul3A_491 = arith.muli %add3A_485, %mul3A_490 : i32
      %dma_start3A_492 = arith.constant 2 : i32
      %dma_start3A_493 = arith.constant 2 : i32
      %dma_start3A_494 = arith.constant 0 : i32
      %dma_start3A_495 = arith.constant 0 : i32
      %dma_start3A_496 = tpu.memref_slice %arg8[%dma_start3A_492, %dma_start3A_494, %dma_start3A_495] : memref<3x96x128xf32, #tpu.memory_space<vmem>> -> memref<1x96x128xf32, #tpu.memory_space<vmem>>
      %dma_start3A_497 = tpu.memref_squeeze %dma_start3A_496 : memref<1x96x128xf32, #tpu.memory_space<vmem>> -> memref<96x128xf32, #tpu.memory_space<vmem>>
      %dma_start3A_498 = tpu.memref_slice %arg6[%mul3A_491] : memref<4992xi32, #tpu.memory_space<vmem>> -> memref<96xi32, #tpu.memory_space<vmem>>
      %dma_start3A_499 = arith.constant 0 : i32
      %dma_start3A_500 = arith.constant 0 : i32
      %dma_start3A_501 = tpu.memref_slice %arg2[%dma_start3A_499, %dma_start3A_500] : memref<10000x128xf32, #tpu.memory_space<hbm>> -> memref<10000x128xf32, #tpu.memory_space<hbm>>
      %dma_start3A_502 = tpu.memref_slice %arg9[%dma_start3A_493] : memref<3x!tpu.dma_semaphore, #tpu.memory_space<semaphore_mem>> -> memref<1x!tpu.dma_semaphore, #tpu.memory_space<semaphore_mem>>
      %dma_start3A_503 = tpu.memref_squeeze %dma_start3A_502 : memref<1x!tpu.dma_semaphore, #tpu.memory_space<semaphore_mem>> -> memref<!tpu.dma_semaphore, #tpu.memory_space<semaphore_mem>>
      tpu.enqueue_indirect_dma source(%dma_start3A_501 : memref<10000x128xf32, #tpu.memory_space<hbm>>) target(%dma_start3A_497 : memref<96x128xf32, #tpu.memory_space<vmem>>) offsets(%dma_start3A_498 : memref<96xi32, #tpu.memory_space<vmem>>) semaphore(%dma_start3A_503 : memref<!tpu.dma_semaphore, #tpu.memory_space<semaphore_mem>>)
      %sub3A = arith.constant 2 : i32
      %sub3A_504 = arith.subi %add3A_485, %sub3A : i32
      %mul3A_505 = arith.constant 96 : i32
      %mul3A_506 = arith.muli %sub3A_504, %mul3A_505 : i32
      %dma_wait3A_507 = arith.constant 0 : i32
      %dma_wait3A_508 = arith.constant 0 : i32
      %dma_wait3A_509 = arith.constant 0 : i32
      %dma_wait3A_510 = arith.constant 0 : i32
      %dma_wait3A_511 = tpu.memref_slice %arg8[%dma_wait3A_507, %dma_wait3A_509, %dma_wait3A_510] : memref<3x96x128xf32, #tpu.memory_space<vmem>> -> memref<1x96x128xf32, #tpu.memory_space<vmem>>
      %dma_wait3A_512 = tpu.memref_squeeze %dma_wait3A_511 : memref<1x96x128xf32, #tpu.memory_space<vmem>> -> memref<96x128xf32, #tpu.memory_space<vmem>>
      %dma_wait3A_513 = tpu.memref_slice %arg6[%mul3A_506] : memref<4992xi32, #tpu.memory_space<vmem>> -> memref<96xi32, #tpu.memory_space<vmem>>
      %dma_wait3A_514 = arith.constant 0 : i32
      %dma_wait3A_515 = arith.constant 0 : i32
      %dma_wait3A_516 = tpu.memref_slice %arg2[%dma_wait3A_514, %dma_wait3A_515] : memref<10000x128xf32, #tpu.memory_space<hbm>> -> memref<10000x128xf32, #tpu.memory_space<hbm>>
      %dma_wait3A_517 = tpu.memref_slice %arg9[%dma_wait3A_508] : memref<3x!tpu.dma_semaphore, #tpu.memory_space<semaphore_mem>> -> memref<1x!tpu.dma_semaphore, #tpu.memory_space<semaphore_mem>>
      %dma_wait3A_518 = tpu.memref_squeeze %dma_wait3A_517 : memref<1x!tpu.dma_semaphore, #tpu.memory_space<semaphore_mem>> -> memref<!tpu.dma_semaphore, #tpu.memory_space<semaphore_mem>>
      tpu.wait_indirect_dma semaphore(%dma_wait3A_518 : memref<!tpu.dma_semaphore, #tpu.memory_space<semaphore_mem>>) src(%dma_wait3A_516 : memref<10000x128xf32, #tpu.memory_space<hbm>>) dst(%dma_wait3A_512 : memref<96x128xf32, #tpu.memory_space<vmem>>)
      %sub3A_519 = arith.constant 2 : i32
      %sub3A_520 = arith.subi %add3A_485, %sub3A_519 : i32
      %mul3A_521 = arith.constant 96 : i32
      %mul3A_522 = arith.muli %sub3A_520, %mul3A_521 : i32
      %dma_start3A_523 = arith.constant 0 : i32
      %dma_start3A_524 = arith.constant 0 : i32
      %dma_start3A_525 = arith.constant 0 : i32
      %dma_start3A_526 = arith.constant 0 : i32
      %dma_start3A_527 = tpu.memref_slice %arg8[%dma_start3A_523, %dma_start3A_525, %dma_start3A_526] : memref<3x96x128xf32, #tpu.memory_space<vmem>> -> memref<1x96x128xf32, #tpu.memory_space<vmem>>
      %dma_start3A_528 = tpu.memref_squeeze %dma_start3A_527 : memref<1x96x128xf32, #tpu.memory_space<vmem>> -> memref<96x128xf32, #tpu.memory_space<vmem>>
      %dma_start3A_529 = tpu.memref_slice %arg7[%mul3A_522] : memref<4992xi32, #tpu.memory_space<vmem>> -> memref<96xi32, #tpu.memory_space<vmem>>
      %dma_start3A_530 = arith.constant 0 : i32
      %dma_start3A_531 = arith.constant 0 : i32
      %dma_start3A_532 = tpu.memref_slice %arg5[%dma_start3A_530, %dma_start3A_531] : memref<10000x128xf32, #tpu.memory_space<vmem_shared>> -> memref<10000x128xf32, #tpu.memory_space<vmem_shared>>
      %dma_start3A_533 = tpu.memref_slice %arg10[%dma_start3A_524] : memref<3x!tpu.dma_semaphore, #tpu.memory_space<semaphore_mem>> -> memref<1x!tpu.dma_semaphore, #tpu.memory_space<semaphore_mem>>
      %dma_start3A_534 = tpu.memref_squeeze %dma_start3A_533 : memref<1x!tpu.dma_semaphore, #tpu.memory_space<semaphore_mem>> -> memref<!tpu.dma_semaphore, #tpu.memory_space<semaphore_mem>>
      tpu.enqueue_indirect_dma source(%dma_start3A_528 : memref<96x128xf32, #tpu.memory_space<vmem>>) target(%dma_start3A_532 : memref<10000x128xf32, #tpu.memory_space<vmem_shared>>) offsets(%dma_start3A_529 : memref<96xi32, #tpu.memory_space<vmem>>) semaphore(%dma_start3A_534 : memref<!tpu.dma_semaphore, #tpu.memory_space<semaphore_mem>>) {add = true}
      %mul3A_535 = arith.constant 3 : i32
      %mul3A_536 = arith.muli %mul3A_535, %add3A_479 : i32
      %add3A_537 = arith.constant 2 : i32
      %add3A_538 = arith.addi %add3A_537, %mul3A_536 : i32
      %add3A_539 = arith.constant 1 : i32
      %add3A_540 = arith.addi %add3A_538, %add3A_539 : i32
      %sub3A_541 = arith.constant 3 : i32
      %sub3A_542 = arith.subi %add3A_540, %sub3A_541 : i32
      %mul3A_543 = arith.constant 96 : i32
      %mul3A_544 = arith.muli %sub3A_542, %mul3A_543 : i32
      %dma_wait3A_545 = arith.constant 0 : i32
      %dma_wait3A_546 = arith.constant 0 : i32
      %dma_wait3A_547 = arith.constant 0 : i32
      %dma_wait3A_548 = arith.constant 0 : i32
      %dma_wait3A_549 = tpu.memref_slice %arg8[%dma_wait3A_545, %dma_wait3A_547, %dma_wait3A_548] : memref<3x96x128xf32, #tpu.memory_space<vmem>> -> memref<1x96x128xf32, #tpu.memory_space<vmem>>
      %dma_wait3A_550 = tpu.memref_squeeze %dma_wait3A_549 : memref<1x96x128xf32, #tpu.memory_space<vmem>> -> memref<96x128xf32, #tpu.memory_space<vmem>>
      %dma_wait3A_551 = tpu.memref_slice %arg7[%mul3A_544] : memref<4992xi32, #tpu.memory_space<vmem>> -> memref<96xi32, #tpu.memory_space<vmem>>
      %dma_wait3A_552 = arith.constant 0 : i32
      %dma_wait3A_553 = arith.constant 0 : i32
      %dma_wait3A_554 = tpu.memref_slice %arg5[%dma_wait3A_552, %dma_wait3A_553] : memref<10000x128xf32, #tpu.memory_space<vmem_shared>> -> memref<10000x128xf32, #tpu.memory_space<vmem_shared>>
      %dma_wait3A_555 = tpu.memref_slice %arg10[%dma_wait3A_546] : memref<3x!tpu.dma_semaphore, #tpu.memory_space<semaphore_mem>> -> memref<1x!tpu.dma_semaphore, #tpu.memory_space<semaphore_mem>>
      %dma_wait3A_556 = tpu.memref_squeeze %dma_wait3A_555 : memref<1x!tpu.dma_semaphore, #tpu.memory_space<semaphore_mem>> -> memref<!tpu.dma_semaphore, #tpu.memory_space<semaphore_mem>>
      tpu.wait_indirect_dma semaphore(%dma_wait3A_556 : memref<!tpu.dma_semaphore, #tpu.memory_space<semaphore_mem>>) src(%dma_wait3A_550 : memref<96x128xf32, #tpu.memory_space<vmem>>) dst(%dma_wait3A_554 : memref<10000x128xf32, #tpu.memory_space<vmem_shared>>)
      %mul3A_557 = arith.constant 96 : i32
      %mul3A_558 = arith.muli %add3A_540, %mul3A_557 : i32
      %dma_start3A_559 = arith.constant 0 : i32
      %dma_start3A_560 = arith.constant 0 : i32
      %dma_start3A_561 = arith.constant 0 : i32
      %dma_start3A_562 = arith.constant 0 : i32
      %dma_start3A_563 = tpu.memref_slice %arg8[%dma_start3A_559, %dma_start3A_561, %dma_start3A_562] : memref<3x96x128xf32, #tpu.memory_space<vmem>> -> memref<1x96x128xf32, #tpu.memory_space<vmem>>
      %dma_start3A_564 = tpu.memref_squeeze %dma_start3A_563 : memref<1x96x128xf32, #tpu.memory_space<vmem>> -> memref<96x128xf32, #tpu.memory_space<vmem>>
      %dma_start3A_565 = tpu.memref_slice %arg6[%mul3A_558] : memref<4992xi32, #tpu.memory_space<vmem>> -> memref<96xi32, #tpu.memory_space<vmem>>
      %dma_start3A_566 = arith.constant 0 : i32
      %dma_start3A_567 = arith.constant 0 : i32
      %dma_start3A_568 = tpu.memref_slice %arg2[%dma_start3A_566, %dma_start3A_567] : memref<10000x128xf32, #tpu.memory_space<hbm>> -> memref<10000x128xf32, #tpu.memory_space<hbm>>
      %dma_start3A_569 = tpu.memref_slice %arg9[%dma_start3A_560] : memref<3x!tpu.dma_semaphore, #tpu.memory_space<semaphore_mem>> -> memref<1x!tpu.dma_semaphore, #tpu.memory_space<semaphore_mem>>
      %dma_start3A_570 = tpu.memref_squeeze %dma_start3A_569 : memref<1x!tpu.dma_semaphore, #tpu.memory_space<semaphore_mem>> -> memref<!tpu.dma_semaphore, #tpu.memory_space<semaphore_mem>>
      tpu.enqueue_indirect_dma source(%dma_start3A_568 : memref<10000x128xf32, #tpu.memory_space<hbm>>) target(%dma_start3A_564 : memref<96x128xf32, #tpu.memory_space<vmem>>) offsets(%dma_start3A_565 : memref<96xi32, #tpu.memory_space<vmem>>) semaphore(%dma_start3A_570 : memref<!tpu.dma_semaphore, #tpu.memory_space<semaphore_mem>>)
      %sub3A_571 = arith.constant 2 : i32
      %sub3A_572 = arith.subi %add3A_540, %sub3A_571 : i32
      %mul3A_573 = arith.constant 96 : i32
      %mul3A_574 = arith.muli %sub3A_572, %mul3A_573 : i32
      %dma_wait3A_575 = arith.constant 1 : i32
      %dma_wait3A_576 = arith.constant 1 : i32
      %dma_wait3A_577 = arith.constant 0 : i32
      %dma_wait3A_578 = arith.constant 0 : i32
      %dma_wait3A_579 = tpu.memref_slice %arg8[%dma_wait3A_575, %dma_wait3A_577, %dma_wait3A_578] : memref<3x96x128xf32, #tpu.memory_space<vmem>> -> memref<1x96x128xf32, #tpu.memory_space<vmem>>
      %dma_wait3A_580 = tpu.memref_squeeze %dma_wait3A_579 : memref<1x96x128xf32, #tpu.memory_space<vmem>> -> memref<96x128xf32, #tpu.memory_space<vmem>>
      %dma_wait3A_581 = tpu.memref_slice %arg6[%mul3A_574] : memref<4992xi32, #tpu.memory_space<vmem>> -> memref<96xi32, #tpu.memory_space<vmem>>
      %dma_wait3A_582 = arith.constant 0 : i32
      %dma_wait3A_583 = arith.constant 0 : i32
      %dma_wait3A_584 = tpu.memref_slice %arg2[%dma_wait3A_582, %dma_wait3A_583] : memref<10000x128xf32, #tpu.memory_space<hbm>> -> memref<10000x128xf32, #tpu.memory_space<hbm>>
      %dma_wait3A_585 = tpu.memref_slice %arg9[%dma_wait3A_576] : memref<3x!tpu.dma_semaphore, #tpu.memory_space<semaphore_mem>> -> memref<1x!tpu.dma_semaphore, #tpu.memory_space<semaphore_mem>>
      %dma_wait3A_586 = tpu.memref_squeeze %dma_wait3A_585 : memref<1x!tpu.dma_semaphore, #tpu.memory_space<semaphore_mem>> -> memref<!tpu.dma_semaphore, #tpu.memory_space<semaphore_mem>>
      tpu.wait_indirect_dma semaphore(%dma_wait3A_586 : memref<!tpu.dma_semaphore, #tpu.memory_space<semaphore_mem>>) src(%dma_wait3A_584 : memref<10000x128xf32, #tpu.memory_space<hbm>>) dst(%dma_wait3A_580 : memref<96x128xf32, #tpu.memory_space<vmem>>)
      %sub3A_587 = arith.constant 2 : i32
      %sub3A_588 = arith.subi %add3A_540, %sub3A_587 : i32
      %mul3A_589 = arith.constant 96 : i32
      %mul3A_590 = arith.muli %sub3A_588, %mul3A_589 : i32
      %dma_start3A_591 = arith.constant 1 : i32
      %dma_start3A_592 = arith.constant 1 : i32
      %dma_start3A_593 = arith.constant 0 : i32
      %dma_start3A_594 = arith.constant 0 : i32
      %dma_start3A_595 = tpu.memref_slice %arg8[%dma_start3A_591, %dma_start3A_593, %dma_start3A_594] : memref<3x96x128xf32, #tpu.memory_space<vmem>> -> memref<1x96x128xf32, #tpu.memory_space<vmem>>
      %dma_start3A_596 = tpu.memref_squeeze %dma_start3A_595 : memref<1x96x128xf32, #tpu.memory_space<vmem>> -> memref<96x128xf32, #tpu.memory_space<vmem>>
      %dma_start3A_597 = tpu.memref_slice %arg7[%mul3A_590] : memref<4992xi32, #tpu.memory_space<vmem>> -> memref<96xi32, #tpu.memory_space<vmem>>
      %dma_start3A_598 = arith.constant 0 : i32
      %dma_start3A_599 = arith.constant 0 : i32
      %dma_start3A_600 = tpu.memref_slice %arg5[%dma_start3A_598, %dma_start3A_599] : memref<10000x128xf32, #tpu.memory_space<vmem_shared>> -> memref<10000x128xf32, #tpu.memory_space<vmem_shared>>
      %dma_start3A_601 = tpu.memref_slice %arg10[%dma_start3A_592] : memref<3x!tpu.dma_semaphore, #tpu.memory_space<semaphore_mem>> -> memref<1x!tpu.dma_semaphore, #tpu.memory_space<semaphore_mem>>
      %dma_start3A_602 = tpu.memref_squeeze %dma_start3A_601 : memref<1x!tpu.dma_semaphore, #tpu.memory_space<semaphore_mem>> -> memref<!tpu.dma_semaphore, #tpu.memory_space<semaphore_mem>>
      tpu.enqueue_indirect_dma source(%dma_start3A_596 : memref<96x128xf32, #tpu.memory_space<vmem>>) target(%dma_start3A_600 : memref<10000x128xf32, #tpu.memory_space<vmem_shared>>) offsets(%dma_start3A_597 : memref<96xi32, #tpu.memory_space<vmem>>) semaphore(%dma_start3A_602 : memref<!tpu.dma_semaphore, #tpu.memory_space<semaphore_mem>>) {add = true}
      %mul3A_603 = arith.constant 3 : i32
      %mul3A_604 = arith.muli %mul3A_603, %add3A_479 : i32
      %add3A_605 = arith.constant 2 : i32
      %add3A_606 = arith.addi %add3A_605, %mul3A_604 : i32
      %add3A_607 = arith.constant 2 : i32
      %add3A_608 = arith.addi %add3A_606, %add3A_607 : i32
      %sub3A_609 = arith.constant 3 : i32
      %sub3A_610 = arith.subi %add3A_608, %sub3A_609 : i32
      %mul3A_611 = arith.constant 96 : i32
      %mul3A_612 = arith.muli %sub3A_610, %mul3A_611 : i32
      %dma_wait3A_613 = arith.constant 1 : i32
      %dma_wait3A_614 = arith.constant 1 : i32
      %dma_wait3A_615 = arith.constant 0 : i32
      %dma_wait3A_616 = arith.constant 0 : i32
      %dma_wait3A_617 = tpu.memref_slice %arg8[%dma_wait3A_613, %dma_wait3A_615, %dma_wait3A_616] : memref<3x96x128xf32, #tpu.memory_space<vmem>> -> memref<1x96x128xf32, #tpu.memory_space<vmem>>
      %dma_wait3A_618 = tpu.memref_squeeze %dma_wait3A_617 : memref<1x96x128xf32, #tpu.memory_space<vmem>> -> memref<96x128xf32, #tpu.memory_space<vmem>>
      %dma_wait3A_619 = tpu.memref_slice %arg7[%mul3A_612] : memref<4992xi32, #tpu.memory_space<vmem>> -> memref<96xi32, #tpu.memory_space<vmem>>
      %dma_wait3A_620 = arith.constant 0 : i32
      %dma_wait3A_621 = arith.constant 0 : i32
      %dma_wait3A_622 = tpu.memref_slice %arg5[%dma_wait3A_620, %dma_wait3A_621] : memref<10000x128xf32, #tpu.memory_space<vmem_shared>> -> memref<10000x128xf32, #tpu.memory_space<vmem_shared>>
      %dma_wait3A_623 = tpu.memref_slice %arg10[%dma_wait3A_614] : memref<3x!tpu.dma_semaphore, #tpu.memory_space<semaphore_mem>> -> memref<1x!tpu.dma_semaphore, #tpu.memory_space<semaphore_mem>>
      %dma_wait3A_624 = tpu.memref_squeeze %dma_wait3A_623 : memref<1x!tpu.dma_semaphore, #tpu.memory_space<semaphore_mem>> -> memref<!tpu.dma_semaphore, #tpu.memory_space<semaphore_mem>>
      tpu.wait_indirect_dma semaphore(%dma_wait3A_624 : memref<!tpu.dma_semaphore, #tpu.memory_space<semaphore_mem>>) src(%dma_wait3A_618 : memref<96x128xf32, #tpu.memory_space<vmem>>) dst(%dma_wait3A_622 : memref<10000x128xf32, #tpu.memory_space<vmem_shared>>)
      %mul3A_625 = arith.constant 96 : i32
      %mul3A_626 = arith.muli %add3A_608, %mul3A_625 : i32
      %dma_start3A_627 = arith.constant 1 : i32
      %dma_start3A_628 = arith.constant 1 : i32
      %dma_start3A_629 = arith.constant 0 : i32
      %dma_start3A_630 = arith.constant 0 : i32
      %dma_start3A_631 = tpu.memref_slice %arg8[%dma_start3A_627, %dma_start3A_629, %dma_start3A_630] : memref<3x96x128xf32, #tpu.memory_space<vmem>> -> memref<1x96x128xf32, #tpu.memory_space<vmem>>
      %dma_start3A_632 = tpu.memref_squeeze %dma_start3A_631 : memref<1x96x128xf32, #tpu.memory_space<vmem>> -> memref<96x128xf32, #tpu.memory_space<vmem>>
      %dma_start3A_633 = tpu.memref_slice %arg6[%mul3A_626] : memref<4992xi32, #tpu.memory_space<vmem>> -> memref<96xi32, #tpu.memory_space<vmem>>
      %dma_start3A_634 = arith.constant 0 : i32
      %dma_start3A_635 = arith.constant 0 : i32
      %dma_start3A_636 = tpu.memref_slice %arg2[%dma_start3A_634, %dma_start3A_635] : memref<10000x128xf32, #tpu.memory_space<hbm>> -> memref<10000x128xf32, #tpu.memory_space<hbm>>
      %dma_start3A_637 = tpu.memref_slice %arg9[%dma_start3A_628] : memref<3x!tpu.dma_semaphore, #tpu.memory_space<semaphore_mem>> -> memref<1x!tpu.dma_semaphore, #tpu.memory_space<semaphore_mem>>
      %dma_start3A_638 = tpu.memref_squeeze %dma_start3A_637 : memref<1x!tpu.dma_semaphore, #tpu.memory_space<semaphore_mem>> -> memref<!tpu.dma_semaphore, #tpu.memory_space<semaphore_mem>>
      tpu.enqueue_indirect_dma source(%dma_start3A_636 : memref<10000x128xf32, #tpu.memory_space<hbm>>) target(%dma_start3A_632 : memref<96x128xf32, #tpu.memory_space<vmem>>) offsets(%dma_start3A_633 : memref<96xi32, #tpu.memory_space<vmem>>) semaphore(%dma_start3A_638 : memref<!tpu.dma_semaphore, #tpu.memory_space<semaphore_mem>>)
      %sub3A_639 = arith.constant 2 : i32
      %sub3A_640 = arith.subi %add3A_608, %sub3A_639 : i32
      %mul3A_641 = arith.constant 96 : i32
      %mul3A_642 = arith.muli %sub3A_640, %mul3A_641 : i32
      %dma_wait3A_643 = arith.constant 2 : i32
      %dma_wait3A_644 = arith.constant 2 : i32
      %dma_wait3A_645 = arith.constant 0 : i32
      %dma_wait3A_646 = arith.constant 0 : i32
      %dma_wait3A_647 = tpu.memref_slice %arg8[%dma_wait3A_643, %dma_wait3A_645, %dma_wait3A_646] : memref<3x96x128xf32, #tpu.memory_space<vmem>> -> memref<1x96x128xf32, #tpu.memory_space<vmem>>
      %dma_wait3A_648 = tpu.memref_squeeze %dma_wait3A_647 : memref<1x96x128xf32, #tpu.memory_space<vmem>> -> memref<96x128xf32, #tpu.memory_space<vmem>>
      %dma_wait3A_649 = tpu.memref_slice %arg6[%mul3A_642] : memref<4992xi32, #tpu.memory_space<vmem>> -> memref<96xi32, #tpu.memory_space<vmem>>
      %dma_wait3A_650 = arith.constant 0 : i32
      %dma_wait3A_651 = arith.constant 0 : i32
      %dma_wait3A_652 = tpu.memref_slice %arg2[%dma_wait3A_650, %dma_wait3A_651] : memref<10000x128xf32, #tpu.memory_space<hbm>> -> memref<10000x128xf32, #tpu.memory_space<hbm>>
      %dma_wait3A_653 = tpu.memref_slice %arg9[%dma_wait3A_644] : memref<3x!tpu.dma_semaphore, #tpu.memory_space<semaphore_mem>> -> memref<1x!tpu.dma_semaphore, #tpu.memory_space<semaphore_mem>>
      %dma_wait3A_654 = tpu.memref_squeeze %dma_wait3A_653 : memref<1x!tpu.dma_semaphore, #tpu.memory_space<semaphore_mem>> -> memref<!tpu.dma_semaphore, #tpu.memory_space<semaphore_mem>>
      tpu.wait_indirect_dma semaphore(%dma_wait3A_654 : memref<!tpu.dma_semaphore, #tpu.memory_space<semaphore_mem>>) src(%dma_wait3A_652 : memref<10000x128xf32, #tpu.memory_space<hbm>>) dst(%dma_wait3A_648 : memref<96x128xf32, #tpu.memory_space<vmem>>)
      %sub3A_655 = arith.constant 2 : i32
      %sub3A_656 = arith.subi %add3A_608, %sub3A_655 : i32
      %mul3A_657 = arith.constant 96 : i32
      %mul3A_658 = arith.muli %sub3A_656, %mul3A_657 : i32
      %dma_start3A_659 = arith.constant 2 : i32
      %dma_start3A_660 = arith.constant 2 : i32
      %dma_start3A_661 = arith.constant 0 : i32
      %dma_start3A_662 = arith.constant 0 : i32
      %dma_start3A_663 = tpu.memref_slice %arg8[%dma_start3A_659, %dma_start3A_661, %dma_start3A_662] : memref<3x96x128xf32, #tpu.memory_space<vmem>> -> memref<1x96x128xf32, #tpu.memory_space<vmem>>
      %dma_start3A_664 = tpu.memref_squeeze %dma_start3A_663 : memref<1x96x128xf32, #tpu.memory_space<vmem>> -> memref<96x128xf32, #tpu.memory_space<vmem>>
      %dma_start3A_665 = tpu.memref_slice %arg7[%mul3A_658] : memref<4992xi32, #tpu.memory_space<vmem>> -> memref<96xi32, #tpu.memory_space<vmem>>
      %dma_start3A_666 = arith.constant 0 : i32
      %dma_start3A_667 = arith.constant 0 : i32
      %dma_start3A_668 = tpu.memref_slice %arg5[%dma_start3A_666, %dma_start3A_667] : memref<10000x128xf32, #tpu.memory_space<vmem_shared>> -> memref<10000x128xf32, #tpu.memory_space<vmem_shared>>
      %dma_start3A_669 = tpu.memref_slice %arg10[%dma_start3A_660] : memref<3x!tpu.dma_semaphore, #tpu.memory_space<semaphore_mem>> -> memref<1x!tpu.dma_semaphore, #tpu.memory_space<semaphore_mem>>
      %dma_start3A_670 = tpu.memref_squeeze %dma_start3A_669 : memref<1x!tpu.dma_semaphore, #tpu.memory_space<semaphore_mem>> -> memref<!tpu.dma_semaphore, #tpu.memory_space<semaphore_mem>>
      tpu.enqueue_indirect_dma source(%dma_start3A_664 : memref<96x128xf32, #tpu.memory_space<vmem>>) target(%dma_start3A_668 : memref<10000x128xf32, #tpu.memory_space<vmem_shared>>) offsets(%dma_start3A_665 : memref<96xi32, #tpu.memory_space<vmem>>) semaphore(%dma_start3A_670 : memref<!tpu.dma_semaphore, #tpu.memory_space<semaphore_mem>>) {add = true}
    }
    %scan3A_267 = arith.constant 16 : i32
    %dma_wait3A_268 = arith.constant 2 : i32
    %dma_wait3A_269 = arith.constant 2 : i32
    %dma_wait3A_270 = arith.constant 0 : i32
    %dma_wait3A_271 = arith.constant 0 : i32
    %dma_wait3A_272 = tpu.memref_slice %arg8[%dma_wait3A_268, %dma_wait3A_270, %dma_wait3A_271] : memref<3x96x128xf32, #tpu.memory_space<vmem>> -> memref<1x96x128xf32, #tpu.memory_space<vmem>>
    %dma_wait3A_273 = tpu.memref_squeeze %dma_wait3A_272 : memref<1x96x128xf32, #tpu.memory_space<vmem>> -> memref<96x128xf32, #tpu.memory_space<vmem>>
    %dma_wait3A_274 = arith.constant 4512 : i32
    %dma_wait3A_275 = tpu.memref_slice %arg7[%dma_wait3A_274] : memref<4992xi32, #tpu.memory_space<vmem>> -> memref<96xi32, #tpu.memory_space<vmem>>
    %dma_wait3A_276 = arith.constant 0 : i32
    %dma_wait3A_277 = arith.constant 0 : i32
    %dma_wait3A_278 = tpu.memref_slice %arg5[%dma_wait3A_276, %dma_wait3A_277] : memref<10000x128xf32, #tpu.memory_space<vmem_shared>> -> memref<10000x128xf32, #tpu.memory_space<vmem_shared>>
    %dma_wait3A_279 = tpu.memref_slice %arg10[%dma_wait3A_269] : memref<3x!tpu.dma_semaphore, #tpu.memory_space<semaphore_mem>> -> memref<1x!tpu.dma_semaphore, #tpu.memory_space<semaphore_mem>>
    %dma_wait3A_280 = tpu.memref_squeeze %dma_wait3A_279 : memref<1x!tpu.dma_semaphore, #tpu.memory_space<semaphore_mem>> -> memref<!tpu.dma_semaphore, #tpu.memory_space<semaphore_mem>>
    tpu.wait_indirect_dma semaphore(%dma_wait3A_280 : memref<!tpu.dma_semaphore, #tpu.memory_space<semaphore_mem>>) src(%dma_wait3A_273 : memref<96x128xf32, #tpu.memory_space<vmem>>) dst(%dma_wait3A_278 : memref<10000x128xf32, #tpu.memory_space<vmem_shared>>)
    %dma_start3A_281 = arith.constant 2 : i32
    %dma_start3A_282 = arith.constant 2 : i32
    %dma_start3A_283 = arith.constant 0 : i32
    %dma_start3A_284 = arith.constant 0 : i32
    %dma_start3A_285 = tpu.memref_slice %arg8[%dma_start3A_281, %dma_start3A_283, %dma_start3A_284] : memref<3x96x128xf32, #tpu.memory_space<vmem>> -> memref<1x96x128xf32, #tpu.memory_space<vmem>>
    %dma_start3A_286 = tpu.memref_squeeze %dma_start3A_285 : memref<1x96x128xf32, #tpu.memory_space<vmem>> -> memref<96x128xf32, #tpu.memory_space<vmem>>
    %dma_start3A_287 = arith.constant 4800 : i32
    %dma_start3A_288 = tpu.memref_slice %arg6[%dma_start3A_287] : memref<4992xi32, #tpu.memory_space<vmem>> -> memref<96xi32, #tpu.memory_space<vmem>>
    %dma_start3A_289 = arith.constant 0 : i32
    %dma_start3A_290 = arith.constant 0 : i32
    %dma_start3A_291 = tpu.memref_slice %arg2[%dma_start3A_289, %dma_start3A_290] : memref<10000x128xf32, #tpu.memory_space<hbm>> -> memref<10000x128xf32, #tpu.memory_space<hbm>>
    %dma_start3A_292 = tpu.memref_slice %arg9[%dma_start3A_282] : memref<3x!tpu.dma_semaphore, #tpu.memory_space<semaphore_mem>> -> memref<1x!tpu.dma_semaphore, #tpu.memory_space<semaphore_mem>>
    %dma_start3A_293 = tpu.memref_squeeze %dma_start3A_292 : memref<1x!tpu.dma_semaphore, #tpu.memory_space<semaphore_mem>> -> memref<!tpu.dma_semaphore, #tpu.memory_space<semaphore_mem>>
    tpu.enqueue_indirect_dma source(%dma_start3A_291 : memref<10000x128xf32, #tpu.memory_space<hbm>>) target(%dma_start3A_286 : memref<96x128xf32, #tpu.memory_space<vmem>>) offsets(%dma_start3A_288 : memref<96xi32, #tpu.memory_space<vmem>>) semaphore(%dma_start3A_293 : memref<!tpu.dma_semaphore, #tpu.memory_space<semaphore_mem>>)
    %dma_wait3A_294 = arith.constant 0 : i32
    %dma_wait3A_295 = arith.constant 0 : i32
    %dma_wait3A_296 = arith.constant 0 : i32
    %dma_wait3A_297 = arith.constant 0 : i32
    %dma_wait3A_298 = tpu.memref_slice %arg8[%dma_wait3A_294, %dma_wait3A_296, %dma_wait3A_297] : memref<3x96x128xf32, #tpu.memory_space<vmem>> -> memref<1x96x128xf32, #tpu.memory_space<vmem>>
    %dma_wait3A_299 = tpu.memref_squeeze %dma_wait3A_298 : memref<1x96x128xf32, #tpu.memory_space<vmem>> -> memref<96x128xf32, #tpu.memory_space<vmem>>
    %dma_wait3A_300 = arith.constant 4608 : i32
    %dma_wait3A_301 = tpu.memref_slice %arg6[%dma_wait3A_300] : memref<4992xi32, #tpu.memory_space<vmem>> -> memref<96xi32, #tpu.memory_space<vmem>>
    %dma_wait3A_302 = arith.constant 0 : i32
    %dma_wait3A_303 = arith.constant 0 : i32
    %dma_wait3A_304 = tpu.memref_slice %arg2[%dma_wait3A_302, %dma_wait3A_303] : memref<10000x128xf32, #tpu.memory_space<hbm>> -> memref<10000x128xf32, #tpu.memory_space<hbm>>
    %dma_wait3A_305 = tpu.memref_slice %arg9[%dma_wait3A_295] : memref<3x!tpu.dma_semaphore, #tpu.memory_space<semaphore_mem>> -> memref<1x!tpu.dma_semaphore, #tpu.memory_space<semaphore_mem>>
    %dma_wait3A_306 = tpu.memref_squeeze %dma_wait3A_305 : memref<1x!tpu.dma_semaphore, #tpu.memory_space<semaphore_mem>> -> memref<!tpu.dma_semaphore, #tpu.memory_space<semaphore_mem>>
    tpu.wait_indirect_dma semaphore(%dma_wait3A_306 : memref<!tpu.dma_semaphore, #tpu.memory_space<semaphore_mem>>) src(%dma_wait3A_304 : memref<10000x128xf32, #tpu.memory_space<hbm>>) dst(%dma_wait3A_299 : memref<96x128xf32, #tpu.memory_space<vmem>>)
    %dma_start3A_307 = arith.constant 0 : i32
    %dma_start3A_308 = arith.constant 0 : i32
    %dma_start3A_309 = arith.constant 0 : i32
    %dma_start3A_310 = arith.constant 0 : i32
    %dma_start3A_311 = tpu.memref_slice %arg8[%dma_start3A_307, %dma_start3A_309, %dma_start3A_310] : memref<3x96x128xf32, #tpu.memory_space<vmem>> -> memref<1x96x128xf32, #tpu.memory_space<vmem>>
    %dma_start3A_312 = tpu.memref_squeeze %dma_start3A_311 : memref<1x96x128xf32, #tpu.memory_space<vmem>> -> memref<96x128xf32, #tpu.memory_space<vmem>>
    %dma_start3A_313 = arith.constant 4608 : i32
    %dma_start3A_314 = tpu.memref_slice %arg7[%dma_start3A_313] : memref<4992xi32, #tpu.memory_space<vmem>> -> memref<96xi32, #tpu.memory_space<vmem>>
    %dma_start3A_315 = arith.constant 0 : i32
    %dma_start3A_316 = arith.constant 0 : i32
    %dma_start3A_317 = tpu.memref_slice %arg5[%dma_start3A_315, %dma_start3A_316] : memref<10000x128xf32, #tpu.memory_space<vmem_shared>> -> memref<10000x128xf32, #tpu.memory_space<vmem_shared>>
    %dma_start3A_318 = tpu.memref_slice %arg10[%dma_start3A_308] : memref<3x!tpu.dma_semaphore, #tpu.memory_space<semaphore_mem>> -> memref<1x!tpu.dma_semaphore, #tpu.memory_space<semaphore_mem>>
    %dma_start3A_319 = tpu.memref_squeeze %dma_start3A_318 : memref<1x!tpu.dma_semaphore, #tpu.memory_space<semaphore_mem>> -> memref<!tpu.dma_semaphore, #tpu.memory_space<semaphore_mem>>
    tpu.enqueue_indirect_dma source(%dma_start3A_312 : memref<96x128xf32, #tpu.memory_space<vmem>>) target(%dma_start3A_317 : memref<10000x128xf32, #tpu.memory_space<vmem_shared>>) offsets(%dma_start3A_314 : memref<96xi32, #tpu.memory_space<vmem>>) semaphore(%dma_start3A_319 : memref<!tpu.dma_semaphore, #tpu.memory_space<semaphore_mem>>) {add = true}
    %dma_wait3A_320 = arith.constant 0 : i32
    %dma_wait3A_321 = arith.constant 0 : i32
    %dma_wait3A_322 = arith.constant 0 : i32
    %dma_wait3A_323 = arith.constant 0 : i32
    %dma_wait3A_324 = tpu.memref_slice %arg8[%dma_wait3A_320, %dma_wait3A_322, %dma_wait3A_323] : memref<3x96x128xf32, #tpu.memory_space<vmem>> -> memref<1x96x128xf32, #tpu.memory_space<vmem>>
    %dma_wait3A_325 = tpu.memref_squeeze %dma_wait3A_324 : memref<1x96x128xf32, #tpu.memory_space<vmem>> -> memref<96x128xf32, #tpu.memory_space<vmem>>
    %dma_wait3A_326 = arith.constant 4608 : i32
    %dma_wait3A_327 = tpu.memref_slice %arg7[%dma_wait3A_326] : memref<4992xi32, #tpu.memory_space<vmem>> -> memref<96xi32, #tpu.memory_space<vmem>>
    %dma_wait3A_328 = arith.constant 0 : i32
    %dma_wait3A_329 = arith.constant 0 : i32
    %dma_wait3A_330 = tpu.memref_slice %arg5[%dma_wait3A_328, %dma_wait3A_329] : memref<10000x128xf32, #tpu.memory_space<vmem_shared>> -> memref<10000x128xf32, #tpu.memory_space<vmem_shared>>
    %dma_wait3A_331 = tpu.memref_slice %arg10[%dma_wait3A_321] : memref<3x!tpu.dma_semaphore, #tpu.memory_space<semaphore_mem>> -> memref<1x!tpu.dma_semaphore, #tpu.memory_space<semaphore_mem>>
    %dma_wait3A_332 = tpu.memref_squeeze %dma_wait3A_331 : memref<1x!tpu.dma_semaphore, #tpu.memory_space<semaphore_mem>> -> memref<!tpu.dma_semaphore, #tpu.memory_space<semaphore_mem>>
    tpu.wait_indirect_dma semaphore(%dma_wait3A_332 : memref<!tpu.dma_semaphore, #tpu.memory_space<semaphore_mem>>) src(%dma_wait3A_325 : memref<96x128xf32, #tpu.memory_space<vmem>>) dst(%dma_wait3A_330 : memref<10000x128xf32, #tpu.memory_space<vmem_shared>>)
    %dma_start3A_333 = arith.constant 0 : i32
    %dma_start3A_334 = arith.constant 0 : i32
    %dma_start3A_335 = arith.constant 0 : i32
    %dma_start3A_336 = arith.constant 0 : i32
    %dma_start3A_337 = tpu.memref_slice %arg8[%dma_start3A_333, %dma_start3A_335, %dma_start3A_336] : memref<3x96x128xf32, #tpu.memory_space<vmem>> -> memref<1x96x128xf32, #tpu.memory_space<vmem>>
    %dma_start3A_338 = tpu.memref_squeeze %dma_start3A_337 : memref<1x96x128xf32, #tpu.memory_space<vmem>> -> memref<96x128xf32, #tpu.memory_space<vmem>>
    %dma_start3A_339 = arith.constant 4896 : i32
    %dma_start3A_340 = tpu.memref_slice %arg6[%dma_start3A_339] : memref<4992xi32, #tpu.memory_space<vmem>> -> memref<96xi32, #tpu.memory_space<vmem>>
    %dma_start3A_341 = arith.constant 0 : i32
    %dma_start3A_342 = arith.constant 0 : i32
    %dma_start3A_343 = tpu.memref_slice %arg2[%dma_start3A_341, %dma_start3A_342] : memref<10000x128xf32, #tpu.memory_space<hbm>> -> memref<10000x128xf32, #tpu.memory_space<hbm>>
    %dma_start3A_344 = tpu.memref_slice %arg9[%dma_start3A_334] : memref<3x!tpu.dma_semaphore, #tpu.memory_space<semaphore_mem>> -> memref<1x!tpu.dma_semaphore, #tpu.memory_space<semaphore_mem>>
    %dma_start3A_345 = tpu.memref_squeeze %dma_start3A_344 : memref<1x!tpu.dma_semaphore, #tpu.memory_space<semaphore_mem>> -> memref<!tpu.dma_semaphore, #tpu.memory_space<semaphore_mem>>
    tpu.enqueue_indirect_dma source(%dma_start3A_343 : memref<10000x128xf32, #tpu.memory_space<hbm>>) target(%dma_start3A_338 : memref<96x128xf32, #tpu.memory_space<vmem>>) offsets(%dma_start3A_340 : memref<96xi32, #tpu.memory_space<vmem>>) semaphore(%dma_start3A_345 : memref<!tpu.dma_semaphore, #tpu.memory_space<semaphore_mem>>)
    %dma_wait3A_346 = arith.constant 1 : i32
    %dma_wait3A_347 = arith.constant 1 : i32
    %dma_wait3A_348 = arith.constant 0 : i32
    %dma_wait3A_349 = arith.constant 0 : i32
    %dma_wait3A_350 = tpu.memref_slice %arg8[%dma_wait3A_346, %dma_wait3A_348, %dma_wait3A_349] : memref<3x96x128xf32, #tpu.memory_space<vmem>> -> memref<1x96x128xf32, #tpu.memory_space<vmem>>
    %dma_wait3A_351 = tpu.memref_squeeze %dma_wait3A_350 : memref<1x96x128xf32, #tpu.memory_space<vmem>> -> memref<96x128xf32, #tpu.memory_space<vmem>>
    %dma_wait3A_352 = arith.constant 4704 : i32
    %dma_wait3A_353 = tpu.memref_slice %arg6[%dma_wait3A_352] : memref<4992xi32, #tpu.memory_space<vmem>> -> memref<96xi32, #tpu.memory_space<vmem>>
    %dma_wait3A_354 = arith.constant 0 : i32
    %dma_wait3A_355 = arith.constant 0 : i32
    %dma_wait3A_356 = tpu.memref_slice %arg2[%dma_wait3A_354, %dma_wait3A_355] : memref<10000x128xf32, #tpu.memory_space<hbm>> -> memref<10000x128xf32, #tpu.memory_space<hbm>>
    %dma_wait3A_357 = tpu.memref_slice %arg9[%dma_wait3A_347] : memref<3x!tpu.dma_semaphore, #tpu.memory_space<semaphore_mem>> -> memref<1x!tpu.dma_semaphore, #tpu.memory_space<semaphore_mem>>
    %dma_wait3A_358 = tpu.memref_squeeze %dma_wait3A_357 : memref<1x!tpu.dma_semaphore, #tpu.memory_space<semaphore_mem>> -> memref<!tpu.dma_semaphore, #tpu.memory_space<semaphore_mem>>
    tpu.wait_indirect_dma semaphore(%dma_wait3A_358 : memref<!tpu.dma_semaphore, #tpu.memory_space<semaphore_mem>>) src(%dma_wait3A_356 : memref<10000x128xf32, #tpu.memory_space<hbm>>) dst(%dma_wait3A_351 : memref<96x128xf32, #tpu.memory_space<vmem>>)
    %dma_start3A_359 = arith.constant 1 : i32
    %dma_start3A_360 = arith.constant 1 : i32
    %dma_start3A_361 = arith.constant 0 : i32
    %dma_start3A_362 = arith.constant 0 : i32
    %dma_start3A_363 = tpu.memref_slice %arg8[%dma_start3A_359, %dma_start3A_361, %dma_start3A_362] : memref<3x96x128xf32, #tpu.memory_space<vmem>> -> memref<1x96x128xf32, #tpu.memory_space<vmem>>
    %dma_start3A_364 = tpu.memref_squeeze %dma_start3A_363 : memref<1x96x128xf32, #tpu.memory_space<vmem>> -> memref<96x128xf32, #tpu.memory_space<vmem>>
    %dma_start3A_365 = arith.constant 4704 : i32
    %dma_start3A_366 = tpu.memref_slice %arg7[%dma_start3A_365] : memref<4992xi32, #tpu.memory_space<vmem>> -> memref<96xi32, #tpu.memory_space<vmem>>
    %dma_start3A_367 = arith.constant 0 : i32
    %dma_start3A_368 = arith.constant 0 : i32
    %dma_start3A_369 = tpu.memref_slice %arg5[%dma_start3A_367, %dma_start3A_368] : memref<10000x128xf32, #tpu.memory_space<vmem_shared>> -> memref<10000x128xf32, #tpu.memory_space<vmem_shared>>
    %dma_start3A_370 = tpu.memref_slice %arg10[%dma_start3A_360] : memref<3x!tpu.dma_semaphore, #tpu.memory_space<semaphore_mem>> -> memref<1x!tpu.dma_semaphore, #tpu.memory_space<semaphore_mem>>
    %dma_start3A_371 = tpu.memref_squeeze %dma_start3A_370 : memref<1x!tpu.dma_semaphore, #tpu.memory_space<semaphore_mem>> -> memref<!tpu.dma_semaphore, #tpu.memory_space<semaphore_mem>>
    tpu.enqueue_indirect_dma source(%dma_start3A_364 : memref<96x128xf32, #tpu.memory_space<vmem>>) target(%dma_start3A_369 : memref<10000x128xf32, #tpu.memory_space<vmem_shared>>) offsets(%dma_start3A_366 : memref<96xi32, #tpu.memory_space<vmem>>) semaphore(%dma_start3A_371 : memref<!tpu.dma_semaphore, #tpu.memory_space<semaphore_mem>>) {add = true}
    %dma_wait3A_372 = arith.constant 2 : i32
    %dma_wait3A_373 = arith.constant 2 : i32
    %dma_wait3A_374 = arith.constant 0 : i32
    %dma_wait3A_375 = arith.constant 0 : i32
    %dma_wait3A_376 = tpu.memref_slice %arg8[%dma_wait3A_372, %dma_wait3A_374, %dma_wait3A_375] : memref<3x96x128xf32, #tpu.memory_space<vmem>> -> memref<1x96x128xf32, #tpu.memory_space<vmem>>
    %dma_wait3A_377 = tpu.memref_squeeze %dma_wait3A_376 : memref<1x96x128xf32, #tpu.memory_space<vmem>> -> memref<96x128xf32, #tpu.memory_space<vmem>>
    %dma_wait3A_378 = arith.constant 4800 : i32
    %dma_wait3A_379 = tpu.memref_slice %arg6[%dma_wait3A_378] : memref<4992xi32, #tpu.memory_space<vmem>> -> memref<96xi32, #tpu.memory_space<vmem>>
    %dma_wait3A_380 = arith.constant 0 : i32
    %dma_wait3A_381 = arith.constant 0 : i32
    %dma_wait3A_382 = tpu.memref_slice %arg2[%dma_wait3A_380, %dma_wait3A_381] : memref<10000x128xf32, #tpu.memory_space<hbm>> -> memref<10000x128xf32, #tpu.memory_space<hbm>>
    %dma_wait3A_383 = tpu.memref_slice %arg9[%dma_wait3A_373] : memref<3x!tpu.dma_semaphore, #tpu.memory_space<semaphore_mem>> -> memref<1x!tpu.dma_semaphore, #tpu.memory_space<semaphore_mem>>
    %dma_wait3A_384 = tpu.memref_squeeze %dma_wait3A_383 : memref<1x!tpu.dma_semaphore, #tpu.memory_space<semaphore_mem>> -> memref<!tpu.dma_semaphore, #tpu.memory_space<semaphore_mem>>
    tpu.wait_indirect_dma semaphore(%dma_wait3A_384 : memref<!tpu.dma_semaphore, #tpu.memory_space<semaphore_mem>>) src(%dma_wait3A_382 : memref<10000x128xf32, #tpu.memory_space<hbm>>) dst(%dma_wait3A_377 : memref<96x128xf32, #tpu.memory_space<vmem>>)
    %dma_start3A_385 = arith.constant 2 : i32
    %dma_start3A_386 = arith.constant 2 : i32
    %dma_start3A_387 = arith.constant 0 : i32
    %dma_start3A_388 = arith.constant 0 : i32
    %dma_start3A_389 = tpu.memref_slice %arg8[%dma_start3A_385, %dma_start3A_387, %dma_start3A_388] : memref<3x96x128xf32, #tpu.memory_space<vmem>> -> memref<1x96x128xf32, #tpu.memory_space<vmem>>
    %dma_start3A_390 = tpu.memref_squeeze %dma_start3A_389 : memref<1x96x128xf32, #tpu.memory_space<vmem>> -> memref<96x128xf32, #tpu.memory_space<vmem>>
    %dma_start3A_391 = arith.constant 4800 : i32
    %dma_start3A_392 = tpu.memref_slice %arg7[%dma_start3A_391] : memref<4992xi32, #tpu.memory_space<vmem>> -> memref<96xi32, #tpu.memory_space<vmem>>
    %dma_start3A_393 = arith.constant 0 : i32
    %dma_start3A_394 = arith.constant 0 : i32
    %dma_start3A_395 = tpu.memref_slice %arg5[%dma_start3A_393, %dma_start3A_394] : memref<10000x128xf32, #tpu.memory_space<vmem_shared>> -> memref<10000x128xf32, #tpu.memory_space<vmem_shared>>
    %dma_start3A_396 = tpu.memref_slice %arg10[%dma_start3A_386] : memref<3x!tpu.dma_semaphore, #tpu.memory_space<semaphore_mem>> -> memref<1x!tpu.dma_semaphore, #tpu.memory_space<semaphore_mem>>
    %dma_start3A_397 = tpu.memref_squeeze %dma_start3A_396 : memref<1x!tpu.dma_semaphore, #tpu.memory_space<semaphore_mem>> -> memref<!tpu.dma_semaphore, #tpu.memory_space<semaphore_mem>>
    tpu.enqueue_indirect_dma source(%dma_start3A_390 : memref<96x128xf32, #tpu.memory_space<vmem>>) target(%dma_start3A_395 : memref<10000x128xf32, #tpu.memory_space<vmem_shared>>) offsets(%dma_start3A_392 : memref<96xi32, #tpu.memory_space<vmem>>) semaphore(%dma_start3A_397 : memref<!tpu.dma_semaphore, #tpu.memory_space<semaphore_mem>>) {add = true}
    %dma_wait3A_398 = arith.constant 0 : i32
    %dma_wait3A_399 = arith.constant 0 : i32
    %dma_wait3A_400 = arith.constant 0 : i32
    %dma_wait3A_401 = arith.constant 0 : i32
    %dma_wait3A_402 = tpu.memref_slice %arg8[%dma_wait3A_398, %dma_wait3A_400, %dma_wait3A_401] : memref<3x96x128xf32, #tpu.memory_space<vmem>> -> memref<1x96x128xf32, #tpu.memory_space<vmem>>
    %dma_wait3A_403 = tpu.memref_squeeze %dma_wait3A_402 : memref<1x96x128xf32, #tpu.memory_space<vmem>> -> memref<96x128xf32, #tpu.memory_space<vmem>>
    %dma_wait3A_404 = arith.constant 4896 : i32
    %dma_wait3A_405 = tpu.memref_slice %arg6[%dma_wait3A_404] : memref<4992xi32, #tpu.memory_space<vmem>> -> memref<96xi32, #tpu.memory_space<vmem>>
    %dma_wait3A_406 = arith.constant 0 : i32
    %dma_wait3A_407 = arith.constant 0 : i32
    %dma_wait3A_408 = tpu.memref_slice %arg2[%dma_wait3A_406, %dma_wait3A_407] : memref<10000x128xf32, #tpu.memory_space<hbm>> -> memref<10000x128xf32, #tpu.memory_space<hbm>>
    %dma_wait3A_409 = tpu.memref_slice %arg9[%dma_wait3A_399] : memref<3x!tpu.dma_semaphore, #tpu.memory_space<semaphore_mem>> -> memref<1x!tpu.dma_semaphore, #tpu.memory_space<semaphore_mem>>
    %dma_wait3A_410 = tpu.memref_squeeze %dma_wait3A_409 : memref<1x!tpu.dma_semaphore, #tpu.memory_space<semaphore_mem>> -> memref<!tpu.dma_semaphore, #tpu.memory_space<semaphore_mem>>
    tpu.wait_indirect_dma semaphore(%dma_wait3A_410 : memref<!tpu.dma_semaphore, #tpu.memory_space<semaphore_mem>>) src(%dma_wait3A_408 : memref<10000x128xf32, #tpu.memory_space<hbm>>) dst(%dma_wait3A_403 : memref<96x128xf32, #tpu.memory_space<vmem>>)
    %dma_start3A_411 = arith.constant 0 : i32
    %dma_start3A_412 = arith.constant 0 : i32
    %dma_start3A_413 = arith.constant 0 : i32
    %dma_start3A_414 = arith.constant 0 : i32
    %dma_start3A_415 = tpu.memref_slice %arg8[%dma_start3A_411, %dma_start3A_413, %dma_start3A_414] : memref<3x96x128xf32, #tpu.memory_space<vmem>> -> memref<1x96x128xf32, #tpu.memory_space<vmem>>
    %dma_start3A_416 = tpu.memref_squeeze %dma_start3A_415 : memref<1x96x128xf32, #tpu.memory_space<vmem>> -> memref<96x128xf32, #tpu.memory_space<vmem>>
    %dma_start3A_417 = arith.constant 4896 : i32
    %dma_start3A_418 = tpu.memref_slice %arg7[%dma_start3A_417] : memref<4992xi32, #tpu.memory_space<vmem>> -> memref<96xi32, #tpu.memory_space<vmem>>
    %dma_start3A_419 = arith.constant 0 : i32
    %dma_start3A_420 = arith.constant 0 : i32
    %dma_start3A_421 = tpu.memref_slice %arg5[%dma_start3A_419, %dma_start3A_420] : memref<10000x128xf32, #tpu.memory_space<vmem_shared>> -> memref<10000x128xf32, #tpu.memory_space<vmem_shared>>
    %dma_start3A_422 = tpu.memref_slice %arg10[%dma_start3A_412] : memref<3x!tpu.dma_semaphore, #tpu.memory_space<semaphore_mem>> -> memref<1x!tpu.dma_semaphore, #tpu.memory_space<semaphore_mem>>
    %dma_start3A_423 = tpu.memref_squeeze %dma_start3A_422 : memref<1x!tpu.dma_semaphore, #tpu.memory_space<semaphore_mem>> -> memref<!tpu.dma_semaphore, #tpu.memory_space<semaphore_mem>>
    tpu.enqueue_indirect_dma source(%dma_start3A_416 : memref<96x128xf32, #tpu.memory_space<vmem>>) target(%dma_start3A_421 : memref<10000x128xf32, #tpu.memory_space<vmem_shared>>) offsets(%dma_start3A_418 : memref<96xi32, #tpu.memory_space<vmem>>) semaphore(%dma_start3A_423 : memref<!tpu.dma_semaphore, #tpu.memory_space<semaphore_mem>>) {add = true}
    %dma_wait3A_424 = arith.constant 1 : i32
    %dma_wait3A_425 = arith.constant 1 : i32
    %dma_wait3A_426 = arith.constant 0 : i32
    %dma_wait3A_427 = arith.constant 0 : i32
    %dma_wait3A_428 = tpu.memref_slice %arg8[%dma_wait3A_424, %dma_wait3A_426, %dma_wait3A_427] : memref<3x96x128xf32, #tpu.memory_space<vmem>> -> memref<1x96x128xf32, #tpu.memory_space<vmem>>
    %dma_wait3A_429 = tpu.memref_squeeze %dma_wait3A_428 : memref<1x96x128xf32, #tpu.memory_space<vmem>> -> memref<96x128xf32, #tpu.memory_space<vmem>>
    %dma_wait3A_430 = arith.constant 4704 : i32
    %dma_wait3A_431 = tpu.memref_slice %arg7[%dma_wait3A_430] : memref<4992xi32, #tpu.memory_space<vmem>> -> memref<96xi32, #tpu.memory_space<vmem>>
    %dma_wait3A_432 = arith.constant 0 : i32
    %dma_wait3A_433 = arith.constant 0 : i32
    %dma_wait3A_434 = tpu.memref_slice %arg5[%dma_wait3A_432, %dma_wait3A_433] : memref<10000x128xf32, #tpu.memory_space<vmem_shared>> -> memref<10000x128xf32, #tpu.memory_space<vmem_shared>>
    %dma_wait3A_435 = tpu.memref_slice %arg10[%dma_wait3A_425] : memref<3x!tpu.dma_semaphore, #tpu.memory_space<semaphore_mem>> -> memref<1x!tpu.dma_semaphore, #tpu.memory_space<semaphore_mem>>
    %dma_wait3A_436 = tpu.memref_squeeze %dma_wait3A_435 : memref<1x!tpu.dma_semaphore, #tpu.memory_space<semaphore_mem>> -> memref<!tpu.dma_semaphore, #tpu.memory_space<semaphore_mem>>
    tpu.wait_indirect_dma semaphore(%dma_wait3A_436 : memref<!tpu.dma_semaphore, #tpu.memory_space<semaphore_mem>>) src(%dma_wait3A_429 : memref<96x128xf32, #tpu.memory_space<vmem>>) dst(%dma_wait3A_434 : memref<10000x128xf32, #tpu.memory_space<vmem_shared>>)
    %dma_wait3A_437 = arith.constant 2 : i32
    %dma_wait3A_438 = arith.constant 2 : i32
    %dma_wait3A_439 = arith.constant 0 : i32
    %dma_wait3A_440 = arith.constant 0 : i32
    %dma_wait3A_441 = tpu.memref_slice %arg8[%dma_wait3A_437, %dma_wait3A_439, %dma_wait3A_440] : memref<3x96x128xf32, #tpu.memory_space<vmem>> -> memref<1x96x128xf32, #tpu.memory_space<vmem>>
    %dma_wait3A_442 = tpu.memref_squeeze %dma_wait3A_441 : memref<1x96x128xf32, #tpu.memory_space<vmem>> -> memref<96x128xf32, #tpu.memory_space<vmem>>
    %dma_wait3A_443 = arith.constant 4800 : i32
    %dma_wait3A_444 = tpu.memref_slice %arg7[%dma_wait3A_443] : memref<4992xi32, #tpu.memory_space<vmem>> -> memref<96xi32, #tpu.memory_space<vmem>>
    %dma_wait3A_445 = arith.constant 0 : i32
    %dma_wait3A_446 = arith.constant 0 : i32
    %dma_wait3A_447 = tpu.memref_slice %arg5[%dma_wait3A_445, %dma_wait3A_446] : memref<10000x128xf32, #tpu.memory_space<vmem_shared>> -> memref<10000x128xf32, #tpu.memory_space<vmem_shared>>
    %dma_wait3A_448 = tpu.memref_slice %arg10[%dma_wait3A_438] : memref<3x!tpu.dma_semaphore, #tpu.memory_space<semaphore_mem>> -> memref<1x!tpu.dma_semaphore, #tpu.memory_space<semaphore_mem>>
    %dma_wait3A_449 = tpu.memref_squeeze %dma_wait3A_448 : memref<1x!tpu.dma_semaphore, #tpu.memory_space<semaphore_mem>> -> memref<!tpu.dma_semaphore, #tpu.memory_space<semaphore_mem>>
    tpu.wait_indirect_dma semaphore(%dma_wait3A_449 : memref<!tpu.dma_semaphore, #tpu.memory_space<semaphore_mem>>) src(%dma_wait3A_442 : memref<96x128xf32, #tpu.memory_space<vmem>>) dst(%dma_wait3A_447 : memref<10000x128xf32, #tpu.memory_space<vmem_shared>>)
    %dma_wait3A_450 = arith.constant 0 : i32
    %dma_wait3A_451 = arith.constant 0 : i32
    %dma_wait3A_452 = arith.constant 0 : i32
    %dma_wait3A_453 = arith.constant 0 : i32
    %dma_wait3A_454 = tpu.memref_slice %arg8[%dma_wait3A_450, %dma_wait3A_452, %dma_wait3A_453] : memref<3x96x128xf32, #tpu.memory_space<vmem>> -> memref<1x96x128xf32, #tpu.memory_space<vmem>>
    %dma_wait3A_455 = tpu.memref_squeeze %dma_wait3A_454 : memref<1x96x128xf32, #tpu.memory_space<vmem>> -> memref<96x128xf32, #tpu.memory_space<vmem>>
    %dma_wait3A_456 = arith.constant 4896 : i32
    %dma_wait3A_457 = tpu.memref_slice %arg7[%dma_wait3A_456] : memref<4992xi32, #tpu.memory_space<vmem>> -> memref<96xi32, #tpu.memory_space<vmem>>
    %dma_wait3A_458 = arith.constant 0 : i32
    %dma_wait3A_459 = arith.constant 0 : i32
    %dma_wait3A_460 = tpu.memref_slice %arg5[%dma_wait3A_458, %dma_wait3A_459] : memref<10000x128xf32, #tpu.memory_space<vmem_shared>> -> memref<10000x128xf32, #tpu.memory_space<vmem_shared>>
    %dma_wait3A_461 = tpu.memref_slice %arg10[%dma_wait3A_451] : memref<3x!tpu.dma_semaphore, #tpu.memory_space<semaphore_mem>> -> memref<1x!tpu.dma_semaphore, #tpu.memory_space<semaphore_mem>>
    %dma_wait3A_462 = tpu.memref_squeeze %dma_wait3A_461 : memref<1x!tpu.dma_semaphore, #tpu.memory_space<semaphore_mem>> -> memref<!tpu.dma_semaphore, #tpu.memory_space<semaphore_mem>>
    tpu.wait_indirect_dma semaphore(%dma_wait3A_462 : memref<!tpu.dma_semaphore, #tpu.memory_space<semaphore_mem>>) src(%dma_wait3A_455 : memref<96x128xf32, #tpu.memory_space<vmem>>) dst(%dma_wait3A_460 : memref<10000x128xf32, #tpu.memory_space<vmem_shared>>)
    %lt3A = arith.constant 4 : i32
    %lt3A_463 = arith.cmpi slt, %arg1, %lt3A : i32
    %convert_element_type3A_464 = arith.extui %lt3A_463 : i1 to i32
    %cond3A_465 = arith.constant 0 : i32
    %cond3A_466 = arith.constant 1 : i32
    %cond3A_467 = arith.constant 0 : i32
    %cond3A_468 = arith.cmpi ne, %convert_element_type3A_464, %cond3A_467 : i32
    scf.if %cond3A_468 {
      %mul3A_475 = arith.constant 160000 : i32
      %mul3A_476 = arith.muli %arg0, %mul3A_475 : i32
      %add3A_477 = arith.constant 159744 : i32
      %add3A_478 = arith.addi %mul3A_476, %add3A_477 : i32
      %mul3A_479 = arith.constant 64 : i32
      %mul3A_480 = arith.muli %arg1, %mul3A_479 : i32
      %add3A_481 = arith.addi %add3A_478, %mul3A_480 : i32
      "tpu.region"() ({
        %run_scoped3A_484 = tpu.sem_alloc : memref<!tpu.dma_semaphore, #tpu.memory_space<semaphore_mem>>
        %dma_start3A_485 = arith.constant 0 : i32
        %dma_start3A_486 = tpu.memref_slice %arg6[%dma_start3A_485] : memref<4992xi32, #tpu.memory_space<vmem>> -> memref<64xi32, #tpu.memory_space<vmem>>
        %dma_start3A_487 = arith.constant 0 : i32
        %dma_start3A_488 = tpu.memref_slice %arg3[%cond3A_465, %dma_start3A_487] : memref<2x320000xi32, #tpu.memory_space<hbm>> -> memref<1x320000xi32, #tpu.memory_space<hbm>>
        %dma_start3A_489 = tpu.memref_squeeze %dma_start3A_488 : memref<1x320000xi32, #tpu.memory_space<hbm>> -> memref<320000xi32, #tpu.memory_space<hbm>>
        %dma_start3A_490 = tpu.memref_slice %dma_start3A_489[%add3A_481] : memref<320000xi32, #tpu.memory_space<hbm>> -> memref<64xi32, #tpu.memory_space<hbm>>
        %dma_start3A_491 = arith.constant 0 : i32
        %dma_start3A_492 = tpu.memref_slice %arg6[%dma_start3A_491] : memref<4992xi32, #tpu.memory_space<vmem>> -> memref<64xi32, #tpu.memory_space<vmem>>
        %dma_start3A_493 = arith.constant 0 : i32
        %dma_start3A_494 = tpu.memref_slice %arg3[%cond3A_465, %dma_start3A_493] : memref<2x320000xi32, #tpu.memory_space<hbm>> -> memref<1x320000xi32, #tpu.memory_space<hbm>>
        %dma_start3A_495 = tpu.memref_squeeze %dma_start3A_494 : memref<1x320000xi32, #tpu.memory_space<hbm>> -> memref<320000xi32, #tpu.memory_space<hbm>>
        %dma_start3A_496 = tpu.memref_slice %dma_start3A_495[%add3A_481] : memref<320000xi32, #tpu.memory_space<hbm>> -> memref<64xi32, #tpu.memory_space<hbm>>
        tpu.enqueue_dma source(%dma_start3A_496 : memref<64xi32, #tpu.memory_space<hbm>>) target(%dma_start3A_492 : memref<64xi32, #tpu.memory_space<vmem>>) target_semaphore(%run_scoped3A_484 : memref<!tpu.dma_semaphore, #tpu.memory_space<semaphore_mem>>)
        %dma_wait3A_497 = arith.constant 0 : i32
        %dma_wait3A_498 = tpu.memref_slice %arg6[%dma_wait3A_497] : memref<4992xi32, #tpu.memory_space<vmem>> -> memref<64xi32, #tpu.memory_space<vmem>>
        %dma_wait3A_499 = arith.constant 0 : i32
        %dma_wait3A_500 = tpu.memref_slice %arg3[%cond3A_465, %dma_wait3A_499] : memref<2x320000xi32, #tpu.memory_space<hbm>> -> memref<1x320000xi32, #tpu.memory_space<hbm>>
        %dma_wait3A_501 = tpu.memref_squeeze %dma_wait3A_500 : memref<1x320000xi32, #tpu.memory_space<hbm>> -> memref<320000xi32, #tpu.memory_space<hbm>>
        %dma_wait3A_502 = tpu.memref_slice %dma_wait3A_501[%add3A_481] : memref<320000xi32, #tpu.memory_space<hbm>> -> memref<64xi32, #tpu.memory_space<hbm>>
        %dma_wait3A_503 = arith.constant 0 : i32
        %dma_wait3A_504 = tpu.memref_slice %arg6[%dma_wait3A_503] : memref<4992xi32, #tpu.memory_space<vmem>> -> memref<64xi32, #tpu.memory_space<vmem>>
        %dma_wait3A_505 = arith.constant 0 : i32
        %dma_wait3A_506 = tpu.memref_slice %arg3[%cond3A_465, %dma_wait3A_505] : memref<2x320000xi32, #tpu.memory_space<hbm>> -> memref<1x320000xi32, #tpu.memory_space<hbm>>
        %dma_wait3A_507 = tpu.memref_squeeze %dma_wait3A_506 : memref<1x320000xi32, #tpu.memory_space<hbm>> -> memref<320000xi32, #tpu.memory_space<hbm>>
        %dma_wait3A_508 = tpu.memref_slice %dma_wait3A_507[%add3A_481] : memref<320000xi32, #tpu.memory_space<hbm>> -> memref<64xi32, #tpu.memory_space<hbm>>
        tpu.wait_dma2 semaphore(%run_scoped3A_484 : memref<!tpu.dma_semaphore, #tpu.memory_space<semaphore_mem>>) src(%dma_wait3A_508 : memref<64xi32, #tpu.memory_space<hbm>>) dst(%dma_wait3A_504 : memref<64xi32, #tpu.memory_space<vmem>>)
        tpu.yield
      }) : () -> ()
      "tpu.region"() ({
        %run_scoped3A_484 = tpu.sem_alloc : memref<!tpu.dma_semaphore, #tpu.memory_space<semaphore_mem>>
        %dma_start3A_485 = arith.constant 0 : i32
        %dma_start3A_486 = tpu.memref_slice %arg7[%dma_start3A_485] : memref<4992xi32, #tpu.memory_space<vmem>> -> memref<64xi32, #tpu.memory_space<vmem>>
        %dma_start3A_487 = arith.constant 0 : i32
        %dma_start3A_488 = tpu.memref_slice %arg3[%cond3A_466, %dma_start3A_487] : memref<2x320000xi32, #tpu.memory_space<hbm>> -> memref<1x320000xi32, #tpu.memory_space<hbm>>
        %dma_start3A_489 = tpu.memref_squeeze %dma_start3A_488 : memref<1x320000xi32, #tpu.memory_space<hbm>> -> memref<320000xi32, #tpu.memory_space<hbm>>
        %dma_start3A_490 = tpu.memref_slice %dma_start3A_489[%add3A_481] : memref<320000xi32, #tpu.memory_space<hbm>> -> memref<64xi32, #tpu.memory_space<hbm>>
        %dma_start3A_491 = arith.constant 0 : i32
        %dma_start3A_492 = tpu.memref_slice %arg7[%dma_start3A_491] : memref<4992xi32, #tpu.memory_space<vmem>> -> memref<64xi32, #tpu.memory_space<vmem>>
        %dma_start3A_493 = arith.constant 0 : i32
        %dma_start3A_494 = tpu.memref_slice %arg3[%cond3A_466, %dma_start3A_493] : memref<2x320000xi32, #tpu.memory_space<hbm>> -> memref<1x320000xi32, #tpu.memory_space<hbm>>
        %dma_start3A_495 = tpu.memref_squeeze %dma_start3A_494 : memref<1x320000xi32, #tpu.memory_space<hbm>> -> memref<320000xi32, #tpu.memory_space<hbm>>
        %dma_start3A_496 = tpu.memref_slice %dma_start3A_495[%add3A_481] : memref<320000xi32, #tpu.memory_space<hbm>> -> memref<64xi32, #tpu.memory_space<hbm>>
        tpu.enqueue_dma source(%dma_start3A_496 : memref<64xi32, #tpu.memory_space<hbm>>) target(%dma_start3A_492 : memref<64xi32, #tpu.memory_space<vmem>>) target_semaphore(%run_scoped3A_484 : memref<!tpu.dma_semaphore, #tpu.memory_space<semaphore_mem>>)
        %dma_wait3A_497 = arith.constant 0 : i32
        %dma_wait3A_498 = tpu.memref_slice %arg7[%dma_wait3A_497] : memref<4992xi32, #tpu.memory_space<vmem>> -> memref<64xi32, #tpu.memory_space<vmem>>
        %dma_wait3A_499 = arith.constant 0 : i32
        %dma_wait3A_500 = tpu.memref_slice %arg3[%cond3A_466, %dma_wait3A_499] : memref<2x320000xi32, #tpu.memory_space<hbm>> -> memref<1x320000xi32, #tpu.memory_space<hbm>>
        %dma_wait3A_501 = tpu.memref_squeeze %dma_wait3A_500 : memref<1x320000xi32, #tpu.memory_space<hbm>> -> memref<320000xi32, #tpu.memory_space<hbm>>
        %dma_wait3A_502 = tpu.memref_slice %dma_wait3A_501[%add3A_481] : memref<320000xi32, #tpu.memory_space<hbm>> -> memref<64xi32, #tpu.memory_space<hbm>>
        %dma_wait3A_503 = arith.constant 0 : i32
        %dma_wait3A_504 = tpu.memref_slice %arg7[%dma_wait3A_503] : memref<4992xi32, #tpu.memory_space<vmem>> -> memref<64xi32, #tpu.memory_space<vmem>>
        %dma_wait3A_505 = arith.constant 0 : i32
        %dma_wait3A_506 = tpu.memref_slice %arg3[%cond3A_466, %dma_wait3A_505] : memref<2x320000xi32, #tpu.memory_space<hbm>> -> memref<1x320000xi32, #tpu.memory_space<hbm>>
        %dma_wait3A_507 = tpu.memref_squeeze %dma_wait3A_506 : memref<1x320000xi32, #tpu.memory_space<hbm>> -> memref<320000xi32, #tpu.memory_space<hbm>>
        %dma_wait3A_508 = tpu.memref_slice %dma_wait3A_507[%add3A_481] : memref<320000xi32, #tpu.memory_space<hbm>> -> memref<64xi32, #tpu.memory_space<hbm>>
        tpu.wait_dma2 semaphore(%run_scoped3A_484 : memref<!tpu.dma_semaphore, #tpu.memory_space<semaphore_mem>>) src(%dma_wait3A_508 : memref<64xi32, #tpu.memory_space<hbm>>) dst(%dma_wait3A_504 : memref<64xi32, #tpu.memory_space<vmem>>)
        tpu.yield
      }) : () -> ()
      %run_scoped3A_482 = arith.constant 0 : i32
      "tpu.region"() ({
        %run_scoped3A_484 = tpu.sem_alloc : memref<!tpu.dma_semaphore, #tpu.memory_space<semaphore_mem>>
        %dma_start3A_485 = arith.constant 0 : i32
        %dma_start3A_486 = arith.constant 0 : i32
        %dma_start3A_487 = tpu.memref_slice %arg8[%run_scoped3A_482, %dma_start3A_485, %dma_start3A_486] : memref<3x96x128xf32, #tpu.memory_space<vmem>> -> memref<1x64x128xf32, #tpu.memory_space<vmem>>
        %dma_start3A_488 = tpu.memref_squeeze %dma_start3A_487 : memref<1x64x128xf32, #tpu.memory_space<vmem>> -> memref<64x128xf32, #tpu.memory_space<vmem>>
        %dma_start3A_489 = arith.constant 0 : i32
        %dma_start3A_490 = tpu.memref_slice %arg6[%dma_start3A_489] : memref<4992xi32, #tpu.memory_space<vmem>> -> memref<64xi32, #tpu.memory_space<vmem>>
        %dma_start3A_491 = arith.constant 0 : i32
        %dma_start3A_492 = arith.constant 0 : i32
        %dma_start3A_493 = tpu.memref_slice %arg2[%dma_start3A_491, %dma_start3A_492] : memref<10000x128xf32, #tpu.memory_space<hbm>> -> memref<10000x128xf32, #tpu.memory_space<hbm>>
        tpu.enqueue_indirect_dma source(%dma_start3A_493 : memref<10000x128xf32, #tpu.memory_space<hbm>>) target(%dma_start3A_488 : memref<64x128xf32, #tpu.memory_space<vmem>>) offsets(%dma_start3A_490 : memref<64xi32, #tpu.memory_space<vmem>>) semaphore(%run_scoped3A_484 : memref<!tpu.dma_semaphore, #tpu.memory_space<semaphore_mem>>)
        %dma_wait3A_494 = arith.constant 0 : i32
        %dma_wait3A_495 = arith.constant 0 : i32
        %dma_wait3A_496 = tpu.memref_slice %arg8[%run_scoped3A_482, %dma_wait3A_494, %dma_wait3A_495] : memref<3x96x128xf32, #tpu.memory_space<vmem>> -> memref<1x64x128xf32, #tpu.memory_space<vmem>>
        %dma_wait3A_497 = tpu.memref_squeeze %dma_wait3A_496 : memref<1x64x128xf32, #tpu.memory_space<vmem>> -> memref<64x128xf32, #tpu.memory_space<vmem>>
        %dma_wait3A_498 = arith.constant 0 : i32
        %dma_wait3A_499 = tpu.memref_slice %arg6[%dma_wait3A_498] : memref<4992xi32, #tpu.memory_space<vmem>> -> memref<64xi32, #tpu.memory_space<vmem>>
        %dma_wait3A_500 = arith.constant 0 : i32
        %dma_wait3A_501 = arith.constant 0 : i32
        %dma_wait3A_502 = tpu.memref_slice %arg2[%dma_wait3A_500, %dma_wait3A_501] : memref<10000x128xf32, #tpu.memory_space<hbm>> -> memref<10000x128xf32, #tpu.memory_space<hbm>>
        tpu.wait_indirect_dma semaphore(%run_scoped3A_484 : memref<!tpu.dma_semaphore, #tpu.memory_space<semaphore_mem>>) src(%dma_wait3A_502 : memref<10000x128xf32, #tpu.memory_space<hbm>>) dst(%dma_wait3A_497 : memref<64x128xf32, #tpu.memory_space<vmem>>)
        tpu.yield
      }) : () -> ()
      %run_scoped3A_483 = arith.constant 0 : i32
      "tpu.region"() ({
        %run_scoped3A_484 = tpu.sem_alloc : memref<!tpu.dma_semaphore, #tpu.memory_space<semaphore_mem>>
        %dma_start3A_485 = arith.constant 0 : i32
        %dma_start3A_486 = arith.constant 0 : i32
        %dma_start3A_487 = tpu.memref_slice %arg8[%run_scoped3A_483, %dma_start3A_485, %dma_start3A_486] : memref<3x96x128xf32, #tpu.memory_space<vmem>> -> memref<1x64x128xf32, #tpu.memory_space<vmem>>
        %dma_start3A_488 = tpu.memref_squeeze %dma_start3A_487 : memref<1x64x128xf32, #tpu.memory_space<vmem>> -> memref<64x128xf32, #tpu.memory_space<vmem>>
        %dma_start3A_489 = arith.constant 0 : i32
        %dma_start3A_490 = tpu.memref_slice %arg7[%dma_start3A_489] : memref<4992xi32, #tpu.memory_space<vmem>> -> memref<64xi32, #tpu.memory_space<vmem>>
        %dma_start3A_491 = arith.constant 0 : i32
        %dma_start3A_492 = arith.constant 0 : i32
        %dma_start3A_493 = tpu.memref_slice %arg5[%dma_start3A_491, %dma_start3A_492] : memref<10000x128xf32, #tpu.memory_space<vmem_shared>> -> memref<10000x128xf32, #tpu.memory_space<vmem_shared>>
        tpu.enqueue_indirect_dma source(%dma_start3A_488 : memref<64x128xf32, #tpu.memory_space<vmem>>) target(%dma_start3A_493 : memref<10000x128xf32, #tpu.memory_space<vmem_shared>>) offsets(%dma_start3A_490 : memref<64xi32, #tpu.memory_space<vmem>>) semaphore(%run_scoped3A_484 : memref<!tpu.dma_semaphore, #tpu.memory_space<semaphore_mem>>) {add = true}
        %dma_wait3A_494 = arith.constant 0 : i32
        %dma_wait3A_495 = arith.constant 0 : i32
        %dma_wait3A_496 = tpu.memref_slice %arg8[%run_scoped3A_483, %dma_wait3A_494, %dma_wait3A_495] : memref<3x96x128xf32, #tpu.memory_space<vmem>> -> memref<1x64x128xf32, #tpu.memory_space<vmem>>
        %dma_wait3A_497 = tpu.memref_squeeze %dma_wait3A_496 : memref<1x64x128xf32, #tpu.memory_space<vmem>> -> memref<64x128xf32, #tpu.memory_space<vmem>>
        %dma_wait3A_498 = arith.constant 0 : i32
        %dma_wait3A_499 = tpu.memref_slice %arg7[%dma_wait3A_498] : memref<4992xi32, #tpu.memory_space<vmem>> -> memref<64xi32, #tpu.memory_space<vmem>>
        %dma_wait3A_500 = arith.constant 0 : i32
        %dma_wait3A_501 = arith.constant 0 : i32
        %dma_wait3A_502 = tpu.memref_slice %arg5[%dma_wait3A_500, %dma_wait3A_501] : memref<10000x128xf32, #tpu.memory_space<vmem_shared>> -> memref<10000x128xf32, #tpu.memory_space<vmem_shared>>
        tpu.wait_indirect_dma semaphore(%run_scoped3A_484 : memref<!tpu.dma_semaphore, #tpu.memory_space<semaphore_mem>>) src(%dma_wait3A_497 : memref<64x128xf32, #tpu.memory_space<vmem>>) dst(%dma_wait3A_502 : memref<10000x128xf32, #tpu.memory_space<vmem_shared>>)
        tpu.yield
      }) : () -> ()
    } else {
    }
    %barrier3A_469 = arith.constant 0 : index
    tpu.barrier barrier_id(%barrier3A_469)
    "tpu.region"() ({
      %run_scoped3A_475 = tpu.sem_alloc : memref<!tpu.dma_semaphore, #tpu.memory_space<semaphore_mem>>
      %dma_start3A_476 = arith.constant 0 : i32
      %dma_start3A_477 = tpu.memref_slice %arg4[%arg0, %mul3A_0, %dma_start3A_476] : memref<2x10000x128xf32, #tpu.memory_space<hbm>> -> memref<1x624x128xf32, #tpu.memory_space<hbm>>
      %dma_start3A_478 = tpu.memref_squeeze %dma_start3A_477 : memref<1x624x128xf32, #tpu.memory_space<hbm>> -> memref<624x128xf32, #tpu.memory_space<hbm>>
      %dma_start3A_479 = arith.constant 0 : i32
      %dma_start3A_480 = tpu.memref_slice %arg5[%mul3A_0, %dma_start3A_479] : memref<10000x128xf32, #tpu.memory_space<vmem_shared>> -> memref<624x128xf32, #tpu.memory_space<vmem_shared>>
      tpu.enqueue_dma source(%dma_start3A_480 : memref<624x128xf32, #tpu.memory_space<vmem_shared>>) target(%dma_start3A_478 : memref<624x128xf32, #tpu.memory_space<hbm>>) target_semaphore(%run_scoped3A_475 : memref<!tpu.dma_semaphore, #tpu.memory_space<semaphore_mem>>)
      %dma_wait3A_481 = arith.constant 0 : i32
      %dma_wait3A_482 = tpu.memref_slice %arg4[%arg0, %mul3A_0, %dma_wait3A_481] : memref<2x10000x128xf32, #tpu.memory_space<hbm>> -> memref<1x624x128xf32, #tpu.memory_space<hbm>>
      %dma_wait3A_483 = tpu.memref_squeeze %dma_wait3A_482 : memref<1x624x128xf32, #tpu.memory_space<hbm>> -> memref<624x128xf32, #tpu.memory_space<hbm>>
      %dma_wait3A_484 = arith.constant 0 : i32
      %dma_wait3A_485 = tpu.memref_slice %arg5[%mul3A_0, %dma_wait3A_484] : memref<10000x128xf32, #tpu.memory_space<vmem_shared>> -> memref<624x128xf32, #tpu.memory_space<vmem_shared>>
      tpu.wait_dma2 semaphore(%run_scoped3A_475 : memref<!tpu.dma_semaphore, #tpu.memory_space<semaphore_mem>>) src(%dma_wait3A_485 : memref<624x128xf32, #tpu.memory_space<vmem_shared>>) dst(%dma_wait3A_483 : memref<624x128xf32, #tpu.memory_space<hbm>>)
      tpu.yield
    }) : () -> ()
    %eq3A_470 = arith.constant 0 : i32
    %eq3A_471 = arith.cmpi eq, %arg1, %eq3A_470 : i32
    %convert_element_type3A_472 = arith.extui %eq3A_471 : i1 to i32
    %cond3A_473 = arith.constant 0 : i32
    %cond3A_474 = arith.cmpi ne, %convert_element_type3A_472, %cond3A_473 : i32
    scf.if %cond3A_474 {
      "tpu.region"() ({
        %run_scoped3A_475 = tpu.sem_alloc : memref<!tpu.dma_semaphore, #tpu.memory_space<semaphore_mem>>
        %dma_start3A_476 = arith.constant 9984 : i32
        %dma_start3A_477 = arith.constant 0 : i32
        %dma_start3A_478 = tpu.memref_slice %arg4[%arg0, %dma_start3A_476, %dma_start3A_477] : memref<2x10000x128xf32, #tpu.memory_space<hbm>> -> memref<1x16x128xf32, #tpu.memory_space<hbm>>
        %dma_start3A_479 = tpu.memref_squeeze %dma_start3A_478 : memref<1x16x128xf32, #tpu.memory_space<hbm>> -> memref<16x128xf32, #tpu.memory_space<hbm>>
        %dma_start3A_480 = arith.constant 9984 : i32
        %dma_start3A_481 = arith.constant 0 : i32
        %dma_start3A_482 = tpu.memref_slice %arg5[%dma_start3A_480, %dma_start3A_481] : memref<10000x128xf32, #tpu.memory_space<vmem_shared>> -> memref<16x128xf32, #tpu.memory_space<vmem_shared>>
        tpu.enqueue_dma source(%dma_start3A_482 : memref<16x128xf32, #tpu.memory_space<vmem_shared>>) target(%dma_start3A_479 : memref<16x128xf32, #tpu.memory_space<hbm>>) target_semaphore(%run_scoped3A_475 : memref<!tpu.dma_semaphore, #tpu.memory_space<semaphore_mem>>)
        %dma_wait3A_483 = arith.constant 9984 : i32
        %dma_wait3A_484 = arith.constant 0 : i32
        %dma_wait3A_485 = tpu.memref_slice %arg4[%arg0, %dma_wait3A_483, %dma_wait3A_484] : memref<2x10000x128xf32, #tpu.memory_space<hbm>> -> memref<1x16x128xf32, #tpu.memory_space<hbm>>
        %dma_wait3A_486 = tpu.memref_squeeze %dma_wait3A_485 : memref<1x16x128xf32, #tpu.memory_space<hbm>> -> memref<16x128xf32, #tpu.memory_space<hbm>>
        %dma_wait3A_487 = arith.constant 9984 : i32
        %dma_wait3A_488 = arith.constant 0 : i32
        %dma_wait3A_489 = tpu.memref_slice %arg5[%dma_wait3A_487, %dma_wait3A_488] : memref<10000x128xf32, #tpu.memory_space<vmem_shared>> -> memref<16x128xf32, #tpu.memory_space<vmem_shared>>
        tpu.wait_dma2 semaphore(%run_scoped3A_475 : memref<!tpu.dma_semaphore, #tpu.memory_space<semaphore_mem>>) src(%dma_wait3A_489 : memref<16x128xf32, #tpu.memory_space<vmem_shared>>) dst(%dma_wait3A_486 : memref<16x128xf32, #tpu.memory_space<hbm>>)
        tpu.yield
      }) : () -> ()
    } else {
    }
    return
  }
}

module attributes {stable_mosaic.version = 14 : i64} {
  func.func @_dense_body(%arg0: memref<2x10000x128xf32, #tpu.memory_space<vmem>>, %arg1: memref<10000x128xf32, #tpu.memory_space<vmem>>, %arg2: memref<128x128xf32, #tpu.memory_space<vmem>>, %arg3: memref<128xf32, #tpu.memory_space<vmem>>, %arg4: memref<128xf32, #tpu.memory_space<vmem>>, %arg5: memref<128xf32, #tpu.memory_space<vmem>>, %arg6: memref<128x128xf32, #tpu.memory_space<vmem>>, %arg7: memref<128xf32, #tpu.memory_space<vmem>>, %arg8: memref<128xf32, #tpu.memory_space<vmem>>, %arg9: memref<128xf32, #tpu.memory_space<vmem>>, %arg10: memref<10000x128xf32, #tpu.memory_space<vmem>>) attributes {dimension_semantics = [], scalar_prefetch = 0 : i64, scratch_operands = 0 : i64, tpu.core_type = #tpu.core_type<tc>} {
    %get3A = arith.constant 0 : index
    %get3A_0 = arith.constant 0 : index
    %get3A_1 = arith.constant 0 : index
    %get3A_2 = vector.load %arg0[%get3A, %get3A_0, %get3A_1] : memref<2x10000x128xf32, #tpu.memory_space<vmem>>, vector<1x10000x128xf32>
    %get3A_3 = vector.shape_cast %get3A_2 : vector<1x10000x128xf32> to vector<10000x128xf32>
    %get3A_4 = arith.constant 1 : index
    %get3A_5 = arith.constant 0 : index
    %get3A_6 = arith.constant 0 : index
    %get3A_7 = vector.load %arg0[%get3A_4, %get3A_5, %get3A_6] : memref<2x10000x128xf32, #tpu.memory_space<vmem>>, vector<1x10000x128xf32>
    %get3A_8 = vector.shape_cast %get3A_7 : vector<1x10000x128xf32> to vector<10000x128xf32>
    %add3A = arith.addf %get3A_3, %get3A_8 : vector<10000x128xf32>
    %get3A_9 = arith.constant 0 : index
    %get3A_10 = arith.constant 0 : index
    %get3A_11 = vector.load %arg1[%get3A_9, %get3A_10] : memref<10000x128xf32, #tpu.memory_space<vmem>>, vector<10000x128xf32>
    %sub3A = arith.subf %add3A, %get3A_11 : vector<10000x128xf32>
    %get3A_12 = arith.constant 0 : index
    %get3A_13 = arith.constant 0 : index
    %get3A_14 = vector.load %arg2[%get3A_12, %get3A_13] : memref<128x128xf32, #tpu.memory_space<vmem>>, vector<128x128xf32>
    %dot_general3A = arith.constant dense<0.000000e+00> : vector<10000x128xf32>
    %dot_general3A_15 = tpu.matmul %sub3A, %get3A_14, %dot_general3A {dimension_numbers = #tpu.dot_dimension_numbers<[1], [0], [0], [1], [0, 0, 1, 1], [], []>, transpose_lhs_hint = false} : vector<10000x128xf32>, vector<128x128xf32>, vector<10000x128xf32> -> vector<10000x128xf32>
    %get3A_16 = arith.constant 0 : index
    %get3A_17 = vector.load %arg3[%get3A_16] : memref<128xf32, #tpu.memory_space<vmem>>, vector<128xf32>
    %broadcast_in_dim3A = vector.shape_cast %get3A_17 : vector<128xf32> to vector<1x128xf32>
    %add3A_18 = vector.broadcast %broadcast_in_dim3A : vector<1x128xf32> to vector<10000x128xf32>
    %add3A_19 = arith.addf %dot_general3A_15, %add3A_18 : vector<10000x128xf32>
    %reduce_sum3A = arith.constant dense<0.000000e+00> : vector<128xf32>
    %reduce_sum3A_20 = vector.multi_reduction <add>, %add3A_19, %reduce_sum3A [0] : vector<10000x128xf32> to vector<128xf32>
    %div3A = arith.constant 1.000000e+04 : f32
    %div3A_21 = vector.broadcast %div3A : f32 to vector<128xf32>
    %div3A_22 = arith.divf %reduce_sum3A_20, %div3A_21 : vector<128xf32>
    %broadcast_in_dim3A_23 = vector.shape_cast %div3A_22 : vector<128xf32> to vector<1x128xf32>
    %sub3A_24 = vector.broadcast %broadcast_in_dim3A_23 : vector<1x128xf32> to vector<10000x128xf32>
    %sub3A_25 = arith.subf %add3A_19, %sub3A_24 : vector<10000x128xf32>
    %integer_pow3A = arith.mulf %sub3A_25, %sub3A_25 : vector<10000x128xf32>
    %reduce_sum3A_26 = arith.constant dense<0.000000e+00> : vector<128xf32>
    %reduce_sum3A_27 = vector.multi_reduction <add>, %integer_pow3A, %reduce_sum3A_26 [0] : vector<10000x128xf32> to vector<128xf32>
    %div3A_28 = arith.constant 1.000000e+04 : f32
    %div3A_29 = vector.broadcast %div3A_28 : f32 to vector<128xf32>
    %div3A_30 = arith.divf %reduce_sum3A_27, %div3A_29 : vector<128xf32>
    %broadcast_in_dim3A_31 = vector.shape_cast %div3A_22 : vector<128xf32> to vector<1x128xf32>
    %sub3A_32 = vector.broadcast %broadcast_in_dim3A_31 : vector<1x128xf32> to vector<10000x128xf32>
    %sub3A_33 = arith.subf %add3A_19, %sub3A_32 : vector<10000x128xf32>
    %add3A_34 = arith.constant 9.99999974E-6 : f32
    %add3A_35 = vector.broadcast %add3A_34 : f32 to vector<128xf32>
    %add3A_36 = arith.addf %div3A_30, %add3A_35 : vector<128xf32>
    %sqrt3A = math.sqrt %add3A_36 : vector<128xf32>
    %broadcast_in_dim3A_37 = vector.shape_cast %sqrt3A : vector<128xf32> to vector<1x128xf32>
    %div3A_38 = vector.broadcast %broadcast_in_dim3A_37 : vector<1x128xf32> to vector<10000x128xf32>
    %div3A_39 = arith.divf %sub3A_33, %div3A_38 : vector<10000x128xf32>
    %get3A_40 = arith.constant 0 : index
    %get3A_41 = vector.load %arg4[%get3A_40] : memref<128xf32, #tpu.memory_space<vmem>>, vector<128xf32>
    %broadcast_in_dim3A_42 = vector.shape_cast %get3A_41 : vector<128xf32> to vector<1x128xf32>
    %mul3A = vector.broadcast %broadcast_in_dim3A_42 : vector<1x128xf32> to vector<10000x128xf32>
    %mul3A_43 = arith.mulf %div3A_39, %mul3A : vector<10000x128xf32>
    %get3A_44 = arith.constant 0 : index
    %get3A_45 = vector.load %arg5[%get3A_44] : memref<128xf32, #tpu.memory_space<vmem>>, vector<128xf32>
    %broadcast_in_dim3A_46 = vector.shape_cast %get3A_45 : vector<128xf32> to vector<1x128xf32>
    %add3A_47 = vector.broadcast %broadcast_in_dim3A_46 : vector<1x128xf32> to vector<10000x128xf32>
    %add3A_48 = arith.addf %mul3A_43, %add3A_47 : vector<10000x128xf32>
    %max3A = arith.constant 0.000000e+00 : f32
    %max3A_49 = vector.broadcast %max3A : f32 to vector<10000x128xf32>
    %max3A_50 = arith.maximumf %add3A_48, %max3A_49 : vector<10000x128xf32>
    %get3A_51 = arith.constant 0 : index
    %get3A_52 = arith.constant 0 : index
    %get3A_53 = vector.load %arg6[%get3A_51, %get3A_52] : memref<128x128xf32, #tpu.memory_space<vmem>>, vector<128x128xf32>
    %dot_general3A_54 = arith.constant dense<0.000000e+00> : vector<10000x128xf32>
    %dot_general3A_55 = tpu.matmul %max3A_50, %get3A_53, %dot_general3A_54 {dimension_numbers = #tpu.dot_dimension_numbers<[1], [0], [0], [1], [0, 0, 1, 1], [], []>, transpose_lhs_hint = false} : vector<10000x128xf32>, vector<128x128xf32>, vector<10000x128xf32> -> vector<10000x128xf32>
    %get3A_56 = arith.constant 0 : index
    %get3A_57 = vector.load %arg7[%get3A_56] : memref<128xf32, #tpu.memory_space<vmem>>, vector<128xf32>
    %broadcast_in_dim3A_58 = vector.shape_cast %get3A_57 : vector<128xf32> to vector<1x128xf32>
    %add3A_59 = vector.broadcast %broadcast_in_dim3A_58 : vector<1x128xf32> to vector<10000x128xf32>
    %add3A_60 = arith.addf %dot_general3A_55, %add3A_59 : vector<10000x128xf32>
    %reduce_sum3A_61 = arith.constant dense<0.000000e+00> : vector<128xf32>
    %reduce_sum3A_62 = vector.multi_reduction <add>, %add3A_60, %reduce_sum3A_61 [0] : vector<10000x128xf32> to vector<128xf32>
    %div3A_63 = arith.constant 1.000000e+04 : f32
    %div3A_64 = vector.broadcast %div3A_63 : f32 to vector<128xf32>
    %div3A_65 = arith.divf %reduce_sum3A_62, %div3A_64 : vector<128xf32>
    %broadcast_in_dim3A_66 = vector.shape_cast %div3A_65 : vector<128xf32> to vector<1x128xf32>
    %sub3A_67 = vector.broadcast %broadcast_in_dim3A_66 : vector<1x128xf32> to vector<10000x128xf32>
    %sub3A_68 = arith.subf %add3A_60, %sub3A_67 : vector<10000x128xf32>
    %integer_pow3A_69 = arith.mulf %sub3A_68, %sub3A_68 : vector<10000x128xf32>
    %reduce_sum3A_70 = arith.constant dense<0.000000e+00> : vector<128xf32>
    %reduce_sum3A_71 = vector.multi_reduction <add>, %integer_pow3A_69, %reduce_sum3A_70 [0] : vector<10000x128xf32> to vector<128xf32>
    %div3A_72 = arith.constant 1.000000e+04 : f32
    %div3A_73 = vector.broadcast %div3A_72 : f32 to vector<128xf32>
    %div3A_74 = arith.divf %reduce_sum3A_71, %div3A_73 : vector<128xf32>
    %broadcast_in_dim3A_75 = vector.shape_cast %div3A_65 : vector<128xf32> to vector<1x128xf32>
    %sub3A_76 = vector.broadcast %broadcast_in_dim3A_75 : vector<1x128xf32> to vector<10000x128xf32>
    %sub3A_77 = arith.subf %add3A_60, %sub3A_76 : vector<10000x128xf32>
    %add3A_78 = arith.constant 9.99999974E-6 : f32
    %add3A_79 = vector.broadcast %add3A_78 : f32 to vector<128xf32>
    %add3A_80 = arith.addf %div3A_74, %add3A_79 : vector<128xf32>
    %sqrt3A_81 = math.sqrt %add3A_80 : vector<128xf32>
    %broadcast_in_dim3A_82 = vector.shape_cast %sqrt3A_81 : vector<128xf32> to vector<1x128xf32>
    %div3A_83 = vector.broadcast %broadcast_in_dim3A_82 : vector<1x128xf32> to vector<10000x128xf32>
    %div3A_84 = arith.divf %sub3A_77, %div3A_83 : vector<10000x128xf32>
    %get3A_85 = arith.constant 0 : index
    %get3A_86 = vector.load %arg8[%get3A_85] : memref<128xf32, #tpu.memory_space<vmem>>, vector<128xf32>
    %broadcast_in_dim3A_87 = vector.shape_cast %get3A_86 : vector<128xf32> to vector<1x128xf32>
    %mul3A_88 = vector.broadcast %broadcast_in_dim3A_87 : vector<1x128xf32> to vector<10000x128xf32>
    %mul3A_89 = arith.mulf %div3A_84, %mul3A_88 : vector<10000x128xf32>
    %get3A_90 = arith.constant 0 : index
    %get3A_91 = vector.load %arg9[%get3A_90] : memref<128xf32, #tpu.memory_space<vmem>>, vector<128xf32>
    %broadcast_in_dim3A_92 = vector.shape_cast %get3A_91 : vector<128xf32> to vector<1x128xf32>
    %add3A_93 = vector.broadcast %broadcast_in_dim3A_92 : vector<1x128xf32> to vector<10000x128xf32>
    %add3A_94 = arith.addf %mul3A_89, %add3A_93 : vector<10000x128xf32>
    %swap3A = arith.constant 0 : index
    %swap3A_95 = arith.constant 0 : index
    %swap3A_96 = vector.load %arg10[%swap3A, %swap3A_95] : memref<10000x128xf32, #tpu.memory_space<vmem>>, vector<10000x128xf32>
    tpu.vector_store %arg10[%swap3A, %swap3A_95], %add3A_94 {strides = array<i32>} : memref<10000x128xf32, #tpu.memory_space<vmem>>, vector<10000x128xf32>,
    return
  }
}

module attributes {stable_mosaic.version = 14 : i64} {
  func.func @_dense_body(%arg0: memref<2x10000x128xf32, #tpu.memory_space<vmem>>, %arg1: memref<10000x128xf32, #tpu.memory_space<vmem>>, %arg2: memref<128x128xf32, #tpu.memory_space<vmem>>, %arg3: memref<128xf32, #tpu.memory_space<vmem>>, %arg4: memref<128xf32, #tpu.memory_space<vmem>>, %arg5: memref<128xf32, #tpu.memory_space<vmem>>, %arg6: memref<128x128xf32, #tpu.memory_space<vmem>>, %arg7: memref<128xf32, #tpu.memory_space<vmem>>, %arg8: memref<128xf32, #tpu.memory_space<vmem>>, %arg9: memref<128xf32, #tpu.memory_space<vmem>>, %arg10: memref<10000x128xf32, #tpu.memory_space<vmem>>) attributes {dimension_semantics = [], scalar_prefetch = 0 : i64, scratch_operands = 0 : i64, tpu.core_type = #tpu.core_type<tc>} {
    %get3A = arith.constant 0 : index
    %get3A_0 = arith.constant 0 : index
    %get3A_1 = arith.constant 0 : index
    %get3A_2 = vector.load %arg0[%get3A, %get3A_0, %get3A_1] : memref<2x10000x128xf32, #tpu.memory_space<vmem>>, vector<1x10000x128xf32>
    %get3A_3 = vector.shape_cast %get3A_2 : vector<1x10000x128xf32> to vector<10000x128xf32>
    %get3A_4 = arith.constant 1 : index
    %get3A_5 = arith.constant 0 : index
    %get3A_6 = arith.constant 0 : index
    %get3A_7 = vector.load %arg0[%get3A_4, %get3A_5, %get3A_6] : memref<2x10000x128xf32, #tpu.memory_space<vmem>>, vector<1x10000x128xf32>
    %get3A_8 = vector.shape_cast %get3A_7 : vector<1x10000x128xf32> to vector<10000x128xf32>
    %add3A = arith.addf %get3A_3, %get3A_8 : vector<10000x128xf32>
    %get3A_9 = arith.constant 0 : index
    %get3A_10 = arith.constant 0 : index
    %get3A_11 = vector.load %arg1[%get3A_9, %get3A_10] : memref<10000x128xf32, #tpu.memory_space<vmem>>, vector<10000x128xf32>
    %sub3A = arith.subf %add3A, %get3A_11 : vector<10000x128xf32>
    %get3A_12 = arith.constant 0 : index
    %get3A_13 = arith.constant 0 : index
    %get3A_14 = vector.load %arg2[%get3A_12, %get3A_13] : memref<128x128xf32, #tpu.memory_space<vmem>>, vector<128x128xf32>
    %dot_general3A = arith.constant dense<0.000000e+00> : vector<10000x128xf32>
    %dot_general3A_15 = tpu.matmul %sub3A, %get3A_14, %dot_general3A {dimension_numbers = #tpu.dot_dimension_numbers<[1], [0], [0], [1], [0, 0, 1, 1], [], []>, transpose_lhs_hint = false} : vector<10000x128xf32>, vector<128x128xf32>, vector<10000x128xf32> -> vector<10000x128xf32>
    %get3A_16 = arith.constant 0 : index
    %get3A_17 = vector.load %arg3[%get3A_16] : memref<128xf32, #tpu.memory_space<vmem>>, vector<128xf32>
    %broadcast_in_dim3A = vector.shape_cast %get3A_17 : vector<128xf32> to vector<1x128xf32>
    %add3A_18 = vector.broadcast %broadcast_in_dim3A : vector<1x128xf32> to vector<10000x128xf32>
    %add3A_19 = arith.addf %dot_general3A_15, %add3A_18 : vector<10000x128xf32>
    %reduce_sum3A = arith.constant dense<0.000000e+00> : vector<128xf32>
    %reduce_sum3A_20 = vector.multi_reduction <add>, %add3A_19, %reduce_sum3A [0] : vector<10000x128xf32> to vector<128xf32>
    %div3A = arith.constant 1.000000e+04 : f32
    %div3A_21 = vector.broadcast %div3A : f32 to vector<128xf32>
    %div3A_22 = arith.divf %reduce_sum3A_20, %div3A_21 : vector<128xf32>
    %broadcast_in_dim3A_23 = vector.shape_cast %div3A_22 : vector<128xf32> to vector<1x128xf32>
    %sub3A_24 = vector.broadcast %broadcast_in_dim3A_23 : vector<1x128xf32> to vector<10000x128xf32>
    %sub3A_25 = arith.subf %add3A_19, %sub3A_24 : vector<10000x128xf32>
    %integer_pow3A = arith.mulf %sub3A_25, %sub3A_25 : vector<10000x128xf32>
    %reduce_sum3A_26 = arith.constant dense<0.000000e+00> : vector<128xf32>
    %reduce_sum3A_27 = vector.multi_reduction <add>, %integer_pow3A, %reduce_sum3A_26 [0] : vector<10000x128xf32> to vector<128xf32>
    %div3A_28 = arith.constant 1.000000e+04 : f32
    %div3A_29 = vector.broadcast %div3A_28 : f32 to vector<128xf32>
    %div3A_30 = arith.divf %reduce_sum3A_27, %div3A_29 : vector<128xf32>
    %broadcast_in_dim3A_31 = vector.shape_cast %div3A_22 : vector<128xf32> to vector<1x128xf32>
    %sub3A_32 = vector.broadcast %broadcast_in_dim3A_31 : vector<1x128xf32> to vector<10000x128xf32>
    %sub3A_33 = arith.subf %add3A_19, %sub3A_32 : vector<10000x128xf32>
    %add3A_34 = arith.constant 9.99999974E-6 : f32
    %add3A_35 = vector.broadcast %add3A_34 : f32 to vector<128xf32>
    %add3A_36 = arith.addf %div3A_30, %add3A_35 : vector<128xf32>
    %sqrt3A = math.sqrt %add3A_36 : vector<128xf32>
    %broadcast_in_dim3A_37 = vector.shape_cast %sqrt3A : vector<128xf32> to vector<1x128xf32>
    %div3A_38 = vector.broadcast %broadcast_in_dim3A_37 : vector<1x128xf32> to vector<10000x128xf32>
    %div3A_39 = arith.divf %sub3A_33, %div3A_38 : vector<10000x128xf32>
    %get3A_40 = arith.constant 0 : index
    %get3A_41 = vector.load %arg4[%get3A_40] : memref<128xf32, #tpu.memory_space<vmem>>, vector<128xf32>
    %broadcast_in_dim3A_42 = vector.shape_cast %get3A_41 : vector<128xf32> to vector<1x128xf32>
    %mul3A = vector.broadcast %broadcast_in_dim3A_42 : vector<1x128xf32> to vector<10000x128xf32>
    %mul3A_43 = arith.mulf %div3A_39, %mul3A : vector<10000x128xf32>
    %get3A_44 = arith.constant 0 : index
    %get3A_45 = vector.load %arg5[%get3A_44] : memref<128xf32, #tpu.memory_space<vmem>>, vector<128xf32>
    %broadcast_in_dim3A_46 = vector.shape_cast %get3A_45 : vector<128xf32> to vector<1x128xf32>
    %add3A_47 = vector.broadcast %broadcast_in_dim3A_46 : vector<1x128xf32> to vector<10000x128xf32>
    %add3A_48 = arith.addf %mul3A_43, %add3A_47 : vector<10000x128xf32>
    %max3A = arith.constant 0.000000e+00 : f32
    %max3A_49 = vector.broadcast %max3A : f32 to vector<10000x128xf32>
    %max3A_50 = arith.maximumf %add3A_48, %max3A_49 : vector<10000x128xf32>
    %get3A_51 = arith.constant 0 : index
    %get3A_52 = arith.constant 0 : index
    %get3A_53 = vector.load %arg6[%get3A_51, %get3A_52] : memref<128x128xf32, #tpu.memory_space<vmem>>, vector<128x128xf32>
    %dot_general3A_54 = arith.constant dense<0.000000e+00> : vector<10000x128xf32>
    %dot_general3A_55 = tpu.matmul %max3A_50, %get3A_53, %dot_general3A_54 {dimension_numbers = #tpu.dot_dimension_numbers<[1], [0], [0], [1], [0, 0, 1, 1], [], []>, transpose_lhs_hint = false} : vector<10000x128xf32>, vector<128x128xf32>, vector<10000x128xf32> -> vector<10000x128xf32>
    %get3A_56 = arith.constant 0 : index
    %get3A_57 = vector.load %arg7[%get3A_56] : memref<128xf32, #tpu.memory_space<vmem>>, vector<128xf32>
    %broadcast_in_dim3A_58 = vector.shape_cast %get3A_57 : vector<128xf32> to vector<1x128xf32>
    %add3A_59 = vector.broadcast %broadcast_in_dim3A_58 : vector<1x128xf32> to vector<10000x128xf32>
    %add3A_60 = arith.addf %dot_general3A_55, %add3A_59 : vector<10000x128xf32>
    %reduce_sum3A_61 = arith.constant dense<0.000000e+00> : vector<128xf32>
    %reduce_sum3A_62 = vector.multi_reduction <add>, %add3A_60, %reduce_sum3A_61 [0] : vector<10000x128xf32> to vector<128xf32>
    %div3A_63 = arith.constant 1.000000e+04 : f32
    %div3A_64 = vector.broadcast %div3A_63 : f32 to vector<128xf32>
    %div3A_65 = arith.divf %reduce_sum3A_62, %div3A_64 : vector<128xf32>
    %broadcast_in_dim3A_66 = vector.shape_cast %div3A_65 : vector<128xf32> to vector<1x128xf32>
    %sub3A_67 = vector.broadcast %broadcast_in_dim3A_66 : vector<1x128xf32> to vector<10000x128xf32>
    %sub3A_68 = arith.subf %add3A_60, %sub3A_67 : vector<10000x128xf32>
    %integer_pow3A_69 = arith.mulf %sub3A_68, %sub3A_68 : vector<10000x128xf32>
    %reduce_sum3A_70 = arith.constant dense<0.000000e+00> : vector<128xf32>
    %reduce_sum3A_71 = vector.multi_reduction <add>, %integer_pow3A_69, %reduce_sum3A_70 [0] : vector<10000x128xf32> to vector<128xf32>
    %div3A_72 = arith.constant 1.000000e+04 : f32
    %div3A_73 = vector.broadcast %div3A_72 : f32 to vector<128xf32>
    %div3A_74 = arith.divf %reduce_sum3A_71, %div3A_73 : vector<128xf32>
    %broadcast_in_dim3A_75 = vector.shape_cast %div3A_65 : vector<128xf32> to vector<1x128xf32>
    %sub3A_76 = vector.broadcast %broadcast_in_dim3A_75 : vector<1x128xf32> to vector<10000x128xf32>
    %sub3A_77 = arith.subf %add3A_60, %sub3A_76 : vector<10000x128xf32>
    %add3A_78 = arith.constant 9.99999974E-6 : f32
    %add3A_79 = vector.broadcast %add3A_78 : f32 to vector<128xf32>
    %add3A_80 = arith.addf %div3A_74, %add3A_79 : vector<128xf32>
    %sqrt3A_81 = math.sqrt %add3A_80 : vector<128xf32>
    %broadcast_in_dim3A_82 = vector.shape_cast %sqrt3A_81 : vector<128xf32> to vector<1x128xf32>
    %div3A_83 = vector.broadcast %broadcast_in_dim3A_82 : vector<1x128xf32> to vector<10000x128xf32>
    %div3A_84 = arith.divf %sub3A_77, %div3A_83 : vector<10000x128xf32>
    %get3A_85 = arith.constant 0 : index
    %get3A_86 = vector.load %arg8[%get3A_85] : memref<128xf32, #tpu.memory_space<vmem>>, vector<128xf32>
    %broadcast_in_dim3A_87 = vector.shape_cast %get3A_86 : vector<128xf32> to vector<1x128xf32>
    %mul3A_88 = vector.broadcast %broadcast_in_dim3A_87 : vector<1x128xf32> to vector<10000x128xf32>
    %mul3A_89 = arith.mulf %div3A_84, %mul3A_88 : vector<10000x128xf32>
    %get3A_90 = arith.constant 0 : index
    %get3A_91 = vector.load %arg9[%get3A_90] : memref<128xf32, #tpu.memory_space<vmem>>, vector<128xf32>
    %broadcast_in_dim3A_92 = vector.shape_cast %get3A_91 : vector<128xf32> to vector<1x128xf32>
    %add3A_93 = vector.broadcast %broadcast_in_dim3A_92 : vector<1x128xf32> to vector<10000x128xf32>
    %add3A_94 = arith.addf %mul3A_89, %add3A_93 : vector<10000x128xf32>
    %max3A_95 = arith.constant 0.000000e+00 : f32
    %max3A_96 = vector.broadcast %max3A_95 : f32 to vector<10000x128xf32>
    %max3A_97 = arith.maximumf %add3A_94, %max3A_96 : vector<10000x128xf32>
    %swap3A = arith.constant 0 : index
    %swap3A_98 = arith.constant 0 : index
    %swap3A_99 = vector.load %arg10[%swap3A, %swap3A_98] : memref<10000x128xf32, #tpu.memory_space<vmem>>, vector<10000x128xf32>
    tpu.vector_store %arg10[%swap3A, %swap3A_98], %max3A_97 {strides = array<i32>} : memref<10000x128xf32, #tpu.memory_space<vmem>>, vector<10000x128xf32>,
    return
  }
}

</mosaic_0001>

<sc_bundles>
// kernel: kernel.6.cloned.1.call-start
scs
__scs_entry_jumppad:
0x0: {  	(pc) =	sbr.rel $0x88, $3  }
0x1: {  	(tag) =	ssettag $0x0;
	lr =	simm.s32 $0x1  }
0x2: {  	[smem:$0x3F8F] =	sst lr;
	_ =	strace $0xD0000000  }
0x3: {  	_ = 	snop  }
0x4: {  	_ = 	snop  }
0x5: {  	_ = 	snop  }
0x6: {  	_ = 	snop  }
0x7: {  	_ = 	snop  }
__scs_overlays_trampoline_lowered:
0x8: {  	[smem:$0x3F9E] =	sst s0  }
0x9: {  	[smem:$0x3F9F] =	sst s1  }
0xa: {  	[smem:$0x3FA0] =	sst s2  }
0xb: {  	[smem:$0x3FA1] =	sst s3  }
0xc: {  	[smem:$0x3FA2] =	sst s4  }
0xd: {  	[smem:$0x3FA3] =	sst s5  }
0xe: {  	[smem:$0x3FA4] =	sst s6  }
0xf: {  	[smem:$0x3FA5] =	sst s7  }
0x10: {  	[smem:$0x3FA6] =	sst s8  }
0x11: {  	[smem:$0x3FA7] =	sst s9;
	s0 =	simm.s32 @!p0 $0x0  }
0x12: {  	s1 =	sld [smem:$0x3F8D];
	s0 =	simm.s32 @p0 $0x1  }
0x13: {  	[smem:$0x3FA8] =	sst s0;
	s0 =	simm.s32 @!p1 $0x0  }
0x14: {  	s2 =	sld [smem:$0x3F8C];
	s0 =	simm.s32 @p1 $0x1  }
0x15: {  	[smem:$0x3FA9] =	sst s0;
	s0 =	simm.s32 @!p2 $0x0  }
0x16: {  	s3 =	sld [smem:$0x3FDB];
	s0 =	simm.s32 @p2 $0x1  }
0x17: {  	s4 =	simm.s32 $0x1BF5;
	[smem:$0x3FAB] =	sst s0  }
0x18: {  	s0 =	sld [smem:$0x3F8E];
	_ =	swait.ge [sflag:s4], $0x0  }
0x19: {  	s7 =	sld [smem:$0x3F8F]  }
0x1a: {  	s8 =	sadd.s32 $0xFFFFE003, lr  }
0x1b: {  	s9 =	sadd.s32 $0xFFFFFEF7, lr;
	s5 =	simm.s32 $0xFFFFFFFF;
	p2 =	slt.u32 s8, $0xFFFFF086  }
0x1c: {  	p1 =	slt.u32 s9, $0xF7A;
	s5 =	simm.s32 @!p2 $0x0  }
0x1d: {  	s5 =	simm.s32 @p1 $0x1;
	p0 =	seq.s32 s7, s2  }
0x1e: {  	s7 =	smul.u32 @!p0 $0xF7A, s2;
	p2 =	seq.s32 @!p0 s5, $0x0  }
0x1f: {  	s9 =	smul.u32 $0xF7A, s1;
	s8 =	simm.s32 @!p0 $0x1BF5;
	p2 =	por !p2, p0  }
0x20: {  	[sflag:s8] =	ssyncset.s32 @!p0 $0xFFFFF086;
	s6 =	sadd.s32 @!p0 s3, s7;
	s7 =	simm.s32 @!p0 $0x108  }
0x21: {  	s3 =	sadd.s32 s3, s9;
	s6 =	sadd.s32 @!p0 $0x88, s6;
	s7 =	simm.s32 @p2 $0x1082  }
0x22: {  	[simem:s7], [sflag:s8] =	dma.local @!p0 [hbm:s6], $0xF7A  }
0x23: {  	s9 =	sor.u32 $0xD0000000, s2;
	s6 =	simm.s32 $0x108;
	_ =	swait.ge @!p0 [sflag:s8], $0x0  }
0x24: {  	s3 =	sadd.s32 $0x88, s3;
	s6 =	simm.s32 @!p1 $0x1082;
	[sflag:s4] =	ssyncset.s32 $0xFFFFF086  }
0x25: {  	[simem:s6], [sflag:s4] =	dma.local [hbm:s3], $0xF7A  }
0x26: {  	[smem:$0x3F8F] =	sst s1;
	(tag) =	ssettag s2;
	_ =	strace s9  }
0x27: {  	s1 =	sld [smem:$0x3F9F]  }
0x28: {  	s2 =	sld [smem:$0x3FA0]  }
0x29: {  	s4 =	sld [smem:$0x3FA2]  }
0x2a: {  	p0 =	seq.s32 s5, $0x0;
	s5 =	sld [smem:$0x3FA3]  }
0x2b: {  	s6 =	sld [smem:$0x3FA4]  }
0x2c: {  	s7 =	sld [smem:$0x3FA5]  }
0x2d: {  	s3 =	simm.s32 $0x108;
	s8 =	sld [smem:$0x3FA6]  }
0x2e: {  	s3 =	simm.s32 @!p0 $0x1082;
	s9 =	sld [smem:$0x3FA7]  }
0x2f: {  	lr =	sadd.s32 s0, s3;
	s0 =	sld [smem:$0x3F9E]  }
0x30: {  	s3 =	sld [smem:$0x3FA1]  }
0x31: {  	[smem:$0x3FAA] =	sst s10  }
0x32: {  	s10 =	sld [smem:$0x3FA8];
	_ =	sdelay $0x3  }
0x33: {  	p0 =	seq.s32 s10, $0x1;
	s10 =	sld [smem:$0x3FAA];
	_ =	sdelay $0x3  }
0x34: {  	[smem:$0x3FAA] =	sst s10  }
0x35: {  	s10 =	sld [smem:$0x3FA9];
	_ =	sdelay $0x3  }
0x36: {  	p1 =	seq.s32 s10, $0x1;
	s10 =	sld [smem:$0x3FAA];
	_ =	sdelay $0x3  }
0x37: {  	[smem:$0x3FAA] =	sst s10  }
0x38: {  	s10 =	sld [smem:$0x3FAB]  }
0x39: {  	_ = 	snop;
	(pc) =	sbr.ind lr, $3  }
0x3a: {  	_ = 	snop  }
0x3b: {  	_ = 	snop  }
0x3c: {  	p2 =	seq.s32 s10, $0x1;
	s10 =	sld [smem:$0x3FAA]  }
0x3d: {  	_ =	shalt  }
0x3e: {  	_ =	shalt  }
0x3f: {  	_ =	shalt  }
0x40: {  	_ =	shalt  }
0x41: {  	_ =	shalt  }
0x42: {  	_ =	shalt  }
0x43: {  	_ =	shalt  }
0x44: {  	_ =	shalt  }
0x45: {  	_ =	shalt  }
0x46: {  	_ =	shalt  }
0x47: {  	_ =	shalt  }
0x48: {  	_ =	shalt  }
0x49: {  	_ =	shalt  }
0x4a: {  	_ =	shalt  }
0x4b: {  	_ =	shalt  }
0x4c: {  	_ =	shalt  }
0x4d: {  	_ =	shalt  }
0x4e: {  	_ =	shalt  }
0x4f: {  	_ =	shalt  }
0x50: {  	_ =	shalt  }
0x51: {  	_ =	shalt  }
0x52: {  	_ =	shalt  }
0x53: {  	_ =	shalt  }
0x54: {  	_ =	shalt  }
0x55: {  	_ =	shalt  }
0x56: {  	_ =	shalt  }
0x57: {  	_ =	shalt  }
0x58: {  	_ =	shalt  }
0x59: {  	_ =	shalt  }
0x5a: {  	_ =	shalt  }
0x5b: {  	_ =	shalt  }
0x5c: {  	_ =	shalt  }
0x5d: {  	_ =	shalt  }
0x5e: {  	_ =	shalt  }
0x5f: {  	_ =	shalt  }
0x60: {  	_ =	shalt  }
0x61: {  	_ =	shalt  }
0x62: {  	_ =	shalt  }
0x63: {  	_ =	shalt  }
0x64: {  	_ =	shalt  }
0x65: {  	_ =	shalt  }
0x66: {  	_ =	shalt  }
0x67: {  	_ =	shalt  }
0x68: {  	_ =	shalt  }
0x69: {  	_ =	shalt  }
0x6a: {  	_ =	shalt  }
0x6b: {  	_ =	shalt  }
0x6c: {  	_ =	shalt  }
0x6d: {  	_ =	shalt  }
0x6e: {  	_ =	shalt  }
0x6f: {  	_ =	shalt  }
0x70: {  	_ =	shalt  }
0x71: {  	_ =	shalt  }
0x72: {  	_ =	shalt  }
0x73: {  	_ =	shalt  }
0x74: {  	_ =	shalt  }
0x75: {  	_ =	shalt  }
0x76: {  	_ =	shalt  }
0x77: {  	_ =	shalt  }
0x78: {  	_ =	shalt  }
0x79: {  	_ =	shalt  }
0x7a: {  	_ =	shalt  }
0x7b: {  	_ =	shalt  }
0x7c: {  	_ =	shalt  }
0x7d: {  	_ =	shalt  }
0x7e: {  	_ =	shalt  }
0x7f: {  	_ =	shalt  }
0x80: {  	_ =	shalt  }
0x81: {  	_ =	shalt  }
0x82: {  	_ =	shalt  }
0x83: {  	_ =	shalt  }
0x84: {  	_ =	shalt  }
0x85: {  	_ =	shalt  }
0x86: {  	_ =	shalt  }
0x87: {  	_ =	shalt  }
.Lfunc_end0:
.L_simem_size_0:
called_computation_lowered:
.L_overlay_start_0:
0x88: {  	s2 =	sld [smem:$0x3FD9]  }
0x89: {  	s3 =	sld [smem:$0x3FFE];
	_ =	sdelay $0x1  }
0x8a: {  	s1 =	srdreg.scid  }
0x8b: {  	s0 =	sand.u32 $0x1, s1  }
0x8c: {  	s17 =	sshll.u32 s0, $0xA;
	s2 =	sadd.s32 s3, s2  }
0x8d: {  	s2 =	sadd.s32 s2, s17  }
0x8e: {  	[smem:$0x3FB6] =	sst s2  }
0x8f: {  	_ = 	snop  }
0x90: {  	s2 =	sld [smem:$0x3FC9]  }
0x91: {  	s18 =	sld [smem:$0x3FC8];
	(tm) =	ssettm $0x1  }
0x92: {  	s4 =	sld [smem:$0x3FFB];
	_ =	sdelay $0x3  }
0x93: {  	_ =	strace s4  }
0x94: {  	s4 =	sld [smem:$0x3FFC];
	_ =	sdelay $0x3  }
0x95: {  	_ =	strace s4  }
0x96: {  	s4 =	sld [smem:$0x3FFD];
	_ =	sdelay $0x3  }
0x97: {  	_ =	strace s4  }
0x98: {  	_ =	strace $0x8FFFFFFF  }
0x99: {  	s19 =	sld [smem:$0x3FDB];
	_ =	sdelay $0x1  }
0x9a: {  	s5 =	simm.s32 $_scs_section_size  }
0x9b: {  	s6 =	simm.s32 $_size__tile_overlayer_lowered;
	s7 =	simm.s32 $_tile_overlayer_lowered  }
0x9c: {  	s22 =	simm.s32 $0x1BFF;
	s21 =	sshll.u32 s7, $0x1;
	s4 =	sadd.s32 s5, s19  }
0x9d: {  	s8 =	simm.s32 $0x0;
	s20 =	sshll.u32 s6, $0x1;
	s6 =	sadd.s32 s21, s4  }
0x9e: {  	[timem:s8], [sflag:s22] =	dma.local [hbm:s6], s20  }
0x9f: {  	_ =	swait.ge [sflag:s22], s20  }
0xa0: {  	s5 =	ssub.s32 $0x0, s20;
	[sflag:s22] =	ssyncset.done $0x0  }
0xa1: {  	[sflag:s22] =	ssyncadd.s32 s5;
	_ =	sdelay $0x1  }
0xa2: {  	s23 =	simm.s32 $0x1B8B  }
0xa3: {  	_ =	swait.ge [sflag:s23], $0x1  }
0xa4: {  	[sflag:s23] =	ssyncset.done $0x0  }
0xa5: {  	s25 =	simm.s32 $0x1B8E;
	s24 =	sld [smem:$0x3FFE];
	[sflag:s23] =	ssyncadd.s32 $0xFFFFFFFF  }
0xa6: {  	s26 =	simm.s32 $execute0_lowered;
	[smem:$0x3FD2] =	sst s25  }
0xa7: {  	s6 =	sshll.u32 s26, $0x1;
	_ =	strace $0x80000046;
	[dreg:$0x1] =	wrdreg $0xFFFFFFFF  }
0xa8: {  	s28 =	simm.s32 $_size_execute0_lowered;
	s4 =	sadd.s32 s4, s6;
	[dreg:$0x0] =	wrdreg $0x0  }
0xa9: {  	s6 =	sshll.u32 s28, $0x1;
	[dreg:$0x2] =	wrdreg s4  }
0xaa: {  	[dreg:$0x3] =	wrdreg s6  }
0xab: {  	[dreg:$0x4] =	wrdreg $0xC0  }
0xac: {  	_ =	task [dreg:s8], $0x5FFFF  }
0xad: {  	[dreg:$0x1] =	wrdreg $0xFFFFFFFF  }
0xae: {  	[dreg:$0x0] =	wrdreg $0x60  }
0xaf: {  	[dreg:$0x2] =	wrdreg s2  }
0xb0: {  	[dreg:$0x3] =	wrdreg s18  }
0xb1: {  	[dreg:$0x4] =	wrdreg s24  }
0xb2: {  	[dreg:$0x5] =	wrdreg $0x0  }
0xb3: {  	[dreg:$0x6] =	wrdreg $0x9  }
0xb4: {  	_ =	task.clear_ibuf [dreg:s8], $0x7FFFF;
	_ =	strace $0x90000046  }
0xb5: {  	s29 =	simm.s32 $0x9;
	_ =	strace $0x80000048  }
0xb6: {  	_ =	swait.ge [sflag:s29], $0x1  }
0xb7: {  	[sflag:s29] =	ssyncadd.s32 $0xFFFFFFFF  }
0xb8: {  	_ =	strace $0x90000048  }
0xb9: {  	_ =	sfence  }
0xba: {  	s30 =	sld [smem:$0x0];
	_ =	sdelay $0x2  }
0xbb: {  	s31 =	sshll.u32 s1, $0xD;
	s1 =	sshrl.u32 s1, $0x2  }
0xbc: {  	s3 =	sand.u32 $0x4000, s31;
	s1 =	sadd.s32 s1, s30  }
0xbd: {  	s0 =	sor.u32 s3, s0;
	s1 =	sshll.u32 s1, $0x11  }
0xbe: {  	s0 =	sor.u32 s1, s0  }
0xbf: {  	s0 =	sadd.s32 $0x8F2B, s0  }
0xc0: {  	[sflag:s0] =	ssyncadd.remote.s32 $0x1  }
0xc1: {  	_ =	sfence.sel $0xFFFF  }
0xc2: {  	[dreg:$0x0] =	wrdreg $0xFFFFFFFF;
	(pc) =	sbr.abs _section_cstart, $3  }
0xc3: {  	[dreg:$0x1] =	wrdreg $0xFFFFFFFF  }
0xc4: {  	_ =	task.clear_ibuf [dreg:s8], $0x2FFFF;
	_ =	strace $0x9FFFFFFF  }
0xc5: {  	(tm) =	ssettm $0x7FFFFFFF  }
tec
execute0_lowered:
.L_overlay_start_1:
0x0: {  	(tag) =	ssettag $0x1  }
0x1: {  	s0 =	rddreg [dreg:$0x0]  }
0x2: {  	s1 =	rddreg [dreg:$0x1]  }
0x3: {  	s4 =	rddreg [dreg:$0x2]  }
0x4: {  	s3 =	srdreg.scid;
	s2 =	rddreg [dreg:$0x3]  }
0x5: {  	s7 =	stileid.u32;
	s16 =	simm.s32 $0x138E0;
	s28 =	simm.s32 $0x18F80  }
0x6: {  	s30 =	simm.s32 $0x1BF80;
	s31 =	simm.s32 $0x1;
	s5 =	smul.u32 $0x2700, s7  }
0x7: {  	s29 =	simm.s32 $0x15EC0;
	s6 =	sand.u32 $0x1, s3;
	s10 =	smul.u32 $0x4E000, s7  }
0x8: {  	s3 =	simm.s32 $0x0;
	s12 =	smul.u32 $0x13800, s7;
	s4 =	sadd.s32 $0x3200, s4  }
0x9: {  	s13 =	sshll.u32 s7, $0x6;
	s21 =	sadd.s32 $0x27000, s0;
	p0 =	sne.s32 s7, $0x0  }
0xa: {  	p1 =	sgt.u32 s7, $0x3;
	s7 =	simm.s32 $0x2;
	s8 =	smul.u32 $0x27100, s6  }
0xb: {  	[smem:$0x7FF] =	sst s3;
	s9 =	ssub.s32 $0x2, s6;
	s6 =	smul.u32 $0x138800, s6  }
0xc: {  	_ =	strace $0x80000047;
	s11 =	sshrl.u32 s9, $0x1;
	s18 =	sshrl.u32 s10, $0x2  }
0xd: {  	s19 =	sshrl.u32 s12, $0x3;
	s10 =	sadd.s32 $0x138000, s2;
	[dreg:$0x7] =	wrdreg s21  }
0xe: {  	s21 =	simm.s32 $0x100;
	s11 =	ssub.s32 s9, s11;
	s17 =	sadd.s32 s5, s8  }
0xf: {  	s14 =	sadd.s32 s18, s2;
	s20 =	sadd.s32 s0, s19;
	s5 =	sor.u32 $0x1C07, s13  }
0x10: {  	s8 =	sadd.s32 s13, s8;
	s9 =	sadd.s32 $0x10, s1;
	s13 =	sand.u32 $0x40, s13  }
0x11: {  	s12 =	sadd.s32 s12, s6;
	s6 =	sshrl.u32 s6, $0x3;
	s18 =	simm.s32 $0x7  }
0x12: {  	s19 =	sshrl.u32 @!p0 s10, $0x3;
	s10 =	simm.s32 $0x6;
	[dreg:$0x5] =	wrdreg s20  }
0x13: {  	s15 =	sshrl.u32 s17, $0x2;
	s8 =	sshll.u32 s8, $0x1;
	s23 =	sshrl.u32 s12, $0x3  }
0x14: {  	s25 =	sadd.s32 s4, s6;
	s26 =	smax.u32 s11, $0x1;
	s17 =	sshrl.u32 s14, $0x3  }
0x15: {  	s20 =	simm.s32 $0x80;
	s11 =	simm.s32 $0x5;
	s14 =	simm.s32 $0x3  }
0x16: {  	s12 =	simm.s32 $0x14BA0;
	s22 =	sadd.s32 s1, s15;
	[dreg:$0x6] =	wrdreg s15  }
0x17: {  	s8 =	sadd.s32 $0x4E000, s8;
	s15 =	sadd.s32 $0x4E0, s15;
	[dreg:$0xf] =	wrdreg s26  }
0x18: {  	s24 =	sadd.s32 s4, s23;
	s23 =	simm.s32 $0x14C00;
	[dreg:$0x8] =	wrdreg s22  }
0x19: {  	s26 =	simm.s32 $0x15E60;
	s8 =	sand.u32 $0xFFF00, s8;
	[dreg:$0x9] =	wrdreg s15  }
0x1a: {  	s15 =	sadd.s32 s1, s15;
	[dreg:$0xd] =	wrdreg s24;
	s8 =	sor.u32 s13, s8  }
0x1b: {  	s4 =	simm.s32 $0x15F20;
	[dreg:$0xa] =	wrdreg s15;
	s13 =	sshrl.u32 s8, $0x3  }
0x1c: {  	s22 =	simm.s32 $0x13880;
	[dreg:$0xb] =	wrdreg s13;
	s1 =	sadd.s32 s1, s13  }
0x1d: {  	s24 =	simm.s32 $0x60;
	[dreg:$0xc] =	wrdreg s1;
	s1 =	sadd.s32 $0x27000, s25  }
0x1e: {  	s25 =	simm.s32 $0x15F80;
	[dreg:$0xe] =	wrdreg s1;
	s1 =	simm.s32 $0x4  }
.LBB2_1:
0x1f: {  	s6 =	rddreg [dreg:$0x5]  }
0x20: {  	[spmem:s17], [sflag:s5] =	dma.local [hbm:s6], $0x2700  }
0x21: {  	_ =	swait.ge [sflag:s18], $0x2700  }
0x22: {  	[sflag:s18] =	ssyncset.done $0x0  }
0x23: {  	s8 =	simm.s32 @!p0 $0x7;
	s6 =	rddreg [dreg:$0x7];
	[sflag:s18] =	ssyncadd.s32 $0xFFFFD900  }
0x24: {  	[spmem:s19], [sflag:s5] =	dma.local @!p0 [hbm:s6], $0x100  }
0x25: {  	_ =	swait.ge @!p0 [sflag:s8], $0x100  }
0x26: {  	[sflag:s8] =	ssyncset.done @!p0 $0x0  }
0x27: {  	[sflag:s8] =	ssyncadd.s32 @!p0 $0xFFFFFF00  }
0x28: {  	[bflag:$0x0] =	sbarrier.arrive $0xFFFF  }
0x29: {  	s15 =	rddreg [dreg:$0x8]  }
0x2a: {  	[tilespmem:s22], [sflag:$0x7] =	stream.strided.gather [hbm4b:s15+s20], $0x1380, s21, s20, $0x38;
	[tilespmem:$0x1EF80] =	vst v63  }
0x2b: {  	_ =	swait.ge [sflag:s18], $0x1380  }
0x2c: {  	[sflag:s18] =	ssyncset.done $0x0;
	s8 =	rddreg [dreg:$0x6]  }
0x2d: {  	[sflag:s18] =	ssyncadd.s32 $0xFFFFEC80;
	s13 =	sadd.s32 s8, s9  }
0x2e: {  	[tilespmem:s23], [sflag:$0x7] =	stream.strided.gather [hbm4b:s13+s20], $0x1380, s21, s20, $0x38;
	[tilespmem:$0x1EF80] =	vst v63  }
0x2f: {  	_ =	swait.ge [sflag:s18], $0x1380  }
0x30: {  	[sflag:s18] =	ssyncset.done $0x0  }
0x31: {  	[sflag:s18] =	ssyncadd.s32 $0xFFFFEC80  }
0x32: {  	[tilespmem:s25], [sflag:$0x1] =	stream.indirect.gather [hbm4b:s0+s24], $0x80, s22, s24, $0xb8;
	[tilespmem:$0x1EF80] =	vst v63  }
0x33: {  	_ = 	snop  }
0x34: {  	[tilespmem:s28], [sflag:$0x2] =	stream.indirect.gather [hbm4b:s0+s24], $0x80, s16, s24, $0xb8;
	[tilespmem:$0x1EF80] =	vst v63  }
0x35: {  	s15 =	simm.s32 $0x13940  }
0x36: {  	[tilespmem:s30], [sflag:$0x3] =	stream.indirect.gather [hbm4b:s0+s24], $0x80, s15, s24, $0xb8;
	[tilespmem:$0x1EF80] =	vst v63  }
0x37: {  	_ =	swait.ge [sflag:s31], $0x3000  }
0x38: {  	[sflag:s31] =	ssyncset.done $0x0  }
0x39: {  	[sflag:s31] =	ssyncadd.s32 $0xFFFFD000  }
0x3a: {  	[spmem:s2] =	stream.indirect.scatter.add.f32 [tilespmem:s25], [sflag:$0x4], $0x80, s23, s24, $0xb8;
	[tilespmem:$0x1EF80] =	vst v63  }
0x3b: {  	_ =	swait.ge [sflag:s1], $0x3000  }
0x3c: {  	[sflag:s1] =	ssyncset.done $0x0  }
0x3d: {  	s8 =	simm.s32 $0x139A0;
	[sflag:s1] =	ssyncadd.s32 $0xFFFFD000  }
0x3e: {  	[tilespmem:s25], [sflag:$0x1] =	stream.indirect.gather [hbm4b:s0+s24], $0x80, s8, s24, $0xb8;
	[tilespmem:$0x1EF80] =	vst v63  }
0x3f: {  	_ =	swait.ge [sflag:s7], $0x3000  }
0x40: {  	[sflag:s7] =	ssyncset.done $0x0  }
0x41: {  	s13 =	simm.s32 $0x14C60;
	[sflag:s7] =	ssyncadd.s32 $0xFFFFD000  }
0x42: {  	[spmem:s2] =	stream.indirect.scatter.add.f32 [tilespmem:s28], [sflag:$0x5], $0x80, s13, s24, $0xb8;
	[tilespmem:$0x1EF80] =	vst v63  }
0x43: {  	_ =	swait.ge [sflag:s11], $0x3000  }
0x44: {  	[sflag:s11] =	ssyncset.done $0x0  }
0x45: {  	s15 =	simm.s32 $0x13A00;
	[sflag:s11] =	ssyncadd.s32 $0xFFFFD000  }
0x46: {  	[tilespmem:s28], [sflag:$0x2] =	stream.indirect.gather [hbm4b:s0+s24], $0x80, s15, s24, $0xb8;
	[tilespmem:$0x1EF80] =	vst v63  }
0x47: {  	_ =	swait.ge [sflag:s14], $0x3000  }
0x48: {  	[sflag:s14] =	ssyncset.done $0x0  }
0x49: {  	s8 =	simm.s32 $0x14CC0;
	[sflag:s14] =	ssyncadd.s32 $0xFFFFD000  }
0x4a: {  	[spmem:s2] =	stream.indirect.scatter.add.f32 [tilespmem:s30], [sflag:$0x6], $0x80, s8, s24, $0xb8;
	[tilespmem:$0x1EF80] =	vst v63  }
0x4b: {  	_ =	swait.ge [sflag:s10], $0x3000  }
0x4c: {  	[sflag:s10] =	ssyncset.done $0x0  }
0x4d: {  	s13 =	simm.s32 $0x13A60;
	[sflag:s10] =	ssyncadd.s32 $0xFFFFD000  }
0x4e: {  	[tilespmem:s30], [sflag:$0x3] =	stream.indirect.gather [hbm4b:s0+s24], $0x80, s13, s24, $0xb8;
	[tilespmem:$0x1EF80] =	vst v63  }
0x4f: {  	_ =	swait.ge [sflag:s31], $0x3000  }
0x50: {  	[sflag:s31] =	ssyncset.done $0x0  }
0x51: {  	s15 =	simm.s32 $0x14D20;
	[sflag:s31] =	ssyncadd.s32 $0xFFFFD000  }
0x52: {  	[spmem:s2] =	stream.indirect.scatter.add.f32 [tilespmem:s25], [sflag:$0x4], $0x80, s15, s24, $0xb8;
	[tilespmem:$0x1EF80] =	vst v63  }
0x53: {  	_ =	swait.ge [sflag:s1], $0x3000  }
0x54: {  	[sflag:s1] =	ssyncset.done $0x0  }
0x55: {  	s6 =	simm.s32 $0x13AC0;
	[sflag:s1] =	ssyncadd.s32 $0xFFFFD000  }
0x56: {  	[tilespmem:s25], [sflag:$0x1] =	stream.indirect.gather [hbm4b:s0+s24], $0x80, s6, s24, $0xb8;
	[tilespmem:$0x1EF80] =	vst v63  }
0x57: {  	_ =	swait.ge [sflag:s7], $0x3000  }
0x58: {  	[sflag:s7] =	ssyncset.done $0x0  }
0x59: {  	s13 =	simm.s32 $0x14D80;
	[sflag:s7] =	ssyncadd.s32 $0xFFFFD000  }
0x5a: {  	[spmem:s2] =	stream.indirect.scatter.add.f32 [tilespmem:s28], [sflag:$0x5], $0x80, s13, s24, $0xb8;
	[tilespmem:$0x1EF80] =	vst v63  }
0x5b: {  	_ =	swait.ge [sflag:s11], $0x3000  }
0x5c: {  	[sflag:s11] =	ssyncset.done $0x0  }
0x5d: {  	s15 =	simm.s32 $0x13B20;
	[sflag:s11] =	ssyncadd.s32 $0xFFFFD000  }
0x5e: {  	[tilespmem:s28], [sflag:$0x2] =	stream.indirect.gather [hbm4b:s0+s24], $0x80, s15, s24, $0xb8;
	[tilespmem:$0x1EF80] =	vst v63  }
0x5f: {  	_ =	swait.ge [sflag:s14], $0x3000  }
0x60: {  	[sflag:s14] =	ssyncset.done $0x0  }
0x61: {  	s8 =	simm.s32 $0x480;
	s13 =	simm.s32 $0x14DE0;
	[sflag:s14] =	ssyncadd.s32 $0xFFFFD000  }
.LBB2_2:
0x62: {  	[spmem:s2] =	stream.indirect.scatter.add.f32 [tilespmem:s30], [sflag:$0x6], $0x80, s13, s24, $0xb8;
	[tilespmem:$0x1EF80] =	vst v63  }
0x63: {  	s13 =	smov.u32 s8  }
0x64: {  	p2 =	sne.s32 s8, $0x3F00;
	s8 =	sadd.s32 $0x480, s8;
	_ =	swait.ge [sflag:s10], $0x3000  }
0x65: {  	s13 =	sshra.s32 s13, $0x2;
	[sflag:s10] =	ssyncset.done $0x0  }
0x66: {  	s15 =	sadd.s32 $0x13A60, s13;
	[sflag:s10] =	ssyncadd.s32 $0xFFFFD000  }
0x67: {  	[tilespmem:s30], [sflag:$0x3] =	stream.indirect.gather [hbm4b:s0+s24], $0x80, s15, s24, $0xb8;
	[tilespmem:$0x1EF80] =	vst v63  }
0x68: {  	_ =	swait.ge [sflag:s31], $0x3000  }
0x69: {  	[sflag:s31] =	ssyncset.done $0x0  }
0x6a: {  	s15 =	sadd.s32 $0x14D20, s13;
	[sflag:s31] =	ssyncadd.s32 $0xFFFFD000  }
0x6b: {  	[spmem:s2] =	stream.indirect.scatter.add.f32 [tilespmem:s25], [sflag:$0x4], $0x80, s15, s24, $0xb8;
	[tilespmem:$0x1EF80] =	vst v63  }
0x6c: {  	_ =	swait.ge [sflag:s1], $0x3000  }
0x6d: {  	[sflag:s1] =	ssyncset.done $0x0  }
0x6e: {  	s15 =	sadd.s32 $0x13AC0, s13;
	[sflag:s1] =	ssyncadd.s32 $0xFFFFD000  }
0x6f: {  	[tilespmem:s25], [sflag:$0x1] =	stream.indirect.gather [hbm4b:s0+s24], $0x80, s15, s24, $0xb8;
	[tilespmem:$0x1EF80] =	vst v63  }
0x70: {  	_ =	swait.ge [sflag:s7], $0x3000  }
0x71: {  	[sflag:s7] =	ssyncset.done $0x0  }
0x72: {  	s15 =	sadd.s32 $0x14D80, s13;
	[sflag:s7] =	ssyncadd.s32 $0xFFFFD000  }
0x73: {  	[spmem:s2] =	stream.indirect.scatter.add.f32 [tilespmem:s28], [sflag:$0x5], $0x80, s15, s24, $0xb8;
	[tilespmem:$0x1EF80] =	vst v63  }
0x74: {  	_ =	swait.ge [sflag:s11], $0x3000  }
0x75: {  	[sflag:s11] =	ssyncset.done $0x0  }
.Ltmp0:
0x76: {  	s15 =	sadd.s32 $0x13B20, s13;
	[sflag:s11] =	ssyncadd.s32 $0xFFFFD000;
	(pc) =	sbr.rel @p2 .LBB2_2-.Ltmp0, $4  }
0x77: {  	[tilespmem:s28], [sflag:$0x2] =	stream.indirect.gather [hbm4b:s0+s24], $0x80, s15, s24, $0xb8;
	[tilespmem:$0x1EF80] =	vst v63  }
0x78: {  	_ =	swait.ge [sflag:s14], $0x3000  }
0x79: {  	[sflag:s14] =	ssyncset.done $0x0  }
0x7a: {  	s13 =	sadd.s32 $0x14DE0, s13;
	[sflag:s14] =	ssyncadd.s32 $0xFFFFD000  }
0x7b: {  	[spmem:s2] =	stream.indirect.scatter.add.f32 [tilespmem:s30], [sflag:$0x6], $0x80, s13, s24, $0xb8;
	[tilespmem:$0x1EF80] =	vst v63  }
0x7c: {  	_ =	swait.ge [sflag:s10], $0x3000  }
0x7d: {  	[sflag:s10] =	ssyncset.done $0x0  }
0x7e: {  	s6 =	simm.s32 $0x14B40;
	[sflag:s10] =	ssyncadd.s32 $0xFFFFD000  }
0x7f: {  	[tilespmem:s30], [sflag:$0x3] =	stream.indirect.gather [hbm4b:s0+s24], $0x80, s6, s24, $0xb8;
	[tilespmem:$0x1EF80] =	vst v63  }
0x80: {  	_ =	swait.ge [sflag:s31], $0x3000  }
0x81: {  	[sflag:s31] =	ssyncset.done $0x0  }
0x82: {  	s15 =	simm.s32 $0x15E00;
	[sflag:s31] =	ssyncadd.s32 $0xFFFFD000  }
0x83: {  	[spmem:s2] =	stream.indirect.scatter.add.f32 [tilespmem:s25], [sflag:$0x4], $0x80, s15, s24, $0xb8;
	[tilespmem:$0x1EF80] =	vst v63  }
0x84: {  	_ =	swait.ge [sflag:s1], $0x3000  }
0x85: {  	[sflag:s1] =	ssyncset.done $0x0  }
0x86: {  	[sflag:s1] =	ssyncadd.s32 $0xFFFFD000  }
0x87: {  	[tilespmem:s25], [sflag:$0x1] =	stream.indirect.gather [hbm4b:s0+s24], $0x80, s12, s24, $0xb8;
	[tilespmem:$0x1EF80] =	vst v63  }
0x88: {  	_ =	swait.ge [sflag:s7], $0x3000  }
0x89: {  	[sflag:s7] =	ssyncset.done $0x0  }
0x8a: {  	[sflag:s7] =	ssyncadd.s32 $0xFFFFD000  }
0x8b: {  	[spmem:s2] =	stream.indirect.scatter.add.f32 [tilespmem:s28], [sflag:$0x5], $0x80, s26, s24, $0xb8;
	[tilespmem:$0x1EF80] =	vst v63  }
0x8c: {  	_ =	swait.ge [sflag:s14], $0x3000  }
0x8d: {  	[sflag:s14] =	ssyncset.done $0x0  }
0x8e: {  	[sflag:s14] =	ssyncadd.s32 $0xFFFFD000  }
0x8f: {  	[spmem:s2] =	stream.indirect.scatter.add.f32 [tilespmem:s30], [sflag:$0x6], $0x80, s29, s24, $0xb8;
	[tilespmem:$0x1EF80] =	vst v63  }
0x90: {  	_ =	swait.ge [sflag:s31], $0x3000  }
0x91: {  	[sflag:s31] =	ssyncset.done $0x0  }
0x92: {  	[sflag:s31] =	ssyncadd.s32 $0xFFFFD000  }
0x93: {  	[spmem:s2] =	stream.indirect.scatter.add.f32 [tilespmem:s25], [sflag:$0x4], $0x80, s4, s24, $0xb8;
	[tilespmem:$0x1EF80] =	vst v63  }
0x94: {  	_ =	swait.ge [sflag:s11], $0x3000  }
0x95: {  	[sflag:s11] =	ssyncset.done $0x0  }
0x96: {  	[sflag:s11] =	ssyncadd.s32 $0xFFFFD000  }
0x97: {  	_ =	swait.ge [sflag:s10], $0x3000  }
0x98: {  	[sflag:s10] =	ssyncset.done $0x0  }
0x99: {  	[sflag:s10] =	ssyncadd.s32 $0xFFFFD000  }
0x9a: {  	_ =	swait.ge [sflag:s1], $0x3000  }
0x9b: {  	[sflag:s1] =	ssyncset.done $0x0  }
0x9c: {  	s8 =	rddreg [dreg:$0xa];
	[sflag:s1] =	ssyncadd.s32 $0xFFFFD000  }
0x9d: {  	[tilespmem:s22], [sflag:$0x7] =	stream.strided.gather [hbm4b:s8+s20], $0x1380, s21, s20, $0x38;
	[tilespmem:$0x1EF80] =	vst v63  }
0x9e: {  	_ =	swait.ge [sflag:s18], $0x1380  }
0x9f: {  	[sflag:s18] =	ssyncset.done $0x0;
	s13 =	rddreg [dreg:$0x9]  }
0xa0: {  	[sflag:s18] =	ssyncadd.s32 $0xFFFFEC80;
	s8 =	sadd.s32 s13, s9  }
0xa1: {  	[tilespmem:s23], [sflag:$0x7] =	stream.strided.gather [hbm4b:s8+s20], $0x1380, s21, s20, $0x38;
	[tilespmem:$0x1EF80] =	vst v63  }
0xa2: {  	_ =	swait.ge [sflag:s18], $0x1380  }
0xa3: {  	[sflag:s18] =	ssyncset.done $0x0  }
0xa4: {  	[sflag:s18] =	ssyncadd.s32 $0xFFFFEC80  }
0xa5: {  	[tilespmem:s25], [sflag:$0x1] =	stream.indirect.gather [hbm4b:s0+s24], $0x80, s22, s24, $0xb8;
	[tilespmem:$0x1EF80] =	vst v63  }
0xa6: {  	_ = 	snop  }
0xa7: {  	[tilespmem:s28], [sflag:$0x2] =	stream.indirect.gather [hbm4b:s0+s24], $0x80, s16, s24, $0xb8;
	[tilespmem:$0x1EF80] =	vst v63  }
0xa8: {  	s15 =	simm.s32 $0x13940  }
0xa9: {  	[tilespmem:s30], [sflag:$0x3] =	stream.indirect.gather [hbm4b:s0+s24], $0x80, s15, s24, $0xb8;
	[tilespmem:$0x1EF80] =	vst v63  }
0xaa: {  	_ =	swait.ge [sflag:s31], $0x3000  }
0xab: {  	[sflag:s31] =	ssyncset.done $0x0  }
0xac: {  	[sflag:s31] =	ssyncadd.s32 $0xFFFFD000  }
0xad: {  	[spmem:s2] =	stream.indirect.scatter.add.f32 [tilespmem:s25], [sflag:$0x4], $0x80, s23, s24, $0xb8;
	[tilespmem:$0x1EF80] =	vst v63  }
0xae: {  	_ =	swait.ge [sflag:s1], $0x3000  }
0xaf: {  	[sflag:s1] =	ssyncset.done $0x0  }
0xb0: {  	s16 =	simm.s32 $0x139A0;
	[sflag:s1] =	ssyncadd.s32 $0xFFFFD000  }
0xb1: {  	[tilespmem:s25], [sflag:$0x1] =	stream.indirect.gather [hbm4b:s0+s24], $0x80, s16, s24, $0xb8;
	[tilespmem:$0x1EF80] =	vst v63  }
0xb2: {  	_ =	swait.ge [sflag:s7], $0x3000  }
0xb3: {  	[sflag:s7] =	ssyncset.done $0x0  }
0xb4: {  	s8 =	simm.s32 $0x14C60;
	[sflag:s7] =	ssyncadd.s32 $0xFFFFD000  }
0xb5: {  	[spmem:s2] =	stream.indirect.scatter.add.f32 [tilespmem:s28], [sflag:$0x5], $0x80, s8, s24, $0xb8;
	[tilespmem:$0x1EF80] =	vst v63  }
0xb6: {  	_ =	swait.ge [sflag:s11], $0x3000  }
0xb7: {  	[sflag:s11] =	ssyncset.done $0x0  }
0xb8: {  	s13 =	simm.s32 $0x13A00;
	[sflag:s11] =	ssyncadd.s32 $0xFFFFD000  }
0xb9: {  	[tilespmem:s28], [sflag:$0x2] =	stream.indirect.gather [hbm4b:s0+s24], $0x80, s13, s24, $0xb8;
	[tilespmem:$0x1EF80] =	vst v63  }
0xba: {  	_ =	swait.ge [sflag:s14], $0x3000  }
0xbb: {  	[sflag:s14] =	ssyncset.done $0x0  }
0xbc: {  	s15 =	simm.s32 $0x14CC0;
	[sflag:s14] =	ssyncadd.s32 $0xFFFFD000  }
0xbd: {  	[spmem:s2] =	stream.indirect.scatter.add.f32 [tilespmem:s30], [sflag:$0x6], $0x80, s15, s24, $0xb8;
	[tilespmem:$0x1EF80] =	vst v63  }
0xbe: {  	_ =	swait.ge [sflag:s10], $0x3000  }
0xbf: {  	[sflag:s10] =	ssyncset.done $0x0  }
0xc0: {  	s16 =	simm.s32 $0x13A60;
	[sflag:s10] =	ssyncadd.s32 $0xFFFFD000  }
0xc1: {  	[tilespmem:s30], [sflag:$0x3] =	stream.indirect.gather [hbm4b:s0+s24], $0x80, s16, s24, $0xb8;
	[tilespmem:$0x1EF80] =	vst v63  }
0xc2: {  	_ =	swait.ge [sflag:s31], $0x3000  }
0xc3: {  	[sflag:s31] =	ssyncset.done $0x0  }
0xc4: {  	s6 =	simm.s32 $0x14D20;
	[sflag:s31] =	ssyncadd.s32 $0xFFFFD000  }
0xc5: {  	[spmem:s2] =	stream.indirect.scatter.add.f32 [tilespmem:s25], [sflag:$0x4], $0x80, s6, s24, $0xb8;
	[tilespmem:$0x1EF80] =	vst v63  }
0xc6: {  	_ =	swait.ge [sflag:s1], $0x3000  }
0xc7: {  	[sflag:s1] =	ssyncset.done $0x0  }
0xc8: {  	s13 =	simm.s32 $0x13AC0;
	[sflag:s1] =	ssyncadd.s32 $0xFFFFD000  }
0xc9: {  	[tilespmem:s25], [sflag:$0x1] =	stream.indirect.gather [hbm4b:s0+s24], $0x80, s13, s24, $0xb8;
	[tilespmem:$0x1EF80] =	vst v63  }
0xca: {  	_ =	swait.ge [sflag:s7], $0x3000  }
0xcb: {  	[sflag:s7] =	ssyncset.done $0x0  }
0xcc: {  	s15 =	simm.s32 $0x14D80;
	[sflag:s7] =	ssyncadd.s32 $0xFFFFD000  }
0xcd: {  	[spmem:s2] =	stream.indirect.scatter.add.f32 [tilespmem:s28], [sflag:$0x5], $0x80, s15, s24, $0xb8;
	[tilespmem:$0x1EF80] =	vst v63  }
0xce: {  	_ =	swait.ge [sflag:s11], $0x3000  }
0xcf: {  	[sflag:s11] =	ssyncset.done $0x0  }
0xd0: {  	s16 =	simm.s32 $0x13B20;
	[sflag:s11] =	ssyncadd.s32 $0xFFFFD000  }
0xd1: {  	[tilespmem:s28], [sflag:$0x2] =	stream.indirect.gather [hbm4b:s0+s24], $0x80, s16, s24, $0xb8;
	[tilespmem:$0x1EF80] =	vst v63  }
0xd2: {  	_ =	swait.ge [sflag:s14], $0x3000  }
0xd3: {  	[sflag:s14] =	ssyncset.done $0x0  }
0xd4: {  	s8 =	simm.s32 $0x480;
	s13 =	simm.s32 $0x14DE0;
	[sflag:s14] =	ssyncadd.s32 $0xFFFFD000  }
.LBB2_4:
0xd5: {  	[spmem:s2] =	stream.indirect.scatter.add.f32 [tilespmem:s30], [sflag:$0x6], $0x80, s13, s24, $0xb8;
	[tilespmem:$0x1EF80] =	vst v63  }
0xd6: {  	s13 =	smov.u32 s8  }
0xd7: {  	p2 =	sne.s32 s8, $0x3F00;
	s8 =	sadd.s32 $0x480, s8;
	_ =	swait.ge [sflag:s10], $0x3000  }
0xd8: {  	s13 =	sshra.s32 s13, $0x2;
	[sflag:s10] =	ssyncset.done $0x0  }
0xd9: {  	s15 =	sadd.s32 $0x13A60, s13;
	[sflag:s10] =	ssyncadd.s32 $0xFFFFD000  }
0xda: {  	[tilespmem:s30], [sflag:$0x3] =	stream.indirect.gather [hbm4b:s0+s24], $0x80, s15, s24, $0xb8;
	[tilespmem:$0x1EF80] =	vst v63  }
0xdb: {  	_ =	swait.ge [sflag:s31], $0x3000  }
0xdc: {  	[sflag:s31] =	ssyncset.done $0x0  }
0xdd: {  	s15 =	sadd.s32 $0x14D20, s13;
	[sflag:s31] =	ssyncadd.s32 $0xFFFFD000  }
0xde: {  	[spmem:s2] =	stream.indirect.scatter.add.f32 [tilespmem:s25], [sflag:$0x4], $0x80, s15, s24, $0xb8;
	[tilespmem:$0x1EF80] =	vst v63  }
0xdf: {  	_ =	swait.ge [sflag:s1], $0x3000  }
0xe0: {  	[sflag:s1] =	ssyncset.done $0x0  }
0xe1: {  	s15 =	sadd.s32 $0x13AC0, s13;
	[sflag:s1] =	ssyncadd.s32 $0xFFFFD000  }
0xe2: {  	[tilespmem:s25], [sflag:$0x1] =	stream.indirect.gather [hbm4b:s0+s24], $0x80, s15, s24, $0xb8;
	[tilespmem:$0x1EF80] =	vst v63  }
0xe3: {  	_ =	swait.ge [sflag:s7], $0x3000  }
0xe4: {  	[sflag:s7] =	ssyncset.done $0x0  }
0xe5: {  	s15 =	sadd.s32 $0x14D80, s13;
	[sflag:s7] =	ssyncadd.s32 $0xFFFFD000  }
0xe6: {  	[spmem:s2] =	stream.indirect.scatter.add.f32 [tilespmem:s28], [sflag:$0x5], $0x80, s15, s24, $0xb8;
	[tilespmem:$0x1EF80] =	vst v63  }
0xe7: {  	_ =	swait.ge [sflag:s11], $0x3000  }
0xe8: {  	[sflag:s11] =	ssyncset.done $0x0  }
.Ltmp1:
0xe9: {  	s15 =	sadd.s32 $0x13B20, s13;
	[sflag:s11] =	ssyncadd.s32 $0xFFFFD000;
	(pc) =	sbr.rel @p2 .LBB2_4-.Ltmp1, $4  }
0xea: {  	[tilespmem:s28], [sflag:$0x2] =	stream.indirect.gather [hbm4b:s0+s24], $0x80, s15, s24, $0xb8;
	[tilespmem:$0x1EF80] =	vst v63  }
0xeb: {  	_ =	swait.ge [sflag:s14], $0x3000  }
0xec: {  	[sflag:s14] =	ssyncset.done $0x0  }
0xed: {  	s13 =	sadd.s32 $0x14DE0, s13;
	[sflag:s14] =	ssyncadd.s32 $0xFFFFD000  }
0xee: {  	[spmem:s2] =	stream.indirect.scatter.add.f32 [tilespmem:s30], [sflag:$0x6], $0x80, s13, s24, $0xb8;
	[tilespmem:$0x1EF80] =	vst v63  }
0xef: {  	_ =	swait.ge [sflag:s10], $0x3000  }
0xf0: {  	[sflag:s10] =	ssyncset.done $0x0  }
0xf1: {  	s6 =	simm.s32 $0x14B40;
	[sflag:s10] =	ssyncadd.s32 $0xFFFFD000  }
0xf2: {  	[tilespmem:s30], [sflag:$0x3] =	stream.indirect.gather [hbm4b:s0+s24], $0x80, s6, s24, $0xb8;
	[tilespmem:$0x1EF80] =	vst v63  }
0xf3: {  	_ =	swait.ge [sflag:s31], $0x3000  }
0xf4: {  	[sflag:s31] =	ssyncset.done $0x0  }
0xf5: {  	s13 =	simm.s32 $0x15E00;
	[sflag:s31] =	ssyncadd.s32 $0xFFFFD000  }
0xf6: {  	[spmem:s2] =	stream.indirect.scatter.add.f32 [tilespmem:s25], [sflag:$0x4], $0x80, s13, s24, $0xb8;
	[tilespmem:$0x1EF80] =	vst v63  }
0xf7: {  	_ =	swait.ge [sflag:s1], $0x3000  }
0xf8: {  	[sflag:s1] =	ssyncset.done $0x0  }
0xf9: {  	[sflag:s1] =	ssyncadd.s32 $0xFFFFD000  }
0xfa: {  	[tilespmem:s25], [sflag:$0x1] =	stream.indirect.gather [hbm4b:s0+s24], $0x80, s12, s24, $0xb8;
	[tilespmem:$0x1EF80] =	vst v63  }
0xfb: {  	_ =	swait.ge [sflag:s7], $0x3000  }
0xfc: {  	[sflag:s7] =	ssyncset.done $0x0  }
0xfd: {  	[sflag:s7] =	ssyncadd.s32 $0xFFFFD000  }
0xfe: {  	[spmem:s2] =	stream.indirect.scatter.add.f32 [tilespmem:s28], [sflag:$0x5], $0x80, s26, s24, $0xb8;
	[tilespmem:$0x1EF80] =	vst v63  }
0xff: {  	_ =	swait.ge [sflag:s14], $0x3000  }
0x100: {  	[sflag:s14] =	ssyncset.done $0x0  }
0x101: {  	[sflag:s14] =	ssyncadd.s32 $0xFFFFD000  }
0x102: {  	[spmem:s2] =	stream.indirect.scatter.add.f32 [tilespmem:s30], [sflag:$0x6], $0x80, s29, s24, $0xb8;
	[tilespmem:$0x1EF80] =	vst v63  }
0x103: {  	_ =	swait.ge [sflag:s31], $0x3000  }
0x104: {  	[sflag:s31] =	ssyncset.done $0x0  }
0x105: {  	[sflag:s31] =	ssyncadd.s32 $0xFFFFD000  }
0x106: {  	[spmem:s2] =	stream.indirect.scatter.add.f32 [tilespmem:s25], [sflag:$0x4], $0x80, s4, s24, $0xb8;
	[tilespmem:$0x1EF80] =	vst v63  }
0x107: {  	_ =	swait.ge [sflag:s11], $0x3000  }
0x108: {  	[sflag:s11] =	ssyncset.done $0x0  }
0x109: {  	[sflag:s11] =	ssyncadd.s32 $0xFFFFD000  }
0x10a: {  	_ =	swait.ge [sflag:s10], $0x3000  }
0x10b: {  	[sflag:s10] =	ssyncset.done $0x0  }
0x10c: {  	[sflag:s10] =	ssyncadd.s32 $0xFFFFD000  }
0x10d: {  	_ =	swait.ge [sflag:s1], $0x3000  }
0x10e: {  	s8 =	simm.s32 @!p1 $0x0;
	s15 =	simm.s32 @!p1 $0x7;
	[sflag:s1] =	ssyncset.done $0x0  }
0x10f: {  	s13 =	simm.s32 @!p1 $0x13880;
	s6 =	rddreg [dreg:$0xc];
	[sflag:s1] =	ssyncadd.s32 $0xFFFFD000  }
0x110: {  	[tilespmem:s13], [sflag:$0x7] =	stream.linear.gather @!p1 [hbm4b:s6+s8], $0x40, $0x38;
	[tilespmem:$0x1EF80] =	vst v63  }
0x111: {  	_ =	swait.ge @!p1 [sflag:s15], $0x40  }
0x112: {  	[sflag:s15] =	ssyncset.done @!p1 $0x0;
	s6 =	rddreg [dreg:$0xb]  }
0x113: {  	[sflag:s15] =	ssyncadd.s32 @!p1 $0xFFFFFFC0;
	s16 =	sadd.s32 @!p1 s6, s9;
	s6 =	simm.s32 @!p1 $0x14C00  }
0x114: {  	[tilespmem:s6], [sflag:$0x7] =	stream.linear.gather @!p1 [hbm4b:s16+s8], $0x40, $0x38;
	[tilespmem:$0x1EF80] =	vst v63  }
0x115: {  	_ =	swait.ge @!p1 [sflag:s15], $0x40  }
0x116: {  	[sflag:s15] =	ssyncset.done @!p1 $0x0  }
0x117: {  	s8 =	simm.s32 @!p1 $0x40;
	s16 =	simm.s32 @!p1 $0x15F80;
	[sflag:s15] =	ssyncadd.s32 @!p1 $0xFFFFFFC0  }
0x118: {  	[tilespmem:s16], [sflag:$0x7] =	stream.indirect.gather @!p1 [hbm4b:s0+s8], $0x80, s13, s8, $0xb8;
	[tilespmem:$0x1EF80] =	vst v63  }
0x119: {  	_ =	swait.ge @!p1 [sflag:s15], $0x2000  }
0x11a: {  	[sflag:s15] =	ssyncset.done @!p1 $0x0  }
0x11b: {  	[sflag:s15] =	ssyncadd.s32 @!p1 $0xFFFFE000  }
0x11c: {  	[spmem:s2] =	stream.indirect.scatter.add.f32 @!p1 [tilespmem:s16], [sflag:$0x7], $0x80, s6, s8, $0xb8;
	[tilespmem:$0x1EF80] =	vst v63  }
0x11d: {  	_ =	swait.ge @!p1 [sflag:s15], $0x2000  }
0x11e: {  	[sflag:s15] =	ssyncset.done @!p1 $0x0  }
0x11f: {  	[sflag:s15] =	ssyncadd.s32 @!p1 $0xFFFFE000  }
0x120: {  	[bflag:$0x0] =	sbarrier.arrive $0xFFFF  }
0x121: {  	s15 =	rddreg [dreg:$0xd]  }
0x122: {  	[hbm:s15], [sflag:s5] =	dma.local [spmem:s17], $0x2700  }
0x123: {  	_ =	swait.ge [sflag:s18], $0x2700  }
0x124: {  	[sflag:s18] =	ssyncset.done $0x0  }
0x125: {  	s6 =	rddreg [dreg:$0xe];
	[sflag:s18] =	ssyncadd.s32 $0xFFFFD900  }
0x126: {  	[hbm:s6], [sflag:s5] =	dma.local @!p0 [spmem:s19], $0x100  }
0x127: {  	s6 =	simm.s32 @!p0 $0x7  }
0x128: {  	_ =	swait.ge @!p0 [sflag:s6], $0x100  }
0x129: {  	s3 =	sadd.s32 $0x1, s3;
	s16 =	rddreg [dreg:$0xf]  }
0x12a: {  	p2 =	sne.s32 s3, s16  }
.Ltmp2:
0x12b: {  	_ = 	snop;
	(pc) =	sbr.rel @p2 .LBB2_1-.Ltmp2, $3  }
0x12c: {  	_ =	sdelay $0x1  }
0x12d: {  	[sflag:s6] =	ssyncset.done @!p0 $0x0  }
0x12e: {  	[sflag:s6] =	ssyncadd.s32 @!p0 $0xFFFFFF00;
	s16 =	simm.s32 $0x138E0  }
0x12f: {  	_ =	sfence.sel $0x180000  }
0x130: {  	[bflag:$0x0] =	sbarrier.arrive $0xFFFF  }
0x131: {  	_ =	strace $0x90000047  }
0x132: {  	[bflag:$0x2] =	sbarrier.arrive $0xFFFF  }
0x133: {  	s0 =	rddreg [dreg:$0x4]  }
0x134: {  	s0 =	sadd.s32 @!p0 $0x100000, s0  }
0x135: {  	[sflag:s0] =	ssyncadd.tile.s32 @!p0 $0x1;
	_ =	shalt  }
.Lfunc_end2:
_tile_overlayer_lowered:
.L_overlay_start_2:
0x136: {  	(tag) =	ssettag $0x2  }
0x137: {  	s0 =	rddreg [dreg:$0x0];
	s2 =	stileid.u32  }
0x138: {  	s1 =	rddreg [dreg:$0x1];
	p0 =	sne.s32 s2, $0x0  }
0x139: {  	s3 =	rddreg [dreg:$0x2];
	[bflag:$0x3] =	sbarrier.arrive $0xFFFF;
	s2 =	simm.s32 @!p0 $0x1C07  }
0x13a: {  	[timem:s3], [sflag:s2] =	dma.local @!p0 [hbm:s0], s1  }
0x13b: {  	s0 =	simm.s32 @!p0 $0x7  }
0x13c: {  	_ =	swait.ge @!p0 [sflag:s0], s1  }
0x13d: {  	s1 =	ssub.s32 @!p0 $0x0, s1;
	[sflag:s0] =	ssyncset.done @!p0 $0x0  }
0x13e: {  	[sflag:s0] =	ssyncadd.s32 @!p0 s1  }
0x13f: {  	[bflag:$0x3] =	sbarrier.arrive $0xFFFF  }
0x140: {  	_ =	shalt  }

// kernel: kernel.9.cloned.1.call-start
scs
__scs_entry_jumppad:
0x0: {  	(pc) =	sbr.rel $0x88, $3  }
0x1: {  	(tag) =	ssettag $0x0;
	lr =	simm.s32 $0x1  }
0x2: {  	[smem:$0x3F8F] =	sst lr;
	_ =	strace $0xD0000000  }
0x3: {  	_ = 	snop  }
0x4: {  	_ = 	snop  }
0x5: {  	_ = 	snop  }
0x6: {  	_ = 	snop  }
0x7: {  	_ = 	snop  }
__scs_overlays_trampoline_lowered:
0x8: {  	[smem:$0x3F9E] =	sst s0  }
0x9: {  	[smem:$0x3F9F] =	sst s1  }
0xa: {  	[smem:$0x3FA0] =	sst s2  }
0xb: {  	[smem:$0x3FA1] =	sst s3  }
0xc: {  	[smem:$0x3FA2] =	sst s4  }
0xd: {  	[smem:$0x3FA3] =	sst s5  }
0xe: {  	[smem:$0x3FA4] =	sst s6  }
0xf: {  	[smem:$0x3FA5] =	sst s7  }
0x10: {  	[smem:$0x3FA6] =	sst s8  }
0x11: {  	[smem:$0x3FA7] =	sst s9;
	s0 =	simm.s32 @!p0 $0x0  }
0x12: {  	s1 =	sld [smem:$0x3F8D];
	s0 =	simm.s32 @p0 $0x1  }
0x13: {  	[smem:$0x3FA8] =	sst s0;
	s0 =	simm.s32 @!p1 $0x0  }
0x14: {  	s2 =	sld [smem:$0x3F8C];
	s0 =	simm.s32 @p1 $0x1  }
0x15: {  	[smem:$0x3FA9] =	sst s0;
	s0 =	simm.s32 @!p2 $0x0  }
0x16: {  	s3 =	sld [smem:$0x3FDB];
	s0 =	simm.s32 @p2 $0x1  }
0x17: {  	s4 =	simm.s32 $0x1BF5;
	[smem:$0x3FAB] =	sst s0  }
0x18: {  	s0 =	sld [smem:$0x3F8E];
	_ =	swait.ge [sflag:s4], $0x0  }
0x19: {  	s7 =	sld [smem:$0x3F8F]  }
0x1a: {  	s8 =	sadd.s32 $0xFFFFE003, lr  }
0x1b: {  	s9 =	sadd.s32 $0xFFFFFEF7, lr;
	s5 =	simm.s32 $0xFFFFFFFF;
	p2 =	slt.u32 s8, $0xFFFFF086  }
0x1c: {  	p1 =	slt.u32 s9, $0xF7A;
	s5 =	simm.s32 @!p2 $0x0  }
0x1d: {  	s5 =	simm.s32 @p1 $0x1;
	p0 =	seq.s32 s7, s2  }
0x1e: {  	s7 =	smul.u32 @!p0 $0xF7A, s2;
	p2 =	seq.s32 @!p0 s5, $0x0  }
0x1f: {  	s9 =	smul.u32 $0xF7A, s1;
	s8 =	simm.s32 @!p0 $0x1BF5;
	p2 =	por !p2, p0  }
0x20: {  	[sflag:s8] =	ssyncset.s32 @!p0 $0xFFFFF086;
	s6 =	sadd.s32 @!p0 s3, s7;
	s7 =	simm.s32 @!p0 $0x108  }
0x21: {  	s3 =	sadd.s32 s3, s9;
	s6 =	sadd.s32 @!p0 $0x88, s6;
	s7 =	simm.s32 @p2 $0x1082  }
0x22: {  	[simem:s7], [sflag:s8] =	dma.local @!p0 [hbm:s6], $0xF7A  }
0x23: {  	s9 =	sor.u32 $0xD0000000, s2;
	s6 =	simm.s32 $0x108;
	_ =	swait.ge @!p0 [sflag:s8], $0x0  }
0x24: {  	s3 =	sadd.s32 $0x88, s3;
	s6 =	simm.s32 @!p1 $0x1082;
	[sflag:s4] =	ssyncset.s32 $0xFFFFF086  }
0x25: {  	[simem:s6], [sflag:s4] =	dma.local [hbm:s3], $0xF7A  }
0x26: {  	[smem:$0x3F8F] =	sst s1;
	(tag) =	ssettag s2;
	_ =	strace s9  }
0x27: {  	s1 =	sld [smem:$0x3F9F]  }
0x28: {  	s2 =	sld [smem:$0x3FA0]  }
0x29: {  	s4 =	sld [smem:$0x3FA2]  }
0x2a: {  	p0 =	seq.s32 s5, $0x0;
	s5 =	sld [smem:$0x3FA3]  }
0x2b: {  	s6 =	sld [smem:$0x3FA4]  }
0x2c: {  	s7 =	sld [smem:$0x3FA5]  }
0x2d: {  	s3 =	simm.s32 $0x108;
	s8 =	sld [smem:$0x3FA6]  }
0x2e: {  	s3 =	simm.s32 @!p0 $0x1082;
	s9 =	sld [smem:$0x3FA7]  }
0x2f: {  	lr =	sadd.s32 s0, s3;
	s0 =	sld [smem:$0x3F9E]  }
0x30: {  	s3 =	sld [smem:$0x3FA1]  }
0x31: {  	[smem:$0x3FAA] =	sst s10  }
0x32: {  	s10 =	sld [smem:$0x3FA8];
	_ =	sdelay $0x3  }
0x33: {  	p0 =	seq.s32 s10, $0x1;
	s10 =	sld [smem:$0x3FAA];
	_ =	sdelay $0x3  }
0x34: {  	[smem:$0x3FAA] =	sst s10  }
0x35: {  	s10 =	sld [smem:$0x3FA9];
	_ =	sdelay $0x3  }
0x36: {  	p1 =	seq.s32 s10, $0x1;
	s10 =	sld [smem:$0x3FAA];
	_ =	sdelay $0x3  }
0x37: {  	[smem:$0x3FAA] =	sst s10  }
0x38: {  	s10 =	sld [smem:$0x3FAB]  }
0x39: {  	_ = 	snop;
	(pc) =	sbr.ind lr, $3  }
0x3a: {  	_ = 	snop  }
0x3b: {  	_ = 	snop  }
0x3c: {  	p2 =	seq.s32 s10, $0x1;
	s10 =	sld [smem:$0x3FAA]  }
0x3d: {  	_ =	shalt  }
0x3e: {  	_ =	shalt  }
0x3f: {  	_ =	shalt  }
0x40: {  	_ =	shalt  }
0x41: {  	_ =	shalt  }
0x42: {  	_ =	shalt  }
0x43: {  	_ =	shalt  }
0x44: {  	_ =	shalt  }
0x45: {  	_ =	shalt  }
0x46: {  	_ =	shalt  }
0x47: {  	_ =	shalt  }
0x48: {  	_ =	shalt  }
0x49: {  	_ =	shalt  }
0x4a: {  	_ =	shalt  }
0x4b: {  	_ =	shalt  }
0x4c: {  	_ =	shalt  }
0x4d: {  	_ =	shalt  }
0x4e: {  	_ =	shalt  }
0x4f: {  	_ =	shalt  }
0x50: {  	_ =	shalt  }
0x51: {  	_ =	shalt  }
0x52: {  	_ =	shalt  }
0x53: {  	_ =	shalt  }
0x54: {  	_ =	shalt  }
0x55: {  	_ =	shalt  }
0x56: {  	_ =	shalt  }
0x57: {  	_ =	shalt  }
0x58: {  	_ =	shalt  }
0x59: {  	_ =	shalt  }
0x5a: {  	_ =	shalt  }
0x5b: {  	_ =	shalt  }
0x5c: {  	_ =	shalt  }
0x5d: {  	_ =	shalt  }
0x5e: {  	_ =	shalt  }
0x5f: {  	_ =	shalt  }
0x60: {  	_ =	shalt  }
0x61: {  	_ =	shalt  }
0x62: {  	_ =	shalt  }
0x63: {  	_ =	shalt  }
0x64: {  	_ =	shalt  }
0x65: {  	_ =	shalt  }
0x66: {  	_ =	shalt  }
0x67: {  	_ =	shalt  }
0x68: {  	_ =	shalt  }
0x69: {  	_ =	shalt  }
0x6a: {  	_ =	shalt  }
0x6b: {  	_ =	shalt  }
0x6c: {  	_ =	shalt  }
0x6d: {  	_ =	shalt  }
0x6e: {  	_ =	shalt  }
0x6f: {  	_ =	shalt  }
0x70: {  	_ =	shalt  }
0x71: {  	_ =	shalt  }
0x72: {  	_ =	shalt  }
0x73: {  	_ =	shalt  }
0x74: {  	_ =	shalt  }
0x75: {  	_ =	shalt  }
0x76: {  	_ =	shalt  }
0x77: {  	_ =	shalt  }
0x78: {  	_ =	shalt  }
0x79: {  	_ =	shalt  }
0x7a: {  	_ =	shalt  }
0x7b: {  	_ =	shalt  }
0x7c: {  	_ =	shalt  }
0x7d: {  	_ =	shalt  }
0x7e: {  	_ =	shalt  }
0x7f: {  	_ =	shalt  }
0x80: {  	_ =	shalt  }
0x81: {  	_ =	shalt  }
0x82: {  	_ =	shalt  }
0x83: {  	_ =	shalt  }
0x84: {  	_ =	shalt  }
0x85: {  	_ =	shalt  }
0x86: {  	_ =	shalt  }
0x87: {  	_ =	shalt  }
.Lfunc_end0:
.L_simem_size_0:
called_computation.1_lowered:
.L_overlay_start_0:
0x88: {  	s2 =	sld [smem:$0x3FD9]  }
0x89: {  	s3 =	sld [smem:$0x3FFE];
	_ =	sdelay $0x1  }
0x8a: {  	s1 =	srdreg.scid  }
0x8b: {  	s0 =	sand.u32 $0x1, s1  }
0x8c: {  	s17 =	sshll.u32 s0, $0xA;
	s2 =	sadd.s32 s3, s2  }
0x8d: {  	s2 =	sadd.s32 s2, s17  }
0x8e: {  	[smem:$0x3FB6] =	sst s2  }
0x8f: {  	_ = 	snop  }
0x90: {  	s2 =	sld [smem:$0x3FC8]  }
0x91: {  	s18 =	sld [smem:$0x3FD0];
	(tm) =	ssettm $0x1  }
0x92: {  	s4 =	sld [smem:$0x3FFB];
	_ =	sdelay $0x3  }
0x93: {  	_ =	strace s4  }
0x94: {  	s4 =	sld [smem:$0x3FFC];
	_ =	sdelay $0x3  }
0x95: {  	_ =	strace s4  }
0x96: {  	s4 =	sld [smem:$0x3FFD];
	_ =	sdelay $0x3  }
0x97: {  	_ =	strace s4  }
0x98: {  	_ =	strace $0x8FFFFFFF  }
0x99: {  	s19 =	sld [smem:$0x3FDB];
	_ =	sdelay $0x1  }
0x9a: {  	s5 =	simm.s32 $_scs_section_size  }
0x9b: {  	s6 =	simm.s32 $_size__tile_overlayer_lowered;
	s7 =	simm.s32 $_tile_overlayer_lowered  }
0x9c: {  	s22 =	simm.s32 $0x1BFF;
	s21 =	sshll.u32 s7, $0x1;
	s4 =	sadd.s32 s5, s19  }
0x9d: {  	s8 =	simm.s32 $0x0;
	s20 =	sshll.u32 s6, $0x1;
	s6 =	sadd.s32 s21, s4  }
0x9e: {  	[timem:s8], [sflag:s22] =	dma.local [hbm:s6], s20  }
0x9f: {  	_ =	swait.ge [sflag:s22], s20  }
0xa0: {  	s5 =	ssub.s32 $0x0, s20;
	[sflag:s22] =	ssyncset.done $0x0  }
0xa1: {  	[sflag:s22] =	ssyncadd.s32 s5;
	_ =	sdelay $0x1  }
0xa2: {  	s23 =	simm.s32 $0x1B8B  }
0xa3: {  	_ =	swait.ge [sflag:s23], $0x1  }
0xa4: {  	[sflag:s23] =	ssyncset.done $0x0  }
0xa5: {  	s25 =	simm.s32 $0x1B8E;
	s24 =	sld [smem:$0x3FFE];
	[sflag:s23] =	ssyncadd.s32 $0xFFFFFFFF  }
0xa6: {  	s26 =	simm.s32 $execute0_lowered;
	[smem:$0x3FD2] =	sst s25  }
0xa7: {  	s6 =	sshll.u32 s26, $0x1;
	_ =	strace $0x80000049;
	[dreg:$0x1] =	wrdreg $0xFFFFFFFF  }
0xa8: {  	s28 =	simm.s32 $_size_execute0_lowered;
	s4 =	sadd.s32 s4, s6;
	[dreg:$0x0] =	wrdreg $0x0  }
0xa9: {  	s6 =	sshll.u32 s28, $0x1;
	[dreg:$0x2] =	wrdreg s4  }
0xaa: {  	[dreg:$0x3] =	wrdreg s6  }
0xab: {  	[dreg:$0x4] =	wrdreg $0xC0  }
0xac: {  	_ =	task [dreg:s8], $0x5FFFF  }
0xad: {  	[dreg:$0x1] =	wrdreg $0xFFFFFFFF  }
0xae: {  	[dreg:$0x0] =	wrdreg $0x60  }
0xaf: {  	[dreg:$0x2] =	wrdreg s18  }
0xb0: {  	[dreg:$0x3] =	wrdreg s2  }
0xb1: {  	[dreg:$0x4] =	wrdreg s24  }
0xb2: {  	[dreg:$0x5] =	wrdreg $0x0  }
0xb3: {  	[dreg:$0x6] =	wrdreg $0x9  }
0xb4: {  	_ =	task.clear_ibuf [dreg:s8], $0x7FFFF;
	_ =	strace $0x90000049  }
0xb5: {  	s29 =	simm.s32 $0x9;
	_ =	strace $0x8000004B  }
0xb6: {  	_ =	swait.ge [sflag:s29], $0x1  }
0xb7: {  	[sflag:s29] =	ssyncadd.s32 $0xFFFFFFFF  }
0xb8: {  	_ =	strace $0x9000004B  }
0xb9: {  	_ =	sfence  }
0xba: {  	s30 =	sld [smem:$0x0];
	_ =	sdelay $0x2  }
0xbb: {  	s31 =	sshll.u32 s1, $0xD;
	s1 =	sshrl.u32 s1, $0x2  }
0xbc: {  	s3 =	sand.u32 $0x4000, s31;
	s1 =	sadd.s32 s1, s30  }
0xbd: {  	s0 =	sor.u32 s3, s0;
	s1 =	sshll.u32 s1, $0x11  }
0xbe: {  	s0 =	sor.u32 s1, s0  }
0xbf: {  	s0 =	sadd.s32 $0x8F2B, s0  }
0xc0: {  	[sflag:s0] =	ssyncadd.remote.s32 $0x1  }
0xc1: {  	_ =	sfence.sel $0xFFFF  }
0xc2: {  	[dreg:$0x0] =	wrdreg $0xFFFFFFFF;
	(pc) =	sbr.abs _section_cstart, $3  }
0xc3: {  	[dreg:$0x1] =	wrdreg $0xFFFFFFFF  }
0xc4: {  	_ =	task.clear_ibuf [dreg:s8], $0x2FFFF;
	_ =	strace $0x9FFFFFFF  }
0xc5: {  	(tm) =	ssettm $0x7FFFFFFF  }
tec
execute0_lowered:
.L_overlay_start_1:
0x0: {  	(tag) =	ssettag $0x1  }
0x1: {  	s0 =	rddreg [dreg:$0x0]  }
0x2: {  	s1 =	rddreg [dreg:$0x1]  }
0x3: {  	s4 =	rddreg [dreg:$0x2]  }
0x4: {  	s3 =	srdreg.scid;
	s2 =	rddreg [dreg:$0x3]  }
0x5: {  	s7 =	stileid.u32;
	s16 =	simm.s32 $0x138E0;
	s28 =	simm.s32 $0x18F80  }
0x6: {  	s30 =	simm.s32 $0x1BF80;
	s31 =	simm.s32 $0x1;
	s5 =	smul.u32 $0x2700, s7  }
0x7: {  	s29 =	simm.s32 $0x15EC0;
	s6 =	sand.u32 $0x1, s3;
	s10 =	smul.u32 $0x4E000, s7  }
0x8: {  	s3 =	simm.s32 $0x0;
	s12 =	smul.u32 $0x13800, s7;
	s4 =	sadd.s32 $0x3200, s4  }
0x9: {  	s13 =	sshll.u32 s7, $0x6;
	s21 =	sadd.s32 $0x27000, s0;
	p0 =	sne.s32 s7, $0x0  }
0xa: {  	p1 =	sgt.u32 s7, $0x3;
	s7 =	simm.s32 $0x2;
	s8 =	smul.u32 $0x27100, s6  }
0xb: {  	[smem:$0x7FF] =	sst s3;
	s9 =	ssub.s32 $0x2, s6;
	s6 =	smul.u32 $0x138800, s6  }
0xc: {  	_ =	strace $0x8000004A;
	s11 =	sshrl.u32 s9, $0x1;
	s18 =	sshrl.u32 s10, $0x2  }
0xd: {  	s19 =	sshrl.u32 s12, $0x3;
	s10 =	sadd.s32 $0x138000, s2;
	[dreg:$0x7] =	wrdreg s21  }
0xe: {  	s21 =	simm.s32 $0x100;
	s11 =	ssub.s32 s9, s11;
	s17 =	sadd.s32 s5, s8  }
0xf: {  	s14 =	sadd.s32 s18, s2;
	s20 =	sadd.s32 s0, s19;
	s5 =	sor.u32 $0x1C07, s13  }
0x10: {  	s8 =	sadd.s32 s13, s8;
	s9 =	sadd.s32 $0x10, s1;
	s13 =	sand.u32 $0x40, s13  }
0x11: {  	s12 =	sadd.s32 s12, s6;
	s6 =	sshrl.u32 s6, $0x3;
	s18 =	simm.s32 $0x7  }
0x12: {  	s19 =	sshrl.u32 @!p0 s10, $0x3;
	s10 =	simm.s32 $0x6;
	[dreg:$0x5] =	wrdreg s20  }
0x13: {  	s15 =	sshrl.u32 s17, $0x2;
	s8 =	sshll.u32 s8, $0x1;
	s23 =	sshrl.u32 s12, $0x3  }
0x14: {  	s25 =	sadd.s32 s4, s6;
	s26 =	smax.u32 s11, $0x1;
	s17 =	sshrl.u32 s14, $0x3  }
0x15: {  	s20 =	simm.s32 $0x80;
	s11 =	simm.s32 $0x5;
	s14 =	simm.s32 $0x3  }
0x16: {  	s12 =	simm.s32 $0x14BA0;
	s22 =	sadd.s32 s1, s15;
	[dreg:$0x6] =	wrdreg s15  }
0x17: {  	s8 =	sadd.s32 $0x4E000, s8;
	s15 =	sadd.s32 $0x4E0, s15;
	[dreg:$0xf] =	wrdreg s26  }
0x18: {  	s24 =	sadd.s32 s4, s23;
	s23 =	simm.s32 $0x14C00;
	[dreg:$0x8] =	wrdreg s22  }
0x19: {  	s26 =	simm.s32 $0x15E60;
	s8 =	sand.u32 $0xFFF00, s8;
	[dreg:$0x9] =	wrdreg s15  }
0x1a: {  	s15 =	sadd.s32 s1, s15;
	[dreg:$0xd] =	wrdreg s24;
	s8 =	sor.u32 s13, s8  }
0x1b: {  	s4 =	simm.s32 $0x15F20;
	[dreg:$0xa] =	wrdreg s15;
	s13 =	sshrl.u32 s8, $0x3  }
0x1c: {  	s22 =	simm.s32 $0x13880;
	[dreg:$0xb] =	wrdreg s13;
	s1 =	sadd.s32 s1, s13  }
0x1d: {  	s24 =	simm.s32 $0x60;
	[dreg:$0xc] =	wrdreg s1;
	s1 =	sadd.s32 $0x27000, s25  }
0x1e: {  	s25 =	simm.s32 $0x15F80;
	[dreg:$0xe] =	wrdreg s1;
	s1 =	simm.s32 $0x4  }
.LBB2_1:
0x1f: {  	s6 =	rddreg [dreg:$0x5]  }
0x20: {  	[spmem:s17], [sflag:s5] =	dma.local [hbm:s6], $0x2700  }
0x21: {  	_ =	swait.ge [sflag:s18], $0x2700  }
0x22: {  	[sflag:s18] =	ssyncset.done $0x0  }
0x23: {  	s8 =	simm.s32 @!p0 $0x7;
	s6 =	rddreg [dreg:$0x7];
	[sflag:s18] =	ssyncadd.s32 $0xFFFFD900  }
0x24: {  	[spmem:s19], [sflag:s5] =	dma.local @!p0 [hbm:s6], $0x100  }
0x25: {  	_ =	swait.ge @!p0 [sflag:s8], $0x100  }
0x26: {  	[sflag:s8] =	ssyncset.done @!p0 $0x0  }
0x27: {  	[sflag:s8] =	ssyncadd.s32 @!p0 $0xFFFFFF00  }
0x28: {  	[bflag:$0x0] =	sbarrier.arrive $0xFFFF  }
0x29: {  	s15 =	rddreg [dreg:$0x8]  }
0x2a: {  	[tilespmem:s22], [sflag:$0x7] =	stream.strided.gather [hbm4b:s15+s20], $0x1380, s21, s20, $0x38;
	[tilespmem:$0x1EF80] =	vst v63  }
0x2b: {  	_ =	swait.ge [sflag:s18], $0x1380  }
0x2c: {  	[sflag:s18] =	ssyncset.done $0x0;
	s8 =	rddreg [dreg:$0x6]  }
0x2d: {  	[sflag:s18] =	ssyncadd.s32 $0xFFFFEC80;
	s13 =	sadd.s32 s8, s9  }
0x2e: {  	[tilespmem:s23], [sflag:$0x7] =	stream.strided.gather [hbm4b:s13+s20], $0x1380, s21, s20, $0x38;
	[tilespmem:$0x1EF80] =	vst v63  }
0x2f: {  	_ =	swait.ge [sflag:s18], $0x1380  }
0x30: {  	[sflag:s18] =	ssyncset.done $0x0  }
0x31: {  	[sflag:s18] =	ssyncadd.s32 $0xFFFFEC80  }
0x32: {  	[tilespmem:s25], [sflag:$0x1] =	stream.indirect.gather [hbm4b:s0+s24], $0x80, s22, s24, $0xb8;
	[tilespmem:$0x1EF80] =	vst v63  }
0x33: {  	_ = 	snop  }
0x34: {  	[tilespmem:s28], [sflag:$0x2] =	stream.indirect.gather [hbm4b:s0+s24], $0x80, s16, s24, $0xb8;
	[tilespmem:$0x1EF80] =	vst v63  }
0x35: {  	s15 =	simm.s32 $0x13940  }
0x36: {  	[tilespmem:s30], [sflag:$0x3] =	stream.indirect.gather [hbm4b:s0+s24], $0x80, s15, s24, $0xb8;
	[tilespmem:$0x1EF80] =	vst v63  }
0x37: {  	_ =	swait.ge [sflag:s31], $0x3000  }
0x38: {  	[sflag:s31] =	ssyncset.done $0x0  }
0x39: {  	[sflag:s31] =	ssyncadd.s32 $0xFFFFD000  }
0x3a: {  	[spmem:s2] =	stream.indirect.scatter.add.f32 [tilespmem:s25], [sflag:$0x4], $0x80, s23, s24, $0xb8;
	[tilespmem:$0x1EF80] =	vst v63  }
0x3b: {  	_ =	swait.ge [sflag:s1], $0x3000  }
0x3c: {  	[sflag:s1] =	ssyncset.done $0x0  }
0x3d: {  	s8 =	simm.s32 $0x139A0;
	[sflag:s1] =	ssyncadd.s32 $0xFFFFD000  }
0x3e: {  	[tilespmem:s25], [sflag:$0x1] =	stream.indirect.gather [hbm4b:s0+s24], $0x80, s8, s24, $0xb8;
	[tilespmem:$0x1EF80] =	vst v63  }
0x3f: {  	_ =	swait.ge [sflag:s7], $0x3000  }
0x40: {  	[sflag:s7] =	ssyncset.done $0x0  }
0x41: {  	s13 =	simm.s32 $0x14C60;
	[sflag:s7] =	ssyncadd.s32 $0xFFFFD000  }
0x42: {  	[spmem:s2] =	stream.indirect.scatter.add.f32 [tilespmem:s28], [sflag:$0x5], $0x80, s13, s24, $0xb8;
	[tilespmem:$0x1EF80] =	vst v63  }
0x43: {  	_ =	swait.ge [sflag:s11], $0x3000  }
0x44: {  	[sflag:s11] =	ssyncset.done $0x0  }
0x45: {  	s15 =	simm.s32 $0x13A00;
	[sflag:s11] =	ssyncadd.s32 $0xFFFFD000  }
0x46: {  	[tilespmem:s28], [sflag:$0x2] =	stream.indirect.gather [hbm4b:s0+s24], $0x80, s15, s24, $0xb8;
	[tilespmem:$0x1EF80] =	vst v63  }
0x47: {  	_ =	swait.ge [sflag:s14], $0x3000  }
0x48: {  	[sflag:s14] =	ssyncset.done $0x0  }
0x49: {  	s8 =	simm.s32 $0x14CC0;
	[sflag:s14] =	ssyncadd.s32 $0xFFFFD000  }
0x4a: {  	[spmem:s2] =	stream.indirect.scatter.add.f32 [tilespmem:s30], [sflag:$0x6], $0x80, s8, s24, $0xb8;
	[tilespmem:$0x1EF80] =	vst v63  }
0x4b: {  	_ =	swait.ge [sflag:s10], $0x3000  }
0x4c: {  	[sflag:s10] =	ssyncset.done $0x0  }
0x4d: {  	s13 =	simm.s32 $0x13A60;
	[sflag:s10] =	ssyncadd.s32 $0xFFFFD000  }
0x4e: {  	[tilespmem:s30], [sflag:$0x3] =	stream.indirect.gather [hbm4b:s0+s24], $0x80, s13, s24, $0xb8;
	[tilespmem:$0x1EF80] =	vst v63  }
0x4f: {  	_ =	swait.ge [sflag:s31], $0x3000  }
0x50: {  	[sflag:s31] =	ssyncset.done $0x0  }
0x51: {  	s15 =	simm.s32 $0x14D20;
	[sflag:s31] =	ssyncadd.s32 $0xFFFFD000  }
0x52: {  	[spmem:s2] =	stream.indirect.scatter.add.f32 [tilespmem:s25], [sflag:$0x4], $0x80, s15, s24, $0xb8;
	[tilespmem:$0x1EF80] =	vst v63  }
0x53: {  	_ =	swait.ge [sflag:s1], $0x3000  }
0x54: {  	[sflag:s1] =	ssyncset.done $0x0  }
0x55: {  	s6 =	simm.s32 $0x13AC0;
	[sflag:s1] =	ssyncadd.s32 $0xFFFFD000  }
0x56: {  	[tilespmem:s25], [sflag:$0x1] =	stream.indirect.gather [hbm4b:s0+s24], $0x80, s6, s24, $0xb8;
	[tilespmem:$0x1EF80] =	vst v63  }
0x57: {  	_ =	swait.ge [sflag:s7], $0x3000  }
0x58: {  	[sflag:s7] =	ssyncset.done $0x0  }
0x59: {  	s13 =	simm.s32 $0x14D80;
	[sflag:s7] =	ssyncadd.s32 $0xFFFFD000  }
0x5a: {  	[spmem:s2] =	stream.indirect.scatter.add.f32 [tilespmem:s28], [sflag:$0x5], $0x80, s13, s24, $0xb8;
	[tilespmem:$0x1EF80] =	vst v63  }
0x5b: {  	_ =	swait.ge [sflag:s11], $0x3000  }
0x5c: {  	[sflag:s11] =	ssyncset.done $0x0  }
0x5d: {  	s15 =	simm.s32 $0x13B20;
	[sflag:s11] =	ssyncadd.s32 $0xFFFFD000  }
0x5e: {  	[tilespmem:s28], [sflag:$0x2] =	stream.indirect.gather [hbm4b:s0+s24], $0x80, s15, s24, $0xb8;
	[tilespmem:$0x1EF80] =	vst v63  }
0x5f: {  	_ =	swait.ge [sflag:s14], $0x3000  }
0x60: {  	[sflag:s14] =	ssyncset.done $0x0  }
0x61: {  	s8 =	simm.s32 $0x480;
	s13 =	simm.s32 $0x14DE0;
	[sflag:s14] =	ssyncadd.s32 $0xFFFFD000  }
.LBB2_2:
0x62: {  	[spmem:s2] =	stream.indirect.scatter.add.f32 [tilespmem:s30], [sflag:$0x6], $0x80, s13, s24, $0xb8;
	[tilespmem:$0x1EF80] =	vst v63  }
0x63: {  	s13 =	smov.u32 s8  }
0x64: {  	p2 =	sne.s32 s8, $0x3F00;
	s8 =	sadd.s32 $0x480, s8;
	_ =	swait.ge [sflag:s10], $0x3000  }
0x65: {  	s13 =	sshra.s32 s13, $0x2;
	[sflag:s10] =	ssyncset.done $0x0  }
0x66: {  	s15 =	sadd.s32 $0x13A60, s13;
	[sflag:s10] =	ssyncadd.s32 $0xFFFFD000  }
0x67: {  	[tilespmem:s30], [sflag:$0x3] =	stream.indirect.gather [hbm4b:s0+s24], $0x80, s15, s24, $0xb8;
	[tilespmem:$0x1EF80] =	vst v63  }
0x68: {  	_ =	swait.ge [sflag:s31], $0x3000  }
0x69: {  	[sflag:s31] =	ssyncset.done $0x0  }
0x6a: {  	s15 =	sadd.s32 $0x14D20, s13;
	[sflag:s31] =	ssyncadd.s32 $0xFFFFD000  }
0x6b: {  	[spmem:s2] =	stream.indirect.scatter.add.f32 [tilespmem:s25], [sflag:$0x4], $0x80, s15, s24, $0xb8;
	[tilespmem:$0x1EF80] =	vst v63  }
0x6c: {  	_ =	swait.ge [sflag:s1], $0x3000  }
0x6d: {  	[sflag:s1] =	ssyncset.done $0x0  }
0x6e: {  	s15 =	sadd.s32 $0x13AC0, s13;
	[sflag:s1] =	ssyncadd.s32 $0xFFFFD000  }
0x6f: {  	[tilespmem:s25], [sflag:$0x1] =	stream.indirect.gather [hbm4b:s0+s24], $0x80, s15, s24, $0xb8;
	[tilespmem:$0x1EF80] =	vst v63  }
0x70: {  	_ =	swait.ge [sflag:s7], $0x3000  }
0x71: {  	[sflag:s7] =	ssyncset.done $0x0  }
0x72: {  	s15 =	sadd.s32 $0x14D80, s13;
	[sflag:s7] =	ssyncadd.s32 $0xFFFFD000  }
0x73: {  	[spmem:s2] =	stream.indirect.scatter.add.f32 [tilespmem:s28], [sflag:$0x5], $0x80, s15, s24, $0xb8;
	[tilespmem:$0x1EF80] =	vst v63  }
0x74: {  	_ =	swait.ge [sflag:s11], $0x3000  }
0x75: {  	[sflag:s11] =	ssyncset.done $0x0  }
.Ltmp0:
0x76: {  	s15 =	sadd.s32 $0x13B20, s13;
	[sflag:s11] =	ssyncadd.s32 $0xFFFFD000;
	(pc) =	sbr.rel @p2 .LBB2_2-.Ltmp0, $4  }
0x77: {  	[tilespmem:s28], [sflag:$0x2] =	stream.indirect.gather [hbm4b:s0+s24], $0x80, s15, s24, $0xb8;
	[tilespmem:$0x1EF80] =	vst v63  }
0x78: {  	_ =	swait.ge [sflag:s14], $0x3000  }
0x79: {  	[sflag:s14] =	ssyncset.done $0x0  }
0x7a: {  	s13 =	sadd.s32 $0x14DE0, s13;
	[sflag:s14] =	ssyncadd.s32 $0xFFFFD000  }
0x7b: {  	[spmem:s2] =	stream.indirect.scatter.add.f32 [tilespmem:s30], [sflag:$0x6], $0x80, s13, s24, $0xb8;
	[tilespmem:$0x1EF80] =	vst v63  }
0x7c: {  	_ =	swait.ge [sflag:s10], $0x3000  }
0x7d: {  	[sflag:s10] =	ssyncset.done $0x0  }
0x7e: {  	s6 =	simm.s32 $0x14B40;
	[sflag:s10] =	ssyncadd.s32 $0xFFFFD000  }
0x7f: {  	[tilespmem:s30], [sflag:$0x3] =	stream.indirect.gather [hbm4b:s0+s24], $0x80, s6, s24, $0xb8;
	[tilespmem:$0x1EF80] =	vst v63  }
0x80: {  	_ =	swait.ge [sflag:s31], $0x3000  }
0x81: {  	[sflag:s31] =	ssyncset.done $0x0  }
0x82: {  	s15 =	simm.s32 $0x15E00;
	[sflag:s31] =	ssyncadd.s32 $0xFFFFD000  }
0x83: {  	[spmem:s2] =	stream.indirect.scatter.add.f32 [tilespmem:s25], [sflag:$0x4], $0x80, s15, s24, $0xb8;
	[tilespmem:$0x1EF80] =	vst v63  }
0x84: {  	_ =	swait.ge [sflag:s1], $0x3000  }
0x85: {  	[sflag:s1] =	ssyncset.done $0x0  }
0x86: {  	[sflag:s1] =	ssyncadd.s32 $0xFFFFD000  }
0x87: {  	[tilespmem:s25], [sflag:$0x1] =	stream.indirect.gather [hbm4b:s0+s24], $0x80, s12, s24, $0xb8;
	[tilespmem:$0x1EF80] =	vst v63  }
0x88: {  	_ =	swait.ge [sflag:s7], $0x3000  }
0x89: {  	[sflag:s7] =	ssyncset.done $0x0  }
0x8a: {  	[sflag:s7] =	ssyncadd.s32 $0xFFFFD000  }
0x8b: {  	[spmem:s2] =	stream.indirect.scatter.add.f32 [tilespmem:s28], [sflag:$0x5], $0x80, s26, s24, $0xb8;
	[tilespmem:$0x1EF80] =	vst v63  }
0x8c: {  	_ =	swait.ge [sflag:s14], $0x3000  }
0x8d: {  	[sflag:s14] =	ssyncset.done $0x0  }
0x8e: {  	[sflag:s14] =	ssyncadd.s32 $0xFFFFD000  }
0x8f: {  	[spmem:s2] =	stream.indirect.scatter.add.f32 [tilespmem:s30], [sflag:$0x6], $0x80, s29, s24, $0xb8;
	[tilespmem:$0x1EF80] =	vst v63  }
0x90: {  	_ =	swait.ge [sflag:s31], $0x3000  }
0x91: {  	[sflag:s31] =	ssyncset.done $0x0  }
0x92: {  	[sflag:s31] =	ssyncadd.s32 $0xFFFFD000  }
0x93: {  	[spmem:s2] =	stream.indirect.scatter.add.f32 [tilespmem:s25], [sflag:$0x4], $0x80, s4, s24, $0xb8;
	[tilespmem:$0x1EF80] =	vst v63  }
0x94: {  	_ =	swait.ge [sflag:s11], $0x3000  }
0x95: {  	[sflag:s11] =	ssyncset.done $0x0  }
0x96: {  	[sflag:s11] =	ssyncadd.s32 $0xFFFFD000  }
0x97: {  	_ =	swait.ge [sflag:s10], $0x3000  }
0x98: {  	[sflag:s10] =	ssyncset.done $0x0  }
0x99: {  	[sflag:s10] =	ssyncadd.s32 $0xFFFFD000  }
0x9a: {  	_ =	swait.ge [sflag:s1], $0x3000  }
0x9b: {  	[sflag:s1] =	ssyncset.done $0x0  }
0x9c: {  	s8 =	rddreg [dreg:$0xa];
	[sflag:s1] =	ssyncadd.s32 $0xFFFFD000  }
0x9d: {  	[tilespmem:s22], [sflag:$0x7] =	stream.strided.gather [hbm4b:s8+s20], $0x1380, s21, s20, $0x38;
	[tilespmem:$0x1EF80] =	vst v63  }
0x9e: {  	_ =	swait.ge [sflag:s18], $0x1380  }
0x9f: {  	[sflag:s18] =	ssyncset.done $0x0;
	s13 =	rddreg [dreg:$0x9]  }
0xa0: {  	[sflag:s18] =	ssyncadd.s32 $0xFFFFEC80;
	s8 =	sadd.s32 s13, s9  }
0xa1: {  	[tilespmem:s23], [sflag:$0x7] =	stream.strided.gather [hbm4b:s8+s20], $0x1380, s21, s20, $0x38;
	[tilespmem:$0x1EF80] =	vst v63  }
0xa2: {  	_ =	swait.ge [sflag:s18], $0x1380  }
0xa3: {  	[sflag:s18] =	ssyncset.done $0x0  }
0xa4: {  	[sflag:s18] =	ssyncadd.s32 $0xFFFFEC80  }
0xa5: {  	[tilespmem:s25], [sflag:$0x1] =	stream.indirect.gather [hbm4b:s0+s24], $0x80, s22, s24, $0xb8;
	[tilespmem:$0x1EF80] =	vst v63  }
0xa6: {  	_ = 	snop  }
0xa7: {  	[tilespmem:s28], [sflag:$0x2] =	stream.indirect.gather [hbm4b:s0+s24], $0x80, s16, s24, $0xb8;
	[tilespmem:$0x1EF80] =	vst v63  }
0xa8: {  	s15 =	simm.s32 $0x13940  }
0xa9: {  	[tilespmem:s30], [sflag:$0x3] =	stream.indirect.gather [hbm4b:s0+s24], $0x80, s15, s24, $0xb8;
	[tilespmem:$0x1EF80] =	vst v63  }
0xaa: {  	_ =	swait.ge [sflag:s31], $0x3000  }
0xab: {  	[sflag:s31] =	ssyncset.done $0x0  }
0xac: {  	[sflag:s31] =	ssyncadd.s32 $0xFFFFD000  }
0xad: {  	[spmem:s2] =	stream.indirect.scatter.add.f32 [tilespmem:s25], [sflag:$0x4], $0x80, s23, s24, $0xb8;
	[tilespmem:$0x1EF80] =	vst v63  }
0xae: {  	_ =	swait.ge [sflag:s1], $0x3000  }
0xaf: {  	[sflag:s1] =	ssyncset.done $0x0  }
0xb0: {  	s16 =	simm.s32 $0x139A0;
	[sflag:s1] =	ssyncadd.s32 $0xFFFFD000  }
0xb1: {  	[tilespmem:s25], [sflag:$0x1] =	stream.indirect.gather [hbm4b:s0+s24], $0x80, s16, s24, $0xb8;
	[tilespmem:$0x1EF80] =	vst v63  }
0xb2: {  	_ =	swait.ge [sflag:s7], $0x3000  }
0xb3: {  	[sflag:s7] =	ssyncset.done $0x0  }
0xb4: {  	s8 =	simm.s32 $0x14C60;
	[sflag:s7] =	ssyncadd.s32 $0xFFFFD000  }
0xb5: {  	[spmem:s2] =	stream.indirect.scatter.add.f32 [tilespmem:s28], [sflag:$0x5], $0x80, s8, s24, $0xb8;
	[tilespmem:$0x1EF80] =	vst v63  }
0xb6: {  	_ =	swait.ge [sflag:s11], $0x3000  }
0xb7: {  	[sflag:s11] =	ssyncset.done $0x0  }
0xb8: {  	s13 =	simm.s32 $0x13A00;
	[sflag:s11] =	ssyncadd.s32 $0xFFFFD000  }
0xb9: {  	[tilespmem:s28], [sflag:$0x2] =	stream.indirect.gather [hbm4b:s0+s24], $0x80, s13, s24, $0xb8;
	[tilespmem:$0x1EF80] =	vst v63  }
0xba: {  	_ =	swait.ge [sflag:s14], $0x3000  }
0xbb: {  	[sflag:s14] =	ssyncset.done $0x0  }
0xbc: {  	s15 =	simm.s32 $0x14CC0;
	[sflag:s14] =	ssyncadd.s32 $0xFFFFD000  }
0xbd: {  	[spmem:s2] =	stream.indirect.scatter.add.f32 [tilespmem:s30], [sflag:$0x6], $0x80, s15, s24, $0xb8;
	[tilespmem:$0x1EF80] =	vst v63  }
0xbe: {  	_ =	swait.ge [sflag:s10], $0x3000  }
0xbf: {  	[sflag:s10] =	ssyncset.done $0x0  }
0xc0: {  	s16 =	simm.s32 $0x13A60;
	[sflag:s10] =	ssyncadd.s32 $0xFFFFD000  }
0xc1: {  	[tilespmem:s30], [sflag:$0x3] =	stream.indirect.gather [hbm4b:s0+s24], $0x80, s16, s24, $0xb8;
	[tilespmem:$0x1EF80] =	vst v63  }
0xc2: {  	_ =	swait.ge [sflag:s31], $0x3000  }
0xc3: {  	[sflag:s31] =	ssyncset.done $0x0  }
0xc4: {  	s6 =	simm.s32 $0x14D20;
	[sflag:s31] =	ssyncadd.s32 $0xFFFFD000  }
0xc5: {  	[spmem:s2] =	stream.indirect.scatter.add.f32 [tilespmem:s25], [sflag:$0x4], $0x80, s6, s24, $0xb8;
	[tilespmem:$0x1EF80] =	vst v63  }
0xc6: {  	_ =	swait.ge [sflag:s1], $0x3000  }
0xc7: {  	[sflag:s1] =	ssyncset.done $0x0  }
0xc8: {  	s13 =	simm.s32 $0x13AC0;
	[sflag:s1] =	ssyncadd.s32 $0xFFFFD000  }
0xc9: {  	[tilespmem:s25], [sflag:$0x1] =	stream.indirect.gather [hbm4b:s0+s24], $0x80, s13, s24, $0xb8;
	[tilespmem:$0x1EF80] =	vst v63  }
0xca: {  	_ =	swait.ge [sflag:s7], $0x3000  }
0xcb: {  	[sflag:s7] =	ssyncset.done $0x0  }
0xcc: {  	s15 =	simm.s32 $0x14D80;
	[sflag:s7] =	ssyncadd.s32 $0xFFFFD000  }
0xcd: {  	[spmem:s2] =	stream.indirect.scatter.add.f32 [tilespmem:s28], [sflag:$0x5], $0x80, s15, s24, $0xb8;
	[tilespmem:$0x1EF80] =	vst v63  }
0xce: {  	_ =	swait.ge [sflag:s11], $0x3000  }
0xcf: {  	[sflag:s11] =	ssyncset.done $0x0  }
0xd0: {  	s16 =	simm.s32 $0x13B20;
	[sflag:s11] =	ssyncadd.s32 $0xFFFFD000  }
0xd1: {  	[tilespmem:s28], [sflag:$0x2] =	stream.indirect.gather [hbm4b:s0+s24], $0x80, s16, s24, $0xb8;
	[tilespmem:$0x1EF80] =	vst v63  }
0xd2: {  	_ =	swait.ge [sflag:s14], $0x3000  }
0xd3: {  	[sflag:s14] =	ssyncset.done $0x0  }
0xd4: {  	s8 =	simm.s32 $0x480;
	s13 =	simm.s32 $0x14DE0;
	[sflag:s14] =	ssyncadd.s32 $0xFFFFD000  }
.LBB2_4:
0xd5: {  	[spmem:s2] =	stream.indirect.scatter.add.f32 [tilespmem:s30], [sflag:$0x6], $0x80, s13, s24, $0xb8;
	[tilespmem:$0x1EF80] =	vst v63  }
0xd6: {  	s13 =	smov.u32 s8  }
0xd7: {  	p2 =	sne.s32 s8, $0x3F00;
	s8 =	sadd.s32 $0x480, s8;
	_ =	swait.ge [sflag:s10], $0x3000  }
0xd8: {  	s13 =	sshra.s32 s13, $0x2;
	[sflag:s10] =	ssyncset.done $0x0  }
0xd9: {  	s15 =	sadd.s32 $0x13A60, s13;
	[sflag:s10] =	ssyncadd.s32 $0xFFFFD000  }
0xda: {  	[tilespmem:s30], [sflag:$0x3] =	stream.indirect.gather [hbm4b:s0+s24], $0x80, s15, s24, $0xb8;
	[tilespmem:$0x1EF80] =	vst v63  }
0xdb: {  	_ =	swait.ge [sflag:s31], $0x3000  }
0xdc: {  	[sflag:s31] =	ssyncset.done $0x0  }
0xdd: {  	s15 =	sadd.s32 $0x14D20, s13;
	[sflag:s31] =	ssyncadd.s32 $0xFFFFD000  }
0xde: {  	[spmem:s2] =	stream.indirect.scatter.add.f32 [tilespmem:s25], [sflag:$0x4], $0x80, s15, s24, $0xb8;
	[tilespmem:$0x1EF80] =	vst v63  }
0xdf: {  	_ =	swait.ge [sflag:s1], $0x3000  }
0xe0: {  	[sflag:s1] =	ssyncset.done $0x0  }
0xe1: {  	s15 =	sadd.s32 $0x13AC0, s13;
	[sflag:s1] =	ssyncadd.s32 $0xFFFFD000  }
0xe2: {  	[tilespmem:s25], [sflag:$0x1] =	stream.indirect.gather [hbm4b:s0+s24], $0x80, s15, s24, $0xb8;
	[tilespmem:$0x1EF80] =	vst v63  }
0xe3: {  	_ =	swait.ge [sflag:s7], $0x3000  }
0xe4: {  	[sflag:s7] =	ssyncset.done $0x0  }
0xe5: {  	s15 =	sadd.s32 $0x14D80, s13;
	[sflag:s7] =	ssyncadd.s32 $0xFFFFD000  }
0xe6: {  	[spmem:s2] =	stream.indirect.scatter.add.f32 [tilespmem:s28], [sflag:$0x5], $0x80, s15, s24, $0xb8;
	[tilespmem:$0x1EF80] =	vst v63  }
0xe7: {  	_ =	swait.ge [sflag:s11], $0x3000  }
0xe8: {  	[sflag:s11] =	ssyncset.done $0x0  }
.Ltmp1:
0xe9: {  	s15 =	sadd.s32 $0x13B20, s13;
	[sflag:s11] =	ssyncadd.s32 $0xFFFFD000;
	(pc) =	sbr.rel @p2 .LBB2_4-.Ltmp1, $4  }
0xea: {  	[tilespmem:s28], [sflag:$0x2] =	stream.indirect.gather [hbm4b:s0+s24], $0x80, s15, s24, $0xb8;
	[tilespmem:$0x1EF80] =	vst v63  }
0xeb: {  	_ =	swait.ge [sflag:s14], $0x3000  }
0xec: {  	[sflag:s14] =	ssyncset.done $0x0  }
0xed: {  	s13 =	sadd.s32 $0x14DE0, s13;
	[sflag:s14] =	ssyncadd.s32 $0xFFFFD000  }
0xee: {  	[spmem:s2] =	stream.indirect.scatter.add.f32 [tilespmem:s30], [sflag:$0x6], $0x80, s13, s24, $0xb8;
	[tilespmem:$0x1EF80] =	vst v63  }
0xef: {  	_ =	swait.ge [sflag:s10], $0x3000  }
0xf0: {  	[sflag:s10] =	ssyncset.done $0x0  }
0xf1: {  	s6 =	simm.s32 $0x14B40;
	[sflag:s10] =	ssyncadd.s32 $0xFFFFD000  }
0xf2: {  	[tilespmem:s30], [sflag:$0x3] =	stream.indirect.gather [hbm4b:s0+s24], $0x80, s6, s24, $0xb8;
	[tilespmem:$0x1EF80] =	vst v63  }
0xf3: {  	_ =	swait.ge [sflag:s31], $0x3000  }
0xf4: {  	[sflag:s31] =	ssyncset.done $0x0  }
0xf5: {  	s13 =	simm.s32 $0x15E00;
	[sflag:s31] =	ssyncadd.s32 $0xFFFFD000  }
0xf6: {  	[spmem:s2] =	stream.indirect.scatter.add.f32 [tilespmem:s25], [sflag:$0x4], $0x80, s13, s24, $0xb8;
	[tilespmem:$0x1EF80] =	vst v63  }
0xf7: {  	_ =	swait.ge [sflag:s1], $0x3000  }
0xf8: {  	[sflag:s1] =	ssyncset.done $0x0  }
0xf9: {  	[sflag:s1] =	ssyncadd.s32 $0xFFFFD000  }
0xfa: {  	[tilespmem:s25], [sflag:$0x1] =	stream.indirect.gather [hbm4b:s0+s24], $0x80, s12, s24, $0xb8;
	[tilespmem:$0x1EF80] =	vst v63  }
0xfb: {  	_ =	swait.ge [sflag:s7], $0x3000  }
0xfc: {  	[sflag:s7] =	ssyncset.done $0x0  }
0xfd: {  	[sflag:s7] =	ssyncadd.s32 $0xFFFFD000  }
0xfe: {  	[spmem:s2] =	stream.indirect.scatter.add.f32 [tilespmem:s28], [sflag:$0x5], $0x80, s26, s24, $0xb8;
	[tilespmem:$0x1EF80] =	vst v63  }
0xff: {  	_ =	swait.ge [sflag:s14], $0x3000  }
0x100: {  	[sflag:s14] =	ssyncset.done $0x0  }
0x101: {  	[sflag:s14] =	ssyncadd.s32 $0xFFFFD000  }
0x102: {  	[spmem:s2] =	stream.indirect.scatter.add.f32 [tilespmem:s30], [sflag:$0x6], $0x80, s29, s24, $0xb8;
	[tilespmem:$0x1EF80] =	vst v63  }
0x103: {  	_ =	swait.ge [sflag:s31], $0x3000  }
0x104: {  	[sflag:s31] =	ssyncset.done $0x0  }
0x105: {  	[sflag:s31] =	ssyncadd.s32 $0xFFFFD000  }
0x106: {  	[spmem:s2] =	stream.indirect.scatter.add.f32 [tilespmem:s25], [sflag:$0x4], $0x80, s4, s24, $0xb8;
	[tilespmem:$0x1EF80] =	vst v63  }
0x107: {  	_ =	swait.ge [sflag:s11], $0x3000  }
0x108: {  	[sflag:s11] =	ssyncset.done $0x0  }
0x109: {  	[sflag:s11] =	ssyncadd.s32 $0xFFFFD000  }
0x10a: {  	_ =	swait.ge [sflag:s10], $0x3000  }
0x10b: {  	[sflag:s10] =	ssyncset.done $0x0  }
0x10c: {  	[sflag:s10] =	ssyncadd.s32 $0xFFFFD000  }
0x10d: {  	_ =	swait.ge [sflag:s1], $0x3000  }
0x10e: {  	s8 =	simm.s32 @!p1 $0x0;
	s15 =	simm.s32 @!p1 $0x7;
	[sflag:s1] =	ssyncset.done $0x0  }
0x10f: {  	s13 =	simm.s32 @!p1 $0x13880;
	s6 =	rddreg [dreg:$0xc];
	[sflag:s1] =	ssyncadd.s32 $0xFFFFD000  }
0x110: {  	[tilespmem:s13], [sflag:$0x7] =	stream.linear.gather @!p1 [hbm4b:s6+s8], $0x40, $0x38;
	[tilespmem:$0x1EF80] =	vst v63  }
0x111: {  	_ =	swait.ge @!p1 [sflag:s15], $0x40  }
0x112: {  	[sflag:s15] =	ssyncset.done @!p1 $0x0;
	s6 =	rddreg [dreg:$0xb]  }
0x113: {  	[sflag:s15] =	ssyncadd.s32 @!p1 $0xFFFFFFC0;
	s16 =	sadd.s32 @!p1 s6, s9;
	s6 =	simm.s32 @!p1 $0x14C00  }
0x114: {  	[tilespmem:s6], [sflag:$0x7] =	stream.linear.gather @!p1 [hbm4b:s16+s8], $0x40, $0x38;
	[tilespmem:$0x1EF80] =	vst v63  }
0x115: {  	_ =	swait.ge @!p1 [sflag:s15], $0x40  }
0x116: {  	[sflag:s15] =	ssyncset.done @!p1 $0x0  }
0x117: {  	s8 =	simm.s32 @!p1 $0x40;
	s16 =	simm.s32 @!p1 $0x15F80;
	[sflag:s15] =	ssyncadd.s32 @!p1 $0xFFFFFFC0  }
0x118: {  	[tilespmem:s16], [sflag:$0x7] =	stream.indirect.gather @!p1 [hbm4b:s0+s8], $0x80, s13, s8, $0xb8;
	[tilespmem:$0x1EF80] =	vst v63  }
0x119: {  	_ =	swait.ge @!p1 [sflag:s15], $0x2000  }
0x11a: {  	[sflag:s15] =	ssyncset.done @!p1 $0x0  }
0x11b: {  	[sflag:s15] =	ssyncadd.s32 @!p1 $0xFFFFE000  }
0x11c: {  	[spmem:s2] =	stream.indirect.scatter.add.f32 @!p1 [tilespmem:s16], [sflag:$0x7], $0x80, s6, s8, $0xb8;
	[tilespmem:$0x1EF80] =	vst v63  }
0x11d: {  	_ =	swait.ge @!p1 [sflag:s15], $0x2000  }
0x11e: {  	[sflag:s15] =	ssyncset.done @!p1 $0x0  }
0x11f: {  	[sflag:s15] =	ssyncadd.s32 @!p1 $0xFFFFE000  }
0x120: {  	[bflag:$0x0] =	sbarrier.arrive $0xFFFF  }
0x121: {  	s15 =	rddreg [dreg:$0xd]  }
0x122: {  	[hbm:s15], [sflag:s5] =	dma.local [spmem:s17], $0x2700  }
0x123: {  	_ =	swait.ge [sflag:s18], $0x2700  }
0x124: {  	[sflag:s18] =	ssyncset.done $0x0  }
0x125: {  	s6 =	rddreg [dreg:$0xe];
	[sflag:s18] =	ssyncadd.s32 $0xFFFFD900  }
0x126: {  	[hbm:s6], [sflag:s5] =	dma.local @!p0 [spmem:s19], $0x100  }
0x127: {  	s6 =	simm.s32 @!p0 $0x7  }
0x128: {  	_ =	swait.ge @!p0 [sflag:s6], $0x100  }
0x129: {  	s3 =	sadd.s32 $0x1, s3;
	s16 =	rddreg [dreg:$0xf]  }
0x12a: {  	p2 =	sne.s32 s3, s16  }
.Ltmp2:
0x12b: {  	_ = 	snop;
	(pc) =	sbr.rel @p2 .LBB2_1-.Ltmp2, $3  }
0x12c: {  	_ =	sdelay $0x1  }
0x12d: {  	[sflag:s6] =	ssyncset.done @!p0 $0x0  }
0x12e: {  	[sflag:s6] =	ssyncadd.s32 @!p0 $0xFFFFFF00;
	s16 =	simm.s32 $0x138E0  }
0x12f: {  	_ =	sfence.sel $0x180000  }
0x130: {  	[bflag:$0x0] =	sbarrier.arrive $0xFFFF  }
0x131: {  	_ =	strace $0x9000004A  }
0x132: {  	[bflag:$0x2] =	sbarrier.arrive $0xFFFF  }
0x133: {  	s0 =	rddreg [dreg:$0x4]  }
0x134: {  	s0 =	sadd.s32 @!p0 $0x100000, s0  }
0x135: {  	[sflag:s0] =	ssyncadd.tile.s32 @!p0 $0x1;
	_ =	shalt  }
.Lfunc_end2:
_tile_overlayer_lowered:
.L_overlay_start_2:
0x136: {  	(tag) =	ssettag $0x2  }
0x137: {  	s0 =	rddreg [dreg:$0x0];
	s2 =	stileid.u32  }
0x138: {  	s1 =	rddreg [dreg:$0x1];
	p0 =	sne.s32 s2, $0x0  }
0x139: {  	s3 =	rddreg [dreg:$0x2];
	[bflag:$0x3] =	sbarrier.arrive $0xFFFF;
	s2 =	simm.s32 @!p0 $0x1C07  }
0x13a: {  	[timem:s3], [sflag:s2] =	dma.local @!p0 [hbm:s0], s1  }
0x13b: {  	s0 =	simm.s32 @!p0 $0x7  }
0x13c: {  	_ =	swait.ge @!p0 [sflag:s0], s1  }
0x13d: {  	s1 =	ssub.s32 @!p0 $0x0, s1;
	[sflag:s0] =	ssyncset.done @!p0 $0x0  }
0x13e: {  	[sflag:s0] =	ssyncadd.s32 @!p0 s1  }
0x13f: {  	[bflag:$0x3] =	sbarrier.arrive $0xFFFF  }
0x140: {  	_ =	shalt  }

</sc_bundles>
